<compile_context>
chip_gen: v7x
topology: tpu7x:2x2x1
jax: 0.10.2.dev20260603
libtpu: 0.0.44.dev20260713+nightly
codegen_flags: <defaults>
</compile_context>

<pallas_src>
import jax
import jax.numpy as jnp
from jax import lax
from jax.experimental import pallas as pl
from jax.experimental.pallas import tpu as pltpu
from jax.experimental.pallas import tpu_sc as plsc

B = 10000
K = 32
S = 16
D = 128
E = 64
L = 16
NC = 2
NS = 16
NW = NC * NS
G = 8
CHUNKS = (10000,)


def _select16(bs_v, ns_v, nb_v, row, outs_b, idxn_b, j):
    iota = lax.iota(jnp.int32, L)
    rfull = jnp.full((L,), row, jnp.int32)
    center = plsc.load_gather(bs_v, [rfull])
    sa = plsc.load_gather(ns_v, [iota, rfull])
    sb = plsc.load_gather(ns_v, [iota + L, rfull])
    da = jnp.abs(sa - center)
    db = jnp.abs(sb - center)
    ia = plsc.load_gather(nb_v, [iota, rfull])
    ib = plsc.load_gather(nb_v, [iota + L, rfull])
    ka, va = plsc.sort_key_val(da, ia)
    kb, vb = plsc.sort_key_val(db, ib)
    rkb = lax.rev(kb, (0,))
    rvb = lax.rev(vb, (0,))
    ta = ka <= rkb
    km = jnp.where(ta, ka, rkb)
    vm = jnp.where(ta, va, rvb)
    ks, vs = plsc.sort_key_val(km, vm)
    plsc.store_scatter(outs_b, [iota, rfull], ks)
    idxn_b[pl.ds(j * L, L)] = vs


def _make_sc_stage(bn):
    ngt = bn // G
    c0 = ngt // NW
    thr = NW - (ngt - NW * c0)
    cst = (c0 + 1) * G

    def body(bs_hbm, ns_hbm, nb_hbm, nd_hbm, feat_hbm, self_hbm, agg_hbm, samp_hbm,
             bs_v, ns_v, nb_v, nd_v, selfr_v,
             idxn0, idxn1,
             rown0, rown1,
             outa0, outa1, outst,
             gsem0, gsem1, osem0, osem1, ssem):
        wid = lax.axis_index("s") * NC + lax.axis_index("c")
        base = G * (c0 * wid + jnp.maximum(wid - thr, 0))
        ngroups = c0 + jnp.where(wid >= thr, 1, 0)

        pltpu.async_copy(bs_hbm.at[pl.ds(base, cst)], bs_v, ssem)
        pltpu.async_copy(ns_hbm.at[pl.ds(0, K), pl.ds(base, cst)], ns_v, ssem)
        pltpu.async_copy(nb_hbm.at[pl.ds(0, K), pl.ds(base, cst)], nb_v, ssem)
        pltpu.async_copy(nd_hbm.at[pl.ds(base, cst)], nd_v, ssem)
        pltpu.make_async_copy(bs_hbm.at[pl.ds(base, cst)], bs_v, ssem).wait()
        pltpu.make_async_copy(ns_hbm.at[pl.ds(0, K), pl.ds(base, cst)], ns_v, ssem).wait()
        pltpu.make_async_copy(nb_hbm.at[pl.ds(0, K), pl.ds(base, cst)], nb_v, ssem).wait()
        pltpu.make_async_copy(nd_hbm.at[pl.ds(base, cst)], nd_v, ssem).wait()

        sparts = [(o, min(128, cst - o)) for o in range(0, cst, 128)]
        for off, sz in sparts:
            pltpu.async_copy(feat_hbm.at[nd_v.at[pl.ds(off, sz)]],
                             selfr_v.at[pl.ds(off, sz)], ssem)

        idxn = (idxn0, idxn1)
        rown = (rown0, rown1)
        outa = (outa0, outa1)
        gsem = (gsem0, gsem1)
        osem = (osem0, osem1)

        def select_group(g, b):
            row0 = g * G
            for j in range(G):
                _select16(bs_v, ns_v, nb_v, row0 + j, outst, idxn[b], j)

        def accumulate_group(gp, b):
            rn = rown[b]
            oa = outa[b]

            @plsc.parallel_loop(0, G * (D // L), 1, unroll=4)
            def _(i):
                j = i >> 3
                d = i & 7
                r0 = j * S
                sl = pl.ds(d * L, L)
                p = [rn[r0 + s, sl] for s in range(4)]
                for s in range(4, S):
                    p[s % 4] = p[s % 4] + rn[r0 + s, sl]
                oa[j, sl] = (p[0] + p[1]) + (p[2] + p[3])

            dst = base + gp * G
            pltpu.async_copy(outa[b], agg_hbm.at[pl.ds(dst, G)], osem[b])

        def step(g, b):
            @pl.when((g >= 2) & (g <= ngroups))
            def _():
                pltpu.make_async_copy(outa[b], agg_hbm.at[pl.ds(0, G)], osem[b]).wait()

            @pl.when(g < ngroups)
            def _():
                select_group(g, b)
                pltpu.async_copy(feat_hbm.at[idxn[b]], rown[b], gsem[b])

            @pl.when((g >= 1) & (g <= ngroups))
            def _():
                nb = 1 - b
                pltpu.make_async_copy(feat_hbm.at[idxn[nb]], rown[nb], gsem[nb]).wait()
                accumulate_group(g - 1, nb)

            @pl.when(g == 16)
            def _():
                for off, sz in sparts:
                    pltpu.make_async_copy(feat_hbm.at[nd_v.at[pl.ds(off, sz)]],
                                          selfr_v.at[pl.ds(off, sz)], ssem).wait()
                pltpu.async_copy(selfr_v.at[pl.ds(0, c0 * G)],
                                 self_hbm.at[pl.ds(base, c0 * G)], ssem)

        def outer(t, carry):
            step(2 * t, 0)
            step(2 * t + 1, 1)
            return carry

        lax.fori_loop(0, (ngroups + 2) // 2, outer, 0)

        @pl.when(((ngroups - 1) % 2) == 0)
        def _():
            pltpu.make_async_copy(outa[0], agg_hbm.at[pl.ds(0, G)], osem[0]).wait()

        @pl.when(((ngroups - 1) % 2) == 1)
        def _():
            pltpu.make_async_copy(outa[1], agg_hbm.at[pl.ds(0, G)], osem[1]).wait()

        pltpu.sync_copy(outst.at[pl.ds(0, S), pl.ds(0, c0 * G)],
                        samp_hbm.at[pl.ds(0, S), pl.ds(base, c0 * G)])

        @pl.when(wid >= thr)
        def _():
            pltpu.sync_copy(outst.at[pl.ds(0, S), pl.ds(c0 * G, G)],
                            samp_hbm.at[pl.ds(0, S), pl.ds(base + c0 * G, G)])

        pltpu.make_async_copy(selfr_v.at[pl.ds(0, c0 * G)],
                              self_hbm.at[pl.ds(base, c0 * G)], ssem).wait()

        @pl.when(wid >= thr)
        def _():
            pltpu.sync_copy(selfr_v.at[pl.ds(c0 * G, G)],
                            self_hbm.at[pl.ds(base + c0 * G, G)])

    mesh = plsc.VectorSubcoreMesh(core_axis_name="c", subcore_axis_name="s")
    return pl.kernel(
        body,
        out_type=(
            jax.ShapeDtypeStruct((bn, D), jnp.float32),
            jax.ShapeDtypeStruct((bn, D), jnp.float32),
            jax.ShapeDtypeStruct((S, bn), jnp.float32),
        ),
        mesh=mesh,
        compiler_params=pltpu.CompilerParams(needs_layout_passes=False,
                                             use_tc_tiling_on_sc=False),
        scratch_types=[
            pltpu.VMEM((cst,), jnp.float32),
            pltpu.VMEM((K, cst), jnp.float32),
            pltpu.VMEM((K, cst), jnp.int32),
            pltpu.VMEM((cst,), jnp.int32),
            pltpu.VMEM((cst, D), jnp.float32),
            pltpu.VMEM((G * S,), jnp.int32),
            pltpu.VMEM((G * S,), jnp.int32),
            pltpu.VMEM((G * S, D), jnp.float32),
            pltpu.VMEM((G * S, D), jnp.float32),
            pltpu.VMEM((G, D), jnp.float32),
            pltpu.VMEM((G, D), jnp.float32),
            pltpu.VMEM((S, cst), jnp.float32),
            pltpu.SemaphoreType.DMA,
            pltpu.SemaphoreType.DMA,
            pltpu.SemaphoreType.DMA,
            pltpu.SemaphoreType.DMA,
            pltpu.SemaphoreType.DMA,
        ],
    )


_SC_STAGES = {bn: _make_sc_stage(bn) for bn in set(CHUNKS)}


def _mm_body(sf_ref, ag_ref, wt_ref, wb_ref, out_ref):
    dn = (((0,), (1,)), ((), ()))
    acc = lax.dot_general(wt_ref[...], sf_ref[...], dn,
                          preferred_element_type=jnp.float32)
    acc += lax.dot_general(wb_ref[...], ag_ref[...], dn,
                           preferred_element_type=jnp.float32)
    out_ref[...] = jnp.maximum(acc, 0.0)


def _tc_matmul(sf, ag, wt, wb):
    bn = sf.shape[0]
    return pl.pallas_call(
        _mm_body,
        out_shape=jax.ShapeDtypeStruct((E, bn), jnp.float32),
    )(sf, ag, wt, wb)


def kernel(nodes, neighs, batch_scores, neigh_scores, features, weight, num_sample):
    ns0t = neigh_scores[:, :, 0].T
    nb0t = neighs.astype(jnp.int32).T
    bs0 = batch_scores[:, 0]
    ndi = nodes.astype(jnp.int32)
    inv = 1.0 / jnp.asarray(num_sample, jnp.float32)
    wt = weight[:D]
    wb = weight[D:] * inv

    tos, samps = [], []
    off = 0
    for bn in CHUNKS:
        sl = slice(off, off + bn)
        off += bn
        sf, ag, samp = _SC_STAGES[bn](bs0[sl], ns0t[:, sl], nb0t[:, sl],
                                      ndi[sl], features)
        sf = sf.reshape(bn * D).reshape(bn, D)
        ag = ag.reshape(bn * D).reshape(bn, D)
        tos.append(_tc_matmul(sf, ag, wt, wb))
        samps.append(samp)
    to_feats = jnp.concatenate(tos, axis=1).T
    samp_scores = jnp.concatenate(samps, axis=1).T
    return (to_feats, samp_scores)

# --- scband reference (transcript-rebuilt; emitter-appended) ---
"""Pipeline reference for scband-intra-agg-22909355557119 (READ-ONLY COPY).

The authoritative reference and input builder live on the scoring server;
editing this copy changes nothing except your own understanding.
"""

import jax, jax.numpy as jnp
import numpy as np

N_NODES = 100000
FEAT_DIM = 128
EMBED_DIM = 64
BATCH = 10000
K_NEIGH = 32


def setup_inputs(seed: int = 0) -> dict:
    key = jax.random.key(seed)
    k1, k2, k3, k4, k5, k6 = jax.random.split(key, 6)
    nodes = jax.random.randint(k1, (BATCH,), 0, N_NODES)
    neighs = jax.random.randint(k2, (BATCH, K_NEIGH), 0, N_NODES)
    batch_scores = jax.random.normal(k3, (BATCH, 2), dtype=jnp.float32)
    neigh_scores = jax.random.normal(k4, (BATCH, K_NEIGH, 2), dtype=jnp.float32)
    features = jax.random.normal(k5, (N_NODES, FEAT_DIM), dtype=jnp.float32)
    # xavier uniform init for weight [2*feat_dim, embed_dim]
    fan_in, fan_out = 2 * FEAT_DIM, EMBED_DIM
    bound = float(np.sqrt(6.0 / (fan_in + fan_out)))
    weight = jax.random.uniform(k6, (2 * FEAT_DIM, EMBED_DIM), dtype=jnp.float32, minval=-bound, maxval=bound)
    return {
        "nodes": nodes,
        "neighs": neighs,
        "batch_scores": batch_scores,
        "neigh_scores": neigh_scores,
        "features": features,
        "weight": weight,
        "num_sample": 16,
    }


def reference(nodes, neighs, batch_scores, neigh_scores, features, weight, num_sample):
    # Test-mode path (choose_step_test), vectorized with a fixed neighbor count
    # per batch node and a uniform sample size.
    center = batch_scores[:, 0:1]                      # [B, 1]
    ns = neigh_scores[:, :, 0]                         # [B, K]
    score_diff = jnp.abs(center - ns)                  # [B, K]
    sorted_idx = jnp.argsort(score_diff, axis=1)       # ascending distance
    sel = sorted_idx[:, :16]                           # [B, S] selected positions
    sel_neighs = jnp.take_along_axis(neighs, sel, axis=1)       # [B, S] node ids
    samp_scores = jnp.take_along_axis(score_diff, sel, axis=1)  # [B, S]
    # gather neighbor features and mean-aggregate (mask.div(num_neigh).mm(embed))
    neigh_feats = jnp.take(features, sel_neighs, axis=0)        # [B, S, d]
    agg_feats = jnp.sum(neigh_feats, axis=1) / num_sample       # [B, d]
    self_feats = jnp.take(features, nodes, axis=0)              # [B, d]
    cat_feats = jnp.concatenate([self_feats, agg_feats], axis=1)  # [B, 2d]
    to_feats = jax.nn.relu(cat_feats @ weight)                  # [B, embed]
    return (to_feats, samp_scores)

if __name__ == "__main__":
    import jax
    _d = setup_inputs()
    print(jax.jit(kernel)(*tuple(_d.values())))

</pallas_src>

<mosaic_0001>
#map = affine_map<(d0, d1) -> (0)>
#map1 = affine_map<(d0, d1) -> (0, 0)>
module attributes {stable_mosaic.version = 14 : i64} {
  func.func @body(%arg0: i32, %arg1: i32, %arg2: memref<10000xf32, #tpu.memory_space<hbm>>, %arg3: memref<32x10000xf32, #tpu.memory_space<hbm>>, %arg4: memref<32x10000xi32, #tpu.memory_space<hbm>>, %arg5: memref<10000xi32, #tpu.memory_space<hbm>>, %arg6: memref<100000x128xf32, #tpu.memory_space<hbm>>, %arg7: memref<10000x128xf32, #tpu.memory_space<hbm>>, %arg8: memref<10000x128xf32, #tpu.memory_space<hbm>>, %arg9: memref<16x10000xf32, #tpu.memory_space<hbm>>, %arg10: memref<320xf32, #tpu.memory_space<vmem>>, %arg11: memref<32x320xf32, #tpu.memory_space<vmem>>, %arg12: memref<32x320xi32, #tpu.memory_space<vmem>>, %arg13: memref<320xi32, #tpu.memory_space<vmem>>, %arg14: memref<320x128xf32, #tpu.memory_space<vmem>>, %arg15: memref<128xi32, #tpu.memory_space<vmem>>, %arg16: memref<128xi32, #tpu.memory_space<vmem>>, %arg17: memref<128x128xf32, #tpu.memory_space<vmem>>, %arg18: memref<128x128xf32, #tpu.memory_space<vmem>>, %arg19: memref<8x128xf32, #tpu.memory_space<vmem>>, %arg20: memref<8x128xf32, #tpu.memory_space<vmem>>, %arg21: memref<16x320xf32, #tpu.memory_space<vmem>>, %arg22: memref<!tpu.dma_semaphore, #tpu.memory_space<semaphore_mem>>, %arg23: memref<!tpu.dma_semaphore, #tpu.memory_space<semaphore_mem>>, %arg24: memref<!tpu.dma_semaphore, #tpu.memory_space<semaphore_mem>>, %arg25: memref<!tpu.dma_semaphore, #tpu.memory_space<semaphore_mem>>, %arg26: memref<!tpu.dma_semaphore, #tpu.memory_space<semaphore_mem>>) attributes {dimension_semantics = [#tpu.dimension_semantics<core_parallel>, #tpu.dimension_semantics<subcore_parallel>], iteration_bounds = array<i64: 2, 16>, scalar_prefetch = 0 : i64, scratch_operands = 17 : i64, tpu.core_type = #tpu.core_type<sc_vector_subcore>, window_params = [{transform_indices = #map}, {transform_indices = #map1}, {transform_indices = #map1}, {transform_indices = #map}, {transform_indices = #map1}, {transform_indices = #map1}, {transform_indices = #map1}, {transform_indices = #map1}]} {
    %mul3A = arith.constant 2 : i32
    %mul3A_0 = arith.muli %arg1, %mul3A : i32
    %add3A = arith.addi %mul3A_0, %arg0 : i32
    %mul3A_1 = arith.constant 39 : i32
    %mul3A_2 = arith.muli %mul3A_1, %add3A : i32
    %sub3A = arith.constant 30 : i32
    %sub3A_3 = arith.subi %add3A, %sub3A : i32
    %max3A = arith.constant 0 : i32
    %max3A_4 = arith.maxsi %sub3A_3, %max3A : i32
    %add3A_5 = arith.addi %mul3A_2, %max3A_4 : i32
    %mul3A_6 = arith.constant 8 : i32
    %mul3A_7 = arith.muli %mul3A_6, %add3A_5 : i32
    %ge3A = arith.constant 30 : i32
    %ge3A_8 = arith.cmpi sge, %add3A, %ge3A : i32
    %jit3A = arith.constant 1 : i32
    %jit3A_9 = arith.constant 0 : i32
    %select_n3A = arith.select %ge3A_8, %jit3A, %jit3A_9 : i32
    %add3A_10 = arith.constant 39 : i32
    %add3A_11 = arith.addi %add3A_10, %select_n3A : i32
    %dma_start3A = tpu.memref_slice %arg2[%mul3A_7] : memref<10000xf32, #tpu.memory_space<hbm>> -> memref<320xf32, #tpu.memory_space<hbm>>
    %dma_start3A_12 = tpu.memref_slice %arg2[%mul3A_7] : memref<10000xf32, #tpu.memory_space<hbm>> -> memref<320xf32, #tpu.memory_space<hbm>>
    tpu.enqueue_dma source(%dma_start3A_12 : memref<320xf32, #tpu.memory_space<hbm>>) target(%arg10 : memref<320xf32, #tpu.memory_space<vmem>>) target_semaphore(%arg26 : memref<!tpu.dma_semaphore, #tpu.memory_space<semaphore_mem>>)
    %dma_start3A_13 = arith.constant 0 : i32
    %dma_start3A_14 = tpu.memref_slice %arg3[%dma_start3A_13, %mul3A_7] : memref<32x10000xf32, #tpu.memory_space<hbm>> -> memref<32x320xf32, #tpu.memory_space<hbm>>
    %dma_start3A_15 = arith.constant 0 : i32
    %dma_start3A_16 = tpu.memref_slice %arg3[%dma_start3A_15, %mul3A_7] : memref<32x10000xf32, #tpu.memory_space<hbm>> -> memref<32x320xf32, #tpu.memory_space<hbm>>
    tpu.enqueue_dma source(%dma_start3A_16 : memref<32x320xf32, #tpu.memory_space<hbm>>) target(%arg11 : memref<32x320xf32, #tpu.memory_space<vmem>>) target_semaphore(%arg26 : memref<!tpu.dma_semaphore, #tpu.memory_space<semaphore_mem>>)
    %dma_start3A_17 = arith.constant 0 : i32
    %dma_start3A_18 = tpu.memref_slice %arg4[%dma_start3A_17, %mul3A_7] : memref<32x10000xi32, #tpu.memory_space<hbm>> -> memref<32x320xi32, #tpu.memory_space<hbm>>
    %dma_start3A_19 = arith.constant 0 : i32
    %dma_start3A_20 = tpu.memref_slice %arg4[%dma_start3A_19, %mul3A_7] : memref<32x10000xi32, #tpu.memory_space<hbm>> -> memref<32x320xi32, #tpu.memory_space<hbm>>
    tpu.enqueue_dma source(%dma_start3A_20 : memref<32x320xi32, #tpu.memory_space<hbm>>) target(%arg12 : memref<32x320xi32, #tpu.memory_space<vmem>>) target_semaphore(%arg26 : memref<!tpu.dma_semaphore, #tpu.memory_space<semaphore_mem>>)
    %dma_start3A_21 = tpu.memref_slice %arg5[%mul3A_7] : memref<10000xi32, #tpu.memory_space<hbm>> -> memref<320xi32, #tpu.memory_space<hbm>>
    %dma_start3A_22 = tpu.memref_slice %arg5[%mul3A_7] : memref<10000xi32, #tpu.memory_space<hbm>> -> memref<320xi32, #tpu.memory_space<hbm>>
    tpu.enqueue_dma source(%dma_start3A_22 : memref<320xi32, #tpu.memory_space<hbm>>) target(%arg13 : memref<320xi32, #tpu.memory_space<vmem>>) target_semaphore(%arg26 : memref<!tpu.dma_semaphore, #tpu.memory_space<semaphore_mem>>)
    %dma_wait3A = tpu.memref_slice %arg2[%mul3A_7] : memref<10000xf32, #tpu.memory_space<hbm>> -> memref<320xf32, #tpu.memory_space<hbm>>
    %dma_wait3A_23 = tpu.memref_slice %arg2[%mul3A_7] : memref<10000xf32, #tpu.memory_space<hbm>> -> memref<320xf32, #tpu.memory_space<hbm>>
    tpu.wait_dma2 semaphore(%arg26 : memref<!tpu.dma_semaphore, #tpu.memory_space<semaphore_mem>>) src(%dma_wait3A_23 : memref<320xf32, #tpu.memory_space<hbm>>) dst(%arg10 : memref<320xf32, #tpu.memory_space<vmem>>)
    %dma_wait3A_24 = arith.constant 0 : i32
    %dma_wait3A_25 = tpu.memref_slice %arg3[%dma_wait3A_24, %mul3A_7] : memref<32x10000xf32, #tpu.memory_space<hbm>> -> memref<32x320xf32, #tpu.memory_space<hbm>>
    %dma_wait3A_26 = arith.constant 0 : i32
    %dma_wait3A_27 = tpu.memref_slice %arg3[%dma_wait3A_26, %mul3A_7] : memref<32x10000xf32, #tpu.memory_space<hbm>> -> memref<32x320xf32, #tpu.memory_space<hbm>>
    tpu.wait_dma2 semaphore(%arg26 : memref<!tpu.dma_semaphore, #tpu.memory_space<semaphore_mem>>) src(%dma_wait3A_27 : memref<32x320xf32, #tpu.memory_space<hbm>>) dst(%arg11 : memref<32x320xf32, #tpu.memory_space<vmem>>)
    %dma_wait3A_28 = arith.constant 0 : i32
    %dma_wait3A_29 = tpu.memref_slice %arg4[%dma_wait3A_28, %mul3A_7] : memref<32x10000xi32, #tpu.memory_space<hbm>> -> memref<32x320xi32, #tpu.memory_space<hbm>>
    %dma_wait3A_30 = arith.constant 0 : i32
    %dma_wait3A_31 = tpu.memref_slice %arg4[%dma_wait3A_30, %mul3A_7] : memref<32x10000xi32, #tpu.memory_space<hbm>> -> memref<32x320xi32, #tpu.memory_space<hbm>>
    tpu.wait_dma2 semaphore(%arg26 : memref<!tpu.dma_semaphore, #tpu.memory_space<semaphore_mem>>) src(%dma_wait3A_31 : memref<32x320xi32, #tpu.memory_space<hbm>>) dst(%arg12 : memref<32x320xi32, #tpu.memory_space<vmem>>)
    %dma_wait3A_32 = tpu.memref_slice %arg5[%mul3A_7] : memref<10000xi32, #tpu.memory_space<hbm>> -> memref<320xi32, #tpu.memory_space<hbm>>
    %dma_wait3A_33 = tpu.memref_slice %arg5[%mul3A_7] : memref<10000xi32, #tpu.memory_space<hbm>> -> memref<320xi32, #tpu.memory_space<hbm>>
    tpu.wait_dma2 semaphore(%arg26 : memref<!tpu.dma_semaphore, #tpu.memory_space<semaphore_mem>>) src(%dma_wait3A_33 : memref<320xi32, #tpu.memory_space<hbm>>) dst(%arg13 : memref<320xi32, #tpu.memory_space<vmem>>)
    %dma_start3A_34 = arith.constant 0 : i32
    %dma_start3A_35 = arith.constant 0 : i32
    %dma_start3A_36 = tpu.memref_slice %arg14[%dma_start3A_34, %dma_start3A_35] : memref<320x128xf32, #tpu.memory_space<vmem>> -> memref<128x128xf32, #tpu.memory_space<vmem>>
    %dma_start3A_37 = arith.constant 0 : i32
    %dma_start3A_38 = tpu.memref_slice %arg13[%dma_start3A_37] : memref<320xi32, #tpu.memory_space<vmem>> -> memref<128xi32, #tpu.memory_space<vmem>>
    %dma_start3A_39 = arith.constant 0 : i32
    %dma_start3A_40 = arith.constant 0 : i32
    %dma_start3A_41 = tpu.memref_slice %arg6[%dma_start3A_39, %dma_start3A_40] : memref<100000x128xf32, #tpu.memory_space<hbm>> -> memref<100000x128xf32, #tpu.memory_space<hbm>>
    tpu.enqueue_indirect_dma source(%dma_start3A_41 : memref<100000x128xf32, #tpu.memory_space<hbm>>) target(%dma_start3A_36 : memref<128x128xf32, #tpu.memory_space<vmem>>) offsets(%dma_start3A_38 : memref<128xi32, #tpu.memory_space<vmem>>) semaphore(%arg26 : memref<!tpu.dma_semaphore, #tpu.memory_space<semaphore_mem>>)
    %dma_start3A_42 = arith.constant 128 : i32
    %dma_start3A_43 = arith.constant 0 : i32
    %dma_start3A_44 = tpu.memref_slice %arg14[%dma_start3A_42, %dma_start3A_43] : memref<320x128xf32, #tpu.memory_space<vmem>> -> memref<128x128xf32, #tpu.memory_space<vmem>>
    %dma_start3A_45 = arith.constant 128 : i32
    %dma_start3A_46 = tpu.memref_slice %arg13[%dma_start3A_45] : memref<320xi32, #tpu.memory_space<vmem>> -> memref<128xi32, #tpu.memory_space<vmem>>
    %dma_start3A_47 = arith.constant 0 : i32
    %dma_start3A_48 = arith.constant 0 : i32
    %dma_start3A_49 = tpu.memref_slice %arg6[%dma_start3A_47, %dma_start3A_48] : memref<100000x128xf32, #tpu.memory_space<hbm>> -> memref<100000x128xf32, #tpu.memory_space<hbm>>
    tpu.enqueue_indirect_dma source(%dma_start3A_49 : memref<100000x128xf32, #tpu.memory_space<hbm>>) target(%dma_start3A_44 : memref<128x128xf32, #tpu.memory_space<vmem>>) offsets(%dma_start3A_46 : memref<128xi32, #tpu.memory_space<vmem>>) semaphore(%arg26 : memref<!tpu.dma_semaphore, #tpu.memory_space<semaphore_mem>>)
    %dma_start3A_50 = arith.constant 256 : i32
    %dma_start3A_51 = arith.constant 0 : i32
    %dma_start3A_52 = tpu.memref_slice %arg14[%dma_start3A_50, %dma_start3A_51] : memref<320x128xf32, #tpu.memory_space<vmem>> -> memref<64x128xf32, #tpu.memory_space<vmem>>
    %dma_start3A_53 = arith.constant 256 : i32
    %dma_start3A_54 = tpu.memref_slice %arg13[%dma_start3A_53] : memref<320xi32, #tpu.memory_space<vmem>> -> memref<64xi32, #tpu.memory_space<vmem>>
    %dma_start3A_55 = arith.constant 0 : i32
    %dma_start3A_56 = arith.constant 0 : i32
    %dma_start3A_57 = tpu.memref_slice %arg6[%dma_start3A_55, %dma_start3A_56] : memref<100000x128xf32, #tpu.memory_space<hbm>> -> memref<100000x128xf32, #tpu.memory_space<hbm>>
    tpu.enqueue_indirect_dma source(%dma_start3A_57 : memref<100000x128xf32, #tpu.memory_space<hbm>>) target(%dma_start3A_52 : memref<64x128xf32, #tpu.memory_space<vmem>>) offsets(%dma_start3A_54 : memref<64xi32, #tpu.memory_space<vmem>>) semaphore(%arg26 : memref<!tpu.dma_semaphore, #tpu.memory_space<semaphore_mem>>)
    %add3A_58 = arith.constant 2 : i32
    %add3A_59 = arith.addi %add3A_11, %add3A_58 : i32
    %jit3A_60 = arith.constant 2 : i32
    %div3A = arith.divsi %add3A_59, %jit3A_60 : i32
    %sign3A = arith.constant 0 : i32
    %sign3A_61 = arith.cmpi sgt, %add3A_59, %sign3A : i32
    %sign3A_62 = arith.extui %sign3A_61 : i1 to i32
    %sign3A_63 = arith.constant 0 : i32
    %sign3A_64 = arith.cmpi slt, %add3A_59, %sign3A_63 : i32
    %sign3A_65 = arith.extui %sign3A_64 : i1 to i32
    %sign3A_66 = arith.subi %sign3A_62, %sign3A_65 : i32
    %sign3A_67 = arith.constant 0 : i32
    %sign3A_68 = arith.cmpi sgt, %jit3A_60, %sign3A_67 : i32
    %sign3A_69 = arith.extui %sign3A_68 : i1 to i32
    %sign3A_70 = arith.constant 0 : i32
    %sign3A_71 = arith.cmpi slt, %jit3A_60, %sign3A_70 : i32
    %sign3A_72 = arith.extui %sign3A_71 : i1 to i32
    %sign3A_73 = arith.subi %sign3A_69, %sign3A_72 : i32
    %ne3A = arith.cmpi ne, %sign3A_66, %sign3A_73 : i32
    %rem3A = arith.remsi %add3A_59, %jit3A_60 : i32
    %ne3A_74 = arith.constant 0 : i32
    %ne3A_75 = arith.cmpi ne, %rem3A, %ne3A_74 : i32
    %and3A = arith.andi %ne3A, %ne3A_75 : i1
    %sub3A_76 = arith.constant 1 : i32
    %sub3A_77 = arith.subi %div3A, %sub3A_76 : i32
    %select_n3A_78 = arith.select %and3A, %sub3A_77, %div3A : i32
    %while3A = arith.constant 0 : i32
    %while3A_79 = arith.constant 0 : i32
    %while3A_80 = arith.subi %select_n3A_78, %while3A_79 : i32
    %while3A_81 = arith.addi %while3A_79, %while3A_80 : i32
    %while3A_82 = arith.constant 1 : i32
    %while3A_83 = arith.divsi %while3A_80, %while3A_82 : i32
    %while3A_84 = arith.muli %while3A_83, %while3A_82 : i32
    %while3A_85 = arith.addi %while3A_79, %while3A_84 : i32
    %while3A_86 = arith.constant 1 : i32
    scf.for %while3A_150 = %while3A_79 to %while3A_85 step %while3A_86  : i32 {
      %mul3A_151 = arith.constant 2 : i32
      %mul3A_152 = arith.muli %mul3A_151, %while3A_150 : i32
      %ge3A_153 = arith.constant 2 : i32
      %ge3A_154 = arith.cmpi sge, %mul3A_152, %ge3A_153 : i32
      %le3A = arith.cmpi sle, %mul3A_152, %add3A_11 : i32
      %and3A_155 = arith.andi %ge3A_154, %le3A : i1
      %convert_element_type3A_156 = arith.extui %and3A_155 : i1 to i32
      %cond3A_157 = arith.constant 0 : i32
      %cond3A_158 = arith.cmpi ne, %convert_element_type3A_156, %cond3A_157 : i32
      scf.if %cond3A_158 {
        %dma_wait3A_202 = arith.constant 0 : i32
        %dma_wait3A_203 = arith.constant 0 : i32
        %dma_wait3A_204 = tpu.memref_slice %arg8[%dma_wait3A_202, %dma_wait3A_203] : memref<10000x128xf32, #tpu.memory_space<hbm>> -> memref<8x128xf32, #tpu.memory_space<hbm>>
        %dma_wait3A_205 = arith.constant 0 : i32
        %dma_wait3A_206 = arith.constant 0 : i32
        %dma_wait3A_207 = tpu.memref_slice %arg8[%dma_wait3A_205, %dma_wait3A_206] : memref<10000x128xf32, #tpu.memory_space<hbm>> -> memref<8x128xf32, #tpu.memory_space<hbm>>
        tpu.wait_dma2 semaphore(%arg24 : memref<!tpu.dma_semaphore, #tpu.memory_space<semaphore_mem>>) src(%arg19 : memref<8x128xf32, #tpu.memory_space<vmem>>) dst(%dma_wait3A_207 : memref<8x128xf32, #tpu.memory_space<hbm>>)
      } else {
      }
      %lt3A_159 = arith.cmpi slt, %mul3A_152, %add3A_11 : i32
      %convert_element_type3A_160 = arith.extui %lt3A_159 : i1 to i32
      %cond3A_161 = arith.constant 0 : i32
      %cond3A_162 = arith.cmpi ne, %convert_element_type3A_160, %cond3A_161 : i32
      scf.if %cond3A_162 {
        %mul3A_202 = arith.constant 8 : i32
        %mul3A_203 = arith.muli %mul3A_152, %mul3A_202 : i32
        %add3A_204 = arith.constant 0 : i32
        %add3A_205 = arith.addi %mul3A_203, %add3A_204 : i32
        %iota3A = tpu.iota {dimensions = array<i32: 0>} : vector<16xi32>
        %broadcast_in_dim3A = vector.broadcast %add3A_205 : i32 to vector<16xi32>
        %gather3A = tpu.vector_load_idx %arg10[%broadcast_in_dim3A] : memref<320xf32, #tpu.memory_space<vmem>>[vector<16xi32>], vector<16xf32>,
        %gather3A_206 = tpu.vector_load_idx %arg11[%iota3A, %broadcast_in_dim3A] : memref<32x320xf32, #tpu.memory_space<vmem>>[vector<16xi32>, vector<16xi32>], vector<16xf32>,
        %add3A_207 = arith.constant 16 : i32
        %add3A_208 = vector.broadcast %add3A_207 : i32 to vector<16xi32>
        %add3A_209 = arith.addi %iota3A, %add3A_208 : vector<16xi32>
        %gather3A_210 = tpu.vector_load_idx %arg11[%add3A_209, %broadcast_in_dim3A] : memref<32x320xf32, #tpu.memory_space<vmem>>[vector<16xi32>, vector<16xi32>], vector<16xf32>,
        %sub3A_211 = arith.subf %gather3A_206, %gather3A : vector<16xf32>
        %abs3A = math.absf %sub3A_211 : vector<16xf32>
        %sub3A_212 = arith.subf %gather3A_210, %gather3A : vector<16xf32>
        %abs3A_213 = math.absf %sub3A_212 : vector<16xf32>
        %gather3A_214 = tpu.vector_load_idx %arg12[%iota3A, %broadcast_in_dim3A] : memref<32x320xi32, #tpu.memory_space<vmem>>[vector<16xi32>, vector<16xi32>], vector<16xi32>,
        %add3A_215 = arith.constant 16 : i32
        %add3A_216 = vector.broadcast %add3A_215 : i32 to vector<16xi32>
        %add3A_217 = arith.addi %iota3A, %add3A_216 : vector<16xi32>
        %gather3A_218 = tpu.vector_load_idx %arg12[%add3A_217, %broadcast_in_dim3A] : memref<32x320xi32, #tpu.memory_space<vmem>>[vector<16xi32>, vector<16xi32>], vector<16xi32>,
        %masked_sort3A = arith.constant dense<true> : vector<16xi1>
        %masked_sort3A_219, %masked_sort3A_220, %masked_sort3A_221 = tpu.sort %abs3A, %gather3A_214 masked %masked_sort3A : (vector<16xf32>, vector<16xi32>, vector<16xi1>) -> (vector<16xi1>, vector<16xf32>, vector<16xi32>)
        %masked_sort3A_222 = arith.constant dense<true> : vector<16xi1>
        %masked_sort3A_223, %masked_sort3A_224, %masked_sort3A_225 = tpu.sort %abs3A_213, %gather3A_218 masked %masked_sort3A_222 : (vector<16xf32>, vector<16xi32>, vector<16xi1>) -> (vector<16xi1>, vector<16xf32>, vector<16xi32>)
        %rev3A = arith.constant 15 : i32
        %rev3A_226 = vector.broadcast %rev3A : i32 to vector<16xi32>
        %rev3A_227 = tpu.iota {dimensions = array<i32: 0>} : vector<16xi32>
        %rev3A_228 = arith.subi %rev3A_226, %rev3A_227 : vector<16xi32>
        %rev3A_229 = tpu.dynamic_gather %masked_sort3A_224[%rev3A_228] in [0] : vector<16xf32>, vector<16xi32> -> vector<16xf32>
        %rev3A_230 = arith.constant 15 : i32
        %rev3A_231 = vector.broadcast %rev3A_230 : i32 to vector<16xi32>
        %rev3A_232 = tpu.iota {dimensions = array<i32: 0>} : vector<16xi32>
        %rev3A_233 = arith.subi %rev3A_231, %rev3A_232 : vector<16xi32>
        %rev3A_234 = tpu.dynamic_gather %masked_sort3A_225[%rev3A_233] in [0] : vector<16xi32>, vector<16xi32> -> vector<16xi32>
        %le3A_235 = arith.cmpf ole, %masked_sort3A_220, %rev3A_229 : vector<16xf32>
        %select_n3A_236 = arith.select %le3A_235, %masked_sort3A_220, %rev3A_229 : vector<16xi1>, vector<16xf32>
        %select_n3A_237 = arith.select %le3A_235, %masked_sort3A_221, %rev3A_234 : vector<16xi1>, vector<16xi32>
        %masked_sort3A_238 = arith.constant dense<true> : vector<16xi1>
        %masked_sort3A_239, %masked_sort3A_240, %masked_sort3A_241 = tpu.sort %select_n3A_236, %select_n3A_237 masked %masked_sort3A_238 : (vector<16xf32>, vector<16xi32>, vector<16xi1>) -> (vector<16xi1>, vector<16xf32>, vector<16xi32>)
        tpu.vector_store_idx %arg21[%iota3A, %broadcast_in_dim3A], %masked_sort3A_240 : memref<16x320xf32, #tpu.memory_space<vmem>>[vector<16xi32>, vector<16xi32>], vector<16xf32>,
        %swap3A = arith.constant 0 : index
        %swap3A_242 = tpu.vector_load %arg15[%swap3A] {strides = array<i32>} : memref<128xi32, #tpu.memory_space<vmem>>, vector<16xi32>,
        tpu.vector_store %arg15[%swap3A], %masked_sort3A_241 {strides = array<i32>} : memref<128xi32, #tpu.memory_space<vmem>>, vector<16xi32>,
        %add3A_243 = arith.constant 1 : i32
        %add3A_244 = arith.addi %mul3A_203, %add3A_243 : i32
        %iota3A_245 = tpu.iota {dimensions = array<i32: 0>} : vector<16xi32>
        %broadcast_in_dim3A_246 = vector.broadcast %add3A_244 : i32 to vector<16xi32>
        %gather3A_247 = tpu.vector_load_idx %arg10[%broadcast_in_dim3A_246] : memref<320xf32, #tpu.memory_space<vmem>>[vector<16xi32>], vector<16xf32>,
        %gather3A_248 = tpu.vector_load_idx %arg11[%iota3A_245, %broadcast_in_dim3A_246] : memref<32x320xf32, #tpu.memory_space<vmem>>[vector<16xi32>, vector<16xi32>], vector<16xf32>,
        %add3A_249 = arith.constant 16 : i32
        %add3A_250 = vector.broadcast %add3A_249 : i32 to vector<16xi32>
        %add3A_251 = arith.addi %iota3A_245, %add3A_250 : vector<16xi32>
        %gather3A_252 = tpu.vector_load_idx %arg11[%add3A_251, %broadcast_in_dim3A_246] : memref<32x320xf32, #tpu.memory_space<vmem>>[vector<16xi32>, vector<16xi32>], vector<16xf32>,
        %sub3A_253 = arith.subf %gather3A_248, %gather3A_247 : vector<16xf32>
        %abs3A_254 = math.absf %sub3A_253 : vector<16xf32>
        %sub3A_255 = arith.subf %gather3A_252, %gather3A_247 : vector<16xf32>
        %abs3A_256 = math.absf %sub3A_255 : vector<16xf32>
        %gather3A_257 = tpu.vector_load_idx %arg12[%iota3A_245, %broadcast_in_dim3A_246] : memref<32x320xi32, #tpu.memory_space<vmem>>[vector<16xi32>, vector<16xi32>], vector<16xi32>,
        %add3A_258 = arith.constant 16 : i32
        %add3A_259 = vector.broadcast %add3A_258 : i32 to vector<16xi32>
        %add3A_260 = arith.addi %iota3A_245, %add3A_259 : vector<16xi32>
        %gather3A_261 = tpu.vector_load_idx %arg12[%add3A_260, %broadcast_in_dim3A_246] : memref<32x320xi32, #tpu.memory_space<vmem>>[vector<16xi32>, vector<16xi32>], vector<16xi32>,
        %masked_sort3A_262 = arith.constant dense<true> : vector<16xi1>
        %masked_sort3A_263, %masked_sort3A_264, %masked_sort3A_265 = tpu.sort %abs3A_254, %gather3A_257 masked %masked_sort3A_262 : (vector<16xf32>, vector<16xi32>, vector<16xi1>) -> (vector<16xi1>, vector<16xf32>, vector<16xi32>)
        %masked_sort3A_266 = arith.constant dense<true> : vector<16xi1>
        %masked_sort3A_267, %masked_sort3A_268, %masked_sort3A_269 = tpu.sort %abs3A_256, %gather3A_261 masked %masked_sort3A_266 : (vector<16xf32>, vector<16xi32>, vector<16xi1>) -> (vector<16xi1>, vector<16xf32>, vector<16xi32>)
        %rev3A_270 = arith.constant 15 : i32
        %rev3A_271 = vector.broadcast %rev3A_270 : i32 to vector<16xi32>
        %rev3A_272 = tpu.iota {dimensions = array<i32: 0>} : vector<16xi32>
        %rev3A_273 = arith.subi %rev3A_271, %rev3A_272 : vector<16xi32>
        %rev3A_274 = tpu.dynamic_gather %masked_sort3A_268[%rev3A_273] in [0] : vector<16xf32>, vector<16xi32> -> vector<16xf32>
        %rev3A_275 = arith.constant 15 : i32
        %rev3A_276 = vector.broadcast %rev3A_275 : i32 to vector<16xi32>
        %rev3A_277 = tpu.iota {dimensions = array<i32: 0>} : vector<16xi32>
        %rev3A_278 = arith.subi %rev3A_276, %rev3A_277 : vector<16xi32>
        %rev3A_279 = tpu.dynamic_gather %masked_sort3A_269[%rev3A_278] in [0] : vector<16xi32>, vector<16xi32> -> vector<16xi32>
        %le3A_280 = arith.cmpf ole, %masked_sort3A_264, %rev3A_274 : vector<16xf32>
        %select_n3A_281 = arith.select %le3A_280, %masked_sort3A_264, %rev3A_274 : vector<16xi1>, vector<16xf32>
        %select_n3A_282 = arith.select %le3A_280, %masked_sort3A_265, %rev3A_279 : vector<16xi1>, vector<16xi32>
        %masked_sort3A_283 = arith.constant dense<true> : vector<16xi1>
        %masked_sort3A_284, %masked_sort3A_285, %masked_sort3A_286 = tpu.sort %select_n3A_281, %select_n3A_282 masked %masked_sort3A_283 : (vector<16xf32>, vector<16xi32>, vector<16xi1>) -> (vector<16xi1>, vector<16xf32>, vector<16xi32>)
        tpu.vector_store_idx %arg21[%iota3A_245, %broadcast_in_dim3A_246], %masked_sort3A_285 : memref<16x320xf32, #tpu.memory_space<vmem>>[vector<16xi32>, vector<16xi32>], vector<16xf32>,
        %swap3A_287 = arith.constant 16 : index
        %swap3A_288 = tpu.vector_load %arg15[%swap3A_287] {strides = array<i32>} : memref<128xi32, #tpu.memory_space<vmem>>, vector<16xi32>,
        tpu.vector_store %arg15[%swap3A_287], %masked_sort3A_286 {strides = array<i32>} : memref<128xi32, #tpu.memory_space<vmem>>, vector<16xi32>,
        %add3A_289 = arith.constant 2 : i32
        %add3A_290 = arith.addi %mul3A_203, %add3A_289 : i32
        %iota3A_291 = tpu.iota {dimensions = array<i32: 0>} : vector<16xi32>
        %broadcast_in_dim3A_292 = vector.broadcast %add3A_290 : i32 to vector<16xi32>
        %gather3A_293 = tpu.vector_load_idx %arg10[%broadcast_in_dim3A_292] : memref<320xf32, #tpu.memory_space<vmem>>[vector<16xi32>], vector<16xf32>,
        %gather3A_294 = tpu.vector_load_idx %arg11[%iota3A_291, %broadcast_in_dim3A_292] : memref<32x320xf32, #tpu.memory_space<vmem>>[vector<16xi32>, vector<16xi32>], vector<16xf32>,
        %add3A_295 = arith.constant 16 : i32
        %add3A_296 = vector.broadcast %add3A_295 : i32 to vector<16xi32>
        %add3A_297 = arith.addi %iota3A_291, %add3A_296 : vector<16xi32>
        %gather3A_298 = tpu.vector_load_idx %arg11[%add3A_297, %broadcast_in_dim3A_292] : memref<32x320xf32, #tpu.memory_space<vmem>>[vector<16xi32>, vector<16xi32>], vector<16xf32>,
        %sub3A_299 = arith.subf %gather3A_294, %gather3A_293 : vector<16xf32>
        %abs3A_300 = math.absf %sub3A_299 : vector<16xf32>
        %sub3A_301 = arith.subf %gather3A_298, %gather3A_293 : vector<16xf32>
        %abs3A_302 = math.absf %sub3A_301 : vector<16xf32>
        %gather3A_303 = tpu.vector_load_idx %arg12[%iota3A_291, %broadcast_in_dim3A_292] : memref<32x320xi32, #tpu.memory_space<vmem>>[vector<16xi32>, vector<16xi32>], vector<16xi32>,
        %add3A_304 = arith.constant 16 : i32
        %add3A_305 = vector.broadcast %add3A_304 : i32 to vector<16xi32>
        %add3A_306 = arith.addi %iota3A_291, %add3A_305 : vector<16xi32>
        %gather3A_307 = tpu.vector_load_idx %arg12[%add3A_306, %broadcast_in_dim3A_292] : memref<32x320xi32, #tpu.memory_space<vmem>>[vector<16xi32>, vector<16xi32>], vector<16xi32>,
        %masked_sort3A_308 = arith.constant dense<true> : vector<16xi1>
        %masked_sort3A_309, %masked_sort3A_310, %masked_sort3A_311 = tpu.sort %abs3A_300, %gather3A_303 masked %masked_sort3A_308 : (vector<16xf32>, vector<16xi32>, vector<16xi1>) -> (vector<16xi1>, vector<16xf32>, vector<16xi32>)
        %masked_sort3A_312 = arith.constant dense<true> : vector<16xi1>
        %masked_sort3A_313, %masked_sort3A_314, %masked_sort3A_315 = tpu.sort %abs3A_302, %gather3A_307 masked %masked_sort3A_312 : (vector<16xf32>, vector<16xi32>, vector<16xi1>) -> (vector<16xi1>, vector<16xf32>, vector<16xi32>)
        %rev3A_316 = arith.constant 15 : i32
        %rev3A_317 = vector.broadcast %rev3A_316 : i32 to vector<16xi32>
        %rev3A_318 = tpu.iota {dimensions = array<i32: 0>} : vector<16xi32>
        %rev3A_319 = arith.subi %rev3A_317, %rev3A_318 : vector<16xi32>
        %rev3A_320 = tpu.dynamic_gather %masked_sort3A_314[%rev3A_319] in [0] : vector<16xf32>, vector<16xi32> -> vector<16xf32>
        %rev3A_321 = arith.constant 15 : i32
        %rev3A_322 = vector.broadcast %rev3A_321 : i32 to vector<16xi32>
        %rev3A_323 = tpu.iota {dimensions = array<i32: 0>} : vector<16xi32>
        %rev3A_324 = arith.subi %rev3A_322, %rev3A_323 : vector<16xi32>
        %rev3A_325 = tpu.dynamic_gather %masked_sort3A_315[%rev3A_324] in [0] : vector<16xi32>, vector<16xi32> -> vector<16xi32>
        %le3A_326 = arith.cmpf ole, %masked_sort3A_310, %rev3A_320 : vector<16xf32>
        %select_n3A_327 = arith.select %le3A_326, %masked_sort3A_310, %rev3A_320 : vector<16xi1>, vector<16xf32>
        %select_n3A_328 = arith.select %le3A_326, %masked_sort3A_311, %rev3A_325 : vector<16xi1>, vector<16xi32>
        %masked_sort3A_329 = arith.constant dense<true> : vector<16xi1>
        %masked_sort3A_330, %masked_sort3A_331, %masked_sort3A_332 = tpu.sort %select_n3A_327, %select_n3A_328 masked %masked_sort3A_329 : (vector<16xf32>, vector<16xi32>, vector<16xi1>) -> (vector<16xi1>, vector<16xf32>, vector<16xi32>)
        tpu.vector_store_idx %arg21[%iota3A_291, %broadcast_in_dim3A_292], %masked_sort3A_331 : memref<16x320xf32, #tpu.memory_space<vmem>>[vector<16xi32>, vector<16xi32>], vector<16xf32>,
        %swap3A_333 = arith.constant 32 : index
        %swap3A_334 = tpu.vector_load %arg15[%swap3A_333] {strides = array<i32>} : memref<128xi32, #tpu.memory_space<vmem>>, vector<16xi32>,
        tpu.vector_store %arg15[%swap3A_333], %masked_sort3A_332 {strides = array<i32>} : memref<128xi32, #tpu.memory_space<vmem>>, vector<16xi32>,
        %add3A_335 = arith.constant 3 : i32
        %add3A_336 = arith.addi %mul3A_203, %add3A_335 : i32
        %iota3A_337 = tpu.iota {dimensions = array<i32: 0>} : vector<16xi32>
        %broadcast_in_dim3A_338 = vector.broadcast %add3A_336 : i32 to vector<16xi32>
        %gather3A_339 = tpu.vector_load_idx %arg10[%broadcast_in_dim3A_338] : memref<320xf32, #tpu.memory_space<vmem>>[vector<16xi32>], vector<16xf32>,
        %gather3A_340 = tpu.vector_load_idx %arg11[%iota3A_337, %broadcast_in_dim3A_338] : memref<32x320xf32, #tpu.memory_space<vmem>>[vector<16xi32>, vector<16xi32>], vector<16xf32>,
        %add3A_341 = arith.constant 16 : i32
        %add3A_342 = vector.broadcast %add3A_341 : i32 to vector<16xi32>
        %add3A_343 = arith.addi %iota3A_337, %add3A_342 : vector<16xi32>
        %gather3A_344 = tpu.vector_load_idx %arg11[%add3A_343, %broadcast_in_dim3A_338] : memref<32x320xf32, #tpu.memory_space<vmem>>[vector<16xi32>, vector<16xi32>], vector<16xf32>,
        %sub3A_345 = arith.subf %gather3A_340, %gather3A_339 : vector<16xf32>
        %abs3A_346 = math.absf %sub3A_345 : vector<16xf32>
        %sub3A_347 = arith.subf %gather3A_344, %gather3A_339 : vector<16xf32>
        %abs3A_348 = math.absf %sub3A_347 : vector<16xf32>
        %gather3A_349 = tpu.vector_load_idx %arg12[%iota3A_337, %broadcast_in_dim3A_338] : memref<32x320xi32, #tpu.memory_space<vmem>>[vector<16xi32>, vector<16xi32>], vector<16xi32>,
        %add3A_350 = arith.constant 16 : i32
        %add3A_351 = vector.broadcast %add3A_350 : i32 to vector<16xi32>
        %add3A_352 = arith.addi %iota3A_337, %add3A_351 : vector<16xi32>
        %gather3A_353 = tpu.vector_load_idx %arg12[%add3A_352, %broadcast_in_dim3A_338] : memref<32x320xi32, #tpu.memory_space<vmem>>[vector<16xi32>, vector<16xi32>], vector<16xi32>,
        %masked_sort3A_354 = arith.constant dense<true> : vector<16xi1>
        %masked_sort3A_355, %masked_sort3A_356, %masked_sort3A_357 = tpu.sort %abs3A_346, %gather3A_349 masked %masked_sort3A_354 : (vector<16xf32>, vector<16xi32>, vector<16xi1>) -> (vector<16xi1>, vector<16xf32>, vector<16xi32>)
        %masked_sort3A_358 = arith.constant dense<true> : vector<16xi1>
        %masked_sort3A_359, %masked_sort3A_360, %masked_sort3A_361 = tpu.sort %abs3A_348, %gather3A_353 masked %masked_sort3A_358 : (vector<16xf32>, vector<16xi32>, vector<16xi1>) -> (vector<16xi1>, vector<16xf32>, vector<16xi32>)
        %rev3A_362 = arith.constant 15 : i32
        %rev3A_363 = vector.broadcast %rev3A_362 : i32 to vector<16xi32>
        %rev3A_364 = tpu.iota {dimensions = array<i32: 0>} : vector<16xi32>
        %rev3A_365 = arith.subi %rev3A_363, %rev3A_364 : vector<16xi32>
        %rev3A_366 = tpu.dynamic_gather %masked_sort3A_360[%rev3A_365] in [0] : vector<16xf32>, vector<16xi32> -> vector<16xf32>
        %rev3A_367 = arith.constant 15 : i32
        %rev3A_368 = vector.broadcast %rev3A_367 : i32 to vector<16xi32>
        %rev3A_369 = tpu.iota {dimensions = array<i32: 0>} : vector<16xi32>
        %rev3A_370 = arith.subi %rev3A_368, %rev3A_369 : vector<16xi32>
        %rev3A_371 = tpu.dynamic_gather %masked_sort3A_361[%rev3A_370] in [0] : vector<16xi32>, vector<16xi32> -> vector<16xi32>
        %le3A_372 = arith.cmpf ole, %masked_sort3A_356, %rev3A_366 : vector<16xf32>
        %select_n3A_373 = arith.select %le3A_372, %masked_sort3A_356, %rev3A_366 : vector<16xi1>, vector<16xf32>
        %select_n3A_374 = arith.select %le3A_372, %masked_sort3A_357, %rev3A_371 : vector<16xi1>, vector<16xi32>
        %masked_sort3A_375 = arith.constant dense<true> : vector<16xi1>
        %masked_sort3A_376, %masked_sort3A_377, %masked_sort3A_378 = tpu.sort %select_n3A_373, %select_n3A_374 masked %masked_sort3A_375 : (vector<16xf32>, vector<16xi32>, vector<16xi1>) -> (vector<16xi1>, vector<16xf32>, vector<16xi32>)
        tpu.vector_store_idx %arg21[%iota3A_337, %broadcast_in_dim3A_338], %masked_sort3A_377 : memref<16x320xf32, #tpu.memory_space<vmem>>[vector<16xi32>, vector<16xi32>], vector<16xf32>,
        %swap3A_379 = arith.constant 48 : index
        %swap3A_380 = tpu.vector_load %arg15[%swap3A_379] {strides = array<i32>} : memref<128xi32, #tpu.memory_space<vmem>>, vector<16xi32>,
        tpu.vector_store %arg15[%swap3A_379], %masked_sort3A_378 {strides = array<i32>} : memref<128xi32, #tpu.memory_space<vmem>>, vector<16xi32>,
        %add3A_381 = arith.constant 4 : i32
        %add3A_382 = arith.addi %mul3A_203, %add3A_381 : i32
        %iota3A_383 = tpu.iota {dimensions = array<i32: 0>} : vector<16xi32>
        %broadcast_in_dim3A_384 = vector.broadcast %add3A_382 : i32 to vector<16xi32>
        %gather3A_385 = tpu.vector_load_idx %arg10[%broadcast_in_dim3A_384] : memref<320xf32, #tpu.memory_space<vmem>>[vector<16xi32>], vector<16xf32>,
        %gather3A_386 = tpu.vector_load_idx %arg11[%iota3A_383, %broadcast_in_dim3A_384] : memref<32x320xf32, #tpu.memory_space<vmem>>[vector<16xi32>, vector<16xi32>], vector<16xf32>,
        %add3A_387 = arith.constant 16 : i32
        %add3A_388 = vector.broadcast %add3A_387 : i32 to vector<16xi32>
        %add3A_389 = arith.addi %iota3A_383, %add3A_388 : vector<16xi32>
        %gather3A_390 = tpu.vector_load_idx %arg11[%add3A_389, %broadcast_in_dim3A_384] : memref<32x320xf32, #tpu.memory_space<vmem>>[vector<16xi32>, vector<16xi32>], vector<16xf32>,
        %sub3A_391 = arith.subf %gather3A_386, %gather3A_385 : vector<16xf32>
        %abs3A_392 = math.absf %sub3A_391 : vector<16xf32>
        %sub3A_393 = arith.subf %gather3A_390, %gather3A_385 : vector<16xf32>
        %abs3A_394 = math.absf %sub3A_393 : vector<16xf32>
        %gather3A_395 = tpu.vector_load_idx %arg12[%iota3A_383, %broadcast_in_dim3A_384] : memref<32x320xi32, #tpu.memory_space<vmem>>[vector<16xi32>, vector<16xi32>], vector<16xi32>,
        %add3A_396 = arith.constant 16 : i32
        %add3A_397 = vector.broadcast %add3A_396 : i32 to vector<16xi32>
        %add3A_398 = arith.addi %iota3A_383, %add3A_397 : vector<16xi32>
        %gather3A_399 = tpu.vector_load_idx %arg12[%add3A_398, %broadcast_in_dim3A_384] : memref<32x320xi32, #tpu.memory_space<vmem>>[vector<16xi32>, vector<16xi32>], vector<16xi32>,
        %masked_sort3A_400 = arith.constant dense<true> : vector<16xi1>
        %masked_sort3A_401, %masked_sort3A_402, %masked_sort3A_403 = tpu.sort %abs3A_392, %gather3A_395 masked %masked_sort3A_400 : (vector<16xf32>, vector<16xi32>, vector<16xi1>) -> (vector<16xi1>, vector<16xf32>, vector<16xi32>)
        %masked_sort3A_404 = arith.constant dense<true> : vector<16xi1>
        %masked_sort3A_405, %masked_sort3A_406, %masked_sort3A_407 = tpu.sort %abs3A_394, %gather3A_399 masked %masked_sort3A_404 : (vector<16xf32>, vector<16xi32>, vector<16xi1>) -> (vector<16xi1>, vector<16xf32>, vector<16xi32>)
        %rev3A_408 = arith.constant 15 : i32
        %rev3A_409 = vector.broadcast %rev3A_408 : i32 to vector<16xi32>
        %rev3A_410 = tpu.iota {dimensions = array<i32: 0>} : vector<16xi32>
        %rev3A_411 = arith.subi %rev3A_409, %rev3A_410 : vector<16xi32>
        %rev3A_412 = tpu.dynamic_gather %masked_sort3A_406[%rev3A_411] in [0] : vector<16xf32>, vector<16xi32> -> vector<16xf32>
        %rev3A_413 = arith.constant 15 : i32
        %rev3A_414 = vector.broadcast %rev3A_413 : i32 to vector<16xi32>
        %rev3A_415 = tpu.iota {dimensions = array<i32: 0>} : vector<16xi32>
        %rev3A_416 = arith.subi %rev3A_414, %rev3A_415 : vector<16xi32>
        %rev3A_417 = tpu.dynamic_gather %masked_sort3A_407[%rev3A_416] in [0] : vector<16xi32>, vector<16xi32> -> vector<16xi32>
        %le3A_418 = arith.cmpf ole, %masked_sort3A_402, %rev3A_412 : vector<16xf32>
        %select_n3A_419 = arith.select %le3A_418, %masked_sort3A_402, %rev3A_412 : vector<16xi1>, vector<16xf32>
        %select_n3A_420 = arith.select %le3A_418, %masked_sort3A_403, %rev3A_417 : vector<16xi1>, vector<16xi32>
        %masked_sort3A_421 = arith.constant dense<true> : vector<16xi1>
        %masked_sort3A_422, %masked_sort3A_423, %masked_sort3A_424 = tpu.sort %select_n3A_419, %select_n3A_420 masked %masked_sort3A_421 : (vector<16xf32>, vector<16xi32>, vector<16xi1>) -> (vector<16xi1>, vector<16xf32>, vector<16xi32>)
        tpu.vector_store_idx %arg21[%iota3A_383, %broadcast_in_dim3A_384], %masked_sort3A_423 : memref<16x320xf32, #tpu.memory_space<vmem>>[vector<16xi32>, vector<16xi32>], vector<16xf32>,
        %swap3A_425 = arith.constant 64 : index
        %swap3A_426 = tpu.vector_load %arg15[%swap3A_425] {strides = array<i32>} : memref<128xi32, #tpu.memory_space<vmem>>, vector<16xi32>,
        tpu.vector_store %arg15[%swap3A_425], %masked_sort3A_424 {strides = array<i32>} : memref<128xi32, #tpu.memory_space<vmem>>, vector<16xi32>,
        %add3A_427 = arith.constant 5 : i32
        %add3A_428 = arith.addi %mul3A_203, %add3A_427 : i32
        %iota3A_429 = tpu.iota {dimensions = array<i32: 0>} : vector<16xi32>
        %broadcast_in_dim3A_430 = vector.broadcast %add3A_428 : i32 to vector<16xi32>
        %gather3A_431 = tpu.vector_load_idx %arg10[%broadcast_in_dim3A_430] : memref<320xf32, #tpu.memory_space<vmem>>[vector<16xi32>], vector<16xf32>,
        %gather3A_432 = tpu.vector_load_idx %arg11[%iota3A_429, %broadcast_in_dim3A_430] : memref<32x320xf32, #tpu.memory_space<vmem>>[vector<16xi32>, vector<16xi32>], vector<16xf32>,
        %add3A_433 = arith.constant 16 : i32
        %add3A_434 = vector.broadcast %add3A_433 : i32 to vector<16xi32>
        %add3A_435 = arith.addi %iota3A_429, %add3A_434 : vector<16xi32>
        %gather3A_436 = tpu.vector_load_idx %arg11[%add3A_435, %broadcast_in_dim3A_430] : memref<32x320xf32, #tpu.memory_space<vmem>>[vector<16xi32>, vector<16xi32>], vector<16xf32>,
        %sub3A_437 = arith.subf %gather3A_432, %gather3A_431 : vector<16xf32>
        %abs3A_438 = math.absf %sub3A_437 : vector<16xf32>
        %sub3A_439 = arith.subf %gather3A_436, %gather3A_431 : vector<16xf32>
        %abs3A_440 = math.absf %sub3A_439 : vector<16xf32>
        %gather3A_441 = tpu.vector_load_idx %arg12[%iota3A_429, %broadcast_in_dim3A_430] : memref<32x320xi32, #tpu.memory_space<vmem>>[vector<16xi32>, vector<16xi32>], vector<16xi32>,
        %add3A_442 = arith.constant 16 : i32
        %add3A_443 = vector.broadcast %add3A_442 : i32 to vector<16xi32>
        %add3A_444 = arith.addi %iota3A_429, %add3A_443 : vector<16xi32>
        %gather3A_445 = tpu.vector_load_idx %arg12[%add3A_444, %broadcast_in_dim3A_430] : memref<32x320xi32, #tpu.memory_space<vmem>>[vector<16xi32>, vector<16xi32>], vector<16xi32>,
        %masked_sort3A_446 = arith.constant dense<true> : vector<16xi1>
        %masked_sort3A_447, %masked_sort3A_448, %masked_sort3A_449 = tpu.sort %abs3A_438, %gather3A_441 masked %masked_sort3A_446 : (vector<16xf32>, vector<16xi32>, vector<16xi1>) -> (vector<16xi1>, vector<16xf32>, vector<16xi32>)
        %masked_sort3A_450 = arith.constant dense<true> : vector<16xi1>
        %masked_sort3A_451, %masked_sort3A_452, %masked_sort3A_453 = tpu.sort %abs3A_440, %gather3A_445 masked %masked_sort3A_450 : (vector<16xf32>, vector<16xi32>, vector<16xi1>) -> (vector<16xi1>, vector<16xf32>, vector<16xi32>)
        %rev3A_454 = arith.constant 15 : i32
        %rev3A_455 = vector.broadcast %rev3A_454 : i32 to vector<16xi32>
        %rev3A_456 = tpu.iota {dimensions = array<i32: 0>} : vector<16xi32>
        %rev3A_457 = arith.subi %rev3A_455, %rev3A_456 : vector<16xi32>
        %rev3A_458 = tpu.dynamic_gather %masked_sort3A_452[%rev3A_457] in [0] : vector<16xf32>, vector<16xi32> -> vector<16xf32>
        %rev3A_459 = arith.constant 15 : i32
        %rev3A_460 = vector.broadcast %rev3A_459 : i32 to vector<16xi32>
        %rev3A_461 = tpu.iota {dimensions = array<i32: 0>} : vector<16xi32>
        %rev3A_462 = arith.subi %rev3A_460, %rev3A_461 : vector<16xi32>
        %rev3A_463 = tpu.dynamic_gather %masked_sort3A_453[%rev3A_462] in [0] : vector<16xi32>, vector<16xi32> -> vector<16xi32>
        %le3A_464 = arith.cmpf ole, %masked_sort3A_448, %rev3A_458 : vector<16xf32>
        %select_n3A_465 = arith.select %le3A_464, %masked_sort3A_448, %rev3A_458 : vector<16xi1>, vector<16xf32>
        %select_n3A_466 = arith.select %le3A_464, %masked_sort3A_449, %rev3A_463 : vector<16xi1>, vector<16xi32>
        %masked_sort3A_467 = arith.constant dense<true> : vector<16xi1>
        %masked_sort3A_468, %masked_sort3A_469, %masked_sort3A_470 = tpu.sort %select_n3A_465, %select_n3A_466 masked %masked_sort3A_467 : (vector<16xf32>, vector<16xi32>, vector<16xi1>) -> (vector<16xi1>, vector<16xf32>, vector<16xi32>)
        tpu.vector_store_idx %arg21[%iota3A_429, %broadcast_in_dim3A_430], %masked_sort3A_469 : memref<16x320xf32, #tpu.memory_space<vmem>>[vector<16xi32>, vector<16xi32>], vector<16xf32>,
        %swap3A_471 = arith.constant 80 : index
        %swap3A_472 = tpu.vector_load %arg15[%swap3A_471] {strides = array<i32>} : memref<128xi32, #tpu.memory_space<vmem>>, vector<16xi32>,
        tpu.vector_store %arg15[%swap3A_471], %masked_sort3A_470 {strides = array<i32>} : memref<128xi32, #tpu.memory_space<vmem>>, vector<16xi32>,
        %add3A_473 = arith.constant 6 : i32
        %add3A_474 = arith.addi %mul3A_203, %add3A_473 : i32
        %iota3A_475 = tpu.iota {dimensions = array<i32: 0>} : vector<16xi32>
        %broadcast_in_dim3A_476 = vector.broadcast %add3A_474 : i32 to vector<16xi32>
        %gather3A_477 = tpu.vector_load_idx %arg10[%broadcast_in_dim3A_476] : memref<320xf32, #tpu.memory_space<vmem>>[vector<16xi32>], vector<16xf32>,
        %gather3A_478 = tpu.vector_load_idx %arg11[%iota3A_475, %broadcast_in_dim3A_476] : memref<32x320xf32, #tpu.memory_space<vmem>>[vector<16xi32>, vector<16xi32>], vector<16xf32>,
        %add3A_479 = arith.constant 16 : i32
        %add3A_480 = vector.broadcast %add3A_479 : i32 to vector<16xi32>
        %add3A_481 = arith.addi %iota3A_475, %add3A_480 : vector<16xi32>
        %gather3A_482 = tpu.vector_load_idx %arg11[%add3A_481, %broadcast_in_dim3A_476] : memref<32x320xf32, #tpu.memory_space<vmem>>[vector<16xi32>, vector<16xi32>], vector<16xf32>,
        %sub3A_483 = arith.subf %gather3A_478, %gather3A_477 : vector<16xf32>
        %abs3A_484 = math.absf %sub3A_483 : vector<16xf32>
        %sub3A_485 = arith.subf %gather3A_482, %gather3A_477 : vector<16xf32>
        %abs3A_486 = math.absf %sub3A_485 : vector<16xf32>
        %gather3A_487 = tpu.vector_load_idx %arg12[%iota3A_475, %broadcast_in_dim3A_476] : memref<32x320xi32, #tpu.memory_space<vmem>>[vector<16xi32>, vector<16xi32>], vector<16xi32>,
        %add3A_488 = arith.constant 16 : i32
        %add3A_489 = vector.broadcast %add3A_488 : i32 to vector<16xi32>
        %add3A_490 = arith.addi %iota3A_475, %add3A_489 : vector<16xi32>
        %gather3A_491 = tpu.vector_load_idx %arg12[%add3A_490, %broadcast_in_dim3A_476] : memref<32x320xi32, #tpu.memory_space<vmem>>[vector<16xi32>, vector<16xi32>], vector<16xi32>,
        %masked_sort3A_492 = arith.constant dense<true> : vector<16xi1>
        %masked_sort3A_493, %masked_sort3A_494, %masked_sort3A_495 = tpu.sort %abs3A_484, %gather3A_487 masked %masked_sort3A_492 : (vector<16xf32>, vector<16xi32>, vector<16xi1>) -> (vector<16xi1>, vector<16xf32>, vector<16xi32>)
        %masked_sort3A_496 = arith.constant dense<true> : vector<16xi1>
        %masked_sort3A_497, %masked_sort3A_498, %masked_sort3A_499 = tpu.sort %abs3A_486, %gather3A_491 masked %masked_sort3A_496 : (vector<16xf32>, vector<16xi32>, vector<16xi1>) -> (vector<16xi1>, vector<16xf32>, vector<16xi32>)
        %rev3A_500 = arith.constant 15 : i32
        %rev3A_501 = vector.broadcast %rev3A_500 : i32 to vector<16xi32>
        %rev3A_502 = tpu.iota {dimensions = array<i32: 0>} : vector<16xi32>
        %rev3A_503 = arith.subi %rev3A_501, %rev3A_502 : vector<16xi32>
        %rev3A_504 = tpu.dynamic_gather %masked_sort3A_498[%rev3A_503] in [0] : vector<16xf32>, vector<16xi32> -> vector<16xf32>
        %rev3A_505 = arith.constant 15 : i32
        %rev3A_506 = vector.broadcast %rev3A_505 : i32 to vector<16xi32>
        %rev3A_507 = tpu.iota {dimensions = array<i32: 0>} : vector<16xi32>
        %rev3A_508 = arith.subi %rev3A_506, %rev3A_507 : vector<16xi32>
        %rev3A_509 = tpu.dynamic_gather %masked_sort3A_499[%rev3A_508] in [0] : vector<16xi32>, vector<16xi32> -> vector<16xi32>
        %le3A_510 = arith.cmpf ole, %masked_sort3A_494, %rev3A_504 : vector<16xf32>
        %select_n3A_511 = arith.select %le3A_510, %masked_sort3A_494, %rev3A_504 : vector<16xi1>, vector<16xf32>
        %select_n3A_512 = arith.select %le3A_510, %masked_sort3A_495, %rev3A_509 : vector<16xi1>, vector<16xi32>
        %masked_sort3A_513 = arith.constant dense<true> : vector<16xi1>
        %masked_sort3A_514, %masked_sort3A_515, %masked_sort3A_516 = tpu.sort %select_n3A_511, %select_n3A_512 masked %masked_sort3A_513 : (vector<16xf32>, vector<16xi32>, vector<16xi1>) -> (vector<16xi1>, vector<16xf32>, vector<16xi32>)
        tpu.vector_store_idx %arg21[%iota3A_475, %broadcast_in_dim3A_476], %masked_sort3A_515 : memref<16x320xf32, #tpu.memory_space<vmem>>[vector<16xi32>, vector<16xi32>], vector<16xf32>,
        %swap3A_517 = arith.constant 96 : index
        %swap3A_518 = tpu.vector_load %arg15[%swap3A_517] {strides = array<i32>} : memref<128xi32, #tpu.memory_space<vmem>>, vector<16xi32>,
        tpu.vector_store %arg15[%swap3A_517], %masked_sort3A_516 {strides = array<i32>} : memref<128xi32, #tpu.memory_space<vmem>>, vector<16xi32>,
        %add3A_519 = arith.constant 7 : i32
        %add3A_520 = arith.addi %mul3A_203, %add3A_519 : i32
        %iota3A_521 = tpu.iota {dimensions = array<i32: 0>} : vector<16xi32>
        %broadcast_in_dim3A_522 = vector.broadcast %add3A_520 : i32 to vector<16xi32>
        %gather3A_523 = tpu.vector_load_idx %arg10[%broadcast_in_dim3A_522] : memref<320xf32, #tpu.memory_space<vmem>>[vector<16xi32>], vector<16xf32>,
        %gather3A_524 = tpu.vector_load_idx %arg11[%iota3A_521, %broadcast_in_dim3A_522] : memref<32x320xf32, #tpu.memory_space<vmem>>[vector<16xi32>, vector<16xi32>], vector<16xf32>,
        %add3A_525 = arith.constant 16 : i32
        %add3A_526 = vector.broadcast %add3A_525 : i32 to vector<16xi32>
        %add3A_527 = arith.addi %iota3A_521, %add3A_526 : vector<16xi32>
        %gather3A_528 = tpu.vector_load_idx %arg11[%add3A_527, %broadcast_in_dim3A_522] : memref<32x320xf32, #tpu.memory_space<vmem>>[vector<16xi32>, vector<16xi32>], vector<16xf32>,
        %sub3A_529 = arith.subf %gather3A_524, %gather3A_523 : vector<16xf32>
        %abs3A_530 = math.absf %sub3A_529 : vector<16xf32>
        %sub3A_531 = arith.subf %gather3A_528, %gather3A_523 : vector<16xf32>
        %abs3A_532 = math.absf %sub3A_531 : vector<16xf32>
        %gather3A_533 = tpu.vector_load_idx %arg12[%iota3A_521, %broadcast_in_dim3A_522] : memref<32x320xi32, #tpu.memory_space<vmem>>[vector<16xi32>, vector<16xi32>], vector<16xi32>,
        %add3A_534 = arith.constant 16 : i32
        %add3A_535 = vector.broadcast %add3A_534 : i32 to vector<16xi32>
        %add3A_536 = arith.addi %iota3A_521, %add3A_535 : vector<16xi32>
        %gather3A_537 = tpu.vector_load_idx %arg12[%add3A_536, %broadcast_in_dim3A_522] : memref<32x320xi32, #tpu.memory_space<vmem>>[vector<16xi32>, vector<16xi32>], vector<16xi32>,
        %masked_sort3A_538 = arith.constant dense<true> : vector<16xi1>
        %masked_sort3A_539, %masked_sort3A_540, %masked_sort3A_541 = tpu.sort %abs3A_530, %gather3A_533 masked %masked_sort3A_538 : (vector<16xf32>, vector<16xi32>, vector<16xi1>) -> (vector<16xi1>, vector<16xf32>, vector<16xi32>)
        %masked_sort3A_542 = arith.constant dense<true> : vector<16xi1>
        %masked_sort3A_543, %masked_sort3A_544, %masked_sort3A_545 = tpu.sort %abs3A_532, %gather3A_537 masked %masked_sort3A_542 : (vector<16xf32>, vector<16xi32>, vector<16xi1>) -> (vector<16xi1>, vector<16xf32>, vector<16xi32>)
        %rev3A_546 = arith.constant 15 : i32
        %rev3A_547 = vector.broadcast %rev3A_546 : i32 to vector<16xi32>
        %rev3A_548 = tpu.iota {dimensions = array<i32: 0>} : vector<16xi32>
        %rev3A_549 = arith.subi %rev3A_547, %rev3A_548 : vector<16xi32>
        %rev3A_550 = tpu.dynamic_gather %masked_sort3A_544[%rev3A_549] in [0] : vector<16xf32>, vector<16xi32> -> vector<16xf32>
        %rev3A_551 = arith.constant 15 : i32
        %rev3A_552 = vector.broadcast %rev3A_551 : i32 to vector<16xi32>
        %rev3A_553 = tpu.iota {dimensions = array<i32: 0>} : vector<16xi32>
        %rev3A_554 = arith.subi %rev3A_552, %rev3A_553 : vector<16xi32>
        %rev3A_555 = tpu.dynamic_gather %masked_sort3A_545[%rev3A_554] in [0] : vector<16xi32>, vector<16xi32> -> vector<16xi32>
        %le3A_556 = arith.cmpf ole, %masked_sort3A_540, %rev3A_550 : vector<16xf32>
        %select_n3A_557 = arith.select %le3A_556, %masked_sort3A_540, %rev3A_550 : vector<16xi1>, vector<16xf32>
        %select_n3A_558 = arith.select %le3A_556, %masked_sort3A_541, %rev3A_555 : vector<16xi1>, vector<16xi32>
        %masked_sort3A_559 = arith.constant dense<true> : vector<16xi1>
        %masked_sort3A_560, %masked_sort3A_561, %masked_sort3A_562 = tpu.sort %select_n3A_557, %select_n3A_558 masked %masked_sort3A_559 : (vector<16xf32>, vector<16xi32>, vector<16xi1>) -> (vector<16xi1>, vector<16xf32>, vector<16xi32>)
        tpu.vector_store_idx %arg21[%iota3A_521, %broadcast_in_dim3A_522], %masked_sort3A_561 : memref<16x320xf32, #tpu.memory_space<vmem>>[vector<16xi32>, vector<16xi32>], vector<16xf32>,
        %swap3A_563 = arith.constant 112 : index
        %swap3A_564 = tpu.vector_load %arg15[%swap3A_563] {strides = array<i32>} : memref<128xi32, #tpu.memory_space<vmem>>, vector<16xi32>,
        tpu.vector_store %arg15[%swap3A_563], %masked_sort3A_562 {strides = array<i32>} : memref<128xi32, #tpu.memory_space<vmem>>, vector<16xi32>,
        %dma_start3A_565 = arith.constant 0 : i32
        %dma_start3A_566 = arith.constant 0 : i32
        %dma_start3A_567 = tpu.memref_slice %arg6[%dma_start3A_565, %dma_start3A_566] : memref<100000x128xf32, #tpu.memory_space<hbm>> -> memref<100000x128xf32, #tpu.memory_space<hbm>>
        tpu.enqueue_indirect_dma source(%dma_start3A_567 : memref<100000x128xf32, #tpu.memory_space<hbm>>) target(%arg17 : memref<128x128xf32, #tpu.memory_space<vmem>>) offsets(%arg15 : memref<128xi32, #tpu.memory_space<vmem>>) semaphore(%arg22 : memref<!tpu.dma_semaphore, #tpu.memory_space<semaphore_mem>>)
      } else {
      }
      %ge3A_163 = arith.constant 1 : i32
      %ge3A_164 = arith.cmpi sge, %mul3A_152, %ge3A_163 : i32
      %le3A_165 = arith.cmpi sle, %mul3A_152, %add3A_11 : i32
      %and3A_166 = arith.andi %ge3A_164, %le3A_165 : i1
      %convert_element_type3A_167 = arith.extui %and3A_166 : i1 to i32
      %cond3A_168 = arith.constant 0 : i32
      %cond3A_169 = arith.cmpi ne, %convert_element_type3A_167, %cond3A_168 : i32
      scf.if %cond3A_169 {
        %dma_wait3A_202 = arith.constant 0 : i32
        %dma_wait3A_203 = arith.constant 0 : i32
        %dma_wait3A_204 = tpu.memref_slice %arg6[%dma_wait3A_202, %dma_wait3A_203] : memref<100000x128xf32, #tpu.memory_space<hbm>> -> memref<100000x128xf32, #tpu.memory_space<hbm>>
        tpu.wait_indirect_dma semaphore(%arg23 : memref<!tpu.dma_semaphore, #tpu.memory_space<semaphore_mem>>) src(%dma_wait3A_204 : memref<100000x128xf32, #tpu.memory_space<hbm>>) dst(%arg18 : memref<128x128xf32, #tpu.memory_space<vmem>>)
        %sub3A_205 = arith.constant 1 : i32
        %sub3A_206 = arith.subi %mul3A_152, %sub3A_205 : i32
        %parallel_loop3A = arith.constant 0 : i32
        %parallel_loop3A_207 = arith.constant 64 : i32
        %parallel_loop3A_208 = arith.constant 1 : i32
        scf.for %parallel_loop3A_216 = %parallel_loop3A to %parallel_loop3A_207 step %parallel_loop3A_208  : i32 {
          %parallel_loop3A_217 = arith.constant 3 : i32
          %parallel_loop3A_218 = arith.shrsi %parallel_loop3A_216, %parallel_loop3A_217 : i32
          %parallel_loop3A_219 = arith.constant 7 : i32
          %parallel_loop3A_220 = arith.andi %parallel_loop3A_216, %parallel_loop3A_219 : i32
          %parallel_loop3A_221 = arith.constant 16 : i32
          %parallel_loop3A_222 = arith.muli %parallel_loop3A_218, %parallel_loop3A_221 : i32
          %parallel_loop3A_223 = arith.constant 16 : i32
          %parallel_loop3A_224 = arith.muli %parallel_loop3A_220, %parallel_loop3A_223 : i32
          %parallel_loop3A_225 = arith.constant 0 : i32
          %parallel_loop3A_226 = arith.addi %parallel_loop3A_222, %parallel_loop3A_225 : i32
          %parallel_loop3A_227 = arith.index_cast %parallel_loop3A_226 : i32 to index
          %parallel_loop3A_228 = arith.index_cast %parallel_loop3A_224 : i32 to index
          %parallel_loop3A_229 = tpu.vector_load %arg18[%parallel_loop3A_227, %parallel_loop3A_228] {strides = array<i32>} : memref<128x128xf32, #tpu.memory_space<vmem>>, vector<16xf32>,
          %parallel_loop3A_230 = arith.constant 1 : i32
          %parallel_loop3A_231 = arith.addi %parallel_loop3A_222, %parallel_loop3A_230 : i32
          %parallel_loop3A_232 = arith.index_cast %parallel_loop3A_231 : i32 to index
          %parallel_loop3A_233 = arith.index_cast %parallel_loop3A_224 : i32 to index
          %parallel_loop3A_234 = tpu.vector_load %arg18[%parallel_loop3A_232, %parallel_loop3A_233] {strides = array<i32>} : memref<128x128xf32, #tpu.memory_space<vmem>>, vector<16xf32>,
          %parallel_loop3A_235 = arith.constant 2 : i32
          %parallel_loop3A_236 = arith.addi %parallel_loop3A_222, %parallel_loop3A_235 : i32
          %parallel_loop3A_237 = arith.index_cast %parallel_loop3A_236 : i32 to index
          %parallel_loop3A_238 = arith.index_cast %parallel_loop3A_224 : i32 to index
          %parallel_loop3A_239 = tpu.vector_load %arg18[%parallel_loop3A_237, %parallel_loop3A_238] {strides = array<i32>} : memref<128x128xf32, #tpu.memory_space<vmem>>, vector<16xf32>,
          %parallel_loop3A_240 = arith.constant 3 : i32
          %parallel_loop3A_241 = arith.addi %parallel_loop3A_222, %parallel_loop3A_240 : i32
          %parallel_loop3A_242 = arith.index_cast %parallel_loop3A_241 : i32 to index
          %parallel_loop3A_243 = arith.index_cast %parallel_loop3A_224 : i32 to index
          %parallel_loop3A_244 = tpu.vector_load %arg18[%parallel_loop3A_242, %parallel_loop3A_243] {strides = array<i32>} : memref<128x128xf32, #tpu.memory_space<vmem>>, vector<16xf32>,
          %parallel_loop3A_245 = arith.constant 4 : i32
          %parallel_loop3A_246 = arith.addi %parallel_loop3A_222, %parallel_loop3A_245 : i32
          %parallel_loop3A_247 = arith.index_cast %parallel_loop3A_246 : i32 to index
          %parallel_loop3A_248 = arith.index_cast %parallel_loop3A_224 : i32 to index
          %parallel_loop3A_249 = tpu.vector_load %arg18[%parallel_loop3A_247, %parallel_loop3A_248] {strides = array<i32>} : memref<128x128xf32, #tpu.memory_space<vmem>>, vector<16xf32>,
          %parallel_loop3A_250 = arith.addf %parallel_loop3A_229, %parallel_loop3A_249 : vector<16xf32>
          %parallel_loop3A_251 = arith.constant 5 : i32
          %parallel_loop3A_252 = arith.addi %parallel_loop3A_222, %parallel_loop3A_251 : i32
          %parallel_loop3A_253 = arith.index_cast %parallel_loop3A_252 : i32 to index
          %parallel_loop3A_254 = arith.index_cast %parallel_loop3A_224 : i32 to index
          %parallel_loop3A_255 = tpu.vector_load %arg18[%parallel_loop3A_253, %parallel_loop3A_254] {strides = array<i32>} : memref<128x128xf32, #tpu.memory_space<vmem>>, vector<16xf32>,
          %parallel_loop3A_256 = arith.addf %parallel_loop3A_234, %parallel_loop3A_255 : vector<16xf32>
          %parallel_loop3A_257 = arith.constant 6 : i32
          %parallel_loop3A_258 = arith.addi %parallel_loop3A_222, %parallel_loop3A_257 : i32
          %parallel_loop3A_259 = arith.index_cast %parallel_loop3A_258 : i32 to index
          %parallel_loop3A_260 = arith.index_cast %parallel_loop3A_224 : i32 to index
          %parallel_loop3A_261 = tpu.vector_load %arg18[%parallel_loop3A_259, %parallel_loop3A_260] {strides = array<i32>} : memref<128x128xf32, #tpu.memory_space<vmem>>, vector<16xf32>,
          %parallel_loop3A_262 = arith.addf %parallel_loop3A_239, %parallel_loop3A_261 : vector<16xf32>
          %parallel_loop3A_263 = arith.constant 7 : i32
          %parallel_loop3A_264 = arith.addi %parallel_loop3A_222, %parallel_loop3A_263 : i32
          %parallel_loop3A_265 = arith.index_cast %parallel_loop3A_264 : i32 to index
          %parallel_loop3A_266 = arith.index_cast %parallel_loop3A_224 : i32 to index
          %parallel_loop3A_267 = tpu.vector_load %arg18[%parallel_loop3A_265, %parallel_loop3A_266] {strides = array<i32>} : memref<128x128xf32, #tpu.memory_space<vmem>>, vector<16xf32>,
          %parallel_loop3A_268 = arith.addf %parallel_loop3A_244, %parallel_loop3A_267 : vector<16xf32>
          %parallel_loop3A_269 = arith.constant 8 : i32
          %parallel_loop3A_270 = arith.addi %parallel_loop3A_222, %parallel_loop3A_269 : i32
          %parallel_loop3A_271 = arith.index_cast %parallel_loop3A_270 : i32 to index
          %parallel_loop3A_272 = arith.index_cast %parallel_loop3A_224 : i32 to index
          %parallel_loop3A_273 = tpu.vector_load %arg18[%parallel_loop3A_271, %parallel_loop3A_272] {strides = array<i32>} : memref<128x128xf32, #tpu.memory_space<vmem>>, vector<16xf32>,
          %parallel_loop3A_274 = arith.addf %parallel_loop3A_250, %parallel_loop3A_273 : vector<16xf32>
          %parallel_loop3A_275 = arith.constant 9 : i32
          %parallel_loop3A_276 = arith.addi %parallel_loop3A_222, %parallel_loop3A_275 : i32
          %parallel_loop3A_277 = arith.index_cast %parallel_loop3A_276 : i32 to index
          %parallel_loop3A_278 = arith.index_cast %parallel_loop3A_224 : i32 to index
          %parallel_loop3A_279 = tpu.vector_load %arg18[%parallel_loop3A_277, %parallel_loop3A_278] {strides = array<i32>} : memref<128x128xf32, #tpu.memory_space<vmem>>, vector<16xf32>,
          %parallel_loop3A_280 = arith.addf %parallel_loop3A_256, %parallel_loop3A_279 : vector<16xf32>
          %parallel_loop3A_281 = arith.constant 10 : i32
          %parallel_loop3A_282 = arith.addi %parallel_loop3A_222, %parallel_loop3A_281 : i32
          %parallel_loop3A_283 = arith.index_cast %parallel_loop3A_282 : i32 to index
          %parallel_loop3A_284 = arith.index_cast %parallel_loop3A_224 : i32 to index
          %parallel_loop3A_285 = tpu.vector_load %arg18[%parallel_loop3A_283, %parallel_loop3A_284] {strides = array<i32>} : memref<128x128xf32, #tpu.memory_space<vmem>>, vector<16xf32>,
          %parallel_loop3A_286 = arith.addf %parallel_loop3A_262, %parallel_loop3A_285 : vector<16xf32>
          %parallel_loop3A_287 = arith.constant 11 : i32
          %parallel_loop3A_288 = arith.addi %parallel_loop3A_222, %parallel_loop3A_287 : i32
          %parallel_loop3A_289 = arith.index_cast %parallel_loop3A_288 : i32 to index
          %parallel_loop3A_290 = arith.index_cast %parallel_loop3A_224 : i32 to index
          %parallel_loop3A_291 = tpu.vector_load %arg18[%parallel_loop3A_289, %parallel_loop3A_290] {strides = array<i32>} : memref<128x128xf32, #tpu.memory_space<vmem>>, vector<16xf32>,
          %parallel_loop3A_292 = arith.addf %parallel_loop3A_268, %parallel_loop3A_291 : vector<16xf32>
          %parallel_loop3A_293 = arith.constant 12 : i32
          %parallel_loop3A_294 = arith.addi %parallel_loop3A_222, %parallel_loop3A_293 : i32
          %parallel_loop3A_295 = arith.index_cast %parallel_loop3A_294 : i32 to index
          %parallel_loop3A_296 = arith.index_cast %parallel_loop3A_224 : i32 to index
          %parallel_loop3A_297 = tpu.vector_load %arg18[%parallel_loop3A_295, %parallel_loop3A_296] {strides = array<i32>} : memref<128x128xf32, #tpu.memory_space<vmem>>, vector<16xf32>,
          %parallel_loop3A_298 = arith.addf %parallel_loop3A_274, %parallel_loop3A_297 : vector<16xf32>
          %parallel_loop3A_299 = arith.constant 13 : i32
          %parallel_loop3A_300 = arith.addi %parallel_loop3A_222, %parallel_loop3A_299 : i32
          %parallel_loop3A_301 = arith.index_cast %parallel_loop3A_300 : i32 to index
          %parallel_loop3A_302 = arith.index_cast %parallel_loop3A_224 : i32 to index
          %parallel_loop3A_303 = tpu.vector_load %arg18[%parallel_loop3A_301, %parallel_loop3A_302] {strides = array<i32>} : memref<128x128xf32, #tpu.memory_space<vmem>>, vector<16xf32>,
          %parallel_loop3A_304 = arith.addf %parallel_loop3A_280, %parallel_loop3A_303 : vector<16xf32>
          %parallel_loop3A_305 = arith.constant 14 : i32
          %parallel_loop3A_306 = arith.addi %parallel_loop3A_222, %parallel_loop3A_305 : i32
          %parallel_loop3A_307 = arith.index_cast %parallel_loop3A_306 : i32 to index
          %parallel_loop3A_308 = arith.index_cast %parallel_loop3A_224 : i32 to index
          %parallel_loop3A_309 = tpu.vector_load %arg18[%parallel_loop3A_307, %parallel_loop3A_308] {strides = array<i32>} : memref<128x128xf32, #tpu.memory_space<vmem>>, vector<16xf32>,
          %parallel_loop3A_310 = arith.addf %parallel_loop3A_286, %parallel_loop3A_309 : vector<16xf32>
          %parallel_loop3A_311 = arith.constant 15 : i32
          %parallel_loop3A_312 = arith.addi %parallel_loop3A_222, %parallel_loop3A_311 : i32
          %parallel_loop3A_313 = arith.index_cast %parallel_loop3A_312 : i32 to index
          %parallel_loop3A_314 = arith.index_cast %parallel_loop3A_224 : i32 to index
          %parallel_loop3A_315 = tpu.vector_load %arg18[%parallel_loop3A_313, %parallel_loop3A_314] {strides = array<i32>} : memref<128x128xf32, #tpu.memory_space<vmem>>, vector<16xf32>,
          %parallel_loop3A_316 = arith.addf %parallel_loop3A_292, %parallel_loop3A_315 : vector<16xf32>
          %parallel_loop3A_317 = arith.addf %parallel_loop3A_298, %parallel_loop3A_304 : vector<16xf32>
          %parallel_loop3A_318 = arith.addf %parallel_loop3A_310, %parallel_loop3A_316 : vector<16xf32>
          %parallel_loop3A_319 = arith.addf %parallel_loop3A_317, %parallel_loop3A_318 : vector<16xf32>
          %parallel_loop3A_320 = arith.index_cast %parallel_loop3A_218 : i32 to index
          %parallel_loop3A_321 = arith.index_cast %parallel_loop3A_224 : i32 to index
          %parallel_loop3A_322 = tpu.vector_load %arg20[%parallel_loop3A_320, %parallel_loop3A_321] {strides = array<i32>} : memref<8x128xf32, #tpu.memory_space<vmem>>, vector<16xf32>,
          tpu.vector_store %arg20[%parallel_loop3A_320, %parallel_loop3A_321], %parallel_loop3A_319 {strides = array<i32>} : memref<8x128xf32, #tpu.memory_space<vmem>>, vector<16xf32>,
        } {sc.loop_unroll_factor = 4 : i64, sc.parallel_access}
        %mul3A_209 = arith.constant 8 : i32
        %mul3A_210 = arith.muli %sub3A_206, %mul3A_209 : i32
        %add3A_211 = arith.addi %mul3A_7, %mul3A_210 : i32
        %dma_start3A_212 = arith.constant 0 : i32
        %dma_start3A_213 = tpu.memref_slice %arg8[%add3A_211, %dma_start3A_212] : memref<10000x128xf32, #tpu.memory_space<hbm>> -> memref<8x128xf32, #tpu.memory_space<hbm>>
        %dma_start3A_214 = arith.constant 0 : i32
        %dma_start3A_215 = tpu.memref_slice %arg8[%add3A_211, %dma_start3A_214] : memref<10000x128xf32, #tpu.memory_space<hbm>> -> memref<8x128xf32, #tpu.memory_space<hbm>>
        tpu.enqueue_dma source(%arg20 : memref<8x128xf32, #tpu.memory_space<vmem>>) target(%dma_start3A_215 : memref<8x128xf32, #tpu.memory_space<hbm>>) target_semaphore(%arg25 : memref<!tpu.dma_semaphore, #tpu.memory_space<semaphore_mem>>)
      } else {
      }
      %eq3A_170 = arith.constant 16 : i32
      %eq3A_171 = arith.cmpi eq, %mul3A_152, %eq3A_170 : i32
      %convert_element_type3A_172 = arith.extui %eq3A_171 : i1 to i32
      %cond3A_173 = arith.constant 0 : i32
      %cond3A_174 = arith.cmpi ne, %convert_element_type3A_172, %cond3A_173 : i32
      scf.if %cond3A_174 {
        %dma_wait3A_202 = arith.constant 0 : i32
        %dma_wait3A_203 = arith.constant 0 : i32
        %dma_wait3A_204 = tpu.memref_slice %arg14[%dma_wait3A_202, %dma_wait3A_203] : memref<320x128xf32, #tpu.memory_space<vmem>> -> memref<128x128xf32, #tpu.memory_space<vmem>>
        %dma_wait3A_205 = arith.constant 0 : i32
        %dma_wait3A_206 = tpu.memref_slice %arg13[%dma_wait3A_205] : memref<320xi32, #tpu.memory_space<vmem>> -> memref<128xi32, #tpu.memory_space<vmem>>
        %dma_wait3A_207 = arith.constant 0 : i32
        %dma_wait3A_208 = arith.constant 0 : i32
        %dma_wait3A_209 = tpu.memref_slice %arg6[%dma_wait3A_207, %dma_wait3A_208] : memref<100000x128xf32, #tpu.memory_space<hbm>> -> memref<100000x128xf32, #tpu.memory_space<hbm>>
        tpu.wait_indirect_dma semaphore(%arg26 : memref<!tpu.dma_semaphore, #tpu.memory_space<semaphore_mem>>) src(%dma_wait3A_209 : memref<100000x128xf32, #tpu.memory_space<hbm>>) dst(%dma_wait3A_204 : memref<128x128xf32, #tpu.memory_space<vmem>>)
        %dma_wait3A_210 = arith.constant 128 : i32
        %dma_wait3A_211 = arith.constant 0 : i32
        %dma_wait3A_212 = tpu.memref_slice %arg14[%dma_wait3A_210, %dma_wait3A_211] : memref<320x128xf32, #tpu.memory_space<vmem>> -> memref<128x128xf32, #tpu.memory_space<vmem>>
        %dma_wait3A_213 = arith.constant 128 : i32
        %dma_wait3A_214 = tpu.memref_slice %arg13[%dma_wait3A_213] : memref<320xi32, #tpu.memory_space<vmem>> -> memref<128xi32, #tpu.memory_space<vmem>>
        %dma_wait3A_215 = arith.constant 0 : i32
        %dma_wait3A_216 = arith.constant 0 : i32
        %dma_wait3A_217 = tpu.memref_slice %arg6[%dma_wait3A_215, %dma_wait3A_216] : memref<100000x128xf32, #tpu.memory_space<hbm>> -> memref<100000x128xf32, #tpu.memory_space<hbm>>
        tpu.wait_indirect_dma semaphore(%arg26 : memref<!tpu.dma_semaphore, #tpu.memory_space<semaphore_mem>>) src(%dma_wait3A_217 : memref<100000x128xf32, #tpu.memory_space<hbm>>) dst(%dma_wait3A_212 : memref<128x128xf32, #tpu.memory_space<vmem>>)
        %dma_wait3A_218 = arith.constant 256 : i32
        %dma_wait3A_219 = arith.constant 0 : i32
        %dma_wait3A_220 = tpu.memref_slice %arg14[%dma_wait3A_218, %dma_wait3A_219] : memref<320x128xf32, #tpu.memory_space<vmem>> -> memref<64x128xf32, #tpu.memory_space<vmem>>
        %dma_wait3A_221 = arith.constant 256 : i32
        %dma_wait3A_222 = tpu.memref_slice %arg13[%dma_wait3A_221] : memref<320xi32, #tpu.memory_space<vmem>> -> memref<64xi32, #tpu.memory_space<vmem>>
        %dma_wait3A_223 = arith.constant 0 : i32
        %dma_wait3A_224 = arith.constant 0 : i32
        %dma_wait3A_225 = tpu.memref_slice %arg6[%dma_wait3A_223, %dma_wait3A_224] : memref<100000x128xf32, #tpu.memory_space<hbm>> -> memref<100000x128xf32, #tpu.memory_space<hbm>>
        tpu.wait_indirect_dma semaphore(%arg26 : memref<!tpu.dma_semaphore, #tpu.memory_space<semaphore_mem>>) src(%dma_wait3A_225 : memref<100000x128xf32, #tpu.memory_space<hbm>>) dst(%dma_wait3A_220 : memref<64x128xf32, #tpu.memory_space<vmem>>)
        %dma_start3A_226 = arith.constant 0 : i32
        %dma_start3A_227 = arith.constant 0 : i32
        %dma_start3A_228 = tpu.memref_slice %arg14[%dma_start3A_226, %dma_start3A_227] : memref<320x128xf32, #tpu.memory_space<vmem>> -> memref<312x128xf32, #tpu.memory_space<vmem>>
        %dma_start3A_229 = arith.constant 0 : i32
        %dma_start3A_230 = tpu.memref_slice %arg7[%mul3A_7, %dma_start3A_229] : memref<10000x128xf32, #tpu.memory_space<hbm>> -> memref<312x128xf32, #tpu.memory_space<hbm>>
        %dma_start3A_231 = arith.constant 0 : i32
        %dma_start3A_232 = tpu.memref_slice %arg7[%mul3A_7, %dma_start3A_231] : memref<10000x128xf32, #tpu.memory_space<hbm>> -> memref<312x128xf32, #tpu.memory_space<hbm>>
        %dma_start3A_233 = arith.constant 0 : i32
        %dma_start3A_234 = arith.constant 0 : i32
        %dma_start3A_235 = tpu.memref_slice %arg14[%dma_start3A_233, %dma_start3A_234] : memref<320x128xf32, #tpu.memory_space<vmem>> -> memref<312x128xf32, #tpu.memory_space<vmem>>
        tpu.enqueue_dma source(%dma_start3A_235 : memref<312x128xf32, #tpu.memory_space<vmem>>) target(%dma_start3A_232 : memref<312x128xf32, #tpu.memory_space<hbm>>) target_semaphore(%arg26 : memref<!tpu.dma_semaphore, #tpu.memory_space<semaphore_mem>>)
      } else {
      }
      %mul3A_175 = arith.constant 2 : i32
      %mul3A_176 = arith.muli %mul3A_175, %while3A_150 : i32
      %add3A_177 = arith.constant 1 : i32
      %add3A_178 = arith.addi %mul3A_176, %add3A_177 : i32
      %ge3A_179 = arith.constant 2 : i32
      %ge3A_180 = arith.cmpi sge, %add3A_178, %ge3A_179 : i32
      %le3A_181 = arith.cmpi sle, %add3A_178, %add3A_11 : i32
      %and3A_182 = arith.andi %ge3A_180, %le3A_181 : i1
      %convert_element_type3A_183 = arith.extui %and3A_182 : i1 to i32
      %cond3A_184 = arith.constant 0 : i32
      %cond3A_185 = arith.cmpi ne, %convert_element_type3A_183, %cond3A_184 : i32
      scf.if %cond3A_185 {
        %dma_wait3A_202 = arith.constant 0 : i32
        %dma_wait3A_203 = arith.constant 0 : i32
        %dma_wait3A_204 = tpu.memref_slice %arg8[%dma_wait3A_202, %dma_wait3A_203] : memref<10000x128xf32, #tpu.memory_space<hbm>> -> memref<8x128xf32, #tpu.memory_space<hbm>>
        %dma_wait3A_205 = arith.constant 0 : i32
        %dma_wait3A_206 = arith.constant 0 : i32
        %dma_wait3A_207 = tpu.memref_slice %arg8[%dma_wait3A_205, %dma_wait3A_206] : memref<10000x128xf32, #tpu.memory_space<hbm>> -> memref<8x128xf32, #tpu.memory_space<hbm>>
        tpu.wait_dma2 semaphore(%arg25 : memref<!tpu.dma_semaphore, #tpu.memory_space<semaphore_mem>>) src(%arg20 : memref<8x128xf32, #tpu.memory_space<vmem>>) dst(%dma_wait3A_207 : memref<8x128xf32, #tpu.memory_space<hbm>>)
      } else {
      }
      %lt3A_186 = arith.cmpi slt, %add3A_178, %add3A_11 : i32
      %convert_element_type3A_187 = arith.extui %lt3A_186 : i1 to i32
      %cond3A_188 = arith.constant 0 : i32
      %cond3A_189 = arith.cmpi ne, %convert_element_type3A_187, %cond3A_188 : i32
      scf.if %cond3A_189 {
        %mul3A_202 = arith.constant 8 : i32
        %mul3A_203 = arith.muli %add3A_178, %mul3A_202 : i32
        %add3A_204 = arith.constant 0 : i32
        %add3A_205 = arith.addi %mul3A_203, %add3A_204 : i32
        %iota3A = tpu.iota {dimensions = array<i32: 0>} : vector<16xi32>
        %broadcast_in_dim3A = vector.broadcast %add3A_205 : i32 to vector<16xi32>
        %gather3A = tpu.vector_load_idx %arg10[%broadcast_in_dim3A] : memref<320xf32, #tpu.memory_space<vmem>>[vector<16xi32>], vector<16xf32>,
        %gather3A_206 = tpu.vector_load_idx %arg11[%iota3A, %broadcast_in_dim3A] : memref<32x320xf32, #tpu.memory_space<vmem>>[vector<16xi32>, vector<16xi32>], vector<16xf32>,
        %add3A_207 = arith.constant 16 : i32
        %add3A_208 = vector.broadcast %add3A_207 : i32 to vector<16xi32>
        %add3A_209 = arith.addi %iota3A, %add3A_208 : vector<16xi32>
        %gather3A_210 = tpu.vector_load_idx %arg11[%add3A_209, %broadcast_in_dim3A] : memref<32x320xf32, #tpu.memory_space<vmem>>[vector<16xi32>, vector<16xi32>], vector<16xf32>,
        %sub3A_211 = arith.subf %gather3A_206, %gather3A : vector<16xf32>
        %abs3A = math.absf %sub3A_211 : vector<16xf32>
        %sub3A_212 = arith.subf %gather3A_210, %gather3A : vector<16xf32>
        %abs3A_213 = math.absf %sub3A_212 : vector<16xf32>
        %gather3A_214 = tpu.vector_load_idx %arg12[%iota3A, %broadcast_in_dim3A] : memref<32x320xi32, #tpu.memory_space<vmem>>[vector<16xi32>, vector<16xi32>], vector<16xi32>,
        %add3A_215 = arith.constant 16 : i32
        %add3A_216 = vector.broadcast %add3A_215 : i32 to vector<16xi32>
        %add3A_217 = arith.addi %iota3A, %add3A_216 : vector<16xi32>
        %gather3A_218 = tpu.vector_load_idx %arg12[%add3A_217, %broadcast_in_dim3A] : memref<32x320xi32, #tpu.memory_space<vmem>>[vector<16xi32>, vector<16xi32>], vector<16xi32>,
        %masked_sort3A = arith.constant dense<true> : vector<16xi1>
        %masked_sort3A_219, %masked_sort3A_220, %masked_sort3A_221 = tpu.sort %abs3A, %gather3A_214 masked %masked_sort3A : (vector<16xf32>, vector<16xi32>, vector<16xi1>) -> (vector<16xi1>, vector<16xf32>, vector<16xi32>)
        %masked_sort3A_222 = arith.constant dense<true> : vector<16xi1>
        %masked_sort3A_223, %masked_sort3A_224, %masked_sort3A_225 = tpu.sort %abs3A_213, %gather3A_218 masked %masked_sort3A_222 : (vector<16xf32>, vector<16xi32>, vector<16xi1>) -> (vector<16xi1>, vector<16xf32>, vector<16xi32>)
        %rev3A = arith.constant 15 : i32
        %rev3A_226 = vector.broadcast %rev3A : i32 to vector<16xi32>
        %rev3A_227 = tpu.iota {dimensions = array<i32: 0>} : vector<16xi32>
        %rev3A_228 = arith.subi %rev3A_226, %rev3A_227 : vector<16xi32>
        %rev3A_229 = tpu.dynamic_gather %masked_sort3A_224[%rev3A_228] in [0] : vector<16xf32>, vector<16xi32> -> vector<16xf32>
        %rev3A_230 = arith.constant 15 : i32
        %rev3A_231 = vector.broadcast %rev3A_230 : i32 to vector<16xi32>
        %rev3A_232 = tpu.iota {dimensions = array<i32: 0>} : vector<16xi32>
        %rev3A_233 = arith.subi %rev3A_231, %rev3A_232 : vector<16xi32>
        %rev3A_234 = tpu.dynamic_gather %masked_sort3A_225[%rev3A_233] in [0] : vector<16xi32>, vector<16xi32> -> vector<16xi32>
        %le3A_235 = arith.cmpf ole, %masked_sort3A_220, %rev3A_229 : vector<16xf32>
        %select_n3A_236 = arith.select %le3A_235, %masked_sort3A_220, %rev3A_229 : vector<16xi1>, vector<16xf32>
        %select_n3A_237 = arith.select %le3A_235, %masked_sort3A_221, %rev3A_234 : vector<16xi1>, vector<16xi32>
        %masked_sort3A_238 = arith.constant dense<true> : vector<16xi1>
        %masked_sort3A_239, %masked_sort3A_240, %masked_sort3A_241 = tpu.sort %select_n3A_236, %select_n3A_237 masked %masked_sort3A_238 : (vector<16xf32>, vector<16xi32>, vector<16xi1>) -> (vector<16xi1>, vector<16xf32>, vector<16xi32>)
        tpu.vector_store_idx %arg21[%iota3A, %broadcast_in_dim3A], %masked_sort3A_240 : memref<16x320xf32, #tpu.memory_space<vmem>>[vector<16xi32>, vector<16xi32>], vector<16xf32>,
        %swap3A = arith.constant 0 : index
        %swap3A_242 = tpu.vector_load %arg16[%swap3A] {strides = array<i32>} : memref<128xi32, #tpu.memory_space<vmem>>, vector<16xi32>,
        tpu.vector_store %arg16[%swap3A], %masked_sort3A_241 {strides = array<i32>} : memref<128xi32, #tpu.memory_space<vmem>>, vector<16xi32>,
        %add3A_243 = arith.constant 1 : i32
        %add3A_244 = arith.addi %mul3A_203, %add3A_243 : i32
        %iota3A_245 = tpu.iota {dimensions = array<i32: 0>} : vector<16xi32>
        %broadcast_in_dim3A_246 = vector.broadcast %add3A_244 : i32 to vector<16xi32>
        %gather3A_247 = tpu.vector_load_idx %arg10[%broadcast_in_dim3A_246] : memref<320xf32, #tpu.memory_space<vmem>>[vector<16xi32>], vector<16xf32>,
        %gather3A_248 = tpu.vector_load_idx %arg11[%iota3A_245, %broadcast_in_dim3A_246] : memref<32x320xf32, #tpu.memory_space<vmem>>[vector<16xi32>, vector<16xi32>], vector<16xf32>,
        %add3A_249 = arith.constant 16 : i32
        %add3A_250 = vector.broadcast %add3A_249 : i32 to vector<16xi32>
        %add3A_251 = arith.addi %iota3A_245, %add3A_250 : vector<16xi32>
        %gather3A_252 = tpu.vector_load_idx %arg11[%add3A_251, %broadcast_in_dim3A_246] : memref<32x320xf32, #tpu.memory_space<vmem>>[vector<16xi32>, vector<16xi32>], vector<16xf32>,
        %sub3A_253 = arith.subf %gather3A_248, %gather3A_247 : vector<16xf32>
        %abs3A_254 = math.absf %sub3A_253 : vector<16xf32>
        %sub3A_255 = arith.subf %gather3A_252, %gather3A_247 : vector<16xf32>
        %abs3A_256 = math.absf %sub3A_255 : vector<16xf32>
        %gather3A_257 = tpu.vector_load_idx %arg12[%iota3A_245, %broadcast_in_dim3A_246] : memref<32x320xi32, #tpu.memory_space<vmem>>[vector<16xi32>, vector<16xi32>], vector<16xi32>,
        %add3A_258 = arith.constant 16 : i32
        %add3A_259 = vector.broadcast %add3A_258 : i32 to vector<16xi32>
        %add3A_260 = arith.addi %iota3A_245, %add3A_259 : vector<16xi32>
        %gather3A_261 = tpu.vector_load_idx %arg12[%add3A_260, %broadcast_in_dim3A_246] : memref<32x320xi32, #tpu.memory_space<vmem>>[vector<16xi32>, vector<16xi32>], vector<16xi32>,
        %masked_sort3A_262 = arith.constant dense<true> : vector<16xi1>
        %masked_sort3A_263, %masked_sort3A_264, %masked_sort3A_265 = tpu.sort %abs3A_254, %gather3A_257 masked %masked_sort3A_262 : (vector<16xf32>, vector<16xi32>, vector<16xi1>) -> (vector<16xi1>, vector<16xf32>, vector<16xi32>)
        %masked_sort3A_266 = arith.constant dense<true> : vector<16xi1>
        %masked_sort3A_267, %masked_sort3A_268, %masked_sort3A_269 = tpu.sort %abs3A_256, %gather3A_261 masked %masked_sort3A_266 : (vector<16xf32>, vector<16xi32>, vector<16xi1>) -> (vector<16xi1>, vector<16xf32>, vector<16xi32>)
        %rev3A_270 = arith.constant 15 : i32
        %rev3A_271 = vector.broadcast %rev3A_270 : i32 to vector<16xi32>
        %rev3A_272 = tpu.iota {dimensions = array<i32: 0>} : vector<16xi32>
        %rev3A_273 = arith.subi %rev3A_271, %rev3A_272 : vector<16xi32>
        %rev3A_274 = tpu.dynamic_gather %masked_sort3A_268[%rev3A_273] in [0] : vector<16xf32>, vector<16xi32> -> vector<16xf32>
        %rev3A_275 = arith.constant 15 : i32
        %rev3A_276 = vector.broadcast %rev3A_275 : i32 to vector<16xi32>
        %rev3A_277 = tpu.iota {dimensions = array<i32: 0>} : vector<16xi32>
        %rev3A_278 = arith.subi %rev3A_276, %rev3A_277 : vector<16xi32>
        %rev3A_279 = tpu.dynamic_gather %masked_sort3A_269[%rev3A_278] in [0] : vector<16xi32>, vector<16xi32> -> vector<16xi32>
        %le3A_280 = arith.cmpf ole, %masked_sort3A_264, %rev3A_274 : vector<16xf32>
        %select_n3A_281 = arith.select %le3A_280, %masked_sort3A_264, %rev3A_274 : vector<16xi1>, vector<16xf32>
        %select_n3A_282 = arith.select %le3A_280, %masked_sort3A_265, %rev3A_279 : vector<16xi1>, vector<16xi32>
        %masked_sort3A_283 = arith.constant dense<true> : vector<16xi1>
        %masked_sort3A_284, %masked_sort3A_285, %masked_sort3A_286 = tpu.sort %select_n3A_281, %select_n3A_282 masked %masked_sort3A_283 : (vector<16xf32>, vector<16xi32>, vector<16xi1>) -> (vector<16xi1>, vector<16xf32>, vector<16xi32>)
        tpu.vector_store_idx %arg21[%iota3A_245, %broadcast_in_dim3A_246], %masked_sort3A_285 : memref<16x320xf32, #tpu.memory_space<vmem>>[vector<16xi32>, vector<16xi32>], vector<16xf32>,
        %swap3A_287 = arith.constant 16 : index
        %swap3A_288 = tpu.vector_load %arg16[%swap3A_287] {strides = array<i32>} : memref<128xi32, #tpu.memory_space<vmem>>, vector<16xi32>,
        tpu.vector_store %arg16[%swap3A_287], %masked_sort3A_286 {strides = array<i32>} : memref<128xi32, #tpu.memory_space<vmem>>, vector<16xi32>,
        %add3A_289 = arith.constant 2 : i32
        %add3A_290 = arith.addi %mul3A_203, %add3A_289 : i32
        %iota3A_291 = tpu.iota {dimensions = array<i32: 0>} : vector<16xi32>
        %broadcast_in_dim3A_292 = vector.broadcast %add3A_290 : i32 to vector<16xi32>
        %gather3A_293 = tpu.vector_load_idx %arg10[%broadcast_in_dim3A_292] : memref<320xf32, #tpu.memory_space<vmem>>[vector<16xi32>], vector<16xf32>,
        %gather3A_294 = tpu.vector_load_idx %arg11[%iota3A_291, %broadcast_in_dim3A_292] : memref<32x320xf32, #tpu.memory_space<vmem>>[vector<16xi32>, vector<16xi32>], vector<16xf32>,
        %add3A_295 = arith.constant 16 : i32
        %add3A_296 = vector.broadcast %add3A_295 : i32 to vector<16xi32>
        %add3A_297 = arith.addi %iota3A_291, %add3A_296 : vector<16xi32>
        %gather3A_298 = tpu.vector_load_idx %arg11[%add3A_297, %broadcast_in_dim3A_292] : memref<32x320xf32, #tpu.memory_space<vmem>>[vector<16xi32>, vector<16xi32>], vector<16xf32>,
        %sub3A_299 = arith.subf %gather3A_294, %gather3A_293 : vector<16xf32>
        %abs3A_300 = math.absf %sub3A_299 : vector<16xf32>
        %sub3A_301 = arith.subf %gather3A_298, %gather3A_293 : vector<16xf32>
        %abs3A_302 = math.absf %sub3A_301 : vector<16xf32>
        %gather3A_303 = tpu.vector_load_idx %arg12[%iota3A_291, %broadcast_in_dim3A_292] : memref<32x320xi32, #tpu.memory_space<vmem>>[vector<16xi32>, vector<16xi32>], vector<16xi32>,
        %add3A_304 = arith.constant 16 : i32
        %add3A_305 = vector.broadcast %add3A_304 : i32 to vector<16xi32>
        %add3A_306 = arith.addi %iota3A_291, %add3A_305 : vector<16xi32>
        %gather3A_307 = tpu.vector_load_idx %arg12[%add3A_306, %broadcast_in_dim3A_292] : memref<32x320xi32, #tpu.memory_space<vmem>>[vector<16xi32>, vector<16xi32>], vector<16xi32>,
        %masked_sort3A_308 = arith.constant dense<true> : vector<16xi1>
        %masked_sort3A_309, %masked_sort3A_310, %masked_sort3A_311 = tpu.sort %abs3A_300, %gather3A_303 masked %masked_sort3A_308 : (vector<16xf32>, vector<16xi32>, vector<16xi1>) -> (vector<16xi1>, vector<16xf32>, vector<16xi32>)
        %masked_sort3A_312 = arith.constant dense<true> : vector<16xi1>
        %masked_sort3A_313, %masked_sort3A_314, %masked_sort3A_315 = tpu.sort %abs3A_302, %gather3A_307 masked %masked_sort3A_312 : (vector<16xf32>, vector<16xi32>, vector<16xi1>) -> (vector<16xi1>, vector<16xf32>, vector<16xi32>)
        %rev3A_316 = arith.constant 15 : i32
        %rev3A_317 = vector.broadcast %rev3A_316 : i32 to vector<16xi32>
        %rev3A_318 = tpu.iota {dimensions = array<i32: 0>} : vector<16xi32>
        %rev3A_319 = arith.subi %rev3A_317, %rev3A_318 : vector<16xi32>
        %rev3A_320 = tpu.dynamic_gather %masked_sort3A_314[%rev3A_319] in [0] : vector<16xf32>, vector<16xi32> -> vector<16xf32>
        %rev3A_321 = arith.constant 15 : i32
        %rev3A_322 = vector.broadcast %rev3A_321 : i32 to vector<16xi32>
        %rev3A_323 = tpu.iota {dimensions = array<i32: 0>} : vector<16xi32>
        %rev3A_324 = arith.subi %rev3A_322, %rev3A_323 : vector<16xi32>
        %rev3A_325 = tpu.dynamic_gather %masked_sort3A_315[%rev3A_324] in [0] : vector<16xi32>, vector<16xi32> -> vector<16xi32>
        %le3A_326 = arith.cmpf ole, %masked_sort3A_310, %rev3A_320 : vector<16xf32>
        %select_n3A_327 = arith.select %le3A_326, %masked_sort3A_310, %rev3A_320 : vector<16xi1>, vector<16xf32>
        %select_n3A_328 = arith.select %le3A_326, %masked_sort3A_311, %rev3A_325 : vector<16xi1>, vector<16xi32>
        %masked_sort3A_329 = arith.constant dense<true> : vector<16xi1>
        %masked_sort3A_330, %masked_sort3A_331, %masked_sort3A_332 = tpu.sort %select_n3A_327, %select_n3A_328 masked %masked_sort3A_329 : (vector<16xf32>, vector<16xi32>, vector<16xi1>) -> (vector<16xi1>, vector<16xf32>, vector<16xi32>)
        tpu.vector_store_idx %arg21[%iota3A_291, %broadcast_in_dim3A_292], %masked_sort3A_331 : memref<16x320xf32, #tpu.memory_space<vmem>>[vector<16xi32>, vector<16xi32>], vector<16xf32>,
        %swap3A_333 = arith.constant 32 : index
        %swap3A_334 = tpu.vector_load %arg16[%swap3A_333] {strides = array<i32>} : memref<128xi32, #tpu.memory_space<vmem>>, vector<16xi32>,
        tpu.vector_store %arg16[%swap3A_333], %masked_sort3A_332 {strides = array<i32>} : memref<128xi32, #tpu.memory_space<vmem>>, vector<16xi32>,
        %add3A_335 = arith.constant 3 : i32
        %add3A_336 = arith.addi %mul3A_203, %add3A_335 : i32
        %iota3A_337 = tpu.iota {dimensions = array<i32: 0>} : vector<16xi32>
        %broadcast_in_dim3A_338 = vector.broadcast %add3A_336 : i32 to vector<16xi32>
        %gather3A_339 = tpu.vector_load_idx %arg10[%broadcast_in_dim3A_338] : memref<320xf32, #tpu.memory_space<vmem>>[vector<16xi32>], vector<16xf32>,
        %gather3A_340 = tpu.vector_load_idx %arg11[%iota3A_337, %broadcast_in_dim3A_338] : memref<32x320xf32, #tpu.memory_space<vmem>>[vector<16xi32>, vector<16xi32>], vector<16xf32>,
        %add3A_341 = arith.constant 16 : i32
        %add3A_342 = vector.broadcast %add3A_341 : i32 to vector<16xi32>
        %add3A_343 = arith.addi %iota3A_337, %add3A_342 : vector<16xi32>
        %gather3A_344 = tpu.vector_load_idx %arg11[%add3A_343, %broadcast_in_dim3A_338] : memref<32x320xf32, #tpu.memory_space<vmem>>[vector<16xi32>, vector<16xi32>], vector<16xf32>,
        %sub3A_345 = arith.subf %gather3A_340, %gather3A_339 : vector<16xf32>
        %abs3A_346 = math.absf %sub3A_345 : vector<16xf32>
        %sub3A_347 = arith.subf %gather3A_344, %gather3A_339 : vector<16xf32>
        %abs3A_348 = math.absf %sub3A_347 : vector<16xf32>
        %gather3A_349 = tpu.vector_load_idx %arg12[%iota3A_337, %broadcast_in_dim3A_338] : memref<32x320xi32, #tpu.memory_space<vmem>>[vector<16xi32>, vector<16xi32>], vector<16xi32>,
        %add3A_350 = arith.constant 16 : i32
        %add3A_351 = vector.broadcast %add3A_350 : i32 to vector<16xi32>
        %add3A_352 = arith.addi %iota3A_337, %add3A_351 : vector<16xi32>
        %gather3A_353 = tpu.vector_load_idx %arg12[%add3A_352, %broadcast_in_dim3A_338] : memref<32x320xi32, #tpu.memory_space<vmem>>[vector<16xi32>, vector<16xi32>], vector<16xi32>,
        %masked_sort3A_354 = arith.constant dense<true> : vector<16xi1>
        %masked_sort3A_355, %masked_sort3A_356, %masked_sort3A_357 = tpu.sort %abs3A_346, %gather3A_349 masked %masked_sort3A_354 : (vector<16xf32>, vector<16xi32>, vector<16xi1>) -> (vector<16xi1>, vector<16xf32>, vector<16xi32>)
        %masked_sort3A_358 = arith.constant dense<true> : vector<16xi1>
        %masked_sort3A_359, %masked_sort3A_360, %masked_sort3A_361 = tpu.sort %abs3A_348, %gather3A_353 masked %masked_sort3A_358 : (vector<16xf32>, vector<16xi32>, vector<16xi1>) -> (vector<16xi1>, vector<16xf32>, vector<16xi32>)
        %rev3A_362 = arith.constant 15 : i32
        %rev3A_363 = vector.broadcast %rev3A_362 : i32 to vector<16xi32>
        %rev3A_364 = tpu.iota {dimensions = array<i32: 0>} : vector<16xi32>
        %rev3A_365 = arith.subi %rev3A_363, %rev3A_364 : vector<16xi32>
        %rev3A_366 = tpu.dynamic_gather %masked_sort3A_360[%rev3A_365] in [0] : vector<16xf32>, vector<16xi32> -> vector<16xf32>
        %rev3A_367 = arith.constant 15 : i32
        %rev3A_368 = vector.broadcast %rev3A_367 : i32 to vector<16xi32>
        %rev3A_369 = tpu.iota {dimensions = array<i32: 0>} : vector<16xi32>
        %rev3A_370 = arith.subi %rev3A_368, %rev3A_369 : vector<16xi32>
        %rev3A_371 = tpu.dynamic_gather %masked_sort3A_361[%rev3A_370] in [0] : vector<16xi32>, vector<16xi32> -> vector<16xi32>
        %le3A_372 = arith.cmpf ole, %masked_sort3A_356, %rev3A_366 : vector<16xf32>
        %select_n3A_373 = arith.select %le3A_372, %masked_sort3A_356, %rev3A_366 : vector<16xi1>, vector<16xf32>
        %select_n3A_374 = arith.select %le3A_372, %masked_sort3A_357, %rev3A_371 : vector<16xi1>, vector<16xi32>
        %masked_sort3A_375 = arith.constant dense<true> : vector<16xi1>
        %masked_sort3A_376, %masked_sort3A_377, %masked_sort3A_378 = tpu.sort %select_n3A_373, %select_n3A_374 masked %masked_sort3A_375 : (vector<16xf32>, vector<16xi32>, vector<16xi1>) -> (vector<16xi1>, vector<16xf32>, vector<16xi32>)
        tpu.vector_store_idx %arg21[%iota3A_337, %broadcast_in_dim3A_338], %masked_sort3A_377 : memref<16x320xf32, #tpu.memory_space<vmem>>[vector<16xi32>, vector<16xi32>], vector<16xf32>,
        %swap3A_379 = arith.constant 48 : index
        %swap3A_380 = tpu.vector_load %arg16[%swap3A_379] {strides = array<i32>} : memref<128xi32, #tpu.memory_space<vmem>>, vector<16xi32>,
        tpu.vector_store %arg16[%swap3A_379], %masked_sort3A_378 {strides = array<i32>} : memref<128xi32, #tpu.memory_space<vmem>>, vector<16xi32>,
        %add3A_381 = arith.constant 4 : i32
        %add3A_382 = arith.addi %mul3A_203, %add3A_381 : i32
        %iota3A_383 = tpu.iota {dimensions = array<i32: 0>} : vector<16xi32>
        %broadcast_in_dim3A_384 = vector.broadcast %add3A_382 : i32 to vector<16xi32>
        %gather3A_385 = tpu.vector_load_idx %arg10[%broadcast_in_dim3A_384] : memref<320xf32, #tpu.memory_space<vmem>>[vector<16xi32>], vector<16xf32>,
        %gather3A_386 = tpu.vector_load_idx %arg11[%iota3A_383, %broadcast_in_dim3A_384] : memref<32x320xf32, #tpu.memory_space<vmem>>[vector<16xi32>, vector<16xi32>], vector<16xf32>,
        %add3A_387 = arith.constant 16 : i32
        %add3A_388 = vector.broadcast %add3A_387 : i32 to vector<16xi32>
        %add3A_389 = arith.addi %iota3A_383, %add3A_388 : vector<16xi32>
        %gather3A_390 = tpu.vector_load_idx %arg11[%add3A_389, %broadcast_in_dim3A_384] : memref<32x320xf32, #tpu.memory_space<vmem>>[vector<16xi32>, vector<16xi32>], vector<16xf32>,
        %sub3A_391 = arith.subf %gather3A_386, %gather3A_385 : vector<16xf32>
        %abs3A_392 = math.absf %sub3A_391 : vector<16xf32>
        %sub3A_393 = arith.subf %gather3A_390, %gather3A_385 : vector<16xf32>
        %abs3A_394 = math.absf %sub3A_393 : vector<16xf32>
        %gather3A_395 = tpu.vector_load_idx %arg12[%iota3A_383, %broadcast_in_dim3A_384] : memref<32x320xi32, #tpu.memory_space<vmem>>[vector<16xi32>, vector<16xi32>], vector<16xi32>,
        %add3A_396 = arith.constant 16 : i32
        %add3A_397 = vector.broadcast %add3A_396 : i32 to vector<16xi32>
        %add3A_398 = arith.addi %iota3A_383, %add3A_397 : vector<16xi32>
        %gather3A_399 = tpu.vector_load_idx %arg12[%add3A_398, %broadcast_in_dim3A_384] : memref<32x320xi32, #tpu.memory_space<vmem>>[vector<16xi32>, vector<16xi32>], vector<16xi32>,
        %masked_sort3A_400 = arith.constant dense<true> : vector<16xi1>
        %masked_sort3A_401, %masked_sort3A_402, %masked_sort3A_403 = tpu.sort %abs3A_392, %gather3A_395 masked %masked_sort3A_400 : (vector<16xf32>, vector<16xi32>, vector<16xi1>) -> (vector<16xi1>, vector<16xf32>, vector<16xi32>)
        %masked_sort3A_404 = arith.constant dense<true> : vector<16xi1>
        %masked_sort3A_405, %masked_sort3A_406, %masked_sort3A_407 = tpu.sort %abs3A_394, %gather3A_399 masked %masked_sort3A_404 : (vector<16xf32>, vector<16xi32>, vector<16xi1>) -> (vector<16xi1>, vector<16xf32>, vector<16xi32>)
        %rev3A_408 = arith.constant 15 : i32
        %rev3A_409 = vector.broadcast %rev3A_408 : i32 to vector<16xi32>
        %rev3A_410 = tpu.iota {dimensions = array<i32: 0>} : vector<16xi32>
        %rev3A_411 = arith.subi %rev3A_409, %rev3A_410 : vector<16xi32>
        %rev3A_412 = tpu.dynamic_gather %masked_sort3A_406[%rev3A_411] in [0] : vector<16xf32>, vector<16xi32> -> vector<16xf32>
        %rev3A_413 = arith.constant 15 : i32
        %rev3A_414 = vector.broadcast %rev3A_413 : i32 to vector<16xi32>
        %rev3A_415 = tpu.iota {dimensions = array<i32: 0>} : vector<16xi32>
        %rev3A_416 = arith.subi %rev3A_414, %rev3A_415 : vector<16xi32>
        %rev3A_417 = tpu.dynamic_gather %masked_sort3A_407[%rev3A_416] in [0] : vector<16xi32>, vector<16xi32> -> vector<16xi32>
        %le3A_418 = arith.cmpf ole, %masked_sort3A_402, %rev3A_412 : vector<16xf32>
        %select_n3A_419 = arith.select %le3A_418, %masked_sort3A_402, %rev3A_412 : vector<16xi1>, vector<16xf32>
        %select_n3A_420 = arith.select %le3A_418, %masked_sort3A_403, %rev3A_417 : vector<16xi1>, vector<16xi32>
        %masked_sort3A_421 = arith.constant dense<true> : vector<16xi1>
        %masked_sort3A_422, %masked_sort3A_423, %masked_sort3A_424 = tpu.sort %select_n3A_419, %select_n3A_420 masked %masked_sort3A_421 : (vector<16xf32>, vector<16xi32>, vector<16xi1>) -> (vector<16xi1>, vector<16xf32>, vector<16xi32>)
        tpu.vector_store_idx %arg21[%iota3A_383, %broadcast_in_dim3A_384], %masked_sort3A_423 : memref<16x320xf32, #tpu.memory_space<vmem>>[vector<16xi32>, vector<16xi32>], vector<16xf32>,
        %swap3A_425 = arith.constant 64 : index
        %swap3A_426 = tpu.vector_load %arg16[%swap3A_425] {strides = array<i32>} : memref<128xi32, #tpu.memory_space<vmem>>, vector<16xi32>,
        tpu.vector_store %arg16[%swap3A_425], %masked_sort3A_424 {strides = array<i32>} : memref<128xi32, #tpu.memory_space<vmem>>, vector<16xi32>,
        %add3A_427 = arith.constant 5 : i32
        %add3A_428 = arith.addi %mul3A_203, %add3A_427 : i32
        %iota3A_429 = tpu.iota {dimensions = array<i32: 0>} : vector<16xi32>
        %broadcast_in_dim3A_430 = vector.broadcast %add3A_428 : i32 to vector<16xi32>
        %gather3A_431 = tpu.vector_load_idx %arg10[%broadcast_in_dim3A_430] : memref<320xf32, #tpu.memory_space<vmem>>[vector<16xi32>], vector<16xf32>,
        %gather3A_432 = tpu.vector_load_idx %arg11[%iota3A_429, %broadcast_in_dim3A_430] : memref<32x320xf32, #tpu.memory_space<vmem>>[vector<16xi32>, vector<16xi32>], vector<16xf32>,
        %add3A_433 = arith.constant 16 : i32
        %add3A_434 = vector.broadcast %add3A_433 : i32 to vector<16xi32>
        %add3A_435 = arith.addi %iota3A_429, %add3A_434 : vector<16xi32>
        %gather3A_436 = tpu.vector_load_idx %arg11[%add3A_435, %broadcast_in_dim3A_430] : memref<32x320xf32, #tpu.memory_space<vmem>>[vector<16xi32>, vector<16xi32>], vector<16xf32>,
        %sub3A_437 = arith.subf %gather3A_432, %gather3A_431 : vector<16xf32>
        %abs3A_438 = math.absf %sub3A_437 : vector<16xf32>
        %sub3A_439 = arith.subf %gather3A_436, %gather3A_431 : vector<16xf32>
        %abs3A_440 = math.absf %sub3A_439 : vector<16xf32>
        %gather3A_441 = tpu.vector_load_idx %arg12[%iota3A_429, %broadcast_in_dim3A_430] : memref<32x320xi32, #tpu.memory_space<vmem>>[vector<16xi32>, vector<16xi32>], vector<16xi32>,
        %add3A_442 = arith.constant 16 : i32
        %add3A_443 = vector.broadcast %add3A_442 : i32 to vector<16xi32>
        %add3A_444 = arith.addi %iota3A_429, %add3A_443 : vector<16xi32>
        %gather3A_445 = tpu.vector_load_idx %arg12[%add3A_444, %broadcast_in_dim3A_430] : memref<32x320xi32, #tpu.memory_space<vmem>>[vector<16xi32>, vector<16xi32>], vector<16xi32>,
        %masked_sort3A_446 = arith.constant dense<true> : vector<16xi1>
        %masked_sort3A_447, %masked_sort3A_448, %masked_sort3A_449 = tpu.sort %abs3A_438, %gather3A_441 masked %masked_sort3A_446 : (vector<16xf32>, vector<16xi32>, vector<16xi1>) -> (vector<16xi1>, vector<16xf32>, vector<16xi32>)
        %masked_sort3A_450 = arith.constant dense<true> : vector<16xi1>
        %masked_sort3A_451, %masked_sort3A_452, %masked_sort3A_453 = tpu.sort %abs3A_440, %gather3A_445 masked %masked_sort3A_450 : (vector<16xf32>, vector<16xi32>, vector<16xi1>) -> (vector<16xi1>, vector<16xf32>, vector<16xi32>)
        %rev3A_454 = arith.constant 15 : i32
        %rev3A_455 = vector.broadcast %rev3A_454 : i32 to vector<16xi32>
        %rev3A_456 = tpu.iota {dimensions = array<i32: 0>} : vector<16xi32>
        %rev3A_457 = arith.subi %rev3A_455, %rev3A_456 : vector<16xi32>
        %rev3A_458 = tpu.dynamic_gather %masked_sort3A_452[%rev3A_457] in [0] : vector<16xf32>, vector<16xi32> -> vector<16xf32>
        %rev3A_459 = arith.constant 15 : i32
        %rev3A_460 = vector.broadcast %rev3A_459 : i32 to vector<16xi32>
        %rev3A_461 = tpu.iota {dimensions = array<i32: 0>} : vector<16xi32>
        %rev3A_462 = arith.subi %rev3A_460, %rev3A_461 : vector<16xi32>
        %rev3A_463 = tpu.dynamic_gather %masked_sort3A_453[%rev3A_462] in [0] : vector<16xi32>, vector<16xi32> -> vector<16xi32>
        %le3A_464 = arith.cmpf ole, %masked_sort3A_448, %rev3A_458 : vector<16xf32>
        %select_n3A_465 = arith.select %le3A_464, %masked_sort3A_448, %rev3A_458 : vector<16xi1>, vector<16xf32>
        %select_n3A_466 = arith.select %le3A_464, %masked_sort3A_449, %rev3A_463 : vector<16xi1>, vector<16xi32>
        %masked_sort3A_467 = arith.constant dense<true> : vector<16xi1>
        %masked_sort3A_468, %masked_sort3A_469, %masked_sort3A_470 = tpu.sort %select_n3A_465, %select_n3A_466 masked %masked_sort3A_467 : (vector<16xf32>, vector<16xi32>, vector<16xi1>) -> (vector<16xi1>, vector<16xf32>, vector<16xi32>)
        tpu.vector_store_idx %arg21[%iota3A_429, %broadcast_in_dim3A_430], %masked_sort3A_469 : memref<16x320xf32, #tpu.memory_space<vmem>>[vector<16xi32>, vector<16xi32>], vector<16xf32>,
        %swap3A_471 = arith.constant 80 : index
        %swap3A_472 = tpu.vector_load %arg16[%swap3A_471] {strides = array<i32>} : memref<128xi32, #tpu.memory_space<vmem>>, vector<16xi32>,
        tpu.vector_store %arg16[%swap3A_471], %masked_sort3A_470 {strides = array<i32>} : memref<128xi32, #tpu.memory_space<vmem>>, vector<16xi32>,
        %add3A_473 = arith.constant 6 : i32
        %add3A_474 = arith.addi %mul3A_203, %add3A_473 : i32
        %iota3A_475 = tpu.iota {dimensions = array<i32: 0>} : vector<16xi32>
        %broadcast_in_dim3A_476 = vector.broadcast %add3A_474 : i32 to vector<16xi32>
        %gather3A_477 = tpu.vector_load_idx %arg10[%broadcast_in_dim3A_476] : memref<320xf32, #tpu.memory_space<vmem>>[vector<16xi32>], vector<16xf32>,
        %gather3A_478 = tpu.vector_load_idx %arg11[%iota3A_475, %broadcast_in_dim3A_476] : memref<32x320xf32, #tpu.memory_space<vmem>>[vector<16xi32>, vector<16xi32>], vector<16xf32>,
        %add3A_479 = arith.constant 16 : i32
        %add3A_480 = vector.broadcast %add3A_479 : i32 to vector<16xi32>
        %add3A_481 = arith.addi %iota3A_475, %add3A_480 : vector<16xi32>
        %gather3A_482 = tpu.vector_load_idx %arg11[%add3A_481, %broadcast_in_dim3A_476] : memref<32x320xf32, #tpu.memory_space<vmem>>[vector<16xi32>, vector<16xi32>], vector<16xf32>,
        %sub3A_483 = arith.subf %gather3A_478, %gather3A_477 : vector<16xf32>
        %abs3A_484 = math.absf %sub3A_483 : vector<16xf32>
        %sub3A_485 = arith.subf %gather3A_482, %gather3A_477 : vector<16xf32>
        %abs3A_486 = math.absf %sub3A_485 : vector<16xf32>
        %gather3A_487 = tpu.vector_load_idx %arg12[%iota3A_475, %broadcast_in_dim3A_476] : memref<32x320xi32, #tpu.memory_space<vmem>>[vector<16xi32>, vector<16xi32>], vector<16xi32>,
        %add3A_488 = arith.constant 16 : i32
        %add3A_489 = vector.broadcast %add3A_488 : i32 to vector<16xi32>
        %add3A_490 = arith.addi %iota3A_475, %add3A_489 : vector<16xi32>
        %gather3A_491 = tpu.vector_load_idx %arg12[%add3A_490, %broadcast_in_dim3A_476] : memref<32x320xi32, #tpu.memory_space<vmem>>[vector<16xi32>, vector<16xi32>], vector<16xi32>,
        %masked_sort3A_492 = arith.constant dense<true> : vector<16xi1>
        %masked_sort3A_493, %masked_sort3A_494, %masked_sort3A_495 = tpu.sort %abs3A_484, %gather3A_487 masked %masked_sort3A_492 : (vector<16xf32>, vector<16xi32>, vector<16xi1>) -> (vector<16xi1>, vector<16xf32>, vector<16xi32>)
        %masked_sort3A_496 = arith.constant dense<true> : vector<16xi1>
        %masked_sort3A_497, %masked_sort3A_498, %masked_sort3A_499 = tpu.sort %abs3A_486, %gather3A_491 masked %masked_sort3A_496 : (vector<16xf32>, vector<16xi32>, vector<16xi1>) -> (vector<16xi1>, vector<16xf32>, vector<16xi32>)
        %rev3A_500 = arith.constant 15 : i32
        %rev3A_501 = vector.broadcast %rev3A_500 : i32 to vector<16xi32>
        %rev3A_502 = tpu.iota {dimensions = array<i32: 0>} : vector<16xi32>
        %rev3A_503 = arith.subi %rev3A_501, %rev3A_502 : vector<16xi32>
        %rev3A_504 = tpu.dynamic_gather %masked_sort3A_498[%rev3A_503] in [0] : vector<16xf32>, vector<16xi32> -> vector<16xf32>
        %rev3A_505 = arith.constant 15 : i32
        %rev3A_506 = vector.broadcast %rev3A_505 : i32 to vector<16xi32>
        %rev3A_507 = tpu.iota {dimensions = array<i32: 0>} : vector<16xi32>
        %rev3A_508 = arith.subi %rev3A_506, %rev3A_507 : vector<16xi32>
        %rev3A_509 = tpu.dynamic_gather %masked_sort3A_499[%rev3A_508] in [0] : vector<16xi32>, vector<16xi32> -> vector<16xi32>
        %le3A_510 = arith.cmpf ole, %masked_sort3A_494, %rev3A_504 : vector<16xf32>
        %select_n3A_511 = arith.select %le3A_510, %masked_sort3A_494, %rev3A_504 : vector<16xi1>, vector<16xf32>
        %select_n3A_512 = arith.select %le3A_510, %masked_sort3A_495, %rev3A_509 : vector<16xi1>, vector<16xi32>
        %masked_sort3A_513 = arith.constant dense<true> : vector<16xi1>
        %masked_sort3A_514, %masked_sort3A_515, %masked_sort3A_516 = tpu.sort %select_n3A_511, %select_n3A_512 masked %masked_sort3A_513 : (vector<16xf32>, vector<16xi32>, vector<16xi1>) -> (vector<16xi1>, vector<16xf32>, vector<16xi32>)
        tpu.vector_store_idx %arg21[%iota3A_475, %broadcast_in_dim3A_476], %masked_sort3A_515 : memref<16x320xf32, #tpu.memory_space<vmem>>[vector<16xi32>, vector<16xi32>], vector<16xf32>,
        %swap3A_517 = arith.constant 96 : index
        %swap3A_518 = tpu.vector_load %arg16[%swap3A_517] {strides = array<i32>} : memref<128xi32, #tpu.memory_space<vmem>>, vector<16xi32>,
        tpu.vector_store %arg16[%swap3A_517], %masked_sort3A_516 {strides = array<i32>} : memref<128xi32, #tpu.memory_space<vmem>>, vector<16xi32>,
        %add3A_519 = arith.constant 7 : i32
        %add3A_520 = arith.addi %mul3A_203, %add3A_519 : i32
        %iota3A_521 = tpu.iota {dimensions = array<i32: 0>} : vector<16xi32>
        %broadcast_in_dim3A_522 = vector.broadcast %add3A_520 : i32 to vector<16xi32>
        %gather3A_523 = tpu.vector_load_idx %arg10[%broadcast_in_dim3A_522] : memref<320xf32, #tpu.memory_space<vmem>>[vector<16xi32>], vector<16xf32>,
        %gather3A_524 = tpu.vector_load_idx %arg11[%iota3A_521, %broadcast_in_dim3A_522] : memref<32x320xf32, #tpu.memory_space<vmem>>[vector<16xi32>, vector<16xi32>], vector<16xf32>,
        %add3A_525 = arith.constant 16 : i32
        %add3A_526 = vector.broadcast %add3A_525 : i32 to vector<16xi32>
        %add3A_527 = arith.addi %iota3A_521, %add3A_526 : vector<16xi32>
        %gather3A_528 = tpu.vector_load_idx %arg11[%add3A_527, %broadcast_in_dim3A_522] : memref<32x320xf32, #tpu.memory_space<vmem>>[vector<16xi32>, vector<16xi32>], vector<16xf32>,
        %sub3A_529 = arith.subf %gather3A_524, %gather3A_523 : vector<16xf32>
        %abs3A_530 = math.absf %sub3A_529 : vector<16xf32>
        %sub3A_531 = arith.subf %gather3A_528, %gather3A_523 : vector<16xf32>
        %abs3A_532 = math.absf %sub3A_531 : vector<16xf32>
        %gather3A_533 = tpu.vector_load_idx %arg12[%iota3A_521, %broadcast_in_dim3A_522] : memref<32x320xi32, #tpu.memory_space<vmem>>[vector<16xi32>, vector<16xi32>], vector<16xi32>,
        %add3A_534 = arith.constant 16 : i32
        %add3A_535 = vector.broadcast %add3A_534 : i32 to vector<16xi32>
        %add3A_536 = arith.addi %iota3A_521, %add3A_535 : vector<16xi32>
        %gather3A_537 = tpu.vector_load_idx %arg12[%add3A_536, %broadcast_in_dim3A_522] : memref<32x320xi32, #tpu.memory_space<vmem>>[vector<16xi32>, vector<16xi32>], vector<16xi32>,
        %masked_sort3A_538 = arith.constant dense<true> : vector<16xi1>
        %masked_sort3A_539, %masked_sort3A_540, %masked_sort3A_541 = tpu.sort %abs3A_530, %gather3A_533 masked %masked_sort3A_538 : (vector<16xf32>, vector<16xi32>, vector<16xi1>) -> (vector<16xi1>, vector<16xf32>, vector<16xi32>)
        %masked_sort3A_542 = arith.constant dense<true> : vector<16xi1>
        %masked_sort3A_543, %masked_sort3A_544, %masked_sort3A_545 = tpu.sort %abs3A_532, %gather3A_537 masked %masked_sort3A_542 : (vector<16xf32>, vector<16xi32>, vector<16xi1>) -> (vector<16xi1>, vector<16xf32>, vector<16xi32>)
        %rev3A_546 = arith.constant 15 : i32
        %rev3A_547 = vector.broadcast %rev3A_546 : i32 to vector<16xi32>
        %rev3A_548 = tpu.iota {dimensions = array<i32: 0>} : vector<16xi32>
        %rev3A_549 = arith.subi %rev3A_547, %rev3A_548 : vector<16xi32>
        %rev3A_550 = tpu.dynamic_gather %masked_sort3A_544[%rev3A_549] in [0] : vector<16xf32>, vector<16xi32> -> vector<16xf32>
        %rev3A_551 = arith.constant 15 : i32
        %rev3A_552 = vector.broadcast %rev3A_551 : i32 to vector<16xi32>
        %rev3A_553 = tpu.iota {dimensions = array<i32: 0>} : vector<16xi32>
        %rev3A_554 = arith.subi %rev3A_552, %rev3A_553 : vector<16xi32>
        %rev3A_555 = tpu.dynamic_gather %masked_sort3A_545[%rev3A_554] in [0] : vector<16xi32>, vector<16xi32> -> vector<16xi32>
        %le3A_556 = arith.cmpf ole, %masked_sort3A_540, %rev3A_550 : vector<16xf32>
        %select_n3A_557 = arith.select %le3A_556, %masked_sort3A_540, %rev3A_550 : vector<16xi1>, vector<16xf32>
        %select_n3A_558 = arith.select %le3A_556, %masked_sort3A_541, %rev3A_555 : vector<16xi1>, vector<16xi32>
        %masked_sort3A_559 = arith.constant dense<true> : vector<16xi1>
        %masked_sort3A_560, %masked_sort3A_561, %masked_sort3A_562 = tpu.sort %select_n3A_557, %select_n3A_558 masked %masked_sort3A_559 : (vector<16xf32>, vector<16xi32>, vector<16xi1>) -> (vector<16xi1>, vector<16xf32>, vector<16xi32>)
        tpu.vector_store_idx %arg21[%iota3A_521, %broadcast_in_dim3A_522], %masked_sort3A_561 : memref<16x320xf32, #tpu.memory_space<vmem>>[vector<16xi32>, vector<16xi32>], vector<16xf32>,
        %swap3A_563 = arith.constant 112 : index
        %swap3A_564 = tpu.vector_load %arg16[%swap3A_563] {strides = array<i32>} : memref<128xi32, #tpu.memory_space<vmem>>, vector<16xi32>,
        tpu.vector_store %arg16[%swap3A_563], %masked_sort3A_562 {strides = array<i32>} : memref<128xi32, #tpu.memory_space<vmem>>, vector<16xi32>,
        %dma_start3A_565 = arith.constant 0 : i32
        %dma_start3A_566 = arith.constant 0 : i32
        %dma_start3A_567 = tpu.memref_slice %arg6[%dma_start3A_565, %dma_start3A_566] : memref<100000x128xf32, #tpu.memory_space<hbm>> -> memref<100000x128xf32, #tpu.memory_space<hbm>>
        tpu.enqueue_indirect_dma source(%dma_start3A_567 : memref<100000x128xf32, #tpu.memory_space<hbm>>) target(%arg18 : memref<128x128xf32, #tpu.memory_space<vmem>>) offsets(%arg16 : memref<128xi32, #tpu.memory_space<vmem>>) semaphore(%arg23 : memref<!tpu.dma_semaphore, #tpu.memory_space<semaphore_mem>>)
      } else {
      }
      %ge3A_190 = arith.constant 1 : i32
      %ge3A_191 = arith.cmpi sge, %add3A_178, %ge3A_190 : i32
      %le3A_192 = arith.cmpi sle, %add3A_178, %add3A_11 : i32
      %and3A_193 = arith.andi %ge3A_191, %le3A_192 : i1
      %convert_element_type3A_194 = arith.extui %and3A_193 : i1 to i32
      %cond3A_195 = arith.constant 0 : i32
      %cond3A_196 = arith.cmpi ne, %convert_element_type3A_194, %cond3A_195 : i32
      scf.if %cond3A_196 {
        %dma_wait3A_202 = arith.constant 0 : i32
        %dma_wait3A_203 = arith.constant 0 : i32
        %dma_wait3A_204 = tpu.memref_slice %arg6[%dma_wait3A_202, %dma_wait3A_203] : memref<100000x128xf32, #tpu.memory_space<hbm>> -> memref<100000x128xf32, #tpu.memory_space<hbm>>
        tpu.wait_indirect_dma semaphore(%arg22 : memref<!tpu.dma_semaphore, #tpu.memory_space<semaphore_mem>>) src(%dma_wait3A_204 : memref<100000x128xf32, #tpu.memory_space<hbm>>) dst(%arg17 : memref<128x128xf32, #tpu.memory_space<vmem>>)
        %sub3A_205 = arith.constant 1 : i32
        %sub3A_206 = arith.subi %add3A_178, %sub3A_205 : i32
        %parallel_loop3A = arith.constant 0 : i32
        %parallel_loop3A_207 = arith.constant 64 : i32
        %parallel_loop3A_208 = arith.constant 1 : i32
        scf.for %parallel_loop3A_216 = %parallel_loop3A to %parallel_loop3A_207 step %parallel_loop3A_208  : i32 {
          %parallel_loop3A_217 = arith.constant 3 : i32
          %parallel_loop3A_218 = arith.shrsi %parallel_loop3A_216, %parallel_loop3A_217 : i32
          %parallel_loop3A_219 = arith.constant 7 : i32
          %parallel_loop3A_220 = arith.andi %parallel_loop3A_216, %parallel_loop3A_219 : i32
          %parallel_loop3A_221 = arith.constant 16 : i32
          %parallel_loop3A_222 = arith.muli %parallel_loop3A_218, %parallel_loop3A_221 : i32
          %parallel_loop3A_223 = arith.constant 16 : i32
          %parallel_loop3A_224 = arith.muli %parallel_loop3A_220, %parallel_loop3A_223 : i32
          %parallel_loop3A_225 = arith.constant 0 : i32
          %parallel_loop3A_226 = arith.addi %parallel_loop3A_222, %parallel_loop3A_225 : i32
          %parallel_loop3A_227 = arith.index_cast %parallel_loop3A_226 : i32 to index
          %parallel_loop3A_228 = arith.index_cast %parallel_loop3A_224 : i32 to index
          %parallel_loop3A_229 = tpu.vector_load %arg17[%parallel_loop3A_227, %parallel_loop3A_228] {strides = array<i32>} : memref<128x128xf32, #tpu.memory_space<vmem>>, vector<16xf32>,
          %parallel_loop3A_230 = arith.constant 1 : i32
          %parallel_loop3A_231 = arith.addi %parallel_loop3A_222, %parallel_loop3A_230 : i32
          %parallel_loop3A_232 = arith.index_cast %parallel_loop3A_231 : i32 to index
          %parallel_loop3A_233 = arith.index_cast %parallel_loop3A_224 : i32 to index
          %parallel_loop3A_234 = tpu.vector_load %arg17[%parallel_loop3A_232, %parallel_loop3A_233] {strides = array<i32>} : memref<128x128xf32, #tpu.memory_space<vmem>>, vector<16xf32>,
          %parallel_loop3A_235 = arith.constant 2 : i32
          %parallel_loop3A_236 = arith.addi %parallel_loop3A_222, %parallel_loop3A_235 : i32
          %parallel_loop3A_237 = arith.index_cast %parallel_loop3A_236 : i32 to index
          %parallel_loop3A_238 = arith.index_cast %parallel_loop3A_224 : i32 to index
          %parallel_loop3A_239 = tpu.vector_load %arg17[%parallel_loop3A_237, %parallel_loop3A_238] {strides = array<i32>} : memref<128x128xf32, #tpu.memory_space<vmem>>, vector<16xf32>,
          %parallel_loop3A_240 = arith.constant 3 : i32
          %parallel_loop3A_241 = arith.addi %parallel_loop3A_222, %parallel_loop3A_240 : i32
          %parallel_loop3A_242 = arith.index_cast %parallel_loop3A_241 : i32 to index
          %parallel_loop3A_243 = arith.index_cast %parallel_loop3A_224 : i32 to index
          %parallel_loop3A_244 = tpu.vector_load %arg17[%parallel_loop3A_242, %parallel_loop3A_243] {strides = array<i32>} : memref<128x128xf32, #tpu.memory_space<vmem>>, vector<16xf32>,
          %parallel_loop3A_245 = arith.constant 4 : i32
          %parallel_loop3A_246 = arith.addi %parallel_loop3A_222, %parallel_loop3A_245 : i32
          %parallel_loop3A_247 = arith.index_cast %parallel_loop3A_246 : i32 to index
          %parallel_loop3A_248 = arith.index_cast %parallel_loop3A_224 : i32 to index
          %parallel_loop3A_249 = tpu.vector_load %arg17[%parallel_loop3A_247, %parallel_loop3A_248] {strides = array<i32>} : memref<128x128xf32, #tpu.memory_space<vmem>>, vector<16xf32>,
          %parallel_loop3A_250 = arith.addf %parallel_loop3A_229, %parallel_loop3A_249 : vector<16xf32>
          %parallel_loop3A_251 = arith.constant 5 : i32
          %parallel_loop3A_252 = arith.addi %parallel_loop3A_222, %parallel_loop3A_251 : i32
          %parallel_loop3A_253 = arith.index_cast %parallel_loop3A_252 : i32 to index
          %parallel_loop3A_254 = arith.index_cast %parallel_loop3A_224 : i32 to index
          %parallel_loop3A_255 = tpu.vector_load %arg17[%parallel_loop3A_253, %parallel_loop3A_254] {strides = array<i32>} : memref<128x128xf32, #tpu.memory_space<vmem>>, vector<16xf32>,
          %parallel_loop3A_256 = arith.addf %parallel_loop3A_234, %parallel_loop3A_255 : vector<16xf32>
          %parallel_loop3A_257 = arith.constant 6 : i32
          %parallel_loop3A_258 = arith.addi %parallel_loop3A_222, %parallel_loop3A_257 : i32
          %parallel_loop3A_259 = arith.index_cast %parallel_loop3A_258 : i32 to index
          %parallel_loop3A_260 = arith.index_cast %parallel_loop3A_224 : i32 to index
          %parallel_loop3A_261 = tpu.vector_load %arg17[%parallel_loop3A_259, %parallel_loop3A_260] {strides = array<i32>} : memref<128x128xf32, #tpu.memory_space<vmem>>, vector<16xf32>,
          %parallel_loop3A_262 = arith.addf %parallel_loop3A_239, %parallel_loop3A_261 : vector<16xf32>
          %parallel_loop3A_263 = arith.constant 7 : i32
          %parallel_loop3A_264 = arith.addi %parallel_loop3A_222, %parallel_loop3A_263 : i32
          %parallel_loop3A_265 = arith.index_cast %parallel_loop3A_264 : i32 to index
          %parallel_loop3A_266 = arith.index_cast %parallel_loop3A_224 : i32 to index
          %parallel_loop3A_267 = tpu.vector_load %arg17[%parallel_loop3A_265, %parallel_loop3A_266] {strides = array<i32>} : memref<128x128xf32, #tpu.memory_space<vmem>>, vector<16xf32>,
          %parallel_loop3A_268 = arith.addf %parallel_loop3A_244, %parallel_loop3A_267 : vector<16xf32>
          %parallel_loop3A_269 = arith.constant 8 : i32
          %parallel_loop3A_270 = arith.addi %parallel_loop3A_222, %parallel_loop3A_269 : i32
          %parallel_loop3A_271 = arith.index_cast %parallel_loop3A_270 : i32 to index
          %parallel_loop3A_272 = arith.index_cast %parallel_loop3A_224 : i32 to index
          %parallel_loop3A_273 = tpu.vector_load %arg17[%parallel_loop3A_271, %parallel_loop3A_272] {strides = array<i32>} : memref<128x128xf32, #tpu.memory_space<vmem>>, vector<16xf32>,
          %parallel_loop3A_274 = arith.addf %parallel_loop3A_250, %parallel_loop3A_273 : vector<16xf32>
          %parallel_loop3A_275 = arith.constant 9 : i32
          %parallel_loop3A_276 = arith.addi %parallel_loop3A_222, %parallel_loop3A_275 : i32
          %parallel_loop3A_277 = arith.index_cast %parallel_loop3A_276 : i32 to index
          %parallel_loop3A_278 = arith.index_cast %parallel_loop3A_224 : i32 to index
          %parallel_loop3A_279 = tpu.vector_load %arg17[%parallel_loop3A_277, %parallel_loop3A_278] {strides = array<i32>} : memref<128x128xf32, #tpu.memory_space<vmem>>, vector<16xf32>,
          %parallel_loop3A_280 = arith.addf %parallel_loop3A_256, %parallel_loop3A_279 : vector<16xf32>
          %parallel_loop3A_281 = arith.constant 10 : i32
          %parallel_loop3A_282 = arith.addi %parallel_loop3A_222, %parallel_loop3A_281 : i32
          %parallel_loop3A_283 = arith.index_cast %parallel_loop3A_282 : i32 to index
          %parallel_loop3A_284 = arith.index_cast %parallel_loop3A_224 : i32 to index
          %parallel_loop3A_285 = tpu.vector_load %arg17[%parallel_loop3A_283, %parallel_loop3A_284] {strides = array<i32>} : memref<128x128xf32, #tpu.memory_space<vmem>>, vector<16xf32>,
          %parallel_loop3A_286 = arith.addf %parallel_loop3A_262, %parallel_loop3A_285 : vector<16xf32>
          %parallel_loop3A_287 = arith.constant 11 : i32
          %parallel_loop3A_288 = arith.addi %parallel_loop3A_222, %parallel_loop3A_287 : i32
          %parallel_loop3A_289 = arith.index_cast %parallel_loop3A_288 : i32 to index
          %parallel_loop3A_290 = arith.index_cast %parallel_loop3A_224 : i32 to index
          %parallel_loop3A_291 = tpu.vector_load %arg17[%parallel_loop3A_289, %parallel_loop3A_290] {strides = array<i32>} : memref<128x128xf32, #tpu.memory_space<vmem>>, vector<16xf32>,
          %parallel_loop3A_292 = arith.addf %parallel_loop3A_268, %parallel_loop3A_291 : vector<16xf32>
          %parallel_loop3A_293 = arith.constant 12 : i32
          %parallel_loop3A_294 = arith.addi %parallel_loop3A_222, %parallel_loop3A_293 : i32
          %parallel_loop3A_295 = arith.index_cast %parallel_loop3A_294 : i32 to index
          %parallel_loop3A_296 = arith.index_cast %parallel_loop3A_224 : i32 to index
          %parallel_loop3A_297 = tpu.vector_load %arg17[%parallel_loop3A_295, %parallel_loop3A_296] {strides = array<i32>} : memref<128x128xf32, #tpu.memory_space<vmem>>, vector<16xf32>,
          %parallel_loop3A_298 = arith.addf %parallel_loop3A_274, %parallel_loop3A_297 : vector<16xf32>
          %parallel_loop3A_299 = arith.constant 13 : i32
          %parallel_loop3A_300 = arith.addi %parallel_loop3A_222, %parallel_loop3A_299 : i32
          %parallel_loop3A_301 = arith.index_cast %parallel_loop3A_300 : i32 to index
          %parallel_loop3A_302 = arith.index_cast %parallel_loop3A_224 : i32 to index
          %parallel_loop3A_303 = tpu.vector_load %arg17[%parallel_loop3A_301, %parallel_loop3A_302] {strides = array<i32>} : memref<128x128xf32, #tpu.memory_space<vmem>>, vector<16xf32>,
          %parallel_loop3A_304 = arith.addf %parallel_loop3A_280, %parallel_loop3A_303 : vector<16xf32>
          %parallel_loop3A_305 = arith.constant 14 : i32
          %parallel_loop3A_306 = arith.addi %parallel_loop3A_222, %parallel_loop3A_305 : i32
          %parallel_loop3A_307 = arith.index_cast %parallel_loop3A_306 : i32 to index
          %parallel_loop3A_308 = arith.index_cast %parallel_loop3A_224 : i32 to index
          %parallel_loop3A_309 = tpu.vector_load %arg17[%parallel_loop3A_307, %parallel_loop3A_308] {strides = array<i32>} : memref<128x128xf32, #tpu.memory_space<vmem>>, vector<16xf32>,
          %parallel_loop3A_310 = arith.addf %parallel_loop3A_286, %parallel_loop3A_309 : vector<16xf32>
          %parallel_loop3A_311 = arith.constant 15 : i32
          %parallel_loop3A_312 = arith.addi %parallel_loop3A_222, %parallel_loop3A_311 : i32
          %parallel_loop3A_313 = arith.index_cast %parallel_loop3A_312 : i32 to index
          %parallel_loop3A_314 = arith.index_cast %parallel_loop3A_224 : i32 to index
          %parallel_loop3A_315 = tpu.vector_load %arg17[%parallel_loop3A_313, %parallel_loop3A_314] {strides = array<i32>} : memref<128x128xf32, #tpu.memory_space<vmem>>, vector<16xf32>,
          %parallel_loop3A_316 = arith.addf %parallel_loop3A_292, %parallel_loop3A_315 : vector<16xf32>
          %parallel_loop3A_317 = arith.addf %parallel_loop3A_298, %parallel_loop3A_304 : vector<16xf32>
          %parallel_loop3A_318 = arith.addf %parallel_loop3A_310, %parallel_loop3A_316 : vector<16xf32>
          %parallel_loop3A_319 = arith.addf %parallel_loop3A_317, %parallel_loop3A_318 : vector<16xf32>
          %parallel_loop3A_320 = arith.index_cast %parallel_loop3A_218 : i32 to index
          %parallel_loop3A_321 = arith.index_cast %parallel_loop3A_224 : i32 to index
          %parallel_loop3A_322 = tpu.vector_load %arg19[%parallel_loop3A_320, %parallel_loop3A_321] {strides = array<i32>} : memref<8x128xf32, #tpu.memory_space<vmem>>, vector<16xf32>,
          tpu.vector_store %arg19[%parallel_loop3A_320, %parallel_loop3A_321], %parallel_loop3A_319 {strides = array<i32>} : memref<8x128xf32, #tpu.memory_space<vmem>>, vector<16xf32>,
        } {sc.loop_unroll_factor = 4 : i64, sc.parallel_access}
        %mul3A_209 = arith.constant 8 : i32
        %mul3A_210 = arith.muli %sub3A_206, %mul3A_209 : i32
        %add3A_211 = arith.addi %mul3A_7, %mul3A_210 : i32
        %dma_start3A_212 = arith.constant 0 : i32
        %dma_start3A_213 = tpu.memref_slice %arg8[%add3A_211, %dma_start3A_212] : memref<10000x128xf32, #tpu.memory_space<hbm>> -> memref<8x128xf32, #tpu.memory_space<hbm>>
        %dma_start3A_214 = arith.constant 0 : i32
        %dma_start3A_215 = tpu.memref_slice %arg8[%add3A_211, %dma_start3A_214] : memref<10000x128xf32, #tpu.memory_space<hbm>> -> memref<8x128xf32, #tpu.memory_space<hbm>>
        tpu.enqueue_dma source(%arg19 : memref<8x128xf32, #tpu.memory_space<vmem>>) target(%dma_start3A_215 : memref<8x128xf32, #tpu.memory_space<hbm>>) target_semaphore(%arg24 : memref<!tpu.dma_semaphore, #tpu.memory_space<semaphore_mem>>)
      } else {
      }
      %eq3A_197 = arith.constant 16 : i32
      %eq3A_198 = arith.cmpi eq, %add3A_178, %eq3A_197 : i32
      %convert_element_type3A_199 = arith.extui %eq3A_198 : i1 to i32
      %cond3A_200 = arith.constant 0 : i32
      %cond3A_201 = arith.cmpi ne, %convert_element_type3A_199, %cond3A_200 : i32
      scf.if %cond3A_201 {
        %dma_wait3A_202 = arith.constant 0 : i32
        %dma_wait3A_203 = arith.constant 0 : i32
        %dma_wait3A_204 = tpu.memref_slice %arg14[%dma_wait3A_202, %dma_wait3A_203] : memref<320x128xf32, #tpu.memory_space<vmem>> -> memref<128x128xf32, #tpu.memory_space<vmem>>
        %dma_wait3A_205 = arith.constant 0 : i32
        %dma_wait3A_206 = tpu.memref_slice %arg13[%dma_wait3A_205] : memref<320xi32, #tpu.memory_space<vmem>> -> memref<128xi32, #tpu.memory_space<vmem>>
        %dma_wait3A_207 = arith.constant 0 : i32
        %dma_wait3A_208 = arith.constant 0 : i32
        %dma_wait3A_209 = tpu.memref_slice %arg6[%dma_wait3A_207, %dma_wait3A_208] : memref<100000x128xf32, #tpu.memory_space<hbm>> -> memref<100000x128xf32, #tpu.memory_space<hbm>>
        tpu.wait_indirect_dma semaphore(%arg26 : memref<!tpu.dma_semaphore, #tpu.memory_space<semaphore_mem>>) src(%dma_wait3A_209 : memref<100000x128xf32, #tpu.memory_space<hbm>>) dst(%dma_wait3A_204 : memref<128x128xf32, #tpu.memory_space<vmem>>)
        %dma_wait3A_210 = arith.constant 128 : i32
        %dma_wait3A_211 = arith.constant 0 : i32
        %dma_wait3A_212 = tpu.memref_slice %arg14[%dma_wait3A_210, %dma_wait3A_211] : memref<320x128xf32, #tpu.memory_space<vmem>> -> memref<128x128xf32, #tpu.memory_space<vmem>>
        %dma_wait3A_213 = arith.constant 128 : i32
        %dma_wait3A_214 = tpu.memref_slice %arg13[%dma_wait3A_213] : memref<320xi32, #tpu.memory_space<vmem>> -> memref<128xi32, #tpu.memory_space<vmem>>
        %dma_wait3A_215 = arith.constant 0 : i32
        %dma_wait3A_216 = arith.constant 0 : i32
        %dma_wait3A_217 = tpu.memref_slice %arg6[%dma_wait3A_215, %dma_wait3A_216] : memref<100000x128xf32, #tpu.memory_space<hbm>> -> memref<100000x128xf32, #tpu.memory_space<hbm>>
        tpu.wait_indirect_dma semaphore(%arg26 : memref<!tpu.dma_semaphore, #tpu.memory_space<semaphore_mem>>) src(%dma_wait3A_217 : memref<100000x128xf32, #tpu.memory_space<hbm>>) dst(%dma_wait3A_212 : memref<128x128xf32, #tpu.memory_space<vmem>>)
        %dma_wait3A_218 = arith.constant 256 : i32
        %dma_wait3A_219 = arith.constant 0 : i32
        %dma_wait3A_220 = tpu.memref_slice %arg14[%dma_wait3A_218, %dma_wait3A_219] : memref<320x128xf32, #tpu.memory_space<vmem>> -> memref<64x128xf32, #tpu.memory_space<vmem>>
        %dma_wait3A_221 = arith.constant 256 : i32
        %dma_wait3A_222 = tpu.memref_slice %arg13[%dma_wait3A_221] : memref<320xi32, #tpu.memory_space<vmem>> -> memref<64xi32, #tpu.memory_space<vmem>>
        %dma_wait3A_223 = arith.constant 0 : i32
        %dma_wait3A_224 = arith.constant 0 : i32
        %dma_wait3A_225 = tpu.memref_slice %arg6[%dma_wait3A_223, %dma_wait3A_224] : memref<100000x128xf32, #tpu.memory_space<hbm>> -> memref<100000x128xf32, #tpu.memory_space<hbm>>
        tpu.wait_indirect_dma semaphore(%arg26 : memref<!tpu.dma_semaphore, #tpu.memory_space<semaphore_mem>>) src(%dma_wait3A_225 : memref<100000x128xf32, #tpu.memory_space<hbm>>) dst(%dma_wait3A_220 : memref<64x128xf32, #tpu.memory_space<vmem>>)
        %dma_start3A_226 = arith.constant 0 : i32
        %dma_start3A_227 = arith.constant 0 : i32
        %dma_start3A_228 = tpu.memref_slice %arg14[%dma_start3A_226, %dma_start3A_227] : memref<320x128xf32, #tpu.memory_space<vmem>> -> memref<312x128xf32, #tpu.memory_space<vmem>>
        %dma_start3A_229 = arith.constant 0 : i32
        %dma_start3A_230 = tpu.memref_slice %arg7[%mul3A_7, %dma_start3A_229] : memref<10000x128xf32, #tpu.memory_space<hbm>> -> memref<312x128xf32, #tpu.memory_space<hbm>>
        %dma_start3A_231 = arith.constant 0 : i32
        %dma_start3A_232 = tpu.memref_slice %arg7[%mul3A_7, %dma_start3A_231] : memref<10000x128xf32, #tpu.memory_space<hbm>> -> memref<312x128xf32, #tpu.memory_space<hbm>>
        %dma_start3A_233 = arith.constant 0 : i32
        %dma_start3A_234 = arith.constant 0 : i32
        %dma_start3A_235 = tpu.memref_slice %arg14[%dma_start3A_233, %dma_start3A_234] : memref<320x128xf32, #tpu.memory_space<vmem>> -> memref<312x128xf32, #tpu.memory_space<vmem>>
        tpu.enqueue_dma source(%dma_start3A_235 : memref<312x128xf32, #tpu.memory_space<vmem>>) target(%dma_start3A_232 : memref<312x128xf32, #tpu.memory_space<hbm>>) target_semaphore(%arg26 : memref<!tpu.dma_semaphore, #tpu.memory_space<semaphore_mem>>)
      } else {
      }
    }
    %while3A_87 = arith.constant 1 : i32
    scf.for %while3A_150 = %while3A_85 to %while3A_81 step %while3A_87  : i32 {
      %mul3A_151 = arith.constant 2 : i32
      %mul3A_152 = arith.muli %mul3A_151, %while3A_150 : i32
      %ge3A_153 = arith.constant 2 : i32
      %ge3A_154 = arith.cmpi sge, %mul3A_152, %ge3A_153 : i32
      %le3A = arith.cmpi sle, %mul3A_152, %add3A_11 : i32
      %and3A_155 = arith.andi %ge3A_154, %le3A : i1
      %convert_element_type3A_156 = arith.extui %and3A_155 : i1 to i32
      %cond3A_157 = arith.constant 0 : i32
      %cond3A_158 = arith.cmpi ne, %convert_element_type3A_156, %cond3A_157 : i32
      scf.if %cond3A_158 {
        %dma_wait3A_202 = arith.constant 0 : i32
        %dma_wait3A_203 = arith.constant 0 : i32
        %dma_wait3A_204 = tpu.memref_slice %arg8[%dma_wait3A_202, %dma_wait3A_203] : memref<10000x128xf32, #tpu.memory_space<hbm>> -> memref<8x128xf32, #tpu.memory_space<hbm>>
        %dma_wait3A_205 = arith.constant 0 : i32
        %dma_wait3A_206 = arith.constant 0 : i32
        %dma_wait3A_207 = tpu.memref_slice %arg8[%dma_wait3A_205, %dma_wait3A_206] : memref<10000x128xf32, #tpu.memory_space<hbm>> -> memref<8x128xf32, #tpu.memory_space<hbm>>
        tpu.wait_dma2 semaphore(%arg24 : memref<!tpu.dma_semaphore, #tpu.memory_space<semaphore_mem>>) src(%arg19 : memref<8x128xf32, #tpu.memory_space<vmem>>) dst(%dma_wait3A_207 : memref<8x128xf32, #tpu.memory_space<hbm>>)
      } else {
      }
      %lt3A_159 = arith.cmpi slt, %mul3A_152, %add3A_11 : i32
      %convert_element_type3A_160 = arith.extui %lt3A_159 : i1 to i32
      %cond3A_161 = arith.constant 0 : i32
      %cond3A_162 = arith.cmpi ne, %convert_element_type3A_160, %cond3A_161 : i32
      scf.if %cond3A_162 {
        %mul3A_202 = arith.constant 8 : i32
        %mul3A_203 = arith.muli %mul3A_152, %mul3A_202 : i32
        %add3A_204 = arith.constant 0 : i32
        %add3A_205 = arith.addi %mul3A_203, %add3A_204 : i32
        %iota3A = tpu.iota {dimensions = array<i32: 0>} : vector<16xi32>
        %broadcast_in_dim3A = vector.broadcast %add3A_205 : i32 to vector<16xi32>
        %gather3A = tpu.vector_load_idx %arg10[%broadcast_in_dim3A] : memref<320xf32, #tpu.memory_space<vmem>>[vector<16xi32>], vector<16xf32>,
        %gather3A_206 = tpu.vector_load_idx %arg11[%iota3A, %broadcast_in_dim3A] : memref<32x320xf32, #tpu.memory_space<vmem>>[vector<16xi32>, vector<16xi32>], vector<16xf32>,
        %add3A_207 = arith.constant 16 : i32
        %add3A_208 = vector.broadcast %add3A_207 : i32 to vector<16xi32>
        %add3A_209 = arith.addi %iota3A, %add3A_208 : vector<16xi32>
        %gather3A_210 = tpu.vector_load_idx %arg11[%add3A_209, %broadcast_in_dim3A] : memref<32x320xf32, #tpu.memory_space<vmem>>[vector<16xi32>, vector<16xi32>], vector<16xf32>,
        %sub3A_211 = arith.subf %gather3A_206, %gather3A : vector<16xf32>
        %abs3A = math.absf %sub3A_211 : vector<16xf32>
        %sub3A_212 = arith.subf %gather3A_210, %gather3A : vector<16xf32>
        %abs3A_213 = math.absf %sub3A_212 : vector<16xf32>
        %gather3A_214 = tpu.vector_load_idx %arg12[%iota3A, %broadcast_in_dim3A] : memref<32x320xi32, #tpu.memory_space<vmem>>[vector<16xi32>, vector<16xi32>], vector<16xi32>,
        %add3A_215 = arith.constant 16 : i32
        %add3A_216 = vector.broadcast %add3A_215 : i32 to vector<16xi32>
        %add3A_217 = arith.addi %iota3A, %add3A_216 : vector<16xi32>
        %gather3A_218 = tpu.vector_load_idx %arg12[%add3A_217, %broadcast_in_dim3A] : memref<32x320xi32, #tpu.memory_space<vmem>>[vector<16xi32>, vector<16xi32>], vector<16xi32>,
        %masked_sort3A = arith.constant dense<true> : vector<16xi1>
        %masked_sort3A_219, %masked_sort3A_220, %masked_sort3A_221 = tpu.sort %abs3A, %gather3A_214 masked %masked_sort3A : (vector<16xf32>, vector<16xi32>, vector<16xi1>) -> (vector<16xi1>, vector<16xf32>, vector<16xi32>)
        %masked_sort3A_222 = arith.constant dense<true> : vector<16xi1>
        %masked_sort3A_223, %masked_sort3A_224, %masked_sort3A_225 = tpu.sort %abs3A_213, %gather3A_218 masked %masked_sort3A_222 : (vector<16xf32>, vector<16xi32>, vector<16xi1>) -> (vector<16xi1>, vector<16xf32>, vector<16xi32>)
        %rev3A = arith.constant 15 : i32
        %rev3A_226 = vector.broadcast %rev3A : i32 to vector<16xi32>
        %rev3A_227 = tpu.iota {dimensions = array<i32: 0>} : vector<16xi32>
        %rev3A_228 = arith.subi %rev3A_226, %rev3A_227 : vector<16xi32>
        %rev3A_229 = tpu.dynamic_gather %masked_sort3A_224[%rev3A_228] in [0] : vector<16xf32>, vector<16xi32> -> vector<16xf32>
        %rev3A_230 = arith.constant 15 : i32
        %rev3A_231 = vector.broadcast %rev3A_230 : i32 to vector<16xi32>
        %rev3A_232 = tpu.iota {dimensions = array<i32: 0>} : vector<16xi32>
        %rev3A_233 = arith.subi %rev3A_231, %rev3A_232 : vector<16xi32>
        %rev3A_234 = tpu.dynamic_gather %masked_sort3A_225[%rev3A_233] in [0] : vector<16xi32>, vector<16xi32> -> vector<16xi32>
        %le3A_235 = arith.cmpf ole, %masked_sort3A_220, %rev3A_229 : vector<16xf32>
        %select_n3A_236 = arith.select %le3A_235, %masked_sort3A_220, %rev3A_229 : vector<16xi1>, vector<16xf32>
        %select_n3A_237 = arith.select %le3A_235, %masked_sort3A_221, %rev3A_234 : vector<16xi1>, vector<16xi32>
        %masked_sort3A_238 = arith.constant dense<true> : vector<16xi1>
        %masked_sort3A_239, %masked_sort3A_240, %masked_sort3A_241 = tpu.sort %select_n3A_236, %select_n3A_237 masked %masked_sort3A_238 : (vector<16xf32>, vector<16xi32>, vector<16xi1>) -> (vector<16xi1>, vector<16xf32>, vector<16xi32>)
        tpu.vector_store_idx %arg21[%iota3A, %broadcast_in_dim3A], %masked_sort3A_240 : memref<16x320xf32, #tpu.memory_space<vmem>>[vector<16xi32>, vector<16xi32>], vector<16xf32>,
        %swap3A = arith.constant 0 : index
        %swap3A_242 = tpu.vector_load %arg15[%swap3A] {strides = array<i32>} : memref<128xi32, #tpu.memory_space<vmem>>, vector<16xi32>,
        tpu.vector_store %arg15[%swap3A], %masked_sort3A_241 {strides = array<i32>} : memref<128xi32, #tpu.memory_space<vmem>>, vector<16xi32>,
        %add3A_243 = arith.constant 1 : i32
        %add3A_244 = arith.addi %mul3A_203, %add3A_243 : i32
        %iota3A_245 = tpu.iota {dimensions = array<i32: 0>} : vector<16xi32>
        %broadcast_in_dim3A_246 = vector.broadcast %add3A_244 : i32 to vector<16xi32>
        %gather3A_247 = tpu.vector_load_idx %arg10[%broadcast_in_dim3A_246] : memref<320xf32, #tpu.memory_space<vmem>>[vector<16xi32>], vector<16xf32>,
        %gather3A_248 = tpu.vector_load_idx %arg11[%iota3A_245, %broadcast_in_dim3A_246] : memref<32x320xf32, #tpu.memory_space<vmem>>[vector<16xi32>, vector<16xi32>], vector<16xf32>,
        %add3A_249 = arith.constant 16 : i32
        %add3A_250 = vector.broadcast %add3A_249 : i32 to vector<16xi32>
        %add3A_251 = arith.addi %iota3A_245, %add3A_250 : vector<16xi32>
        %gather3A_252 = tpu.vector_load_idx %arg11[%add3A_251, %broadcast_in_dim3A_246] : memref<32x320xf32, #tpu.memory_space<vmem>>[vector<16xi32>, vector<16xi32>], vector<16xf32>,
        %sub3A_253 = arith.subf %gather3A_248, %gather3A_247 : vector<16xf32>
        %abs3A_254 = math.absf %sub3A_253 : vector<16xf32>
        %sub3A_255 = arith.subf %gather3A_252, %gather3A_247 : vector<16xf32>
        %abs3A_256 = math.absf %sub3A_255 : vector<16xf32>
        %gather3A_257 = tpu.vector_load_idx %arg12[%iota3A_245, %broadcast_in_dim3A_246] : memref<32x320xi32, #tpu.memory_space<vmem>>[vector<16xi32>, vector<16xi32>], vector<16xi32>,
        %add3A_258 = arith.constant 16 : i32
        %add3A_259 = vector.broadcast %add3A_258 : i32 to vector<16xi32>
        %add3A_260 = arith.addi %iota3A_245, %add3A_259 : vector<16xi32>
        %gather3A_261 = tpu.vector_load_idx %arg12[%add3A_260, %broadcast_in_dim3A_246] : memref<32x320xi32, #tpu.memory_space<vmem>>[vector<16xi32>, vector<16xi32>], vector<16xi32>,
        %masked_sort3A_262 = arith.constant dense<true> : vector<16xi1>
        %masked_sort3A_263, %masked_sort3A_264, %masked_sort3A_265 = tpu.sort %abs3A_254, %gather3A_257 masked %masked_sort3A_262 : (vector<16xf32>, vector<16xi32>, vector<16xi1>) -> (vector<16xi1>, vector<16xf32>, vector<16xi32>)
        %masked_sort3A_266 = arith.constant dense<true> : vector<16xi1>
        %masked_sort3A_267, %masked_sort3A_268, %masked_sort3A_269 = tpu.sort %abs3A_256, %gather3A_261 masked %masked_sort3A_266 : (vector<16xf32>, vector<16xi32>, vector<16xi1>) -> (vector<16xi1>, vector<16xf32>, vector<16xi32>)
        %rev3A_270 = arith.constant 15 : i32
        %rev3A_271 = vector.broadcast %rev3A_270 : i32 to vector<16xi32>
        %rev3A_272 = tpu.iota {dimensions = array<i32: 0>} : vector<16xi32>
        %rev3A_273 = arith.subi %rev3A_271, %rev3A_272 : vector<16xi32>
        %rev3A_274 = tpu.dynamic_gather %masked_sort3A_268[%rev3A_273] in [0] : vector<16xf32>, vector<16xi32> -> vector<16xf32>
        %rev3A_275 = arith.constant 15 : i32
        %rev3A_276 = vector.broadcast %rev3A_275 : i32 to vector<16xi32>
        %rev3A_277 = tpu.iota {dimensions = array<i32: 0>} : vector<16xi32>
        %rev3A_278 = arith.subi %rev3A_276, %rev3A_277 : vector<16xi32>
        %rev3A_279 = tpu.dynamic_gather %masked_sort3A_269[%rev3A_278] in [0] : vector<16xi32>, vector<16xi32> -> vector<16xi32>
        %le3A_280 = arith.cmpf ole, %masked_sort3A_264, %rev3A_274 : vector<16xf32>
        %select_n3A_281 = arith.select %le3A_280, %masked_sort3A_264, %rev3A_274 : vector<16xi1>, vector<16xf32>
        %select_n3A_282 = arith.select %le3A_280, %masked_sort3A_265, %rev3A_279 : vector<16xi1>, vector<16xi32>
        %masked_sort3A_283 = arith.constant dense<true> : vector<16xi1>
        %masked_sort3A_284, %masked_sort3A_285, %masked_sort3A_286 = tpu.sort %select_n3A_281, %select_n3A_282 masked %masked_sort3A_283 : (vector<16xf32>, vector<16xi32>, vector<16xi1>) -> (vector<16xi1>, vector<16xf32>, vector<16xi32>)
        tpu.vector_store_idx %arg21[%iota3A_245, %broadcast_in_dim3A_246], %masked_sort3A_285 : memref<16x320xf32, #tpu.memory_space<vmem>>[vector<16xi32>, vector<16xi32>], vector<16xf32>,
        %swap3A_287 = arith.constant 16 : index
        %swap3A_288 = tpu.vector_load %arg15[%swap3A_287] {strides = array<i32>} : memref<128xi32, #tpu.memory_space<vmem>>, vector<16xi32>,
        tpu.vector_store %arg15[%swap3A_287], %masked_sort3A_286 {strides = array<i32>} : memref<128xi32, #tpu.memory_space<vmem>>, vector<16xi32>,
        %add3A_289 = arith.constant 2 : i32
        %add3A_290 = arith.addi %mul3A_203, %add3A_289 : i32
        %iota3A_291 = tpu.iota {dimensions = array<i32: 0>} : vector<16xi32>
        %broadcast_in_dim3A_292 = vector.broadcast %add3A_290 : i32 to vector<16xi32>
        %gather3A_293 = tpu.vector_load_idx %arg10[%broadcast_in_dim3A_292] : memref<320xf32, #tpu.memory_space<vmem>>[vector<16xi32>], vector<16xf32>,
        %gather3A_294 = tpu.vector_load_idx %arg11[%iota3A_291, %broadcast_in_dim3A_292] : memref<32x320xf32, #tpu.memory_space<vmem>>[vector<16xi32>, vector<16xi32>], vector<16xf32>,
        %add3A_295 = arith.constant 16 : i32
        %add3A_296 = vector.broadcast %add3A_295 : i32 to vector<16xi32>
        %add3A_297 = arith.addi %iota3A_291, %add3A_296 : vector<16xi32>
        %gather3A_298 = tpu.vector_load_idx %arg11[%add3A_297, %broadcast_in_dim3A_292] : memref<32x320xf32, #tpu.memory_space<vmem>>[vector<16xi32>, vector<16xi32>], vector<16xf32>,
        %sub3A_299 = arith.subf %gather3A_294, %gather3A_293 : vector<16xf32>
        %abs3A_300 = math.absf %sub3A_299 : vector<16xf32>
        %sub3A_301 = arith.subf %gather3A_298, %gather3A_293 : vector<16xf32>
        %abs3A_302 = math.absf %sub3A_301 : vector<16xf32>
        %gather3A_303 = tpu.vector_load_idx %arg12[%iota3A_291, %broadcast_in_dim3A_292] : memref<32x320xi32, #tpu.memory_space<vmem>>[vector<16xi32>, vector<16xi32>], vector<16xi32>,
        %add3A_304 = arith.constant 16 : i32
        %add3A_305 = vector.broadcast %add3A_304 : i32 to vector<16xi32>
        %add3A_306 = arith.addi %iota3A_291, %add3A_305 : vector<16xi32>
        %gather3A_307 = tpu.vector_load_idx %arg12[%add3A_306, %broadcast_in_dim3A_292] : memref<32x320xi32, #tpu.memory_space<vmem>>[vector<16xi32>, vector<16xi32>], vector<16xi32>,
        %masked_sort3A_308 = arith.constant dense<true> : vector<16xi1>
        %masked_sort3A_309, %masked_sort3A_310, %masked_sort3A_311 = tpu.sort %abs3A_300, %gather3A_303 masked %masked_sort3A_308 : (vector<16xf32>, vector<16xi32>, vector<16xi1>) -> (vector<16xi1>, vector<16xf32>, vector<16xi32>)
        %masked_sort3A_312 = arith.constant dense<true> : vector<16xi1>
        %masked_sort3A_313, %masked_sort3A_314, %masked_sort3A_315 = tpu.sort %abs3A_302, %gather3A_307 masked %masked_sort3A_312 : (vector<16xf32>, vector<16xi32>, vector<16xi1>) -> (vector<16xi1>, vector<16xf32>, vector<16xi32>)
        %rev3A_316 = arith.constant 15 : i32
        %rev3A_317 = vector.broadcast %rev3A_316 : i32 to vector<16xi32>
        %rev3A_318 = tpu.iota {dimensions = array<i32: 0>} : vector<16xi32>
        %rev3A_319 = arith.subi %rev3A_317, %rev3A_318 : vector<16xi32>
        %rev3A_320 = tpu.dynamic_gather %masked_sort3A_314[%rev3A_319] in [0] : vector<16xf32>, vector<16xi32> -> vector<16xf32>
        %rev3A_321 = arith.constant 15 : i32
        %rev3A_322 = vector.broadcast %rev3A_321 : i32 to vector<16xi32>
        %rev3A_323 = tpu.iota {dimensions = array<i32: 0>} : vector<16xi32>
        %rev3A_324 = arith.subi %rev3A_322, %rev3A_323 : vector<16xi32>
        %rev3A_325 = tpu.dynamic_gather %masked_sort3A_315[%rev3A_324] in [0] : vector<16xi32>, vector<16xi32> -> vector<16xi32>
        %le3A_326 = arith.cmpf ole, %masked_sort3A_310, %rev3A_320 : vector<16xf32>
        %select_n3A_327 = arith.select %le3A_326, %masked_sort3A_310, %rev3A_320 : vector<16xi1>, vector<16xf32>
        %select_n3A_328 = arith.select %le3A_326, %masked_sort3A_311, %rev3A_325 : vector<16xi1>, vector<16xi32>
        %masked_sort3A_329 = arith.constant dense<true> : vector<16xi1>
        %masked_sort3A_330, %masked_sort3A_331, %masked_sort3A_332 = tpu.sort %select_n3A_327, %select_n3A_328 masked %masked_sort3A_329 : (vector<16xf32>, vector<16xi32>, vector<16xi1>) -> (vector<16xi1>, vector<16xf32>, vector<16xi32>)
        tpu.vector_store_idx %arg21[%iota3A_291, %broadcast_in_dim3A_292], %masked_sort3A_331 : memref<16x320xf32, #tpu.memory_space<vmem>>[vector<16xi32>, vector<16xi32>], vector<16xf32>,
        %swap3A_333 = arith.constant 32 : index
        %swap3A_334 = tpu.vector_load %arg15[%swap3A_333] {strides = array<i32>} : memref<128xi32, #tpu.memory_space<vmem>>, vector<16xi32>,
        tpu.vector_store %arg15[%swap3A_333], %masked_sort3A_332 {strides = array<i32>} : memref<128xi32, #tpu.memory_space<vmem>>, vector<16xi32>,
        %add3A_335 = arith.constant 3 : i32
        %add3A_336 = arith.addi %mul3A_203, %add3A_335 : i32
        %iota3A_337 = tpu.iota {dimensions = array<i32: 0>} : vector<16xi32>
        %broadcast_in_dim3A_338 = vector.broadcast %add3A_336 : i32 to vector<16xi32>
        %gather3A_339 = tpu.vector_load_idx %arg10[%broadcast_in_dim3A_338] : memref<320xf32, #tpu.memory_space<vmem>>[vector<16xi32>], vector<16xf32>,
        %gather3A_340 = tpu.vector_load_idx %arg11[%iota3A_337, %broadcast_in_dim3A_338] : memref<32x320xf32, #tpu.memory_space<vmem>>[vector<16xi32>, vector<16xi32>], vector<16xf32>,
        %add3A_341 = arith.constant 16 : i32
        %add3A_342 = vector.broadcast %add3A_341 : i32 to vector<16xi32>
        %add3A_343 = arith.addi %iota3A_337, %add3A_342 : vector<16xi32>
        %gather3A_344 = tpu.vector_load_idx %arg11[%add3A_343, %broadcast_in_dim3A_338] : memref<32x320xf32, #tpu.memory_space<vmem>>[vector<16xi32>, vector<16xi32>], vector<16xf32>,
        %sub3A_345 = arith.subf %gather3A_340, %gather3A_339 : vector<16xf32>
        %abs3A_346 = math.absf %sub3A_345 : vector<16xf32>
        %sub3A_347 = arith.subf %gather3A_344, %gather3A_339 : vector<16xf32>
        %abs3A_348 = math.absf %sub3A_347 : vector<16xf32>
        %gather3A_349 = tpu.vector_load_idx %arg12[%iota3A_337, %broadcast_in_dim3A_338] : memref<32x320xi32, #tpu.memory_space<vmem>>[vector<16xi32>, vector<16xi32>], vector<16xi32>,
        %add3A_350 = arith.constant 16 : i32
        %add3A_351 = vector.broadcast %add3A_350 : i32 to vector<16xi32>
        %add3A_352 = arith.addi %iota3A_337, %add3A_351 : vector<16xi32>
        %gather3A_353 = tpu.vector_load_idx %arg12[%add3A_352, %broadcast_in_dim3A_338] : memref<32x320xi32, #tpu.memory_space<vmem>>[vector<16xi32>, vector<16xi32>], vector<16xi32>,
        %masked_sort3A_354 = arith.constant dense<true> : vector<16xi1>
        %masked_sort3A_355, %masked_sort3A_356, %masked_sort3A_357 = tpu.sort %abs3A_346, %gather3A_349 masked %masked_sort3A_354 : (vector<16xf32>, vector<16xi32>, vector<16xi1>) -> (vector<16xi1>, vector<16xf32>, vector<16xi32>)
        %masked_sort3A_358 = arith.constant dense<true> : vector<16xi1>
        %masked_sort3A_359, %masked_sort3A_360, %masked_sort3A_361 = tpu.sort %abs3A_348, %gather3A_353 masked %masked_sort3A_358 : (vector<16xf32>, vector<16xi32>, vector<16xi1>) -> (vector<16xi1>, vector<16xf32>, vector<16xi32>)
        %rev3A_362 = arith.constant 15 : i32
        %rev3A_363 = vector.broadcast %rev3A_362 : i32 to vector<16xi32>
        %rev3A_364 = tpu.iota {dimensions = array<i32: 0>} : vector<16xi32>
        %rev3A_365 = arith.subi %rev3A_363, %rev3A_364 : vector<16xi32>
        %rev3A_366 = tpu.dynamic_gather %masked_sort3A_360[%rev3A_365] in [0] : vector<16xf32>, vector<16xi32> -> vector<16xf32>
        %rev3A_367 = arith.constant 15 : i32
        %rev3A_368 = vector.broadcast %rev3A_367 : i32 to vector<16xi32>
        %rev3A_369 = tpu.iota {dimensions = array<i32: 0>} : vector<16xi32>
        %rev3A_370 = arith.subi %rev3A_368, %rev3A_369 : vector<16xi32>
        %rev3A_371 = tpu.dynamic_gather %masked_sort3A_361[%rev3A_370] in [0] : vector<16xi32>, vector<16xi32> -> vector<16xi32>
        %le3A_372 = arith.cmpf ole, %masked_sort3A_356, %rev3A_366 : vector<16xf32>
        %select_n3A_373 = arith.select %le3A_372, %masked_sort3A_356, %rev3A_366 : vector<16xi1>, vector<16xf32>
        %select_n3A_374 = arith.select %le3A_372, %masked_sort3A_357, %rev3A_371 : vector<16xi1>, vector<16xi32>
        %masked_sort3A_375 = arith.constant dense<true> : vector<16xi1>
        %masked_sort3A_376, %masked_sort3A_377, %masked_sort3A_378 = tpu.sort %select_n3A_373, %select_n3A_374 masked %masked_sort3A_375 : (vector<16xf32>, vector<16xi32>, vector<16xi1>) -> (vector<16xi1>, vector<16xf32>, vector<16xi32>)
        tpu.vector_store_idx %arg21[%iota3A_337, %broadcast_in_dim3A_338], %masked_sort3A_377 : memref<16x320xf32, #tpu.memory_space<vmem>>[vector<16xi32>, vector<16xi32>], vector<16xf32>,
        %swap3A_379 = arith.constant 48 : index
        %swap3A_380 = tpu.vector_load %arg15[%swap3A_379] {strides = array<i32>} : memref<128xi32, #tpu.memory_space<vmem>>, vector<16xi32>,
        tpu.vector_store %arg15[%swap3A_379], %masked_sort3A_378 {strides = array<i32>} : memref<128xi32, #tpu.memory_space<vmem>>, vector<16xi32>,
        %add3A_381 = arith.constant 4 : i32
        %add3A_382 = arith.addi %mul3A_203, %add3A_381 : i32
        %iota3A_383 = tpu.iota {dimensions = array<i32: 0>} : vector<16xi32>
        %broadcast_in_dim3A_384 = vector.broadcast %add3A_382 : i32 to vector<16xi32>
        %gather3A_385 = tpu.vector_load_idx %arg10[%broadcast_in_dim3A_384] : memref<320xf32, #tpu.memory_space<vmem>>[vector<16xi32>], vector<16xf32>,
        %gather3A_386 = tpu.vector_load_idx %arg11[%iota3A_383, %broadcast_in_dim3A_384] : memref<32x320xf32, #tpu.memory_space<vmem>>[vector<16xi32>, vector<16xi32>], vector<16xf32>,
        %add3A_387 = arith.constant 16 : i32
        %add3A_388 = vector.broadcast %add3A_387 : i32 to vector<16xi32>
        %add3A_389 = arith.addi %iota3A_383, %add3A_388 : vector<16xi32>
        %gather3A_390 = tpu.vector_load_idx %arg11[%add3A_389, %broadcast_in_dim3A_384] : memref<32x320xf32, #tpu.memory_space<vmem>>[vector<16xi32>, vector<16xi32>], vector<16xf32>,
        %sub3A_391 = arith.subf %gather3A_386, %gather3A_385 : vector<16xf32>
        %abs3A_392 = math.absf %sub3A_391 : vector<16xf32>
        %sub3A_393 = arith.subf %gather3A_390, %gather3A_385 : vector<16xf32>
        %abs3A_394 = math.absf %sub3A_393 : vector<16xf32>
        %gather3A_395 = tpu.vector_load_idx %arg12[%iota3A_383, %broadcast_in_dim3A_384] : memref<32x320xi32, #tpu.memory_space<vmem>>[vector<16xi32>, vector<16xi32>], vector<16xi32>,
        %add3A_396 = arith.constant 16 : i32
        %add3A_397 = vector.broadcast %add3A_396 : i32 to vector<16xi32>
        %add3A_398 = arith.addi %iota3A_383, %add3A_397 : vector<16xi32>
        %gather3A_399 = tpu.vector_load_idx %arg12[%add3A_398, %broadcast_in_dim3A_384] : memref<32x320xi32, #tpu.memory_space<vmem>>[vector<16xi32>, vector<16xi32>], vector<16xi32>,
        %masked_sort3A_400 = arith.constant dense<true> : vector<16xi1>
        %masked_sort3A_401, %masked_sort3A_402, %masked_sort3A_403 = tpu.sort %abs3A_392, %gather3A_395 masked %masked_sort3A_400 : (vector<16xf32>, vector<16xi32>, vector<16xi1>) -> (vector<16xi1>, vector<16xf32>, vector<16xi32>)
        %masked_sort3A_404 = arith.constant dense<true> : vector<16xi1>
        %masked_sort3A_405, %masked_sort3A_406, %masked_sort3A_407 = tpu.sort %abs3A_394, %gather3A_399 masked %masked_sort3A_404 : (vector<16xf32>, vector<16xi32>, vector<16xi1>) -> (vector<16xi1>, vector<16xf32>, vector<16xi32>)
        %rev3A_408 = arith.constant 15 : i32
        %rev3A_409 = vector.broadcast %rev3A_408 : i32 to vector<16xi32>
        %rev3A_410 = tpu.iota {dimensions = array<i32: 0>} : vector<16xi32>
        %rev3A_411 = arith.subi %rev3A_409, %rev3A_410 : vector<16xi32>
        %rev3A_412 = tpu.dynamic_gather %masked_sort3A_406[%rev3A_411] in [0] : vector<16xf32>, vector<16xi32> -> vector<16xf32>
        %rev3A_413 = arith.constant 15 : i32
        %rev3A_414 = vector.broadcast %rev3A_413 : i32 to vector<16xi32>
        %rev3A_415 = tpu.iota {dimensions = array<i32: 0>} : vector<16xi32>
        %rev3A_416 = arith.subi %rev3A_414, %rev3A_415 : vector<16xi32>
        %rev3A_417 = tpu.dynamic_gather %masked_sort3A_407[%rev3A_416] in [0] : vector<16xi32>, vector<16xi32> -> vector<16xi32>
        %le3A_418 = arith.cmpf ole, %masked_sort3A_402, %rev3A_412 : vector<16xf32>
        %select_n3A_419 = arith.select %le3A_418, %masked_sort3A_402, %rev3A_412 : vector<16xi1>, vector<16xf32>
        %select_n3A_420 = arith.select %le3A_418, %masked_sort3A_403, %rev3A_417 : vector<16xi1>, vector<16xi32>
        %masked_sort3A_421 = arith.constant dense<true> : vector<16xi1>
        %masked_sort3A_422, %masked_sort3A_423, %masked_sort3A_424 = tpu.sort %select_n3A_419, %select_n3A_420 masked %masked_sort3A_421 : (vector<16xf32>, vector<16xi32>, vector<16xi1>) -> (vector<16xi1>, vector<16xf32>, vector<16xi32>)
        tpu.vector_store_idx %arg21[%iota3A_383, %broadcast_in_dim3A_384], %masked_sort3A_423 : memref<16x320xf32, #tpu.memory_space<vmem>>[vector<16xi32>, vector<16xi32>], vector<16xf32>,
        %swap3A_425 = arith.constant 64 : index
        %swap3A_426 = tpu.vector_load %arg15[%swap3A_425] {strides = array<i32>} : memref<128xi32, #tpu.memory_space<vmem>>, vector<16xi32>,
        tpu.vector_store %arg15[%swap3A_425], %masked_sort3A_424 {strides = array<i32>} : memref<128xi32, #tpu.memory_space<vmem>>, vector<16xi32>,
        %add3A_427 = arith.constant 5 : i32
        %add3A_428 = arith.addi %mul3A_203, %add3A_427 : i32
        %iota3A_429 = tpu.iota {dimensions = array<i32: 0>} : vector<16xi32>
        %broadcast_in_dim3A_430 = vector.broadcast %add3A_428 : i32 to vector<16xi32>
        %gather3A_431 = tpu.vector_load_idx %arg10[%broadcast_in_dim3A_430] : memref<320xf32, #tpu.memory_space<vmem>>[vector<16xi32>], vector<16xf32>,
        %gather3A_432 = tpu.vector_load_idx %arg11[%iota3A_429, %broadcast_in_dim3A_430] : memref<32x320xf32, #tpu.memory_space<vmem>>[vector<16xi32>, vector<16xi32>], vector<16xf32>,
        %add3A_433 = arith.constant 16 : i32
        %add3A_434 = vector.broadcast %add3A_433 : i32 to vector<16xi32>
        %add3A_435 = arith.addi %iota3A_429, %add3A_434 : vector<16xi32>
        %gather3A_436 = tpu.vector_load_idx %arg11[%add3A_435, %broadcast_in_dim3A_430] : memref<32x320xf32, #tpu.memory_space<vmem>>[vector<16xi32>, vector<16xi32>], vector<16xf32>,
        %sub3A_437 = arith.subf %gather3A_432, %gather3A_431 : vector<16xf32>
        %abs3A_438 = math.absf %sub3A_437 : vector<16xf32>
        %sub3A_439 = arith.subf %gather3A_436, %gather3A_431 : vector<16xf32>
        %abs3A_440 = math.absf %sub3A_439 : vector<16xf32>
        %gather3A_441 = tpu.vector_load_idx %arg12[%iota3A_429, %broadcast_in_dim3A_430] : memref<32x320xi32, #tpu.memory_space<vmem>>[vector<16xi32>, vector<16xi32>], vector<16xi32>,
        %add3A_442 = arith.constant 16 : i32
        %add3A_443 = vector.broadcast %add3A_442 : i32 to vector<16xi32>
        %add3A_444 = arith.addi %iota3A_429, %add3A_443 : vector<16xi32>
        %gather3A_445 = tpu.vector_load_idx %arg12[%add3A_444, %broadcast_in_dim3A_430] : memref<32x320xi32, #tpu.memory_space<vmem>>[vector<16xi32>, vector<16xi32>], vector<16xi32>,
        %masked_sort3A_446 = arith.constant dense<true> : vector<16xi1>
        %masked_sort3A_447, %masked_sort3A_448, %masked_sort3A_449 = tpu.sort %abs3A_438, %gather3A_441 masked %masked_sort3A_446 : (vector<16xf32>, vector<16xi32>, vector<16xi1>) -> (vector<16xi1>, vector<16xf32>, vector<16xi32>)
        %masked_sort3A_450 = arith.constant dense<true> : vector<16xi1>
        %masked_sort3A_451, %masked_sort3A_452, %masked_sort3A_453 = tpu.sort %abs3A_440, %gather3A_445 masked %masked_sort3A_450 : (vector<16xf32>, vector<16xi32>, vector<16xi1>) -> (vector<16xi1>, vector<16xf32>, vector<16xi32>)
        %rev3A_454 = arith.constant 15 : i32
        %rev3A_455 = vector.broadcast %rev3A_454 : i32 to vector<16xi32>
        %rev3A_456 = tpu.iota {dimensions = array<i32: 0>} : vector<16xi32>
        %rev3A_457 = arith.subi %rev3A_455, %rev3A_456 : vector<16xi32>
        %rev3A_458 = tpu.dynamic_gather %masked_sort3A_452[%rev3A_457] in [0] : vector<16xf32>, vector<16xi32> -> vector<16xf32>
        %rev3A_459 = arith.constant 15 : i32
        %rev3A_460 = vector.broadcast %rev3A_459 : i32 to vector<16xi32>
        %rev3A_461 = tpu.iota {dimensions = array<i32: 0>} : vector<16xi32>
        %rev3A_462 = arith.subi %rev3A_460, %rev3A_461 : vector<16xi32>
        %rev3A_463 = tpu.dynamic_gather %masked_sort3A_453[%rev3A_462] in [0] : vector<16xi32>, vector<16xi32> -> vector<16xi32>
        %le3A_464 = arith.cmpf ole, %masked_sort3A_448, %rev3A_458 : vector<16xf32>
        %select_n3A_465 = arith.select %le3A_464, %masked_sort3A_448, %rev3A_458 : vector<16xi1>, vector<16xf32>
        %select_n3A_466 = arith.select %le3A_464, %masked_sort3A_449, %rev3A_463 : vector<16xi1>, vector<16xi32>
        %masked_sort3A_467 = arith.constant dense<true> : vector<16xi1>
        %masked_sort3A_468, %masked_sort3A_469, %masked_sort3A_470 = tpu.sort %select_n3A_465, %select_n3A_466 masked %masked_sort3A_467 : (vector<16xf32>, vector<16xi32>, vector<16xi1>) -> (vector<16xi1>, vector<16xf32>, vector<16xi32>)
        tpu.vector_store_idx %arg21[%iota3A_429, %broadcast_in_dim3A_430], %masked_sort3A_469 : memref<16x320xf32, #tpu.memory_space<vmem>>[vector<16xi32>, vector<16xi32>], vector<16xf32>,
        %swap3A_471 = arith.constant 80 : index
        %swap3A_472 = tpu.vector_load %arg15[%swap3A_471] {strides = array<i32>} : memref<128xi32, #tpu.memory_space<vmem>>, vector<16xi32>,
        tpu.vector_store %arg15[%swap3A_471], %masked_sort3A_470 {strides = array<i32>} : memref<128xi32, #tpu.memory_space<vmem>>, vector<16xi32>,
        %add3A_473 = arith.constant 6 : i32
        %add3A_474 = arith.addi %mul3A_203, %add3A_473 : i32
        %iota3A_475 = tpu.iota {dimensions = array<i32: 0>} : vector<16xi32>
        %broadcast_in_dim3A_476 = vector.broadcast %add3A_474 : i32 to vector<16xi32>
        %gather3A_477 = tpu.vector_load_idx %arg10[%broadcast_in_dim3A_476] : memref<320xf32, #tpu.memory_space<vmem>>[vector<16xi32>], vector<16xf32>,
        %gather3A_478 = tpu.vector_load_idx %arg11[%iota3A_475, %broadcast_in_dim3A_476] : memref<32x320xf32, #tpu.memory_space<vmem>>[vector<16xi32>, vector<16xi32>], vector<16xf32>,
        %add3A_479 = arith.constant 16 : i32
        %add3A_480 = vector.broadcast %add3A_479 : i32 to vector<16xi32>
        %add3A_481 = arith.addi %iota3A_475, %add3A_480 : vector<16xi32>
        %gather3A_482 = tpu.vector_load_idx %arg11[%add3A_481, %broadcast_in_dim3A_476] : memref<32x320xf32, #tpu.memory_space<vmem>>[vector<16xi32>, vector<16xi32>], vector<16xf32>,
        %sub3A_483 = arith.subf %gather3A_478, %gather3A_477 : vector<16xf32>
        %abs3A_484 = math.absf %sub3A_483 : vector<16xf32>
        %sub3A_485 = arith.subf %gather3A_482, %gather3A_477 : vector<16xf32>
        %abs3A_486 = math.absf %sub3A_485 : vector<16xf32>
        %gather3A_487 = tpu.vector_load_idx %arg12[%iota3A_475, %broadcast_in_dim3A_476] : memref<32x320xi32, #tpu.memory_space<vmem>>[vector<16xi32>, vector<16xi32>], vector<16xi32>,
        %add3A_488 = arith.constant 16 : i32
        %add3A_489 = vector.broadcast %add3A_488 : i32 to vector<16xi32>
        %add3A_490 = arith.addi %iota3A_475, %add3A_489 : vector<16xi32>
        %gather3A_491 = tpu.vector_load_idx %arg12[%add3A_490, %broadcast_in_dim3A_476] : memref<32x320xi32, #tpu.memory_space<vmem>>[vector<16xi32>, vector<16xi32>], vector<16xi32>,
        %masked_sort3A_492 = arith.constant dense<true> : vector<16xi1>
        %masked_sort3A_493, %masked_sort3A_494, %masked_sort3A_495 = tpu.sort %abs3A_484, %gather3A_487 masked %masked_sort3A_492 : (vector<16xf32>, vector<16xi32>, vector<16xi1>) -> (vector<16xi1>, vector<16xf32>, vector<16xi32>)
        %masked_sort3A_496 = arith.constant dense<true> : vector<16xi1>
        %masked_sort3A_497, %masked_sort3A_498, %masked_sort3A_499 = tpu.sort %abs3A_486, %gather3A_491 masked %masked_sort3A_496 : (vector<16xf32>, vector<16xi32>, vector<16xi1>) -> (vector<16xi1>, vector<16xf32>, vector<16xi32>)
        %rev3A_500 = arith.constant 15 : i32
        %rev3A_501 = vector.broadcast %rev3A_500 : i32 to vector<16xi32>
        %rev3A_502 = tpu.iota {dimensions = array<i32: 0>} : vector<16xi32>
        %rev3A_503 = arith.subi %rev3A_501, %rev3A_502 : vector<16xi32>
        %rev3A_504 = tpu.dynamic_gather %masked_sort3A_498[%rev3A_503] in [0] : vector<16xf32>, vector<16xi32> -> vector<16xf32>
        %rev3A_505 = arith.constant 15 : i32
        %rev3A_506 = vector.broadcast %rev3A_505 : i32 to vector<16xi32>
        %rev3A_507 = tpu.iota {dimensions = array<i32: 0>} : vector<16xi32>
        %rev3A_508 = arith.subi %rev3A_506, %rev3A_507 : vector<16xi32>
        %rev3A_509 = tpu.dynamic_gather %masked_sort3A_499[%rev3A_508] in [0] : vector<16xi32>, vector<16xi32> -> vector<16xi32>
        %le3A_510 = arith.cmpf ole, %masked_sort3A_494, %rev3A_504 : vector<16xf32>
        %select_n3A_511 = arith.select %le3A_510, %masked_sort3A_494, %rev3A_504 : vector<16xi1>, vector<16xf32>
        %select_n3A_512 = arith.select %le3A_510, %masked_sort3A_495, %rev3A_509 : vector<16xi1>, vector<16xi32>
        %masked_sort3A_513 = arith.constant dense<true> : vector<16xi1>
        %masked_sort3A_514, %masked_sort3A_515, %masked_sort3A_516 = tpu.sort %select_n3A_511, %select_n3A_512 masked %masked_sort3A_513 : (vector<16xf32>, vector<16xi32>, vector<16xi1>) -> (vector<16xi1>, vector<16xf32>, vector<16xi32>)
        tpu.vector_store_idx %arg21[%iota3A_475, %broadcast_in_dim3A_476], %masked_sort3A_515 : memref<16x320xf32, #tpu.memory_space<vmem>>[vector<16xi32>, vector<16xi32>], vector<16xf32>,
        %swap3A_517 = arith.constant 96 : index
        %swap3A_518 = tpu.vector_load %arg15[%swap3A_517] {strides = array<i32>} : memref<128xi32, #tpu.memory_space<vmem>>, vector<16xi32>,
        tpu.vector_store %arg15[%swap3A_517], %masked_sort3A_516 {strides = array<i32>} : memref<128xi32, #tpu.memory_space<vmem>>, vector<16xi32>,
        %add3A_519 = arith.constant 7 : i32
        %add3A_520 = arith.addi %mul3A_203, %add3A_519 : i32
        %iota3A_521 = tpu.iota {dimensions = array<i32: 0>} : vector<16xi32>
        %broadcast_in_dim3A_522 = vector.broadcast %add3A_520 : i32 to vector<16xi32>
        %gather3A_523 = tpu.vector_load_idx %arg10[%broadcast_in_dim3A_522] : memref<320xf32, #tpu.memory_space<vmem>>[vector<16xi32>], vector<16xf32>,
        %gather3A_524 = tpu.vector_load_idx %arg11[%iota3A_521, %broadcast_in_dim3A_522] : memref<32x320xf32, #tpu.memory_space<vmem>>[vector<16xi32>, vector<16xi32>], vector<16xf32>,
        %add3A_525 = arith.constant 16 : i32
        %add3A_526 = vector.broadcast %add3A_525 : i32 to vector<16xi32>
        %add3A_527 = arith.addi %iota3A_521, %add3A_526 : vector<16xi32>
        %gather3A_528 = tpu.vector_load_idx %arg11[%add3A_527, %broadcast_in_dim3A_522] : memref<32x320xf32, #tpu.memory_space<vmem>>[vector<16xi32>, vector<16xi32>], vector<16xf32>,
        %sub3A_529 = arith.subf %gather3A_524, %gather3A_523 : vector<16xf32>
        %abs3A_530 = math.absf %sub3A_529 : vector<16xf32>
        %sub3A_531 = arith.subf %gather3A_528, %gather3A_523 : vector<16xf32>
        %abs3A_532 = math.absf %sub3A_531 : vector<16xf32>
        %gather3A_533 = tpu.vector_load_idx %arg12[%iota3A_521, %broadcast_in_dim3A_522] : memref<32x320xi32, #tpu.memory_space<vmem>>[vector<16xi32>, vector<16xi32>], vector<16xi32>,
        %add3A_534 = arith.constant 16 : i32
        %add3A_535 = vector.broadcast %add3A_534 : i32 to vector<16xi32>
        %add3A_536 = arith.addi %iota3A_521, %add3A_535 : vector<16xi32>
        %gather3A_537 = tpu.vector_load_idx %arg12[%add3A_536, %broadcast_in_dim3A_522] : memref<32x320xi32, #tpu.memory_space<vmem>>[vector<16xi32>, vector<16xi32>], vector<16xi32>,
        %masked_sort3A_538 = arith.constant dense<true> : vector<16xi1>
        %masked_sort3A_539, %masked_sort3A_540, %masked_sort3A_541 = tpu.sort %abs3A_530, %gather3A_533 masked %masked_sort3A_538 : (vector<16xf32>, vector<16xi32>, vector<16xi1>) -> (vector<16xi1>, vector<16xf32>, vector<16xi32>)
        %masked_sort3A_542 = arith.constant dense<true> : vector<16xi1>
        %masked_sort3A_543, %masked_sort3A_544, %masked_sort3A_545 = tpu.sort %abs3A_532, %gather3A_537 masked %masked_sort3A_542 : (vector<16xf32>, vector<16xi32>, vector<16xi1>) -> (vector<16xi1>, vector<16xf32>, vector<16xi32>)
        %rev3A_546 = arith.constant 15 : i32
        %rev3A_547 = vector.broadcast %rev3A_546 : i32 to vector<16xi32>
        %rev3A_548 = tpu.iota {dimensions = array<i32: 0>} : vector<16xi32>
        %rev3A_549 = arith.subi %rev3A_547, %rev3A_548 : vector<16xi32>
        %rev3A_550 = tpu.dynamic_gather %masked_sort3A_544[%rev3A_549] in [0] : vector<16xf32>, vector<16xi32> -> vector<16xf32>
        %rev3A_551 = arith.constant 15 : i32
        %rev3A_552 = vector.broadcast %rev3A_551 : i32 to vector<16xi32>
        %rev3A_553 = tpu.iota {dimensions = array<i32: 0>} : vector<16xi32>
        %rev3A_554 = arith.subi %rev3A_552, %rev3A_553 : vector<16xi32>
        %rev3A_555 = tpu.dynamic_gather %masked_sort3A_545[%rev3A_554] in [0] : vector<16xi32>, vector<16xi32> -> vector<16xi32>
        %le3A_556 = arith.cmpf ole, %masked_sort3A_540, %rev3A_550 : vector<16xf32>
        %select_n3A_557 = arith.select %le3A_556, %masked_sort3A_540, %rev3A_550 : vector<16xi1>, vector<16xf32>
        %select_n3A_558 = arith.select %le3A_556, %masked_sort3A_541, %rev3A_555 : vector<16xi1>, vector<16xi32>
        %masked_sort3A_559 = arith.constant dense<true> : vector<16xi1>
        %masked_sort3A_560, %masked_sort3A_561, %masked_sort3A_562 = tpu.sort %select_n3A_557, %select_n3A_558 masked %masked_sort3A_559 : (vector<16xf32>, vector<16xi32>, vector<16xi1>) -> (vector<16xi1>, vector<16xf32>, vector<16xi32>)
        tpu.vector_store_idx %arg21[%iota3A_521, %broadcast_in_dim3A_522], %masked_sort3A_561 : memref<16x320xf32, #tpu.memory_space<vmem>>[vector<16xi32>, vector<16xi32>], vector<16xf32>,
        %swap3A_563 = arith.constant 112 : index
        %swap3A_564 = tpu.vector_load %arg15[%swap3A_563] {strides = array<i32>} : memref<128xi32, #tpu.memory_space<vmem>>, vector<16xi32>,
        tpu.vector_store %arg15[%swap3A_563], %masked_sort3A_562 {strides = array<i32>} : memref<128xi32, #tpu.memory_space<vmem>>, vector<16xi32>,
        %dma_start3A_565 = arith.constant 0 : i32
        %dma_start3A_566 = arith.constant 0 : i32
        %dma_start3A_567 = tpu.memref_slice %arg6[%dma_start3A_565, %dma_start3A_566] : memref<100000x128xf32, #tpu.memory_space<hbm>> -> memref<100000x128xf32, #tpu.memory_space<hbm>>
        tpu.enqueue_indirect_dma source(%dma_start3A_567 : memref<100000x128xf32, #tpu.memory_space<hbm>>) target(%arg17 : memref<128x128xf32, #tpu.memory_space<vmem>>) offsets(%arg15 : memref<128xi32, #tpu.memory_space<vmem>>) semaphore(%arg22 : memref<!tpu.dma_semaphore, #tpu.memory_space<semaphore_mem>>)
      } else {
      }
      %ge3A_163 = arith.constant 1 : i32
      %ge3A_164 = arith.cmpi sge, %mul3A_152, %ge3A_163 : i32
      %le3A_165 = arith.cmpi sle, %mul3A_152, %add3A_11 : i32
      %and3A_166 = arith.andi %ge3A_164, %le3A_165 : i1
      %convert_element_type3A_167 = arith.extui %and3A_166 : i1 to i32
      %cond3A_168 = arith.constant 0 : i32
      %cond3A_169 = arith.cmpi ne, %convert_element_type3A_167, %cond3A_168 : i32
      scf.if %cond3A_169 {
        %dma_wait3A_202 = arith.constant 0 : i32
        %dma_wait3A_203 = arith.constant 0 : i32
        %dma_wait3A_204 = tpu.memref_slice %arg6[%dma_wait3A_202, %dma_wait3A_203] : memref<100000x128xf32, #tpu.memory_space<hbm>> -> memref<100000x128xf32, #tpu.memory_space<hbm>>
        tpu.wait_indirect_dma semaphore(%arg23 : memref<!tpu.dma_semaphore, #tpu.memory_space<semaphore_mem>>) src(%dma_wait3A_204 : memref<100000x128xf32, #tpu.memory_space<hbm>>) dst(%arg18 : memref<128x128xf32, #tpu.memory_space<vmem>>)
        %sub3A_205 = arith.constant 1 : i32
        %sub3A_206 = arith.subi %mul3A_152, %sub3A_205 : i32
        %parallel_loop3A = arith.constant 0 : i32
        %parallel_loop3A_207 = arith.constant 64 : i32
        %parallel_loop3A_208 = arith.constant 1 : i32
        scf.for %parallel_loop3A_216 = %parallel_loop3A to %parallel_loop3A_207 step %parallel_loop3A_208  : i32 {
          %parallel_loop3A_217 = arith.constant 3 : i32
          %parallel_loop3A_218 = arith.shrsi %parallel_loop3A_216, %parallel_loop3A_217 : i32
          %parallel_loop3A_219 = arith.constant 7 : i32
          %parallel_loop3A_220 = arith.andi %parallel_loop3A_216, %parallel_loop3A_219 : i32
          %parallel_loop3A_221 = arith.constant 16 : i32
          %parallel_loop3A_222 = arith.muli %parallel_loop3A_218, %parallel_loop3A_221 : i32
          %parallel_loop3A_223 = arith.constant 16 : i32
          %parallel_loop3A_224 = arith.muli %parallel_loop3A_220, %parallel_loop3A_223 : i32
          %parallel_loop3A_225 = arith.constant 0 : i32
          %parallel_loop3A_226 = arith.addi %parallel_loop3A_222, %parallel_loop3A_225 : i32
          %parallel_loop3A_227 = arith.index_cast %parallel_loop3A_226 : i32 to index
          %parallel_loop3A_228 = arith.index_cast %parallel_loop3A_224 : i32 to index
          %parallel_loop3A_229 = tpu.vector_load %arg18[%parallel_loop3A_227, %parallel_loop3A_228] {strides = array<i32>} : memref<128x128xf32, #tpu.memory_space<vmem>>, vector<16xf32>,
          %parallel_loop3A_230 = arith.constant 1 : i32
          %parallel_loop3A_231 = arith.addi %parallel_loop3A_222, %parallel_loop3A_230 : i32
          %parallel_loop3A_232 = arith.index_cast %parallel_loop3A_231 : i32 to index
          %parallel_loop3A_233 = arith.index_cast %parallel_loop3A_224 : i32 to index
          %parallel_loop3A_234 = tpu.vector_load %arg18[%parallel_loop3A_232, %parallel_loop3A_233] {strides = array<i32>} : memref<128x128xf32, #tpu.memory_space<vmem>>, vector<16xf32>,
          %parallel_loop3A_235 = arith.constant 2 : i32
          %parallel_loop3A_236 = arith.addi %parallel_loop3A_222, %parallel_loop3A_235 : i32
          %parallel_loop3A_237 = arith.index_cast %parallel_loop3A_236 : i32 to index
          %parallel_loop3A_238 = arith.index_cast %parallel_loop3A_224 : i32 to index
          %parallel_loop3A_239 = tpu.vector_load %arg18[%parallel_loop3A_237, %parallel_loop3A_238] {strides = array<i32>} : memref<128x128xf32, #tpu.memory_space<vmem>>, vector<16xf32>,
          %parallel_loop3A_240 = arith.constant 3 : i32
          %parallel_loop3A_241 = arith.addi %parallel_loop3A_222, %parallel_loop3A_240 : i32
          %parallel_loop3A_242 = arith.index_cast %parallel_loop3A_241 : i32 to index
          %parallel_loop3A_243 = arith.index_cast %parallel_loop3A_224 : i32 to index
          %parallel_loop3A_244 = tpu.vector_load %arg18[%parallel_loop3A_242, %parallel_loop3A_243] {strides = array<i32>} : memref<128x128xf32, #tpu.memory_space<vmem>>, vector<16xf32>,
          %parallel_loop3A_245 = arith.constant 4 : i32
          %parallel_loop3A_246 = arith.addi %parallel_loop3A_222, %parallel_loop3A_245 : i32
          %parallel_loop3A_247 = arith.index_cast %parallel_loop3A_246 : i32 to index
          %parallel_loop3A_248 = arith.index_cast %parallel_loop3A_224 : i32 to index
          %parallel_loop3A_249 = tpu.vector_load %arg18[%parallel_loop3A_247, %parallel_loop3A_248] {strides = array<i32>} : memref<128x128xf32, #tpu.memory_space<vmem>>, vector<16xf32>,
          %parallel_loop3A_250 = arith.addf %parallel_loop3A_229, %parallel_loop3A_249 : vector<16xf32>
          %parallel_loop3A_251 = arith.constant 5 : i32
          %parallel_loop3A_252 = arith.addi %parallel_loop3A_222, %parallel_loop3A_251 : i32
          %parallel_loop3A_253 = arith.index_cast %parallel_loop3A_252 : i32 to index
          %parallel_loop3A_254 = arith.index_cast %parallel_loop3A_224 : i32 to index
          %parallel_loop3A_255 = tpu.vector_load %arg18[%parallel_loop3A_253, %parallel_loop3A_254] {strides = array<i32>} : memref<128x128xf32, #tpu.memory_space<vmem>>, vector<16xf32>,
          %parallel_loop3A_256 = arith.addf %parallel_loop3A_234, %parallel_loop3A_255 : vector<16xf32>
          %parallel_loop3A_257 = arith.constant 6 : i32
          %parallel_loop3A_258 = arith.addi %parallel_loop3A_222, %parallel_loop3A_257 : i32
          %parallel_loop3A_259 = arith.index_cast %parallel_loop3A_258 : i32 to index
          %parallel_loop3A_260 = arith.index_cast %parallel_loop3A_224 : i32 to index
          %parallel_loop3A_261 = tpu.vector_load %arg18[%parallel_loop3A_259, %parallel_loop3A_260] {strides = array<i32>} : memref<128x128xf32, #tpu.memory_space<vmem>>, vector<16xf32>,
          %parallel_loop3A_262 = arith.addf %parallel_loop3A_239, %parallel_loop3A_261 : vector<16xf32>
          %parallel_loop3A_263 = arith.constant 7 : i32
          %parallel_loop3A_264 = arith.addi %parallel_loop3A_222, %parallel_loop3A_263 : i32
          %parallel_loop3A_265 = arith.index_cast %parallel_loop3A_264 : i32 to index
          %parallel_loop3A_266 = arith.index_cast %parallel_loop3A_224 : i32 to index
          %parallel_loop3A_267 = tpu.vector_load %arg18[%parallel_loop3A_265, %parallel_loop3A_266] {strides = array<i32>} : memref<128x128xf32, #tpu.memory_space<vmem>>, vector<16xf32>,
          %parallel_loop3A_268 = arith.addf %parallel_loop3A_244, %parallel_loop3A_267 : vector<16xf32>
          %parallel_loop3A_269 = arith.constant 8 : i32
          %parallel_loop3A_270 = arith.addi %parallel_loop3A_222, %parallel_loop3A_269 : i32
          %parallel_loop3A_271 = arith.index_cast %parallel_loop3A_270 : i32 to index
          %parallel_loop3A_272 = arith.index_cast %parallel_loop3A_224 : i32 to index
          %parallel_loop3A_273 = tpu.vector_load %arg18[%parallel_loop3A_271, %parallel_loop3A_272] {strides = array<i32>} : memref<128x128xf32, #tpu.memory_space<vmem>>, vector<16xf32>,
          %parallel_loop3A_274 = arith.addf %parallel_loop3A_250, %parallel_loop3A_273 : vector<16xf32>
          %parallel_loop3A_275 = arith.constant 9 : i32
          %parallel_loop3A_276 = arith.addi %parallel_loop3A_222, %parallel_loop3A_275 : i32
          %parallel_loop3A_277 = arith.index_cast %parallel_loop3A_276 : i32 to index
          %parallel_loop3A_278 = arith.index_cast %parallel_loop3A_224 : i32 to index
          %parallel_loop3A_279 = tpu.vector_load %arg18[%parallel_loop3A_277, %parallel_loop3A_278] {strides = array<i32>} : memref<128x128xf32, #tpu.memory_space<vmem>>, vector<16xf32>,
          %parallel_loop3A_280 = arith.addf %parallel_loop3A_256, %parallel_loop3A_279 : vector<16xf32>
          %parallel_loop3A_281 = arith.constant 10 : i32
          %parallel_loop3A_282 = arith.addi %parallel_loop3A_222, %parallel_loop3A_281 : i32
          %parallel_loop3A_283 = arith.index_cast %parallel_loop3A_282 : i32 to index
          %parallel_loop3A_284 = arith.index_cast %parallel_loop3A_224 : i32 to index
          %parallel_loop3A_285 = tpu.vector_load %arg18[%parallel_loop3A_283, %parallel_loop3A_284] {strides = array<i32>} : memref<128x128xf32, #tpu.memory_space<vmem>>, vector<16xf32>,
          %parallel_loop3A_286 = arith.addf %parallel_loop3A_262, %parallel_loop3A_285 : vector<16xf32>
          %parallel_loop3A_287 = arith.constant 11 : i32
          %parallel_loop3A_288 = arith.addi %parallel_loop3A_222, %parallel_loop3A_287 : i32
          %parallel_loop3A_289 = arith.index_cast %parallel_loop3A_288 : i32 to index
          %parallel_loop3A_290 = arith.index_cast %parallel_loop3A_224 : i32 to index
          %parallel_loop3A_291 = tpu.vector_load %arg18[%parallel_loop3A_289, %parallel_loop3A_290] {strides = array<i32>} : memref<128x128xf32, #tpu.memory_space<vmem>>, vector<16xf32>,
          %parallel_loop3A_292 = arith.addf %parallel_loop3A_268, %parallel_loop3A_291 : vector<16xf32>
          %parallel_loop3A_293 = arith.constant 12 : i32
          %parallel_loop3A_294 = arith.addi %parallel_loop3A_222, %parallel_loop3A_293 : i32
          %parallel_loop3A_295 = arith.index_cast %parallel_loop3A_294 : i32 to index
          %parallel_loop3A_296 = arith.index_cast %parallel_loop3A_224 : i32 to index
          %parallel_loop3A_297 = tpu.vector_load %arg18[%parallel_loop3A_295, %parallel_loop3A_296] {strides = array<i32>} : memref<128x128xf32, #tpu.memory_space<vmem>>, vector<16xf32>,
          %parallel_loop3A_298 = arith.addf %parallel_loop3A_274, %parallel_loop3A_297 : vector<16xf32>
          %parallel_loop3A_299 = arith.constant 13 : i32
          %parallel_loop3A_300 = arith.addi %parallel_loop3A_222, %parallel_loop3A_299 : i32
          %parallel_loop3A_301 = arith.index_cast %parallel_loop3A_300 : i32 to index
          %parallel_loop3A_302 = arith.index_cast %parallel_loop3A_224 : i32 to index
          %parallel_loop3A_303 = tpu.vector_load %arg18[%parallel_loop3A_301, %parallel_loop3A_302] {strides = array<i32>} : memref<128x128xf32, #tpu.memory_space<vmem>>, vector<16xf32>,
          %parallel_loop3A_304 = arith.addf %parallel_loop3A_280, %parallel_loop3A_303 : vector<16xf32>
          %parallel_loop3A_305 = arith.constant 14 : i32
          %parallel_loop3A_306 = arith.addi %parallel_loop3A_222, %parallel_loop3A_305 : i32
          %parallel_loop3A_307 = arith.index_cast %parallel_loop3A_306 : i32 to index
          %parallel_loop3A_308 = arith.index_cast %parallel_loop3A_224 : i32 to index
          %parallel_loop3A_309 = tpu.vector_load %arg18[%parallel_loop3A_307, %parallel_loop3A_308] {strides = array<i32>} : memref<128x128xf32, #tpu.memory_space<vmem>>, vector<16xf32>,
          %parallel_loop3A_310 = arith.addf %parallel_loop3A_286, %parallel_loop3A_309 : vector<16xf32>
          %parallel_loop3A_311 = arith.constant 15 : i32
          %parallel_loop3A_312 = arith.addi %parallel_loop3A_222, %parallel_loop3A_311 : i32
          %parallel_loop3A_313 = arith.index_cast %parallel_loop3A_312 : i32 to index
          %parallel_loop3A_314 = arith.index_cast %parallel_loop3A_224 : i32 to index
          %parallel_loop3A_315 = tpu.vector_load %arg18[%parallel_loop3A_313, %parallel_loop3A_314] {strides = array<i32>} : memref<128x128xf32, #tpu.memory_space<vmem>>, vector<16xf32>,
          %parallel_loop3A_316 = arith.addf %parallel_loop3A_292, %parallel_loop3A_315 : vector<16xf32>
          %parallel_loop3A_317 = arith.addf %parallel_loop3A_298, %parallel_loop3A_304 : vector<16xf32>
          %parallel_loop3A_318 = arith.addf %parallel_loop3A_310, %parallel_loop3A_316 : vector<16xf32>
          %parallel_loop3A_319 = arith.addf %parallel_loop3A_317, %parallel_loop3A_318 : vector<16xf32>
          %parallel_loop3A_320 = arith.index_cast %parallel_loop3A_218 : i32 to index
          %parallel_loop3A_321 = arith.index_cast %parallel_loop3A_224 : i32 to index
          %parallel_loop3A_322 = tpu.vector_load %arg20[%parallel_loop3A_320, %parallel_loop3A_321] {strides = array<i32>} : memref<8x128xf32, #tpu.memory_space<vmem>>, vector<16xf32>,
          tpu.vector_store %arg20[%parallel_loop3A_320, %parallel_loop3A_321], %parallel_loop3A_319 {strides = array<i32>} : memref<8x128xf32, #tpu.memory_space<vmem>>, vector<16xf32>,
        } {sc.loop_unroll_factor = 4 : i64, sc.parallel_access}
        %mul3A_209 = arith.constant 8 : i32
        %mul3A_210 = arith.muli %sub3A_206, %mul3A_209 : i32
        %add3A_211 = arith.addi %mul3A_7, %mul3A_210 : i32
        %dma_start3A_212 = arith.constant 0 : i32
        %dma_start3A_213 = tpu.memref_slice %arg8[%add3A_211, %dma_start3A_212] : memref<10000x128xf32, #tpu.memory_space<hbm>> -> memref<8x128xf32, #tpu.memory_space<hbm>>
        %dma_start3A_214 = arith.constant 0 : i32
        %dma_start3A_215 = tpu.memref_slice %arg8[%add3A_211, %dma_start3A_214] : memref<10000x128xf32, #tpu.memory_space<hbm>> -> memref<8x128xf32, #tpu.memory_space<hbm>>
        tpu.enqueue_dma source(%arg20 : memref<8x128xf32, #tpu.memory_space<vmem>>) target(%dma_start3A_215 : memref<8x128xf32, #tpu.memory_space<hbm>>) target_semaphore(%arg25 : memref<!tpu.dma_semaphore, #tpu.memory_space<semaphore_mem>>)
      } else {
      }
      %eq3A_170 = arith.constant 16 : i32
      %eq3A_171 = arith.cmpi eq, %mul3A_152, %eq3A_170 : i32
      %convert_element_type3A_172 = arith.extui %eq3A_171 : i1 to i32
      %cond3A_173 = arith.constant 0 : i32
      %cond3A_174 = arith.cmpi ne, %convert_element_type3A_172, %cond3A_173 : i32
      scf.if %cond3A_174 {
        %dma_wait3A_202 = arith.constant 0 : i32
        %dma_wait3A_203 = arith.constant 0 : i32
        %dma_wait3A_204 = tpu.memref_slice %arg14[%dma_wait3A_202, %dma_wait3A_203] : memref<320x128xf32, #tpu.memory_space<vmem>> -> memref<128x128xf32, #tpu.memory_space<vmem>>
        %dma_wait3A_205 = arith.constant 0 : i32
        %dma_wait3A_206 = tpu.memref_slice %arg13[%dma_wait3A_205] : memref<320xi32, #tpu.memory_space<vmem>> -> memref<128xi32, #tpu.memory_space<vmem>>
        %dma_wait3A_207 = arith.constant 0 : i32
        %dma_wait3A_208 = arith.constant 0 : i32
        %dma_wait3A_209 = tpu.memref_slice %arg6[%dma_wait3A_207, %dma_wait3A_208] : memref<100000x128xf32, #tpu.memory_space<hbm>> -> memref<100000x128xf32, #tpu.memory_space<hbm>>
        tpu.wait_indirect_dma semaphore(%arg26 : memref<!tpu.dma_semaphore, #tpu.memory_space<semaphore_mem>>) src(%dma_wait3A_209 : memref<100000x128xf32, #tpu.memory_space<hbm>>) dst(%dma_wait3A_204 : memref<128x128xf32, #tpu.memory_space<vmem>>)
        %dma_wait3A_210 = arith.constant 128 : i32
        %dma_wait3A_211 = arith.constant 0 : i32
        %dma_wait3A_212 = tpu.memref_slice %arg14[%dma_wait3A_210, %dma_wait3A_211] : memref<320x128xf32, #tpu.memory_space<vmem>> -> memref<128x128xf32, #tpu.memory_space<vmem>>
        %dma_wait3A_213 = arith.constant 128 : i32
        %dma_wait3A_214 = tpu.memref_slice %arg13[%dma_wait3A_213] : memref<320xi32, #tpu.memory_space<vmem>> -> memref<128xi32, #tpu.memory_space<vmem>>
        %dma_wait3A_215 = arith.constant 0 : i32
        %dma_wait3A_216 = arith.constant 0 : i32
        %dma_wait3A_217 = tpu.memref_slice %arg6[%dma_wait3A_215, %dma_wait3A_216] : memref<100000x128xf32, #tpu.memory_space<hbm>> -> memref<100000x128xf32, #tpu.memory_space<hbm>>
        tpu.wait_indirect_dma semaphore(%arg26 : memref<!tpu.dma_semaphore, #tpu.memory_space<semaphore_mem>>) src(%dma_wait3A_217 : memref<100000x128xf32, #tpu.memory_space<hbm>>) dst(%dma_wait3A_212 : memref<128x128xf32, #tpu.memory_space<vmem>>)
        %dma_wait3A_218 = arith.constant 256 : i32
        %dma_wait3A_219 = arith.constant 0 : i32
        %dma_wait3A_220 = tpu.memref_slice %arg14[%dma_wait3A_218, %dma_wait3A_219] : memref<320x128xf32, #tpu.memory_space<vmem>> -> memref<64x128xf32, #tpu.memory_space<vmem>>
        %dma_wait3A_221 = arith.constant 256 : i32
        %dma_wait3A_222 = tpu.memref_slice %arg13[%dma_wait3A_221] : memref<320xi32, #tpu.memory_space<vmem>> -> memref<64xi32, #tpu.memory_space<vmem>>
        %dma_wait3A_223 = arith.constant 0 : i32
        %dma_wait3A_224 = arith.constant 0 : i32
        %dma_wait3A_225 = tpu.memref_slice %arg6[%dma_wait3A_223, %dma_wait3A_224] : memref<100000x128xf32, #tpu.memory_space<hbm>> -> memref<100000x128xf32, #tpu.memory_space<hbm>>
        tpu.wait_indirect_dma semaphore(%arg26 : memref<!tpu.dma_semaphore, #tpu.memory_space<semaphore_mem>>) src(%dma_wait3A_225 : memref<100000x128xf32, #tpu.memory_space<hbm>>) dst(%dma_wait3A_220 : memref<64x128xf32, #tpu.memory_space<vmem>>)
        %dma_start3A_226 = arith.constant 0 : i32
        %dma_start3A_227 = arith.constant 0 : i32
        %dma_start3A_228 = tpu.memref_slice %arg14[%dma_start3A_226, %dma_start3A_227] : memref<320x128xf32, #tpu.memory_space<vmem>> -> memref<312x128xf32, #tpu.memory_space<vmem>>
        %dma_start3A_229 = arith.constant 0 : i32
        %dma_start3A_230 = tpu.memref_slice %arg7[%mul3A_7, %dma_start3A_229] : memref<10000x128xf32, #tpu.memory_space<hbm>> -> memref<312x128xf32, #tpu.memory_space<hbm>>
        %dma_start3A_231 = arith.constant 0 : i32
        %dma_start3A_232 = tpu.memref_slice %arg7[%mul3A_7, %dma_start3A_231] : memref<10000x128xf32, #tpu.memory_space<hbm>> -> memref<312x128xf32, #tpu.memory_space<hbm>>
        %dma_start3A_233 = arith.constant 0 : i32
        %dma_start3A_234 = arith.constant 0 : i32
        %dma_start3A_235 = tpu.memref_slice %arg14[%dma_start3A_233, %dma_start3A_234] : memref<320x128xf32, #tpu.memory_space<vmem>> -> memref<312x128xf32, #tpu.memory_space<vmem>>
        tpu.enqueue_dma source(%dma_start3A_235 : memref<312x128xf32, #tpu.memory_space<vmem>>) target(%dma_start3A_232 : memref<312x128xf32, #tpu.memory_space<hbm>>) target_semaphore(%arg26 : memref<!tpu.dma_semaphore, #tpu.memory_space<semaphore_mem>>)
      } else {
      }
      %mul3A_175 = arith.constant 2 : i32
      %mul3A_176 = arith.muli %mul3A_175, %while3A_150 : i32
      %add3A_177 = arith.constant 1 : i32
      %add3A_178 = arith.addi %mul3A_176, %add3A_177 : i32
      %ge3A_179 = arith.constant 2 : i32
      %ge3A_180 = arith.cmpi sge, %add3A_178, %ge3A_179 : i32
      %le3A_181 = arith.cmpi sle, %add3A_178, %add3A_11 : i32
      %and3A_182 = arith.andi %ge3A_180, %le3A_181 : i1
      %convert_element_type3A_183 = arith.extui %and3A_182 : i1 to i32
      %cond3A_184 = arith.constant 0 : i32
      %cond3A_185 = arith.cmpi ne, %convert_element_type3A_183, %cond3A_184 : i32
      scf.if %cond3A_185 {
        %dma_wait3A_202 = arith.constant 0 : i32
        %dma_wait3A_203 = arith.constant 0 : i32
        %dma_wait3A_204 = tpu.memref_slice %arg8[%dma_wait3A_202, %dma_wait3A_203] : memref<10000x128xf32, #tpu.memory_space<hbm>> -> memref<8x128xf32, #tpu.memory_space<hbm>>
        %dma_wait3A_205 = arith.constant 0 : i32
        %dma_wait3A_206 = arith.constant 0 : i32
        %dma_wait3A_207 = tpu.memref_slice %arg8[%dma_wait3A_205, %dma_wait3A_206] : memref<10000x128xf32, #tpu.memory_space<hbm>> -> memref<8x128xf32, #tpu.memory_space<hbm>>
        tpu.wait_dma2 semaphore(%arg25 : memref<!tpu.dma_semaphore, #tpu.memory_space<semaphore_mem>>) src(%arg20 : memref<8x128xf32, #tpu.memory_space<vmem>>) dst(%dma_wait3A_207 : memref<8x128xf32, #tpu.memory_space<hbm>>)
      } else {
      }
      %lt3A_186 = arith.cmpi slt, %add3A_178, %add3A_11 : i32
      %convert_element_type3A_187 = arith.extui %lt3A_186 : i1 to i32
      %cond3A_188 = arith.constant 0 : i32
      %cond3A_189 = arith.cmpi ne, %convert_element_type3A_187, %cond3A_188 : i32
      scf.if %cond3A_189 {
        %mul3A_202 = arith.constant 8 : i32
        %mul3A_203 = arith.muli %add3A_178, %mul3A_202 : i32
        %add3A_204 = arith.constant 0 : i32
        %add3A_205 = arith.addi %mul3A_203, %add3A_204 : i32
        %iota3A = tpu.iota {dimensions = array<i32: 0>} : vector<16xi32>
        %broadcast_in_dim3A = vector.broadcast %add3A_205 : i32 to vector<16xi32>
        %gather3A = tpu.vector_load_idx %arg10[%broadcast_in_dim3A] : memref<320xf32, #tpu.memory_space<vmem>>[vector<16xi32>], vector<16xf32>,
        %gather3A_206 = tpu.vector_load_idx %arg11[%iota3A, %broadcast_in_dim3A] : memref<32x320xf32, #tpu.memory_space<vmem>>[vector<16xi32>, vector<16xi32>], vector<16xf32>,
        %add3A_207 = arith.constant 16 : i32
        %add3A_208 = vector.broadcast %add3A_207 : i32 to vector<16xi32>
        %add3A_209 = arith.addi %iota3A, %add3A_208 : vector<16xi32>
        %gather3A_210 = tpu.vector_load_idx %arg11[%add3A_209, %broadcast_in_dim3A] : memref<32x320xf32, #tpu.memory_space<vmem>>[vector<16xi32>, vector<16xi32>], vector<16xf32>,
        %sub3A_211 = arith.subf %gather3A_206, %gather3A : vector<16xf32>
        %abs3A = math.absf %sub3A_211 : vector<16xf32>
        %sub3A_212 = arith.subf %gather3A_210, %gather3A : vector<16xf32>
        %abs3A_213 = math.absf %sub3A_212 : vector<16xf32>
        %gather3A_214 = tpu.vector_load_idx %arg12[%iota3A, %broadcast_in_dim3A] : memref<32x320xi32, #tpu.memory_space<vmem>>[vector<16xi32>, vector<16xi32>], vector<16xi32>,
        %add3A_215 = arith.constant 16 : i32
        %add3A_216 = vector.broadcast %add3A_215 : i32 to vector<16xi32>
        %add3A_217 = arith.addi %iota3A, %add3A_216 : vector<16xi32>
        %gather3A_218 = tpu.vector_load_idx %arg12[%add3A_217, %broadcast_in_dim3A] : memref<32x320xi32, #tpu.memory_space<vmem>>[vector<16xi32>, vector<16xi32>], vector<16xi32>,
        %masked_sort3A = arith.constant dense<true> : vector<16xi1>
        %masked_sort3A_219, %masked_sort3A_220, %masked_sort3A_221 = tpu.sort %abs3A, %gather3A_214 masked %masked_sort3A : (vector<16xf32>, vector<16xi32>, vector<16xi1>) -> (vector<16xi1>, vector<16xf32>, vector<16xi32>)
        %masked_sort3A_222 = arith.constant dense<true> : vector<16xi1>
        %masked_sort3A_223, %masked_sort3A_224, %masked_sort3A_225 = tpu.sort %abs3A_213, %gather3A_218 masked %masked_sort3A_222 : (vector<16xf32>, vector<16xi32>, vector<16xi1>) -> (vector<16xi1>, vector<16xf32>, vector<16xi32>)
        %rev3A = arith.constant 15 : i32
        %rev3A_226 = vector.broadcast %rev3A : i32 to vector<16xi32>
        %rev3A_227 = tpu.iota {dimensions = array<i32: 0>} : vector<16xi32>
        %rev3A_228 = arith.subi %rev3A_226, %rev3A_227 : vector<16xi32>
        %rev3A_229 = tpu.dynamic_gather %masked_sort3A_224[%rev3A_228] in [0] : vector<16xf32>, vector<16xi32> -> vector<16xf32>
        %rev3A_230 = arith.constant 15 : i32
        %rev3A_231 = vector.broadcast %rev3A_230 : i32 to vector<16xi32>
        %rev3A_232 = tpu.iota {dimensions = array<i32: 0>} : vector<16xi32>
        %rev3A_233 = arith.subi %rev3A_231, %rev3A_232 : vector<16xi32>
        %rev3A_234 = tpu.dynamic_gather %masked_sort3A_225[%rev3A_233] in [0] : vector<16xi32>, vector<16xi32> -> vector<16xi32>
        %le3A_235 = arith.cmpf ole, %masked_sort3A_220, %rev3A_229 : vector<16xf32>
        %select_n3A_236 = arith.select %le3A_235, %masked_sort3A_220, %rev3A_229 : vector<16xi1>, vector<16xf32>
        %select_n3A_237 = arith.select %le3A_235, %masked_sort3A_221, %rev3A_234 : vector<16xi1>, vector<16xi32>
        %masked_sort3A_238 = arith.constant dense<true> : vector<16xi1>
        %masked_sort3A_239, %masked_sort3A_240, %masked_sort3A_241 = tpu.sort %select_n3A_236, %select_n3A_237 masked %masked_sort3A_238 : (vector<16xf32>, vector<16xi32>, vector<16xi1>) -> (vector<16xi1>, vector<16xf32>, vector<16xi32>)
        tpu.vector_store_idx %arg21[%iota3A, %broadcast_in_dim3A], %masked_sort3A_240 : memref<16x320xf32, #tpu.memory_space<vmem>>[vector<16xi32>, vector<16xi32>], vector<16xf32>,
        %swap3A = arith.constant 0 : index
        %swap3A_242 = tpu.vector_load %arg16[%swap3A] {strides = array<i32>} : memref<128xi32, #tpu.memory_space<vmem>>, vector<16xi32>,
        tpu.vector_store %arg16[%swap3A], %masked_sort3A_241 {strides = array<i32>} : memref<128xi32, #tpu.memory_space<vmem>>, vector<16xi32>,
        %add3A_243 = arith.constant 1 : i32
        %add3A_244 = arith.addi %mul3A_203, %add3A_243 : i32
        %iota3A_245 = tpu.iota {dimensions = array<i32: 0>} : vector<16xi32>
        %broadcast_in_dim3A_246 = vector.broadcast %add3A_244 : i32 to vector<16xi32>
        %gather3A_247 = tpu.vector_load_idx %arg10[%broadcast_in_dim3A_246] : memref<320xf32, #tpu.memory_space<vmem>>[vector<16xi32>], vector<16xf32>,
        %gather3A_248 = tpu.vector_load_idx %arg11[%iota3A_245, %broadcast_in_dim3A_246] : memref<32x320xf32, #tpu.memory_space<vmem>>[vector<16xi32>, vector<16xi32>], vector<16xf32>,
        %add3A_249 = arith.constant 16 : i32
        %add3A_250 = vector.broadcast %add3A_249 : i32 to vector<16xi32>
        %add3A_251 = arith.addi %iota3A_245, %add3A_250 : vector<16xi32>
        %gather3A_252 = tpu.vector_load_idx %arg11[%add3A_251, %broadcast_in_dim3A_246] : memref<32x320xf32, #tpu.memory_space<vmem>>[vector<16xi32>, vector<16xi32>], vector<16xf32>,
        %sub3A_253 = arith.subf %gather3A_248, %gather3A_247 : vector<16xf32>
        %abs3A_254 = math.absf %sub3A_253 : vector<16xf32>
        %sub3A_255 = arith.subf %gather3A_252, %gather3A_247 : vector<16xf32>
        %abs3A_256 = math.absf %sub3A_255 : vector<16xf32>
        %gather3A_257 = tpu.vector_load_idx %arg12[%iota3A_245, %broadcast_in_dim3A_246] : memref<32x320xi32, #tpu.memory_space<vmem>>[vector<16xi32>, vector<16xi32>], vector<16xi32>,
        %add3A_258 = arith.constant 16 : i32
        %add3A_259 = vector.broadcast %add3A_258 : i32 to vector<16xi32>
        %add3A_260 = arith.addi %iota3A_245, %add3A_259 : vector<16xi32>
        %gather3A_261 = tpu.vector_load_idx %arg12[%add3A_260, %broadcast_in_dim3A_246] : memref<32x320xi32, #tpu.memory_space<vmem>>[vector<16xi32>, vector<16xi32>], vector<16xi32>,
        %masked_sort3A_262 = arith.constant dense<true> : vector<16xi1>
        %masked_sort3A_263, %masked_sort3A_264, %masked_sort3A_265 = tpu.sort %abs3A_254, %gather3A_257 masked %masked_sort3A_262 : (vector<16xf32>, vector<16xi32>, vector<16xi1>) -> (vector<16xi1>, vector<16xf32>, vector<16xi32>)
        %masked_sort3A_266 = arith.constant dense<true> : vector<16xi1>
        %masked_sort3A_267, %masked_sort3A_268, %masked_sort3A_269 = tpu.sort %abs3A_256, %gather3A_261 masked %masked_sort3A_266 : (vector<16xf32>, vector<16xi32>, vector<16xi1>) -> (vector<16xi1>, vector<16xf32>, vector<16xi32>)
        %rev3A_270 = arith.constant 15 : i32
        %rev3A_271 = vector.broadcast %rev3A_270 : i32 to vector<16xi32>
        %rev3A_272 = tpu.iota {dimensions = array<i32: 0>} : vector<16xi32>
        %rev3A_273 = arith.subi %rev3A_271, %rev3A_272 : vector<16xi32>
        %rev3A_274 = tpu.dynamic_gather %masked_sort3A_268[%rev3A_273] in [0] : vector<16xf32>, vector<16xi32> -> vector<16xf32>
        %rev3A_275 = arith.constant 15 : i32
        %rev3A_276 = vector.broadcast %rev3A_275 : i32 to vector<16xi32>
        %rev3A_277 = tpu.iota {dimensions = array<i32: 0>} : vector<16xi32>
        %rev3A_278 = arith.subi %rev3A_276, %rev3A_277 : vector<16xi32>
        %rev3A_279 = tpu.dynamic_gather %masked_sort3A_269[%rev3A_278] in [0] : vector<16xi32>, vector<16xi32> -> vector<16xi32>
        %le3A_280 = arith.cmpf ole, %masked_sort3A_264, %rev3A_274 : vector<16xf32>
        %select_n3A_281 = arith.select %le3A_280, %masked_sort3A_264, %rev3A_274 : vector<16xi1>, vector<16xf32>
        %select_n3A_282 = arith.select %le3A_280, %masked_sort3A_265, %rev3A_279 : vector<16xi1>, vector<16xi32>
        %masked_sort3A_283 = arith.constant dense<true> : vector<16xi1>
        %masked_sort3A_284, %masked_sort3A_285, %masked_sort3A_286 = tpu.sort %select_n3A_281, %select_n3A_282 masked %masked_sort3A_283 : (vector<16xf32>, vector<16xi32>, vector<16xi1>) -> (vector<16xi1>, vector<16xf32>, vector<16xi32>)
        tpu.vector_store_idx %arg21[%iota3A_245, %broadcast_in_dim3A_246], %masked_sort3A_285 : memref<16x320xf32, #tpu.memory_space<vmem>>[vector<16xi32>, vector<16xi32>], vector<16xf32>,
        %swap3A_287 = arith.constant 16 : index
        %swap3A_288 = tpu.vector_load %arg16[%swap3A_287] {strides = array<i32>} : memref<128xi32, #tpu.memory_space<vmem>>, vector<16xi32>,
        tpu.vector_store %arg16[%swap3A_287], %masked_sort3A_286 {strides = array<i32>} : memref<128xi32, #tpu.memory_space<vmem>>, vector<16xi32>,
        %add3A_289 = arith.constant 2 : i32
        %add3A_290 = arith.addi %mul3A_203, %add3A_289 : i32
        %iota3A_291 = tpu.iota {dimensions = array<i32: 0>} : vector<16xi32>
        %broadcast_in_dim3A_292 = vector.broadcast %add3A_290 : i32 to vector<16xi32>
        %gather3A_293 = tpu.vector_load_idx %arg10[%broadcast_in_dim3A_292] : memref<320xf32, #tpu.memory_space<vmem>>[vector<16xi32>], vector<16xf32>,
        %gather3A_294 = tpu.vector_load_idx %arg11[%iota3A_291, %broadcast_in_dim3A_292] : memref<32x320xf32, #tpu.memory_space<vmem>>[vector<16xi32>, vector<16xi32>], vector<16xf32>,
        %add3A_295 = arith.constant 16 : i32
        %add3A_296 = vector.broadcast %add3A_295 : i32 to vector<16xi32>
        %add3A_297 = arith.addi %iota3A_291, %add3A_296 : vector<16xi32>
        %gather3A_298 = tpu.vector_load_idx %arg11[%add3A_297, %broadcast_in_dim3A_292] : memref<32x320xf32, #tpu.memory_space<vmem>>[vector<16xi32>, vector<16xi32>], vector<16xf32>,
        %sub3A_299 = arith.subf %gather3A_294, %gather3A_293 : vector<16xf32>
        %abs3A_300 = math.absf %sub3A_299 : vector<16xf32>
        %sub3A_301 = arith.subf %gather3A_298, %gather3A_293 : vector<16xf32>
        %abs3A_302 = math.absf %sub3A_301 : vector<16xf32>
        %gather3A_303 = tpu.vector_load_idx %arg12[%iota3A_291, %broadcast_in_dim3A_292] : memref<32x320xi32, #tpu.memory_space<vmem>>[vector<16xi32>, vector<16xi32>], vector<16xi32>,
        %add3A_304 = arith.constant 16 : i32
        %add3A_305 = vector.broadcast %add3A_304 : i32 to vector<16xi32>
        %add3A_306 = arith.addi %iota3A_291, %add3A_305 : vector<16xi32>
        %gather3A_307 = tpu.vector_load_idx %arg12[%add3A_306, %broadcast_in_dim3A_292] : memref<32x320xi32, #tpu.memory_space<vmem>>[vector<16xi32>, vector<16xi32>], vector<16xi32>,
        %masked_sort3A_308 = arith.constant dense<true> : vector<16xi1>
        %masked_sort3A_309, %masked_sort3A_310, %masked_sort3A_311 = tpu.sort %abs3A_300, %gather3A_303 masked %masked_sort3A_308 : (vector<16xf32>, vector<16xi32>, vector<16xi1>) -> (vector<16xi1>, vector<16xf32>, vector<16xi32>)
        %masked_sort3A_312 = arith.constant dense<true> : vector<16xi1>
        %masked_sort3A_313, %masked_sort3A_314, %masked_sort3A_315 = tpu.sort %abs3A_302, %gather3A_307 masked %masked_sort3A_312 : (vector<16xf32>, vector<16xi32>, vector<16xi1>) -> (vector<16xi1>, vector<16xf32>, vector<16xi32>)
        %rev3A_316 = arith.constant 15 : i32
        %rev3A_317 = vector.broadcast %rev3A_316 : i32 to vector<16xi32>
        %rev3A_318 = tpu.iota {dimensions = array<i32: 0>} : vector<16xi32>
        %rev3A_319 = arith.subi %rev3A_317, %rev3A_318 : vector<16xi32>
        %rev3A_320 = tpu.dynamic_gather %masked_sort3A_314[%rev3A_319] in [0] : vector<16xf32>, vector<16xi32> -> vector<16xf32>
        %rev3A_321 = arith.constant 15 : i32
        %rev3A_322 = vector.broadcast %rev3A_321 : i32 to vector<16xi32>
        %rev3A_323 = tpu.iota {dimensions = array<i32: 0>} : vector<16xi32>
        %rev3A_324 = arith.subi %rev3A_322, %rev3A_323 : vector<16xi32>
        %rev3A_325 = tpu.dynamic_gather %masked_sort3A_315[%rev3A_324] in [0] : vector<16xi32>, vector<16xi32> -> vector<16xi32>
        %le3A_326 = arith.cmpf ole, %masked_sort3A_310, %rev3A_320 : vector<16xf32>
        %select_n3A_327 = arith.select %le3A_326, %masked_sort3A_310, %rev3A_320 : vector<16xi1>, vector<16xf32>
        %select_n3A_328 = arith.select %le3A_326, %masked_sort3A_311, %rev3A_325 : vector<16xi1>, vector<16xi32>
        %masked_sort3A_329 = arith.constant dense<true> : vector<16xi1>
        %masked_sort3A_330, %masked_sort3A_331, %masked_sort3A_332 = tpu.sort %select_n3A_327, %select_n3A_328 masked %masked_sort3A_329 : (vector<16xf32>, vector<16xi32>, vector<16xi1>) -> (vector<16xi1>, vector<16xf32>, vector<16xi32>)
        tpu.vector_store_idx %arg21[%iota3A_291, %broadcast_in_dim3A_292], %masked_sort3A_331 : memref<16x320xf32, #tpu.memory_space<vmem>>[vector<16xi32>, vector<16xi32>], vector<16xf32>,
        %swap3A_333 = arith.constant 32 : index
        %swap3A_334 = tpu.vector_load %arg16[%swap3A_333] {strides = array<i32>} : memref<128xi32, #tpu.memory_space<vmem>>, vector<16xi32>,
        tpu.vector_store %arg16[%swap3A_333], %masked_sort3A_332 {strides = array<i32>} : memref<128xi32, #tpu.memory_space<vmem>>, vector<16xi32>,
        %add3A_335 = arith.constant 3 : i32
        %add3A_336 = arith.addi %mul3A_203, %add3A_335 : i32
        %iota3A_337 = tpu.iota {dimensions = array<i32: 0>} : vector<16xi32>
        %broadcast_in_dim3A_338 = vector.broadcast %add3A_336 : i32 to vector<16xi32>
        %gather3A_339 = tpu.vector_load_idx %arg10[%broadcast_in_dim3A_338] : memref<320xf32, #tpu.memory_space<vmem>>[vector<16xi32>], vector<16xf32>,
        %gather3A_340 = tpu.vector_load_idx %arg11[%iota3A_337, %broadcast_in_dim3A_338] : memref<32x320xf32, #tpu.memory_space<vmem>>[vector<16xi32>, vector<16xi32>], vector<16xf32>,
        %add3A_341 = arith.constant 16 : i32
        %add3A_342 = vector.broadcast %add3A_341 : i32 to vector<16xi32>
        %add3A_343 = arith.addi %iota3A_337, %add3A_342 : vector<16xi32>
        %gather3A_344 = tpu.vector_load_idx %arg11[%add3A_343, %broadcast_in_dim3A_338] : memref<32x320xf32, #tpu.memory_space<vmem>>[vector<16xi32>, vector<16xi32>], vector<16xf32>,
        %sub3A_345 = arith.subf %gather3A_340, %gather3A_339 : vector<16xf32>
        %abs3A_346 = math.absf %sub3A_345 : vector<16xf32>
        %sub3A_347 = arith.subf %gather3A_344, %gather3A_339 : vector<16xf32>
        %abs3A_348 = math.absf %sub3A_347 : vector<16xf32>
        %gather3A_349 = tpu.vector_load_idx %arg12[%iota3A_337, %broadcast_in_dim3A_338] : memref<32x320xi32, #tpu.memory_space<vmem>>[vector<16xi32>, vector<16xi32>], vector<16xi32>,
        %add3A_350 = arith.constant 16 : i32
        %add3A_351 = vector.broadcast %add3A_350 : i32 to vector<16xi32>
        %add3A_352 = arith.addi %iota3A_337, %add3A_351 : vector<16xi32>
        %gather3A_353 = tpu.vector_load_idx %arg12[%add3A_352, %broadcast_in_dim3A_338] : memref<32x320xi32, #tpu.memory_space<vmem>>[vector<16xi32>, vector<16xi32>], vector<16xi32>,
        %masked_sort3A_354 = arith.constant dense<true> : vector<16xi1>
        %masked_sort3A_355, %masked_sort3A_356, %masked_sort3A_357 = tpu.sort %abs3A_346, %gather3A_349 masked %masked_sort3A_354 : (vector<16xf32>, vector<16xi32>, vector<16xi1>) -> (vector<16xi1>, vector<16xf32>, vector<16xi32>)
        %masked_sort3A_358 = arith.constant dense<true> : vector<16xi1>
        %masked_sort3A_359, %masked_sort3A_360, %masked_sort3A_361 = tpu.sort %abs3A_348, %gather3A_353 masked %masked_sort3A_358 : (vector<16xf32>, vector<16xi32>, vector<16xi1>) -> (vector<16xi1>, vector<16xf32>, vector<16xi32>)
        %rev3A_362 = arith.constant 15 : i32
        %rev3A_363 = vector.broadcast %rev3A_362 : i32 to vector<16xi32>
        %rev3A_364 = tpu.iota {dimensions = array<i32: 0>} : vector<16xi32>
        %rev3A_365 = arith.subi %rev3A_363, %rev3A_364 : vector<16xi32>
        %rev3A_366 = tpu.dynamic_gather %masked_sort3A_360[%rev3A_365] in [0] : vector<16xf32>, vector<16xi32> -> vector<16xf32>
        %rev3A_367 = arith.constant 15 : i32
        %rev3A_368 = vector.broadcast %rev3A_367 : i32 to vector<16xi32>
        %rev3A_369 = tpu.iota {dimensions = array<i32: 0>} : vector<16xi32>
        %rev3A_370 = arith.subi %rev3A_368, %rev3A_369 : vector<16xi32>
        %rev3A_371 = tpu.dynamic_gather %masked_sort3A_361[%rev3A_370] in [0] : vector<16xi32>, vector<16xi32> -> vector<16xi32>
        %le3A_372 = arith.cmpf ole, %masked_sort3A_356, %rev3A_366 : vector<16xf32>
        %select_n3A_373 = arith.select %le3A_372, %masked_sort3A_356, %rev3A_366 : vector<16xi1>, vector<16xf32>
        %select_n3A_374 = arith.select %le3A_372, %masked_sort3A_357, %rev3A_371 : vector<16xi1>, vector<16xi32>
        %masked_sort3A_375 = arith.constant dense<true> : vector<16xi1>
        %masked_sort3A_376, %masked_sort3A_377, %masked_sort3A_378 = tpu.sort %select_n3A_373, %select_n3A_374 masked %masked_sort3A_375 : (vector<16xf32>, vector<16xi32>, vector<16xi1>) -> (vector<16xi1>, vector<16xf32>, vector<16xi32>)
        tpu.vector_store_idx %arg21[%iota3A_337, %broadcast_in_dim3A_338], %masked_sort3A_377 : memref<16x320xf32, #tpu.memory_space<vmem>>[vector<16xi32>, vector<16xi32>], vector<16xf32>,
        %swap3A_379 = arith.constant 48 : index
        %swap3A_380 = tpu.vector_load %arg16[%swap3A_379] {strides = array<i32>} : memref<128xi32, #tpu.memory_space<vmem>>, vector<16xi32>,
        tpu.vector_store %arg16[%swap3A_379], %masked_sort3A_378 {strides = array<i32>} : memref<128xi32, #tpu.memory_space<vmem>>, vector<16xi32>,
        %add3A_381 = arith.constant 4 : i32
        %add3A_382 = arith.addi %mul3A_203, %add3A_381 : i32
        %iota3A_383 = tpu.iota {dimensions = array<i32: 0>} : vector<16xi32>
        %broadcast_in_dim3A_384 = vector.broadcast %add3A_382 : i32 to vector<16xi32>
        %gather3A_385 = tpu.vector_load_idx %arg10[%broadcast_in_dim3A_384] : memref<320xf32, #tpu.memory_space<vmem>>[vector<16xi32>], vector<16xf32>,
        %gather3A_386 = tpu.vector_load_idx %arg11[%iota3A_383, %broadcast_in_dim3A_384] : memref<32x320xf32, #tpu.memory_space<vmem>>[vector<16xi32>, vector<16xi32>], vector<16xf32>,
        %add3A_387 = arith.constant 16 : i32
        %add3A_388 = vector.broadcast %add3A_387 : i32 to vector<16xi32>
        %add3A_389 = arith.addi %iota3A_383, %add3A_388 : vector<16xi32>
        %gather3A_390 = tpu.vector_load_idx %arg11[%add3A_389, %broadcast_in_dim3A_384] : memref<32x320xf32, #tpu.memory_space<vmem>>[vector<16xi32>, vector<16xi32>], vector<16xf32>,
        %sub3A_391 = arith.subf %gather3A_386, %gather3A_385 : vector<16xf32>
        %abs3A_392 = math.absf %sub3A_391 : vector<16xf32>
        %sub3A_393 = arith.subf %gather3A_390, %gather3A_385 : vector<16xf32>
        %abs3A_394 = math.absf %sub3A_393 : vector<16xf32>
        %gather3A_395 = tpu.vector_load_idx %arg12[%iota3A_383, %broadcast_in_dim3A_384] : memref<32x320xi32, #tpu.memory_space<vmem>>[vector<16xi32>, vector<16xi32>], vector<16xi32>,
        %add3A_396 = arith.constant 16 : i32
        %add3A_397 = vector.broadcast %add3A_396 : i32 to vector<16xi32>
        %add3A_398 = arith.addi %iota3A_383, %add3A_397 : vector<16xi32>
        %gather3A_399 = tpu.vector_load_idx %arg12[%add3A_398, %broadcast_in_dim3A_384] : memref<32x320xi32, #tpu.memory_space<vmem>>[vector<16xi32>, vector<16xi32>], vector<16xi32>,
        %masked_sort3A_400 = arith.constant dense<true> : vector<16xi1>
        %masked_sort3A_401, %masked_sort3A_402, %masked_sort3A_403 = tpu.sort %abs3A_392, %gather3A_395 masked %masked_sort3A_400 : (vector<16xf32>, vector<16xi32>, vector<16xi1>) -> (vector<16xi1>, vector<16xf32>, vector<16xi32>)
        %masked_sort3A_404 = arith.constant dense<true> : vector<16xi1>
        %masked_sort3A_405, %masked_sort3A_406, %masked_sort3A_407 = tpu.sort %abs3A_394, %gather3A_399 masked %masked_sort3A_404 : (vector<16xf32>, vector<16xi32>, vector<16xi1>) -> (vector<16xi1>, vector<16xf32>, vector<16xi32>)
        %rev3A_408 = arith.constant 15 : i32
        %rev3A_409 = vector.broadcast %rev3A_408 : i32 to vector<16xi32>
        %rev3A_410 = tpu.iota {dimensions = array<i32: 0>} : vector<16xi32>
        %rev3A_411 = arith.subi %rev3A_409, %rev3A_410 : vector<16xi32>
        %rev3A_412 = tpu.dynamic_gather %masked_sort3A_406[%rev3A_411] in [0] : vector<16xf32>, vector<16xi32> -> vector<16xf32>
        %rev3A_413 = arith.constant 15 : i32
        %rev3A_414 = vector.broadcast %rev3A_413 : i32 to vector<16xi32>
        %rev3A_415 = tpu.iota {dimensions = array<i32: 0>} : vector<16xi32>
        %rev3A_416 = arith.subi %rev3A_414, %rev3A_415 : vector<16xi32>
        %rev3A_417 = tpu.dynamic_gather %masked_sort3A_407[%rev3A_416] in [0] : vector<16xi32>, vector<16xi32> -> vector<16xi32>
        %le3A_418 = arith.cmpf ole, %masked_sort3A_402, %rev3A_412 : vector<16xf32>
        %select_n3A_419 = arith.select %le3A_418, %masked_sort3A_402, %rev3A_412 : vector<16xi1>, vector<16xf32>
        %select_n3A_420 = arith.select %le3A_418, %masked_sort3A_403, %rev3A_417 : vector<16xi1>, vector<16xi32>
        %masked_sort3A_421 = arith.constant dense<true> : vector<16xi1>
        %masked_sort3A_422, %masked_sort3A_423, %masked_sort3A_424 = tpu.sort %select_n3A_419, %select_n3A_420 masked %masked_sort3A_421 : (vector<16xf32>, vector<16xi32>, vector<16xi1>) -> (vector<16xi1>, vector<16xf32>, vector<16xi32>)
        tpu.vector_store_idx %arg21[%iota3A_383, %broadcast_in_dim3A_384], %masked_sort3A_423 : memref<16x320xf32, #tpu.memory_space<vmem>>[vector<16xi32>, vector<16xi32>], vector<16xf32>,
        %swap3A_425 = arith.constant 64 : index
        %swap3A_426 = tpu.vector_load %arg16[%swap3A_425] {strides = array<i32>} : memref<128xi32, #tpu.memory_space<vmem>>, vector<16xi32>,
        tpu.vector_store %arg16[%swap3A_425], %masked_sort3A_424 {strides = array<i32>} : memref<128xi32, #tpu.memory_space<vmem>>, vector<16xi32>,
        %add3A_427 = arith.constant 5 : i32
        %add3A_428 = arith.addi %mul3A_203, %add3A_427 : i32
        %iota3A_429 = tpu.iota {dimensions = array<i32: 0>} : vector<16xi32>
        %broadcast_in_dim3A_430 = vector.broadcast %add3A_428 : i32 to vector<16xi32>
        %gather3A_431 = tpu.vector_load_idx %arg10[%broadcast_in_dim3A_430] : memref<320xf32, #tpu.memory_space<vmem>>[vector<16xi32>], vector<16xf32>,
        %gather3A_432 = tpu.vector_load_idx %arg11[%iota3A_429, %broadcast_in_dim3A_430] : memref<32x320xf32, #tpu.memory_space<vmem>>[vector<16xi32>, vector<16xi32>], vector<16xf32>,
        %add3A_433 = arith.constant 16 : i32
        %add3A_434 = vector.broadcast %add3A_433 : i32 to vector<16xi32>
        %add3A_435 = arith.addi %iota3A_429, %add3A_434 : vector<16xi32>
        %gather3A_436 = tpu.vector_load_idx %arg11[%add3A_435, %broadcast_in_dim3A_430] : memref<32x320xf32, #tpu.memory_space<vmem>>[vector<16xi32>, vector<16xi32>], vector<16xf32>,
        %sub3A_437 = arith.subf %gather3A_432, %gather3A_431 : vector<16xf32>
        %abs3A_438 = math.absf %sub3A_437 : vector<16xf32>
        %sub3A_439 = arith.subf %gather3A_436, %gather3A_431 : vector<16xf32>
        %abs3A_440 = math.absf %sub3A_439 : vector<16xf32>
        %gather3A_441 = tpu.vector_load_idx %arg12[%iota3A_429, %broadcast_in_dim3A_430] : memref<32x320xi32, #tpu.memory_space<vmem>>[vector<16xi32>, vector<16xi32>], vector<16xi32>,
        %add3A_442 = arith.constant 16 : i32
        %add3A_443 = vector.broadcast %add3A_442 : i32 to vector<16xi32>
        %add3A_444 = arith.addi %iota3A_429, %add3A_443 : vector<16xi32>
        %gather3A_445 = tpu.vector_load_idx %arg12[%add3A_444, %broadcast_in_dim3A_430] : memref<32x320xi32, #tpu.memory_space<vmem>>[vector<16xi32>, vector<16xi32>], vector<16xi32>,
        %masked_sort3A_446 = arith.constant dense<true> : vector<16xi1>
        %masked_sort3A_447, %masked_sort3A_448, %masked_sort3A_449 = tpu.sort %abs3A_438, %gather3A_441 masked %masked_sort3A_446 : (vector<16xf32>, vector<16xi32>, vector<16xi1>) -> (vector<16xi1>, vector<16xf32>, vector<16xi32>)
        %masked_sort3A_450 = arith.constant dense<true> : vector<16xi1>
        %masked_sort3A_451, %masked_sort3A_452, %masked_sort3A_453 = tpu.sort %abs3A_440, %gather3A_445 masked %masked_sort3A_450 : (vector<16xf32>, vector<16xi32>, vector<16xi1>) -> (vector<16xi1>, vector<16xf32>, vector<16xi32>)
        %rev3A_454 = arith.constant 15 : i32
        %rev3A_455 = vector.broadcast %rev3A_454 : i32 to vector<16xi32>
        %rev3A_456 = tpu.iota {dimensions = array<i32: 0>} : vector<16xi32>
        %rev3A_457 = arith.subi %rev3A_455, %rev3A_456 : vector<16xi32>
        %rev3A_458 = tpu.dynamic_gather %masked_sort3A_452[%rev3A_457] in [0] : vector<16xf32>, vector<16xi32> -> vector<16xf32>
        %rev3A_459 = arith.constant 15 : i32
        %rev3A_460 = vector.broadcast %rev3A_459 : i32 to vector<16xi32>
        %rev3A_461 = tpu.iota {dimensions = array<i32: 0>} : vector<16xi32>
        %rev3A_462 = arith.subi %rev3A_460, %rev3A_461 : vector<16xi32>
        %rev3A_463 = tpu.dynamic_gather %masked_sort3A_453[%rev3A_462] in [0] : vector<16xi32>, vector<16xi32> -> vector<16xi32>
        %le3A_464 = arith.cmpf ole, %masked_sort3A_448, %rev3A_458 : vector<16xf32>
        %select_n3A_465 = arith.select %le3A_464, %masked_sort3A_448, %rev3A_458 : vector<16xi1>, vector<16xf32>
        %select_n3A_466 = arith.select %le3A_464, %masked_sort3A_449, %rev3A_463 : vector<16xi1>, vector<16xi32>
        %masked_sort3A_467 = arith.constant dense<true> : vector<16xi1>
        %masked_sort3A_468, %masked_sort3A_469, %masked_sort3A_470 = tpu.sort %select_n3A_465, %select_n3A_466 masked %masked_sort3A_467 : (vector<16xf32>, vector<16xi32>, vector<16xi1>) -> (vector<16xi1>, vector<16xf32>, vector<16xi32>)
        tpu.vector_store_idx %arg21[%iota3A_429, %broadcast_in_dim3A_430], %masked_sort3A_469 : memref<16x320xf32, #tpu.memory_space<vmem>>[vector<16xi32>, vector<16xi32>], vector<16xf32>,
        %swap3A_471 = arith.constant 80 : index
        %swap3A_472 = tpu.vector_load %arg16[%swap3A_471] {strides = array<i32>} : memref<128xi32, #tpu.memory_space<vmem>>, vector<16xi32>,
        tpu.vector_store %arg16[%swap3A_471], %masked_sort3A_470 {strides = array<i32>} : memref<128xi32, #tpu.memory_space<vmem>>, vector<16xi32>,
        %add3A_473 = arith.constant 6 : i32
        %add3A_474 = arith.addi %mul3A_203, %add3A_473 : i32
        %iota3A_475 = tpu.iota {dimensions = array<i32: 0>} : vector<16xi32>
        %broadcast_in_dim3A_476 = vector.broadcast %add3A_474 : i32 to vector<16xi32>
        %gather3A_477 = tpu.vector_load_idx %arg10[%broadcast_in_dim3A_476] : memref<320xf32, #tpu.memory_space<vmem>>[vector<16xi32>], vector<16xf32>,
        %gather3A_478 = tpu.vector_load_idx %arg11[%iota3A_475, %broadcast_in_dim3A_476] : memref<32x320xf32, #tpu.memory_space<vmem>>[vector<16xi32>, vector<16xi32>], vector<16xf32>,
        %add3A_479 = arith.constant 16 : i32
        %add3A_480 = vector.broadcast %add3A_479 : i32 to vector<16xi32>
        %add3A_481 = arith.addi %iota3A_475, %add3A_480 : vector<16xi32>
        %gather3A_482 = tpu.vector_load_idx %arg11[%add3A_481, %broadcast_in_dim3A_476] : memref<32x320xf32, #tpu.memory_space<vmem>>[vector<16xi32>, vector<16xi32>], vector<16xf32>,
        %sub3A_483 = arith.subf %gather3A_478, %gather3A_477 : vector<16xf32>
        %abs3A_484 = math.absf %sub3A_483 : vector<16xf32>
        %sub3A_485 = arith.subf %gather3A_482, %gather3A_477 : vector<16xf32>
        %abs3A_486 = math.absf %sub3A_485 : vector<16xf32>
        %gather3A_487 = tpu.vector_load_idx %arg12[%iota3A_475, %broadcast_in_dim3A_476] : memref<32x320xi32, #tpu.memory_space<vmem>>[vector<16xi32>, vector<16xi32>], vector<16xi32>,
        %add3A_488 = arith.constant 16 : i32
        %add3A_489 = vector.broadcast %add3A_488 : i32 to vector<16xi32>
        %add3A_490 = arith.addi %iota3A_475, %add3A_489 : vector<16xi32>
        %gather3A_491 = tpu.vector_load_idx %arg12[%add3A_490, %broadcast_in_dim3A_476] : memref<32x320xi32, #tpu.memory_space<vmem>>[vector<16xi32>, vector<16xi32>], vector<16xi32>,
        %masked_sort3A_492 = arith.constant dense<true> : vector<16xi1>
        %masked_sort3A_493, %masked_sort3A_494, %masked_sort3A_495 = tpu.sort %abs3A_484, %gather3A_487 masked %masked_sort3A_492 : (vector<16xf32>, vector<16xi32>, vector<16xi1>) -> (vector<16xi1>, vector<16xf32>, vector<16xi32>)
        %masked_sort3A_496 = arith.constant dense<true> : vector<16xi1>
        %masked_sort3A_497, %masked_sort3A_498, %masked_sort3A_499 = tpu.sort %abs3A_486, %gather3A_491 masked %masked_sort3A_496 : (vector<16xf32>, vector<16xi32>, vector<16xi1>) -> (vector<16xi1>, vector<16xf32>, vector<16xi32>)
        %rev3A_500 = arith.constant 15 : i32
        %rev3A_501 = vector.broadcast %rev3A_500 : i32 to vector<16xi32>
        %rev3A_502 = tpu.iota {dimensions = array<i32: 0>} : vector<16xi32>
        %rev3A_503 = arith.subi %rev3A_501, %rev3A_502 : vector<16xi32>
        %rev3A_504 = tpu.dynamic_gather %masked_sort3A_498[%rev3A_503] in [0] : vector<16xf32>, vector<16xi32> -> vector<16xf32>
        %rev3A_505 = arith.constant 15 : i32
        %rev3A_506 = vector.broadcast %rev3A_505 : i32 to vector<16xi32>
        %rev3A_507 = tpu.iota {dimensions = array<i32: 0>} : vector<16xi32>
        %rev3A_508 = arith.subi %rev3A_506, %rev3A_507 : vector<16xi32>
        %rev3A_509 = tpu.dynamic_gather %masked_sort3A_499[%rev3A_508] in [0] : vector<16xi32>, vector<16xi32> -> vector<16xi32>
        %le3A_510 = arith.cmpf ole, %masked_sort3A_494, %rev3A_504 : vector<16xf32>
        %select_n3A_511 = arith.select %le3A_510, %masked_sort3A_494, %rev3A_504 : vector<16xi1>, vector<16xf32>
        %select_n3A_512 = arith.select %le3A_510, %masked_sort3A_495, %rev3A_509 : vector<16xi1>, vector<16xi32>
        %masked_sort3A_513 = arith.constant dense<true> : vector<16xi1>
        %masked_sort3A_514, %masked_sort3A_515, %masked_sort3A_516 = tpu.sort %select_n3A_511, %select_n3A_512 masked %masked_sort3A_513 : (vector<16xf32>, vector<16xi32>, vector<16xi1>) -> (vector<16xi1>, vector<16xf32>, vector<16xi32>)
        tpu.vector_store_idx %arg21[%iota3A_475, %broadcast_in_dim3A_476], %masked_sort3A_515 : memref<16x320xf32, #tpu.memory_space<vmem>>[vector<16xi32>, vector<16xi32>], vector<16xf32>,
        %swap3A_517 = arith.constant 96 : index
        %swap3A_518 = tpu.vector_load %arg16[%swap3A_517] {strides = array<i32>} : memref<128xi32, #tpu.memory_space<vmem>>, vector<16xi32>,
        tpu.vector_store %arg16[%swap3A_517], %masked_sort3A_516 {strides = array<i32>} : memref<128xi32, #tpu.memory_space<vmem>>, vector<16xi32>,
        %add3A_519 = arith.constant 7 : i32
        %add3A_520 = arith.addi %mul3A_203, %add3A_519 : i32
        %iota3A_521 = tpu.iota {dimensions = array<i32: 0>} : vector<16xi32>
        %broadcast_in_dim3A_522 = vector.broadcast %add3A_520 : i32 to vector<16xi32>
        %gather3A_523 = tpu.vector_load_idx %arg10[%broadcast_in_dim3A_522] : memref<320xf32, #tpu.memory_space<vmem>>[vector<16xi32>], vector<16xf32>,
        %gather3A_524 = tpu.vector_load_idx %arg11[%iota3A_521, %broadcast_in_dim3A_522] : memref<32x320xf32, #tpu.memory_space<vmem>>[vector<16xi32>, vector<16xi32>], vector<16xf32>,
        %add3A_525 = arith.constant 16 : i32
        %add3A_526 = vector.broadcast %add3A_525 : i32 to vector<16xi32>
        %add3A_527 = arith.addi %iota3A_521, %add3A_526 : vector<16xi32>
        %gather3A_528 = tpu.vector_load_idx %arg11[%add3A_527, %broadcast_in_dim3A_522] : memref<32x320xf32, #tpu.memory_space<vmem>>[vector<16xi32>, vector<16xi32>], vector<16xf32>,
        %sub3A_529 = arith.subf %gather3A_524, %gather3A_523 : vector<16xf32>
        %abs3A_530 = math.absf %sub3A_529 : vector<16xf32>
        %sub3A_531 = arith.subf %gather3A_528, %gather3A_523 : vector<16xf32>
        %abs3A_532 = math.absf %sub3A_531 : vector<16xf32>
        %gather3A_533 = tpu.vector_load_idx %arg12[%iota3A_521, %broadcast_in_dim3A_522] : memref<32x320xi32, #tpu.memory_space<vmem>>[vector<16xi32>, vector<16xi32>], vector<16xi32>,
        %add3A_534 = arith.constant 16 : i32
        %add3A_535 = vector.broadcast %add3A_534 : i32 to vector<16xi32>
        %add3A_536 = arith.addi %iota3A_521, %add3A_535 : vector<16xi32>
        %gather3A_537 = tpu.vector_load_idx %arg12[%add3A_536, %broadcast_in_dim3A_522] : memref<32x320xi32, #tpu.memory_space<vmem>>[vector<16xi32>, vector<16xi32>], vector<16xi32>,
        %masked_sort3A_538 = arith.constant dense<true> : vector<16xi1>
        %masked_sort3A_539, %masked_sort3A_540, %masked_sort3A_541 = tpu.sort %abs3A_530, %gather3A_533 masked %masked_sort3A_538 : (vector<16xf32>, vector<16xi32>, vector<16xi1>) -> (vector<16xi1>, vector<16xf32>, vector<16xi32>)
        %masked_sort3A_542 = arith.constant dense<true> : vector<16xi1>
        %masked_sort3A_543, %masked_sort3A_544, %masked_sort3A_545 = tpu.sort %abs3A_532, %gather3A_537 masked %masked_sort3A_542 : (vector<16xf32>, vector<16xi32>, vector<16xi1>) -> (vector<16xi1>, vector<16xf32>, vector<16xi32>)
        %rev3A_546 = arith.constant 15 : i32
        %rev3A_547 = vector.broadcast %rev3A_546 : i32 to vector<16xi32>
        %rev3A_548 = tpu.iota {dimensions = array<i32: 0>} : vector<16xi32>
        %rev3A_549 = arith.subi %rev3A_547, %rev3A_548 : vector<16xi32>
        %rev3A_550 = tpu.dynamic_gather %masked_sort3A_544[%rev3A_549] in [0] : vector<16xf32>, vector<16xi32> -> vector<16xf32>
        %rev3A_551 = arith.constant 15 : i32
        %rev3A_552 = vector.broadcast %rev3A_551 : i32 to vector<16xi32>
        %rev3A_553 = tpu.iota {dimensions = array<i32: 0>} : vector<16xi32>
        %rev3A_554 = arith.subi %rev3A_552, %rev3A_553 : vector<16xi32>
        %rev3A_555 = tpu.dynamic_gather %masked_sort3A_545[%rev3A_554] in [0] : vector<16xi32>, vector<16xi32> -> vector<16xi32>
        %le3A_556 = arith.cmpf ole, %masked_sort3A_540, %rev3A_550 : vector<16xf32>
        %select_n3A_557 = arith.select %le3A_556, %masked_sort3A_540, %rev3A_550 : vector<16xi1>, vector<16xf32>
        %select_n3A_558 = arith.select %le3A_556, %masked_sort3A_541, %rev3A_555 : vector<16xi1>, vector<16xi32>
        %masked_sort3A_559 = arith.constant dense<true> : vector<16xi1>
        %masked_sort3A_560, %masked_sort3A_561, %masked_sort3A_562 = tpu.sort %select_n3A_557, %select_n3A_558 masked %masked_sort3A_559 : (vector<16xf32>, vector<16xi32>, vector<16xi1>) -> (vector<16xi1>, vector<16xf32>, vector<16xi32>)
        tpu.vector_store_idx %arg21[%iota3A_521, %broadcast_in_dim3A_522], %masked_sort3A_561 : memref<16x320xf32, #tpu.memory_space<vmem>>[vector<16xi32>, vector<16xi32>], vector<16xf32>,
        %swap3A_563 = arith.constant 112 : index
        %swap3A_564 = tpu.vector_load %arg16[%swap3A_563] {strides = array<i32>} : memref<128xi32, #tpu.memory_space<vmem>>, vector<16xi32>,
        tpu.vector_store %arg16[%swap3A_563], %masked_sort3A_562 {strides = array<i32>} : memref<128xi32, #tpu.memory_space<vmem>>, vector<16xi32>,
        %dma_start3A_565 = arith.constant 0 : i32
        %dma_start3A_566 = arith.constant 0 : i32
        %dma_start3A_567 = tpu.memref_slice %arg6[%dma_start3A_565, %dma_start3A_566] : memref<100000x128xf32, #tpu.memory_space<hbm>> -> memref<100000x128xf32, #tpu.memory_space<hbm>>
        tpu.enqueue_indirect_dma source(%dma_start3A_567 : memref<100000x128xf32, #tpu.memory_space<hbm>>) target(%arg18 : memref<128x128xf32, #tpu.memory_space<vmem>>) offsets(%arg16 : memref<128xi32, #tpu.memory_space<vmem>>) semaphore(%arg23 : memref<!tpu.dma_semaphore, #tpu.memory_space<semaphore_mem>>)
      } else {
      }
      %ge3A_190 = arith.constant 1 : i32
      %ge3A_191 = arith.cmpi sge, %add3A_178, %ge3A_190 : i32
      %le3A_192 = arith.cmpi sle, %add3A_178, %add3A_11 : i32
      %and3A_193 = arith.andi %ge3A_191, %le3A_192 : i1
      %convert_element_type3A_194 = arith.extui %and3A_193 : i1 to i32
      %cond3A_195 = arith.constant 0 : i32
      %cond3A_196 = arith.cmpi ne, %convert_element_type3A_194, %cond3A_195 : i32
      scf.if %cond3A_196 {
        %dma_wait3A_202 = arith.constant 0 : i32
        %dma_wait3A_203 = arith.constant 0 : i32
        %dma_wait3A_204 = tpu.memref_slice %arg6[%dma_wait3A_202, %dma_wait3A_203] : memref<100000x128xf32, #tpu.memory_space<hbm>> -> memref<100000x128xf32, #tpu.memory_space<hbm>>
        tpu.wait_indirect_dma semaphore(%arg22 : memref<!tpu.dma_semaphore, #tpu.memory_space<semaphore_mem>>) src(%dma_wait3A_204 : memref<100000x128xf32, #tpu.memory_space<hbm>>) dst(%arg17 : memref<128x128xf32, #tpu.memory_space<vmem>>)
        %sub3A_205 = arith.constant 1 : i32
        %sub3A_206 = arith.subi %add3A_178, %sub3A_205 : i32
        %parallel_loop3A = arith.constant 0 : i32
        %parallel_loop3A_207 = arith.constant 64 : i32
        %parallel_loop3A_208 = arith.constant 1 : i32
        scf.for %parallel_loop3A_216 = %parallel_loop3A to %parallel_loop3A_207 step %parallel_loop3A_208  : i32 {
          %parallel_loop3A_217 = arith.constant 3 : i32
          %parallel_loop3A_218 = arith.shrsi %parallel_loop3A_216, %parallel_loop3A_217 : i32
          %parallel_loop3A_219 = arith.constant 7 : i32
          %parallel_loop3A_220 = arith.andi %parallel_loop3A_216, %parallel_loop3A_219 : i32
          %parallel_loop3A_221 = arith.constant 16 : i32
          %parallel_loop3A_222 = arith.muli %parallel_loop3A_218, %parallel_loop3A_221 : i32
          %parallel_loop3A_223 = arith.constant 16 : i32
          %parallel_loop3A_224 = arith.muli %parallel_loop3A_220, %parallel_loop3A_223 : i32
          %parallel_loop3A_225 = arith.constant 0 : i32
          %parallel_loop3A_226 = arith.addi %parallel_loop3A_222, %parallel_loop3A_225 : i32
          %parallel_loop3A_227 = arith.index_cast %parallel_loop3A_226 : i32 to index
          %parallel_loop3A_228 = arith.index_cast %parallel_loop3A_224 : i32 to index
          %parallel_loop3A_229 = tpu.vector_load %arg17[%parallel_loop3A_227, %parallel_loop3A_228] {strides = array<i32>} : memref<128x128xf32, #tpu.memory_space<vmem>>, vector<16xf32>,
          %parallel_loop3A_230 = arith.constant 1 : i32
          %parallel_loop3A_231 = arith.addi %parallel_loop3A_222, %parallel_loop3A_230 : i32
          %parallel_loop3A_232 = arith.index_cast %parallel_loop3A_231 : i32 to index
          %parallel_loop3A_233 = arith.index_cast %parallel_loop3A_224 : i32 to index
          %parallel_loop3A_234 = tpu.vector_load %arg17[%parallel_loop3A_232, %parallel_loop3A_233] {strides = array<i32>} : memref<128x128xf32, #tpu.memory_space<vmem>>, vector<16xf32>,
          %parallel_loop3A_235 = arith.constant 2 : i32
          %parallel_loop3A_236 = arith.addi %parallel_loop3A_222, %parallel_loop3A_235 : i32
          %parallel_loop3A_237 = arith.index_cast %parallel_loop3A_236 : i32 to index
          %parallel_loop3A_238 = arith.index_cast %parallel_loop3A_224 : i32 to index
          %parallel_loop3A_239 = tpu.vector_load %arg17[%parallel_loop3A_237, %parallel_loop3A_238] {strides = array<i32>} : memref<128x128xf32, #tpu.memory_space<vmem>>, vector<16xf32>,
          %parallel_loop3A_240 = arith.constant 3 : i32
          %parallel_loop3A_241 = arith.addi %parallel_loop3A_222, %parallel_loop3A_240 : i32
          %parallel_loop3A_242 = arith.index_cast %parallel_loop3A_241 : i32 to index
          %parallel_loop3A_243 = arith.index_cast %parallel_loop3A_224 : i32 to index
          %parallel_loop3A_244 = tpu.vector_load %arg17[%parallel_loop3A_242, %parallel_loop3A_243] {strides = array<i32>} : memref<128x128xf32, #tpu.memory_space<vmem>>, vector<16xf32>,
          %parallel_loop3A_245 = arith.constant 4 : i32
          %parallel_loop3A_246 = arith.addi %parallel_loop3A_222, %parallel_loop3A_245 : i32
          %parallel_loop3A_247 = arith.index_cast %parallel_loop3A_246 : i32 to index
          %parallel_loop3A_248 = arith.index_cast %parallel_loop3A_224 : i32 to index
          %parallel_loop3A_249 = tpu.vector_load %arg17[%parallel_loop3A_247, %parallel_loop3A_248] {strides = array<i32>} : memref<128x128xf32, #tpu.memory_space<vmem>>, vector<16xf32>,
          %parallel_loop3A_250 = arith.addf %parallel_loop3A_229, %parallel_loop3A_249 : vector<16xf32>
          %parallel_loop3A_251 = arith.constant 5 : i32
          %parallel_loop3A_252 = arith.addi %parallel_loop3A_222, %parallel_loop3A_251 : i32
          %parallel_loop3A_253 = arith.index_cast %parallel_loop3A_252 : i32 to index
          %parallel_loop3A_254 = arith.index_cast %parallel_loop3A_224 : i32 to index
          %parallel_loop3A_255 = tpu.vector_load %arg17[%parallel_loop3A_253, %parallel_loop3A_254] {strides = array<i32>} : memref<128x128xf32, #tpu.memory_space<vmem>>, vector<16xf32>,
          %parallel_loop3A_256 = arith.addf %parallel_loop3A_234, %parallel_loop3A_255 : vector<16xf32>
          %parallel_loop3A_257 = arith.constant 6 : i32
          %parallel_loop3A_258 = arith.addi %parallel_loop3A_222, %parallel_loop3A_257 : i32
          %parallel_loop3A_259 = arith.index_cast %parallel_loop3A_258 : i32 to index
          %parallel_loop3A_260 = arith.index_cast %parallel_loop3A_224 : i32 to index
          %parallel_loop3A_261 = tpu.vector_load %arg17[%parallel_loop3A_259, %parallel_loop3A_260] {strides = array<i32>} : memref<128x128xf32, #tpu.memory_space<vmem>>, vector<16xf32>,
          %parallel_loop3A_262 = arith.addf %parallel_loop3A_239, %parallel_loop3A_261 : vector<16xf32>
          %parallel_loop3A_263 = arith.constant 7 : i32
          %parallel_loop3A_264 = arith.addi %parallel_loop3A_222, %parallel_loop3A_263 : i32
          %parallel_loop3A_265 = arith.index_cast %parallel_loop3A_264 : i32 to index
          %parallel_loop3A_266 = arith.index_cast %parallel_loop3A_224 : i32 to index
          %parallel_loop3A_267 = tpu.vector_load %arg17[%parallel_loop3A_265, %parallel_loop3A_266] {strides = array<i32>} : memref<128x128xf32, #tpu.memory_space<vmem>>, vector<16xf32>,
          %parallel_loop3A_268 = arith.addf %parallel_loop3A_244, %parallel_loop3A_267 : vector<16xf32>
          %parallel_loop3A_269 = arith.constant 8 : i32
          %parallel_loop3A_270 = arith.addi %parallel_loop3A_222, %parallel_loop3A_269 : i32
          %parallel_loop3A_271 = arith.index_cast %parallel_loop3A_270 : i32 to index
          %parallel_loop3A_272 = arith.index_cast %parallel_loop3A_224 : i32 to index
          %parallel_loop3A_273 = tpu.vector_load %arg17[%parallel_loop3A_271, %parallel_loop3A_272] {strides = array<i32>} : memref<128x128xf32, #tpu.memory_space<vmem>>, vector<16xf32>,
          %parallel_loop3A_274 = arith.addf %parallel_loop3A_250, %parallel_loop3A_273 : vector<16xf32>
          %parallel_loop3A_275 = arith.constant 9 : i32
          %parallel_loop3A_276 = arith.addi %parallel_loop3A_222, %parallel_loop3A_275 : i32
          %parallel_loop3A_277 = arith.index_cast %parallel_loop3A_276 : i32 to index
          %parallel_loop3A_278 = arith.index_cast %parallel_loop3A_224 : i32 to index
          %parallel_loop3A_279 = tpu.vector_load %arg17[%parallel_loop3A_277, %parallel_loop3A_278] {strides = array<i32>} : memref<128x128xf32, #tpu.memory_space<vmem>>, vector<16xf32>,
          %parallel_loop3A_280 = arith.addf %parallel_loop3A_256, %parallel_loop3A_279 : vector<16xf32>
          %parallel_loop3A_281 = arith.constant 10 : i32
          %parallel_loop3A_282 = arith.addi %parallel_loop3A_222, %parallel_loop3A_281 : i32
          %parallel_loop3A_283 = arith.index_cast %parallel_loop3A_282 : i32 to index
          %parallel_loop3A_284 = arith.index_cast %parallel_loop3A_224 : i32 to index
          %parallel_loop3A_285 = tpu.vector_load %arg17[%parallel_loop3A_283, %parallel_loop3A_284] {strides = array<i32>} : memref<128x128xf32, #tpu.memory_space<vmem>>, vector<16xf32>,
          %parallel_loop3A_286 = arith.addf %parallel_loop3A_262, %parallel_loop3A_285 : vector<16xf32>
          %parallel_loop3A_287 = arith.constant 11 : i32
          %parallel_loop3A_288 = arith.addi %parallel_loop3A_222, %parallel_loop3A_287 : i32
          %parallel_loop3A_289 = arith.index_cast %parallel_loop3A_288 : i32 to index
          %parallel_loop3A_290 = arith.index_cast %parallel_loop3A_224 : i32 to index
          %parallel_loop3A_291 = tpu.vector_load %arg17[%parallel_loop3A_289, %parallel_loop3A_290] {strides = array<i32>} : memref<128x128xf32, #tpu.memory_space<vmem>>, vector<16xf32>,
          %parallel_loop3A_292 = arith.addf %parallel_loop3A_268, %parallel_loop3A_291 : vector<16xf32>
          %parallel_loop3A_293 = arith.constant 12 : i32
          %parallel_loop3A_294 = arith.addi %parallel_loop3A_222, %parallel_loop3A_293 : i32
          %parallel_loop3A_295 = arith.index_cast %parallel_loop3A_294 : i32 to index
          %parallel_loop3A_296 = arith.index_cast %parallel_loop3A_224 : i32 to index
          %parallel_loop3A_297 = tpu.vector_load %arg17[%parallel_loop3A_295, %parallel_loop3A_296] {strides = array<i32>} : memref<128x128xf32, #tpu.memory_space<vmem>>, vector<16xf32>,
          %parallel_loop3A_298 = arith.addf %parallel_loop3A_274, %parallel_loop3A_297 : vector<16xf32>
          %parallel_loop3A_299 = arith.constant 13 : i32
          %parallel_loop3A_300 = arith.addi %parallel_loop3A_222, %parallel_loop3A_299 : i32
          %parallel_loop3A_301 = arith.index_cast %parallel_loop3A_300 : i32 to index
          %parallel_loop3A_302 = arith.index_cast %parallel_loop3A_224 : i32 to index
          %parallel_loop3A_303 = tpu.vector_load %arg17[%parallel_loop3A_301, %parallel_loop3A_302] {strides = array<i32>} : memref<128x128xf32, #tpu.memory_space<vmem>>, vector<16xf32>,
          %parallel_loop3A_304 = arith.addf %parallel_loop3A_280, %parallel_loop3A_303 : vector<16xf32>
          %parallel_loop3A_305 = arith.constant 14 : i32
          %parallel_loop3A_306 = arith.addi %parallel_loop3A_222, %parallel_loop3A_305 : i32
          %parallel_loop3A_307 = arith.index_cast %parallel_loop3A_306 : i32 to index
          %parallel_loop3A_308 = arith.index_cast %parallel_loop3A_224 : i32 to index
          %parallel_loop3A_309 = tpu.vector_load %arg17[%parallel_loop3A_307, %parallel_loop3A_308] {strides = array<i32>} : memref<128x128xf32, #tpu.memory_space<vmem>>, vector<16xf32>,
          %parallel_loop3A_310 = arith.addf %parallel_loop3A_286, %parallel_loop3A_309 : vector<16xf32>
          %parallel_loop3A_311 = arith.constant 15 : i32
          %parallel_loop3A_312 = arith.addi %parallel_loop3A_222, %parallel_loop3A_311 : i32
          %parallel_loop3A_313 = arith.index_cast %parallel_loop3A_312 : i32 to index
          %parallel_loop3A_314 = arith.index_cast %parallel_loop3A_224 : i32 to index
          %parallel_loop3A_315 = tpu.vector_load %arg17[%parallel_loop3A_313, %parallel_loop3A_314] {strides = array<i32>} : memref<128x128xf32, #tpu.memory_space<vmem>>, vector<16xf32>,
          %parallel_loop3A_316 = arith.addf %parallel_loop3A_292, %parallel_loop3A_315 : vector<16xf32>
          %parallel_loop3A_317 = arith.addf %parallel_loop3A_298, %parallel_loop3A_304 : vector<16xf32>
          %parallel_loop3A_318 = arith.addf %parallel_loop3A_310, %parallel_loop3A_316 : vector<16xf32>
          %parallel_loop3A_319 = arith.addf %parallel_loop3A_317, %parallel_loop3A_318 : vector<16xf32>
          %parallel_loop3A_320 = arith.index_cast %parallel_loop3A_218 : i32 to index
          %parallel_loop3A_321 = arith.index_cast %parallel_loop3A_224 : i32 to index
          %parallel_loop3A_322 = tpu.vector_load %arg19[%parallel_loop3A_320, %parallel_loop3A_321] {strides = array<i32>} : memref<8x128xf32, #tpu.memory_space<vmem>>, vector<16xf32>,
          tpu.vector_store %arg19[%parallel_loop3A_320, %parallel_loop3A_321], %parallel_loop3A_319 {strides = array<i32>} : memref<8x128xf32, #tpu.memory_space<vmem>>, vector<16xf32>,
        } {sc.loop_unroll_factor = 4 : i64, sc.parallel_access}
        %mul3A_209 = arith.constant 8 : i32
        %mul3A_210 = arith.muli %sub3A_206, %mul3A_209 : i32
        %add3A_211 = arith.addi %mul3A_7, %mul3A_210 : i32
        %dma_start3A_212 = arith.constant 0 : i32
        %dma_start3A_213 = tpu.memref_slice %arg8[%add3A_211, %dma_start3A_212] : memref<10000x128xf32, #tpu.memory_space<hbm>> -> memref<8x128xf32, #tpu.memory_space<hbm>>
        %dma_start3A_214 = arith.constant 0 : i32
        %dma_start3A_215 = tpu.memref_slice %arg8[%add3A_211, %dma_start3A_214] : memref<10000x128xf32, #tpu.memory_space<hbm>> -> memref<8x128xf32, #tpu.memory_space<hbm>>
        tpu.enqueue_dma source(%arg19 : memref<8x128xf32, #tpu.memory_space<vmem>>) target(%dma_start3A_215 : memref<8x128xf32, #tpu.memory_space<hbm>>) target_semaphore(%arg24 : memref<!tpu.dma_semaphore, #tpu.memory_space<semaphore_mem>>)
      } else {
      }
      %eq3A_197 = arith.constant 16 : i32
      %eq3A_198 = arith.cmpi eq, %add3A_178, %eq3A_197 : i32
      %convert_element_type3A_199 = arith.extui %eq3A_198 : i1 to i32
      %cond3A_200 = arith.constant 0 : i32
      %cond3A_201 = arith.cmpi ne, %convert_element_type3A_199, %cond3A_200 : i32
      scf.if %cond3A_201 {
        %dma_wait3A_202 = arith.constant 0 : i32
        %dma_wait3A_203 = arith.constant 0 : i32
        %dma_wait3A_204 = tpu.memref_slice %arg14[%dma_wait3A_202, %dma_wait3A_203] : memref<320x128xf32, #tpu.memory_space<vmem>> -> memref<128x128xf32, #tpu.memory_space<vmem>>
        %dma_wait3A_205 = arith.constant 0 : i32
        %dma_wait3A_206 = tpu.memref_slice %arg13[%dma_wait3A_205] : memref<320xi32, #tpu.memory_space<vmem>> -> memref<128xi32, #tpu.memory_space<vmem>>
        %dma_wait3A_207 = arith.constant 0 : i32
        %dma_wait3A_208 = arith.constant 0 : i32
        %dma_wait3A_209 = tpu.memref_slice %arg6[%dma_wait3A_207, %dma_wait3A_208] : memref<100000x128xf32, #tpu.memory_space<hbm>> -> memref<100000x128xf32, #tpu.memory_space<hbm>>
        tpu.wait_indirect_dma semaphore(%arg26 : memref<!tpu.dma_semaphore, #tpu.memory_space<semaphore_mem>>) src(%dma_wait3A_209 : memref<100000x128xf32, #tpu.memory_space<hbm>>) dst(%dma_wait3A_204 : memref<128x128xf32, #tpu.memory_space<vmem>>)
        %dma_wait3A_210 = arith.constant 128 : i32
        %dma_wait3A_211 = arith.constant 0 : i32
        %dma_wait3A_212 = tpu.memref_slice %arg14[%dma_wait3A_210, %dma_wait3A_211] : memref<320x128xf32, #tpu.memory_space<vmem>> -> memref<128x128xf32, #tpu.memory_space<vmem>>
        %dma_wait3A_213 = arith.constant 128 : i32
        %dma_wait3A_214 = tpu.memref_slice %arg13[%dma_wait3A_213] : memref<320xi32, #tpu.memory_space<vmem>> -> memref<128xi32, #tpu.memory_space<vmem>>
        %dma_wait3A_215 = arith.constant 0 : i32
        %dma_wait3A_216 = arith.constant 0 : i32
        %dma_wait3A_217 = tpu.memref_slice %arg6[%dma_wait3A_215, %dma_wait3A_216] : memref<100000x128xf32, #tpu.memory_space<hbm>> -> memref<100000x128xf32, #tpu.memory_space<hbm>>
        tpu.wait_indirect_dma semaphore(%arg26 : memref<!tpu.dma_semaphore, #tpu.memory_space<semaphore_mem>>) src(%dma_wait3A_217 : memref<100000x128xf32, #tpu.memory_space<hbm>>) dst(%dma_wait3A_212 : memref<128x128xf32, #tpu.memory_space<vmem>>)
        %dma_wait3A_218 = arith.constant 256 : i32
        %dma_wait3A_219 = arith.constant 0 : i32
        %dma_wait3A_220 = tpu.memref_slice %arg14[%dma_wait3A_218, %dma_wait3A_219] : memref<320x128xf32, #tpu.memory_space<vmem>> -> memref<64x128xf32, #tpu.memory_space<vmem>>
        %dma_wait3A_221 = arith.constant 256 : i32
        %dma_wait3A_222 = tpu.memref_slice %arg13[%dma_wait3A_221] : memref<320xi32, #tpu.memory_space<vmem>> -> memref<64xi32, #tpu.memory_space<vmem>>
        %dma_wait3A_223 = arith.constant 0 : i32
        %dma_wait3A_224 = arith.constant 0 : i32
        %dma_wait3A_225 = tpu.memref_slice %arg6[%dma_wait3A_223, %dma_wait3A_224] : memref<100000x128xf32, #tpu.memory_space<hbm>> -> memref<100000x128xf32, #tpu.memory_space<hbm>>
        tpu.wait_indirect_dma semaphore(%arg26 : memref<!tpu.dma_semaphore, #tpu.memory_space<semaphore_mem>>) src(%dma_wait3A_225 : memref<100000x128xf32, #tpu.memory_space<hbm>>) dst(%dma_wait3A_220 : memref<64x128xf32, #tpu.memory_space<vmem>>)
        %dma_start3A_226 = arith.constant 0 : i32
        %dma_start3A_227 = arith.constant 0 : i32
        %dma_start3A_228 = tpu.memref_slice %arg14[%dma_start3A_226, %dma_start3A_227] : memref<320x128xf32, #tpu.memory_space<vmem>> -> memref<312x128xf32, #tpu.memory_space<vmem>>
        %dma_start3A_229 = arith.constant 0 : i32
        %dma_start3A_230 = tpu.memref_slice %arg7[%mul3A_7, %dma_start3A_229] : memref<10000x128xf32, #tpu.memory_space<hbm>> -> memref<312x128xf32, #tpu.memory_space<hbm>>
        %dma_start3A_231 = arith.constant 0 : i32
        %dma_start3A_232 = tpu.memref_slice %arg7[%mul3A_7, %dma_start3A_231] : memref<10000x128xf32, #tpu.memory_space<hbm>> -> memref<312x128xf32, #tpu.memory_space<hbm>>
        %dma_start3A_233 = arith.constant 0 : i32
        %dma_start3A_234 = arith.constant 0 : i32
        %dma_start3A_235 = tpu.memref_slice %arg14[%dma_start3A_233, %dma_start3A_234] : memref<320x128xf32, #tpu.memory_space<vmem>> -> memref<312x128xf32, #tpu.memory_space<vmem>>
        tpu.enqueue_dma source(%dma_start3A_235 : memref<312x128xf32, #tpu.memory_space<vmem>>) target(%dma_start3A_232 : memref<312x128xf32, #tpu.memory_space<hbm>>) target_semaphore(%arg26 : memref<!tpu.dma_semaphore, #tpu.memory_space<semaphore_mem>>)
      } else {
      }
    }
    %sub3A_88 = arith.constant 1 : i32
    %sub3A_89 = arith.subi %add3A_11, %sub3A_88 : i32
    %jit3A_90 = arith.constant 2 : i32
    %eq3A = arith.constant 0 : i32
    %eq3A_91 = arith.cmpi eq, %jit3A_90, %eq3A : i32
    %jit3A_92 = arith.constant 1 : i32
    %select_n3A_93 = arith.select %eq3A_91, %jit3A_92, %jit3A_90 : i32
    %rem3A_94 = arith.remsi %sub3A_89, %select_n3A_93 : i32
    %ne3A_95 = arith.constant 0 : i32
    %ne3A_96 = arith.cmpi ne, %rem3A_94, %ne3A_95 : i32
    %lt3A = arith.constant 0 : i32
    %lt3A_97 = arith.cmpi slt, %rem3A_94, %lt3A : i32
    %lt3A_98 = arith.constant 0 : i32
    %lt3A_99 = arith.cmpi slt, %select_n3A_93, %lt3A_98 : i32
    %ne3A_100 = arith.xori %lt3A_97, %lt3A_99 : i1
    %and3A_101 = arith.andi %ne3A_100, %ne3A_96 : i1
    %add3A_102 = arith.addi %rem3A_94, %select_n3A_93 : i32
    %select_n3A_103 = arith.select %and3A_101, %add3A_102, %rem3A_94 : i32
    %eq3A_104 = arith.constant 0 : i32
    %eq3A_105 = arith.cmpi eq, %select_n3A_103, %eq3A_104 : i32
    %convert_element_type3A = arith.extui %eq3A_105 : i1 to i32
    %cond3A = arith.constant 0 : i32
    %cond3A_106 = arith.cmpi ne, %convert_element_type3A, %cond3A : i32
    scf.if %cond3A_106 {
      %dma_wait3A_150 = arith.constant 0 : i32
      %dma_wait3A_151 = arith.constant 0 : i32
      %dma_wait3A_152 = tpu.memref_slice %arg8[%dma_wait3A_150, %dma_wait3A_151] : memref<10000x128xf32, #tpu.memory_space<hbm>> -> memref<8x128xf32, #tpu.memory_space<hbm>>
      %dma_wait3A_153 = arith.constant 0 : i32
      %dma_wait3A_154 = arith.constant 0 : i32
      %dma_wait3A_155 = tpu.memref_slice %arg8[%dma_wait3A_153, %dma_wait3A_154] : memref<10000x128xf32, #tpu.memory_space<hbm>> -> memref<8x128xf32, #tpu.memory_space<hbm>>
      tpu.wait_dma2 semaphore(%arg24 : memref<!tpu.dma_semaphore, #tpu.memory_space<semaphore_mem>>) src(%arg19 : memref<8x128xf32, #tpu.memory_space<vmem>>) dst(%dma_wait3A_155 : memref<8x128xf32, #tpu.memory_space<hbm>>)
    } else {
    }
    %sub3A_107 = arith.constant 1 : i32
    %sub3A_108 = arith.subi %add3A_11, %sub3A_107 : i32
    %jit3A_109 = arith.constant 2 : i32
    %eq3A_110 = arith.constant 0 : i32
    %eq3A_111 = arith.cmpi eq, %jit3A_109, %eq3A_110 : i32
    %jit3A_112 = arith.constant 1 : i32
    %select_n3A_113 = arith.select %eq3A_111, %jit3A_112, %jit3A_109 : i32
    %rem3A_114 = arith.remsi %sub3A_108, %select_n3A_113 : i32
    %ne3A_115 = arith.constant 0 : i32
    %ne3A_116 = arith.cmpi ne, %rem3A_114, %ne3A_115 : i32
    %lt3A_117 = arith.constant 0 : i32
    %lt3A_118 = arith.cmpi slt, %rem3A_114, %lt3A_117 : i32
    %lt3A_119 = arith.constant 0 : i32
    %lt3A_120 = arith.cmpi slt, %select_n3A_113, %lt3A_119 : i32
    %ne3A_121 = arith.xori %lt3A_118, %lt3A_120 : i1
    %and3A_122 = arith.andi %ne3A_121, %ne3A_116 : i1
    %add3A_123 = arith.addi %rem3A_114, %select_n3A_113 : i32
    %select_n3A_124 = arith.select %and3A_122, %add3A_123, %rem3A_114 : i32
    %eq3A_125 = arith.constant 1 : i32
    %eq3A_126 = arith.cmpi eq, %select_n3A_124, %eq3A_125 : i32
    %convert_element_type3A_127 = arith.extui %eq3A_126 : i1 to i32
    %cond3A_128 = arith.constant 0 : i32
    %cond3A_129 = arith.cmpi ne, %convert_element_type3A_127, %cond3A_128 : i32
    scf.if %cond3A_129 {
      %dma_wait3A_150 = arith.constant 0 : i32
      %dma_wait3A_151 = arith.constant 0 : i32
      %dma_wait3A_152 = tpu.memref_slice %arg8[%dma_wait3A_150, %dma_wait3A_151] : memref<10000x128xf32, #tpu.memory_space<hbm>> -> memref<8x128xf32, #tpu.memory_space<hbm>>
      %dma_wait3A_153 = arith.constant 0 : i32
      %dma_wait3A_154 = arith.constant 0 : i32
      %dma_wait3A_155 = tpu.memref_slice %arg8[%dma_wait3A_153, %dma_wait3A_154] : memref<10000x128xf32, #tpu.memory_space<hbm>> -> memref<8x128xf32, #tpu.memory_space<hbm>>
      tpu.wait_dma2 semaphore(%arg25 : memref<!tpu.dma_semaphore, #tpu.memory_space<semaphore_mem>>) src(%arg20 : memref<8x128xf32, #tpu.memory_space<vmem>>) dst(%dma_wait3A_155 : memref<8x128xf32, #tpu.memory_space<hbm>>)
    } else {
    }
    "tpu.region"() ({
      %run_scoped3A = tpu.sem_alloc : memref<!tpu.dma_semaphore, #tpu.memory_space<semaphore_mem>>
      %dma_start3A_150 = arith.constant 0 : i32
      %dma_start3A_151 = arith.constant 0 : i32
      %dma_start3A_152 = tpu.memref_slice %arg21[%dma_start3A_150, %dma_start3A_151] : memref<16x320xf32, #tpu.memory_space<vmem>> -> memref<16x312xf32, #tpu.memory_space<vmem>>
      %dma_start3A_153 = arith.constant 0 : i32
      %dma_start3A_154 = tpu.memref_slice %arg9[%dma_start3A_153, %mul3A_7] : memref<16x10000xf32, #tpu.memory_space<hbm>> -> memref<16x312xf32, #tpu.memory_space<hbm>>
      %dma_start3A_155 = arith.constant 0 : i32
      %dma_start3A_156 = tpu.memref_slice %arg9[%dma_start3A_155, %mul3A_7] : memref<16x10000xf32, #tpu.memory_space<hbm>> -> memref<16x312xf32, #tpu.memory_space<hbm>>
      %dma_start3A_157 = arith.constant 0 : i32
      %dma_start3A_158 = arith.constant 0 : i32
      %dma_start3A_159 = tpu.memref_slice %arg21[%dma_start3A_157, %dma_start3A_158] : memref<16x320xf32, #tpu.memory_space<vmem>> -> memref<16x312xf32, #tpu.memory_space<vmem>>
      tpu.enqueue_dma source(%dma_start3A_159 : memref<16x312xf32, #tpu.memory_space<vmem>>) target(%dma_start3A_156 : memref<16x312xf32, #tpu.memory_space<hbm>>) target_semaphore(%run_scoped3A : memref<!tpu.dma_semaphore, #tpu.memory_space<semaphore_mem>>)
      %dma_wait3A_160 = arith.constant 0 : i32
      %dma_wait3A_161 = arith.constant 0 : i32
      %dma_wait3A_162 = tpu.memref_slice %arg21[%dma_wait3A_160, %dma_wait3A_161] : memref<16x320xf32, #tpu.memory_space<vmem>> -> memref<16x312xf32, #tpu.memory_space<vmem>>
      %dma_wait3A_163 = arith.constant 0 : i32
      %dma_wait3A_164 = tpu.memref_slice %arg9[%dma_wait3A_163, %mul3A_7] : memref<16x10000xf32, #tpu.memory_space<hbm>> -> memref<16x312xf32, #tpu.memory_space<hbm>>
      %dma_wait3A_165 = arith.constant 0 : i32
      %dma_wait3A_166 = tpu.memref_slice %arg9[%dma_wait3A_165, %mul3A_7] : memref<16x10000xf32, #tpu.memory_space<hbm>> -> memref<16x312xf32, #tpu.memory_space<hbm>>
      %dma_wait3A_167 = arith.constant 0 : i32
      %dma_wait3A_168 = arith.constant 0 : i32
      %dma_wait3A_169 = tpu.memref_slice %arg21[%dma_wait3A_167, %dma_wait3A_168] : memref<16x320xf32, #tpu.memory_space<vmem>> -> memref<16x312xf32, #tpu.memory_space<vmem>>
      tpu.wait_dma2 semaphore(%run_scoped3A : memref<!tpu.dma_semaphore, #tpu.memory_space<semaphore_mem>>) src(%dma_wait3A_169 : memref<16x312xf32, #tpu.memory_space<vmem>>) dst(%dma_wait3A_166 : memref<16x312xf32, #tpu.memory_space<hbm>>)
      tpu.yield
    }) : () -> ()
    %ge3A_130 = arith.constant 30 : i32
    %ge3A_131 = arith.cmpi sge, %add3A, %ge3A_130 : i32
    %convert_element_type3A_132 = arith.extui %ge3A_131 : i1 to i32
    %cond3A_133 = arith.constant 0 : i32
    %cond3A_134 = arith.cmpi ne, %convert_element_type3A_132, %cond3A_133 : i32
    scf.if %cond3A_134 {
      %add3A_150 = arith.constant 312 : i32
      %add3A_151 = arith.addi %mul3A_7, %add3A_150 : i32
      "tpu.region"() ({
        %run_scoped3A = tpu.sem_alloc : memref<!tpu.dma_semaphore, #tpu.memory_space<semaphore_mem>>
        %dma_start3A_152 = arith.constant 0 : i32
        %dma_start3A_153 = arith.constant 312 : i32
        %dma_start3A_154 = tpu.memref_slice %arg21[%dma_start3A_152, %dma_start3A_153] : memref<16x320xf32, #tpu.memory_space<vmem>> -> memref<16x8xf32, #tpu.memory_space<vmem>>
        %dma_start3A_155 = arith.constant 0 : i32
        %dma_start3A_156 = tpu.memref_slice %arg9[%dma_start3A_155, %add3A_151] : memref<16x10000xf32, #tpu.memory_space<hbm>> -> memref<16x8xf32, #tpu.memory_space<hbm>>
        %dma_start3A_157 = arith.constant 0 : i32
        %dma_start3A_158 = tpu.memref_slice %arg9[%dma_start3A_157, %add3A_151] : memref<16x10000xf32, #tpu.memory_space<hbm>> -> memref<16x8xf32, #tpu.memory_space<hbm>>
        %dma_start3A_159 = arith.constant 0 : i32
        %dma_start3A_160 = arith.constant 312 : i32
        %dma_start3A_161 = tpu.memref_slice %arg21[%dma_start3A_159, %dma_start3A_160] : memref<16x320xf32, #tpu.memory_space<vmem>> -> memref<16x8xf32, #tpu.memory_space<vmem>>
        tpu.enqueue_dma source(%dma_start3A_161 : memref<16x8xf32, #tpu.memory_space<vmem>>) target(%dma_start3A_158 : memref<16x8xf32, #tpu.memory_space<hbm>>) target_semaphore(%run_scoped3A : memref<!tpu.dma_semaphore, #tpu.memory_space<semaphore_mem>>)
        %dma_wait3A_162 = arith.constant 0 : i32
        %dma_wait3A_163 = arith.constant 312 : i32
        %dma_wait3A_164 = tpu.memref_slice %arg21[%dma_wait3A_162, %dma_wait3A_163] : memref<16x320xf32, #tpu.memory_space<vmem>> -> memref<16x8xf32, #tpu.memory_space<vmem>>
        %dma_wait3A_165 = arith.constant 0 : i32
        %dma_wait3A_166 = tpu.memref_slice %arg9[%dma_wait3A_165, %add3A_151] : memref<16x10000xf32, #tpu.memory_space<hbm>> -> memref<16x8xf32, #tpu.memory_space<hbm>>
        %dma_wait3A_167 = arith.constant 0 : i32
        %dma_wait3A_168 = tpu.memref_slice %arg9[%dma_wait3A_167, %add3A_151] : memref<16x10000xf32, #tpu.memory_space<hbm>> -> memref<16x8xf32, #tpu.memory_space<hbm>>
        %dma_wait3A_169 = arith.constant 0 : i32
        %dma_wait3A_170 = arith.constant 312 : i32
        %dma_wait3A_171 = tpu.memref_slice %arg21[%dma_wait3A_169, %dma_wait3A_170] : memref<16x320xf32, #tpu.memory_space<vmem>> -> memref<16x8xf32, #tpu.memory_space<vmem>>
        tpu.wait_dma2 semaphore(%run_scoped3A : memref<!tpu.dma_semaphore, #tpu.memory_space<semaphore_mem>>) src(%dma_wait3A_171 : memref<16x8xf32, #tpu.memory_space<vmem>>) dst(%dma_wait3A_168 : memref<16x8xf32, #tpu.memory_space<hbm>>)
        tpu.yield
      }) : () -> ()
    } else {
    }
    %dma_wait3A_135 = arith.constant 0 : i32
    %dma_wait3A_136 = arith.constant 0 : i32
    %dma_wait3A_137 = tpu.memref_slice %arg14[%dma_wait3A_135, %dma_wait3A_136] : memref<320x128xf32, #tpu.memory_space<vmem>> -> memref<312x128xf32, #tpu.memory_space<vmem>>
    %dma_wait3A_138 = arith.constant 0 : i32
    %dma_wait3A_139 = tpu.memref_slice %arg7[%mul3A_7, %dma_wait3A_138] : memref<10000x128xf32, #tpu.memory_space<hbm>> -> memref<312x128xf32, #tpu.memory_space<hbm>>
    %dma_wait3A_140 = arith.constant 0 : i32
    %dma_wait3A_141 = tpu.memref_slice %arg7[%mul3A_7, %dma_wait3A_140] : memref<10000x128xf32, #tpu.memory_space<hbm>> -> memref<312x128xf32, #tpu.memory_space<hbm>>
    %dma_wait3A_142 = arith.constant 0 : i32
    %dma_wait3A_143 = arith.constant 0 : i32
    %dma_wait3A_144 = tpu.memref_slice %arg14[%dma_wait3A_142, %dma_wait3A_143] : memref<320x128xf32, #tpu.memory_space<vmem>> -> memref<312x128xf32, #tpu.memory_space<vmem>>
    tpu.wait_dma2 semaphore(%arg26 : memref<!tpu.dma_semaphore, #tpu.memory_space<semaphore_mem>>) src(%dma_wait3A_144 : memref<312x128xf32, #tpu.memory_space<vmem>>) dst(%dma_wait3A_141 : memref<312x128xf32, #tpu.memory_space<hbm>>)
    %ge3A_145 = arith.constant 30 : i32
    %ge3A_146 = arith.cmpi sge, %add3A, %ge3A_145 : i32
    %convert_element_type3A_147 = arith.extui %ge3A_146 : i1 to i32
    %cond3A_148 = arith.constant 0 : i32
    %cond3A_149 = arith.cmpi ne, %convert_element_type3A_147, %cond3A_148 : i32
    scf.if %cond3A_149 {
      %add3A_150 = arith.constant 312 : i32
      %add3A_151 = arith.addi %mul3A_7, %add3A_150 : i32
      "tpu.region"() ({
        %run_scoped3A = tpu.sem_alloc : memref<!tpu.dma_semaphore, #tpu.memory_space<semaphore_mem>>
        %dma_start3A_152 = arith.constant 312 : i32
        %dma_start3A_153 = arith.constant 0 : i32
        %dma_start3A_154 = tpu.memref_slice %arg14[%dma_start3A_152, %dma_start3A_153] : memref<320x128xf32, #tpu.memory_space<vmem>> -> memref<8x128xf32, #tpu.memory_space<vmem>>
        %dma_start3A_155 = arith.constant 0 : i32
        %dma_start3A_156 = tpu.memref_slice %arg7[%add3A_151, %dma_start3A_155] : memref<10000x128xf32, #tpu.memory_space<hbm>> -> memref<8x128xf32, #tpu.memory_space<hbm>>
        %dma_start3A_157 = arith.constant 0 : i32
        %dma_start3A_158 = tpu.memref_slice %arg7[%add3A_151, %dma_start3A_157] : memref<10000x128xf32, #tpu.memory_space<hbm>> -> memref<8x128xf32, #tpu.memory_space<hbm>>
        %dma_start3A_159 = arith.constant 312 : i32
        %dma_start3A_160 = arith.constant 0 : i32
        %dma_start3A_161 = tpu.memref_slice %arg14[%dma_start3A_159, %dma_start3A_160] : memref<320x128xf32, #tpu.memory_space<vmem>> -> memref<8x128xf32, #tpu.memory_space<vmem>>
        tpu.enqueue_dma source(%dma_start3A_161 : memref<8x128xf32, #tpu.memory_space<vmem>>) target(%dma_start3A_158 : memref<8x128xf32, #tpu.memory_space<hbm>>) target_semaphore(%run_scoped3A : memref<!tpu.dma_semaphore, #tpu.memory_space<semaphore_mem>>)
        %dma_wait3A_162 = arith.constant 312 : i32
        %dma_wait3A_163 = arith.constant 0 : i32
        %dma_wait3A_164 = tpu.memref_slice %arg14[%dma_wait3A_162, %dma_wait3A_163] : memref<320x128xf32, #tpu.memory_space<vmem>> -> memref<8x128xf32, #tpu.memory_space<vmem>>
        %dma_wait3A_165 = arith.constant 0 : i32
        %dma_wait3A_166 = tpu.memref_slice %arg7[%add3A_151, %dma_wait3A_165] : memref<10000x128xf32, #tpu.memory_space<hbm>> -> memref<8x128xf32, #tpu.memory_space<hbm>>
        %dma_wait3A_167 = arith.constant 0 : i32
        %dma_wait3A_168 = tpu.memref_slice %arg7[%add3A_151, %dma_wait3A_167] : memref<10000x128xf32, #tpu.memory_space<hbm>> -> memref<8x128xf32, #tpu.memory_space<hbm>>
        %dma_wait3A_169 = arith.constant 312 : i32
        %dma_wait3A_170 = arith.constant 0 : i32
        %dma_wait3A_171 = tpu.memref_slice %arg14[%dma_wait3A_169, %dma_wait3A_170] : memref<320x128xf32, #tpu.memory_space<vmem>> -> memref<8x128xf32, #tpu.memory_space<vmem>>
        tpu.wait_dma2 semaphore(%run_scoped3A : memref<!tpu.dma_semaphore, #tpu.memory_space<semaphore_mem>>) src(%dma_wait3A_171 : memref<8x128xf32, #tpu.memory_space<vmem>>) dst(%dma_wait3A_168 : memref<8x128xf32, #tpu.memory_space<hbm>>)
        tpu.yield
      }) : () -> ()
    } else {
    }
    return
  }
}

module attributes {stable_mosaic.version = 14 : i64} {
  func.func @_mm_body(%arg0: memref<10000x128xf32, #tpu.memory_space<vmem>>, %arg1: memref<10000x128xf32, #tpu.memory_space<vmem>>, %arg2: memref<128x64xf32, #tpu.memory_space<vmem>>, %arg3: memref<128x64xf32, #tpu.memory_space<vmem>>, %arg4: memref<64x10000xf32, #tpu.memory_space<vmem>>) attributes {dimension_semantics = [], scalar_prefetch = 0 : i64, scratch_operands = 0 : i64, tpu.core_type = #tpu.core_type<tc>} {
    %get3A = arith.constant 0 : index
    %get3A_0 = arith.constant 0 : index
    %get3A_1 = vector.load %arg2[%get3A, %get3A_0] : memref<128x64xf32, #tpu.memory_space<vmem>>, vector<128x64xf32>
    %get3A_2 = arith.constant 0 : index
    %get3A_3 = arith.constant 0 : index
    %get3A_4 = vector.load %arg0[%get3A_2, %get3A_3] : memref<10000x128xf32, #tpu.memory_space<vmem>>, vector<10000x128xf32>
    %dot_general3A = arith.constant dense<0.000000e+00> : vector<64x10000xf32>
    %dot_general3A_5 = tpu.matmul %get3A_1, %get3A_4, %dot_general3A {dimension_numbers = #tpu.dot_dimension_numbers<[0], [1], [1], [0], [0, 1, 1, 0], [], []>, transpose_lhs_hint = false} : vector<128x64xf32>, vector<10000x128xf32>, vector<64x10000xf32> -> vector<64x10000xf32>
    %get3A_6 = arith.constant 0 : index
    %get3A_7 = arith.constant 0 : index
    %get3A_8 = vector.load %arg3[%get3A_6, %get3A_7] : memref<128x64xf32, #tpu.memory_space<vmem>>, vector<128x64xf32>
    %get3A_9 = arith.constant 0 : index
    %get3A_10 = arith.constant 0 : index
    %get3A_11 = vector.load %arg1[%get3A_9, %get3A_10] : memref<10000x128xf32, #tpu.memory_space<vmem>>, vector<10000x128xf32>
    %dot_general3A_12 = arith.constant dense<0.000000e+00> : vector<64x10000xf32>
    %dot_general3A_13 = tpu.matmul %get3A_8, %get3A_11, %dot_general3A_12 {dimension_numbers = #tpu.dot_dimension_numbers<[0], [1], [1], [0], [0, 1, 1, 0], [], []>, transpose_lhs_hint = false} : vector<128x64xf32>, vector<10000x128xf32>, vector<64x10000xf32> -> vector<64x10000xf32>
    %add3A = arith.addf %dot_general3A_5, %dot_general3A_13 : vector<64x10000xf32>
    %max3A = arith.constant 0.000000e+00 : f32
    %max3A_14 = vector.broadcast %max3A : f32 to vector<64x10000xf32>
    %max3A_15 = arith.maximumf %add3A, %max3A_14 : vector<64x10000xf32>
    %swap3A = arith.constant 0 : index
    %swap3A_16 = arith.constant 0 : index
    %swap3A_17 = vector.load %arg4[%swap3A, %swap3A_16] : memref<64x10000xf32, #tpu.memory_space<vmem>>, vector<64x10000xf32>
    tpu.vector_store %arg4[%swap3A, %swap3A_16], %max3A_15 {strides = array<i32>} : memref<64x10000xf32, #tpu.memory_space<vmem>>, vector<64x10000xf32>,
    return
  }
}

</mosaic_0001>

<sc_bundles>
// kernel: kernel.4.cloned.1.call-start
scs
__scs_entry_jumppad:
0x0: {  	(pc) =	sbr.rel $0x88, $3  }
0x1: {  	(tag) =	ssettag $0x0;
	lr =	simm.s32 $0x1  }
0x2: {  	[smem:$0x3F9A] =	sst lr;
	_ =	strace $0xD0000000  }
0x3: {  	_ = 	snop  }
0x4: {  	_ = 	snop  }
0x5: {  	_ = 	snop  }
0x6: {  	_ = 	snop  }
0x7: {  	_ = 	snop  }
__scs_overlays_trampoline_lowered:
0x8: {  	[smem:$0x3FA9] =	sst s0  }
0x9: {  	[smem:$0x3FAA] =	sst s1  }
0xa: {  	[smem:$0x3FAB] =	sst s2  }
0xb: {  	[smem:$0x3FAC] =	sst s3  }
0xc: {  	[smem:$0x3FAD] =	sst s4  }
0xd: {  	[smem:$0x3FAE] =	sst s5  }
0xe: {  	[smem:$0x3FAF] =	sst s6  }
0xf: {  	[smem:$0x3FB0] =	sst s7  }
0x10: {  	[smem:$0x3FB1] =	sst s8  }
0x11: {  	[smem:$0x3FB2] =	sst s9;
	s0 =	simm.s32 @!p0 $0x0  }
0x12: {  	s1 =	sld [smem:$0x3F98];
	s0 =	simm.s32 @p0 $0x1  }
0x13: {  	[smem:$0x3FB3] =	sst s0;
	s0 =	simm.s32 @!p1 $0x0  }
0x14: {  	s2 =	sld [smem:$0x3F97];
	s0 =	simm.s32 @p1 $0x1  }
0x15: {  	[smem:$0x3FB4] =	sst s0;
	s0 =	simm.s32 @!p2 $0x0  }
0x16: {  	s3 =	sld [smem:$0x3FDB];
	s0 =	simm.s32 @p2 $0x1  }
0x17: {  	s4 =	simm.s32 $0x1BF5;
	[smem:$0x3FB6] =	sst s0  }
0x18: {  	s0 =	sld [smem:$0x3F99];
	_ =	swait.ge [sflag:s4], $0x0  }
0x19: {  	s7 =	sld [smem:$0x3F9A]  }
0x1a: {  	s8 =	sadd.s32 $0xFFFFE003, lr  }
0x1b: {  	s9 =	sadd.s32 $0xFFFFFEF7, lr;
	s5 =	simm.s32 $0xFFFFFFFF;
	p2 =	slt.u32 s8, $0xFFFFF086  }
0x1c: {  	p1 =	slt.u32 s9, $0xF7A;
	s5 =	simm.s32 @!p2 $0x0  }
0x1d: {  	s5 =	simm.s32 @p1 $0x1;
	p0 =	seq.s32 s7, s2  }
0x1e: {  	s7 =	smul.u32 @!p0 $0xF7A, s2;
	p2 =	seq.s32 @!p0 s5, $0x0  }
0x1f: {  	s9 =	smul.u32 $0xF7A, s1;
	s8 =	simm.s32 @!p0 $0x1BF5;
	p2 =	por !p2, p0  }
0x20: {  	[sflag:s8] =	ssyncset.s32 @!p0 $0xFFFFF086;
	s6 =	sadd.s32 @!p0 s3, s7;
	s7 =	simm.s32 @!p0 $0x108  }
0x21: {  	s3 =	sadd.s32 s3, s9;
	s6 =	sadd.s32 @!p0 $0x88, s6;
	s7 =	simm.s32 @p2 $0x1082  }
0x22: {  	[simem:s7], [sflag:s8] =	dma.local @!p0 [hbm:s6], $0xF7A  }
0x23: {  	s9 =	sor.u32 $0xD0000000, s2;
	s6 =	simm.s32 $0x108;
	_ =	swait.ge @!p0 [sflag:s8], $0x0  }
0x24: {  	s3 =	sadd.s32 $0x88, s3;
	s6 =	simm.s32 @!p1 $0x1082;
	[sflag:s4] =	ssyncset.s32 $0xFFFFF086  }
0x25: {  	[simem:s6], [sflag:s4] =	dma.local [hbm:s3], $0xF7A  }
0x26: {  	[smem:$0x3F9A] =	sst s1;
	(tag) =	ssettag s2;
	_ =	strace s9  }
0x27: {  	s1 =	sld [smem:$0x3FAA]  }
0x28: {  	s2 =	sld [smem:$0x3FAB]  }
0x29: {  	s4 =	sld [smem:$0x3FAD]  }
0x2a: {  	p0 =	seq.s32 s5, $0x0;
	s5 =	sld [smem:$0x3FAE]  }
0x2b: {  	s6 =	sld [smem:$0x3FAF]  }
0x2c: {  	s7 =	sld [smem:$0x3FB0]  }
0x2d: {  	s3 =	simm.s32 $0x108;
	s8 =	sld [smem:$0x3FB1]  }
0x2e: {  	s3 =	simm.s32 @!p0 $0x1082;
	s9 =	sld [smem:$0x3FB2]  }
0x2f: {  	lr =	sadd.s32 s0, s3;
	s0 =	sld [smem:$0x3FA9]  }
0x30: {  	s3 =	sld [smem:$0x3FAC]  }
0x31: {  	[smem:$0x3FB5] =	sst s10  }
0x32: {  	s10 =	sld [smem:$0x3FB3];
	_ =	sdelay $0x3  }
0x33: {  	p0 =	seq.s32 s10, $0x1;
	s10 =	sld [smem:$0x3FB5];
	_ =	sdelay $0x3  }
0x34: {  	[smem:$0x3FB5] =	sst s10  }
0x35: {  	s10 =	sld [smem:$0x3FB4];
	_ =	sdelay $0x3  }
0x36: {  	p1 =	seq.s32 s10, $0x1;
	s10 =	sld [smem:$0x3FB5];
	_ =	sdelay $0x3  }
0x37: {  	[smem:$0x3FB5] =	sst s10  }
0x38: {  	s10 =	sld [smem:$0x3FB6]  }
0x39: {  	_ = 	snop;
	(pc) =	sbr.ind lr, $3  }
0x3a: {  	_ = 	snop  }
0x3b: {  	_ = 	snop  }
0x3c: {  	p2 =	seq.s32 s10, $0x1;
	s10 =	sld [smem:$0x3FB5]  }
0x3d: {  	_ =	shalt  }
0x3e: {  	_ =	shalt  }
0x3f: {  	_ =	shalt  }
0x40: {  	_ =	shalt  }
0x41: {  	_ =	shalt  }
0x42: {  	_ =	shalt  }
0x43: {  	_ =	shalt  }
0x44: {  	_ =	shalt  }
0x45: {  	_ =	shalt  }
0x46: {  	_ =	shalt  }
0x47: {  	_ =	shalt  }
0x48: {  	_ =	shalt  }
0x49: {  	_ =	shalt  }
0x4a: {  	_ =	shalt  }
0x4b: {  	_ =	shalt  }
0x4c: {  	_ =	shalt  }
0x4d: {  	_ =	shalt  }
0x4e: {  	_ =	shalt  }
0x4f: {  	_ =	shalt  }
0x50: {  	_ =	shalt  }
0x51: {  	_ =	shalt  }
0x52: {  	_ =	shalt  }
0x53: {  	_ =	shalt  }
0x54: {  	_ =	shalt  }
0x55: {  	_ =	shalt  }
0x56: {  	_ =	shalt  }
0x57: {  	_ =	shalt  }
0x58: {  	_ =	shalt  }
0x59: {  	_ =	shalt  }
0x5a: {  	_ =	shalt  }
0x5b: {  	_ =	shalt  }
0x5c: {  	_ =	shalt  }
0x5d: {  	_ =	shalt  }
0x5e: {  	_ =	shalt  }
0x5f: {  	_ =	shalt  }
0x60: {  	_ =	shalt  }
0x61: {  	_ =	shalt  }
0x62: {  	_ =	shalt  }
0x63: {  	_ =	shalt  }
0x64: {  	_ =	shalt  }
0x65: {  	_ =	shalt  }
0x66: {  	_ =	shalt  }
0x67: {  	_ =	shalt  }
0x68: {  	_ =	shalt  }
0x69: {  	_ =	shalt  }
0x6a: {  	_ =	shalt  }
0x6b: {  	_ =	shalt  }
0x6c: {  	_ =	shalt  }
0x6d: {  	_ =	shalt  }
0x6e: {  	_ =	shalt  }
0x6f: {  	_ =	shalt  }
0x70: {  	_ =	shalt  }
0x71: {  	_ =	shalt  }
0x72: {  	_ =	shalt  }
0x73: {  	_ =	shalt  }
0x74: {  	_ =	shalt  }
0x75: {  	_ =	shalt  }
0x76: {  	_ =	shalt  }
0x77: {  	_ =	shalt  }
0x78: {  	_ =	shalt  }
0x79: {  	_ =	shalt  }
0x7a: {  	_ =	shalt  }
0x7b: {  	_ =	shalt  }
0x7c: {  	_ =	shalt  }
0x7d: {  	_ =	shalt  }
0x7e: {  	_ =	shalt  }
0x7f: {  	_ =	shalt  }
0x80: {  	_ =	shalt  }
0x81: {  	_ =	shalt  }
0x82: {  	_ =	shalt  }
0x83: {  	_ =	shalt  }
0x84: {  	_ =	shalt  }
0x85: {  	_ =	shalt  }
0x86: {  	_ =	shalt  }
0x87: {  	_ =	shalt  }
.Lfunc_end0:
.L_simem_size_0:
called_computation_lowered:
.L_overlay_start_0:
0x88: {  	s2 =	sld [smem:$0x3FD9]  }
0x89: {  	s3 =	sld [smem:$0x3FFE];
	_ =	sdelay $0x1  }
0x8a: {  	s1 =	srdreg.scid  }
0x8b: {  	s0 =	sand.u32 $0x1, s1  }
0x8c: {  	s14 =	sshll.u32 s0, $0xA;
	s2 =	sadd.s32 s3, s2  }
0x8d: {  	s2 =	sadd.s32 s2, s14  }
0x8e: {  	[smem:$0x3FC1] =	sst s2  }
0x8f: {  	_ = 	snop  }
0x90: {  	s2 =	sld [smem:$0x3FD0];
	_ =	sdelay $0x1  }
0x91: {  	s15 =	sld [smem:$0x3FC9]  }
0x92: {  	s5 =	simm.s32 $0xA;
	s6 =	simm.s32 $0x10;
	s4 =	sld [smem:$0x3FC5]  }
0x93: {  	[smem:s6], [sflag:s5] =	dma.local [hbm:s2], $0x1  }
0x94: {  	_ =	swait.eq [sflag:s5], $0x1  }
0x95: {  	[sflag:s5] =	ssyncset.done $0x0  }
0x96: {  	s16 =	sld [smem:$0x10];
	[sflag:s5] =	ssyncadd.s32 $0xFFFFFFFF  }
0x97: {  	s17 =	sld [smem:$0x11];
	(tm) =	ssettm $0x1  }
0x98: {  	s18 =	sld [smem:$0x3FFB];
	_ =	sdelay $0x3  }
0x99: {  	_ =	strace s18  }
0x9a: {  	s6 =	sld [smem:$0x3FFC];
	_ =	sdelay $0x3  }
0x9b: {  	_ =	strace s6  }
0x9c: {  	s6 =	sld [smem:$0x3FFD];
	_ =	sdelay $0x3  }
0x9d: {  	_ =	strace s6  }
0x9e: {  	_ =	strace $0x8FFFFFFF  }
0x9f: {  	s19 =	sld [smem:$0x3FDB];
	_ =	sdelay $0x1  }
0xa0: {  	s7 =	simm.s32 $_scs_section_size  }
0xa1: {  	s8 =	simm.s32 $_size__tile_overlayer_lowered;
	s9 =	simm.s32 $_tile_overlayer_lowered  }
0xa2: {  	s22 =	simm.s32 $0x1BFF;
	s21 =	sshll.u32 s9, $0x1;
	s6 =	sadd.s32 s7, s19  }
0xa3: {  	s10 =	simm.s32 $0x0;
	s20 =	sshll.u32 s8, $0x1;
	s8 =	sadd.s32 s21, s6  }
0xa4: {  	[timem:s10], [sflag:s22] =	dma.local [hbm:s8], s20  }
0xa5: {  	_ =	swait.ge [sflag:s22], s20  }
0xa6: {  	s7 =	ssub.s32 $0x0, s20;
	[sflag:s22] =	ssyncset.done $0x0  }
0xa7: {  	[sflag:s22] =	ssyncadd.s32 s7;
	_ =	sdelay $0x1  }
0xa8: {  	s23 =	simm.s32 $0x1B8B  }
0xa9: {  	_ =	swait.ge [sflag:s23], $0x1  }
0xaa: {  	[sflag:s23] =	ssyncset.done $0x0  }
0xab: {  	s25 =	simm.s32 $0x1B8E;
	s24 =	sld [smem:$0x3FFE];
	[sflag:s23] =	ssyncadd.s32 $0xFFFFFFFF  }
0xac: {  	s26 =	simm.s32 $execute0_lowered;
	[smem:$0x3FD2] =	sst s25  }
0xad: {  	s8 =	sshll.u32 s26, $0x1;
	_ =	strace $0x80000046;
	[dreg:$0x1] =	wrdreg $0xFFFFFFFF  }
0xae: {  	s28 =	simm.s32 $_size_execute0_lowered;
	s6 =	sadd.s32 s6, s8;
	[dreg:$0x0] =	wrdreg $0x0  }
0xaf: {  	s8 =	sshll.u32 s28, $0x1;
	[dreg:$0x2] =	wrdreg s6  }
0xb0: {  	[dreg:$0x3] =	wrdreg s8  }
0xb1: {  	[dreg:$0x4] =	wrdreg $0xC0  }
0xb2: {  	_ =	task [dreg:s10], $0x5FFFF  }
0xb3: {  	[dreg:$0x1] =	wrdreg $0xFFFFFFFF  }
0xb4: {  	[dreg:$0x0] =	wrdreg $0x60  }
0xb5: {  	[dreg:$0x2] =	wrdreg s17  }
0xb6: {  	[dreg:$0x3] =	wrdreg s16  }
0xb7: {  	[dreg:$0x4] =	wrdreg s24  }
0xb8: {  	[dreg:$0x5] =	wrdreg s15  }
0xb9: {  	[dreg:$0x6] =	wrdreg s4  }
0xba: {  	[dreg:$0x7] =	wrdreg $0x9  }
0xbb: {  	_ =	task.clear_ibuf [dreg:s10], $0x8FFFF;
	_ =	strace $0x90000046  }
0xbc: {  	s29 =	simm.s32 $0x9;
	_ =	strace $0x80000048  }
0xbd: {  	_ =	swait.ge [sflag:s29], $0x1  }
0xbe: {  	[sflag:s29] =	ssyncadd.s32 $0xFFFFFFFF  }
0xbf: {  	_ =	strace $0x90000048  }
0xc0: {  	_ =	sfence  }
0xc1: {  	s30 =	sld [smem:$0x0];
	_ =	sdelay $0x2  }
0xc2: {  	s31 =	sshll.u32 s1, $0xD;
	s1 =	sshrl.u32 s1, $0x2  }
0xc3: {  	s3 =	sand.u32 $0x4000, s31;
	s1 =	sadd.s32 s1, s30  }
0xc4: {  	s0 =	sor.u32 s3, s0;
	s1 =	sshll.u32 s1, $0x11  }
0xc5: {  	s0 =	sor.u32 s1, s0  }
0xc6: {  	s0 =	sadd.s32 $0x8F2B, s0  }
0xc7: {  	[sflag:s0] =	ssyncadd.remote.s32 $0x1  }
0xc8: {  	_ =	sfence.sel $0xFFFF  }
0xc9: {  	[dreg:$0x0] =	wrdreg $0xFFFFFFFF;
	(pc) =	sbr.abs _section_cstart, $3  }
0xca: {  	[dreg:$0x1] =	wrdreg $0xFFFFFFFF  }
0xcb: {  	_ =	task.clear_ibuf [dreg:s10], $0x2FFFF;
	_ =	strace $0x9FFFFFFF  }
0xcc: {  	(tm) =	ssettm $0x7FFFFFFF  }
0xcd: {  	_ =	shalt  }
tec
execute0_lowered:
.L_overlay_start_1:
0x0: {  	(tag) =	ssettag $0x1  }
0x1: {  	s0 =	rddreg [dreg:$0x0]  }
0x2: {  	s1 =	rddreg [dreg:$0x1];
	s2 =	srdreg.scid  }
0x3: {  	s12 =	stileid.u32;
	s5 =	rddreg [dreg:$0x2]  }
0x4: {  	s6 =	rddreg [dreg:$0x3];
	s3 =	simm.s32 $0x0;
	s31 =	simm.s32 $0x1  }
0x5: {  	s4 =	sand.u32 $0x1, s2;
	s19 =	sshll.u32 s12, $0x1;
	s2 =	rddreg [dreg:$0x4]  }
0x6: {  	[smem:$0x7FF] =	sst s3;
	s15 =	sadd.s32 $0x10200, s5;
	s7 =	sor.u32 s4, s19  }
0x7: {  	s14 =	sadd.s32 $0xB200, s5;
	p0 =	seq.s32 s12, $0xF;
	s8 =	smul.u32 $0x27, s7  }
0x8: {  	_ =	strace $0x80000047;
	s20 =	ssub.s32 $0x2, s4;
	s7 =	smax.u32 s7, $0x1E  }
0x9: {  	s4 =	sadd.s32 $0x37400, s5;
	s10 =	sshrl.u32 s20, $0x1;
	s7 =	sadd.s32 s8, s7  }
0xa: {  	s8 =	ssub.s32 s20, s10;
	s10 =	simm.s32 $0x15;
	s20 =	simm.s32 $0x140  }
0xb: {  	s7 =	sadd.s32 $0xFFFFFFE2, s7;
	s10 =	simm.s32 @!p0 $0x14;
	s30 =	smax.u32 s8, $0x1  }
0xc: {  	s9 =	sadd.s32 s7, s5;
	s11 =	sshll.u32 s7, $0x3;
	s5 =	simm.s32 $0x28  }
0xd: {  	s0 =	sadd.s32 s0, s7;
	s21 =	sadd.s32 s1, s7;
	s23 =	sadd.s32 s6, s7  }
0xe: {  	s24 =	sshll.u32 s7, $0x7;
	s26 =	sshll.u32 s7, $0xA;
	[dreg:$0xd] =	wrdreg s30  }
0xf: {  	v1 =	vlaneseq.u32;
	s13 =	sadd.s32 s14, s7;
	s7 =	simm.s32 $0x0;
	[dreg:$0x6] =	wrdreg s0  }
0x10: {  	v0 =	vmul.u32 $0x140, v1;
	s5 =	simm.s32 @!p0 $0x27;
	[dreg:$0x7] =	wrdreg s21;
	s22 =	sadd.s32 $0x1400, s9  }
0x11: {  	v2 =	vmul.u32 $0xFFFFFFFF, v1;
	[dreg:$0x9] =	wrdreg s23;
	s25 =	sadd.s32 $0x138, s11;
	s11 =	sadd.s32 s15, s24  }
0x12: {  	v1 =	vadd.s32 $0x1400, v0;
	[dreg:$0xa] =	wrdreg s26;
	s18 =	sadd.s32 $0x1FFFFF80, s24;
	s21 =	simm.s32 $0x2940  }
.Ltmp0:
0x13: {  	v2 =	vadd.s32 $0xF, v2;
	v3 =	vor.u32 $0x1, v0;
	v4 =	vadd.s32 $0x1401, v0;
	s24 =	simm.s32 $0x80;
	s28 =	sshll.u32 s25, $0x4;
	(pc) =	sbr.rel .LBB2_1-.Ltmp0, $4  }
0x14: {  	v5 =	vor.u32 $0x2, v0;
	v6 =	vadd.s32 $0x1402, v0;
	v7 =	vor.u32 $0x3, v0;
	[dreg:$0x8] =	wrdreg s22;
	s1 =	sshrl.u32 s25, $0x3;
	s6 =	sand.u32 $0x1FFFFF80, s28  }
0x15: {  	v8 =	vadd.s32 $0x1403, v0;
	v9 =	vor.u32 $0x4, v0;
	v10 =	vadd.s32 $0x1404, v0;
	s14 =	sadd.s32 s14, s1;
	s1 =	simm.s32 $0x4;
	s29 =	sadd.s32 s15, s6  }
0x16: {  	v11 =	vor.u32 $0x5, v0;
	v12 =	vadd.s32 $0x1405, v0;
	v13 =	vor.u32 $0x6, v0;
	s26 =	simm.s32 $0x2;
	s1 =	simm.s32 @!p0 $0x3;
	[dreg:$0xb] =	wrdreg s29  }
0x17: {  	v14 =	vadd.s32 $0x1406, v0;
	v15 =	vor.u32 $0x7, v0;
	v16 =	vadd.s32 $0x1407, v0;
	p0 =	sne.s32 s12, $0xF;
	[dreg:$0xc] =	wrdreg s1;
	s1 =	simm.s32 $0x17B80  }
.LBB2_15:
0x18: {  	s0 =	rddreg [dreg:$0xc]  }
0x19: {  	_ =	swait.ge [sflag:s0], $0x400  }
0x1a: {  	[sflag:s0] =	ssyncset.done $0x0  }
0x1b: {  	[sflag:s0] =	ssyncadd.s32 $0xFFFFFC00  }
0x1c: {  	[hbm4b:s13+s3] =	stream.linear.scatter [tilespmem:s1], [sflag:$0x6], $0x138, $0x38;
	[tilespmem:$0x18F80] =	vst v63  }
0x1d: {  	s28 =	sadd.s32 $0x4E2, s13;
	s6 =	simm.s32 $0x17CC0  }
0x1e: {  	[hbm4b:s28+s3] =	stream.linear.scatter [tilespmem:s6], [sflag:$0x6], $0x138, $0x38;
	[tilespmem:$0x18F80] =	vst v63  }
0x1f: {  	s29 =	sadd.s32 $0x9C4, s13;
	s30 =	simm.s32 $0x17E00  }
0x20: {  	[hbm4b:s29+s3] =	stream.linear.scatter [tilespmem:s30], [sflag:$0x6], $0x138, $0x38;
	[tilespmem:$0x18F80] =	vst v63  }
0x21: {  	s7 =	sadd.s32 $0xEA6, s13;
	s8 =	simm.s32 $0x17F40  }
0x22: {  	[hbm4b:s7+s3] =	stream.linear.scatter [tilespmem:s8], [sflag:$0x6], $0x138, $0x38;
	[tilespmem:$0x18F80] =	vst v63  }
0x23: {  	s9 =	sadd.s32 $0x1388, s13;
	s12 =	simm.s32 $0x18080  }
0x24: {  	[hbm4b:s9+s3] =	stream.linear.scatter [tilespmem:s12], [sflag:$0x6], $0x138, $0x38;
	[tilespmem:$0x18F80] =	vst v63  }
0x25: {  	s15 =	sadd.s32 $0x186A, s13;
	s16 =	simm.s32 $0x181C0  }
0x26: {  	[hbm4b:s15+s3] =	stream.linear.scatter [tilespmem:s16], [sflag:$0x6], $0x138, $0x38;
	[tilespmem:$0x18F80] =	vst v63  }
0x27: {  	s17 =	sadd.s32 $0x1D4C, s13;
	s19 =	simm.s32 $0x18300  }
0x28: {  	[hbm4b:s17+s3] =	stream.linear.scatter [tilespmem:s19], [sflag:$0x6], $0x138, $0x38;
	[tilespmem:$0x18F80] =	vst v63  }
0x29: {  	s22 =	sadd.s32 $0x222E, s13;
	s23 =	simm.s32 $0x18440  }
0x2a: {  	[hbm4b:s22+s3] =	stream.linear.scatter [tilespmem:s23], [sflag:$0x6], $0x138, $0x38;
	[tilespmem:$0x18F80] =	vst v63  }
0x2b: {  	s25 =	sadd.s32 $0x2710, s13;
	s28 =	simm.s32 $0x18580  }
0x2c: {  	[hbm4b:s25+s3] =	stream.linear.scatter [tilespmem:s28], [sflag:$0x6], $0x138, $0x38;
	[tilespmem:$0x18F80] =	vst v63  }
0x2d: {  	s29 =	sadd.s32 $0x2BF2, s13;
	s30 =	simm.s32 $0x186C0  }
0x2e: {  	[hbm4b:s29+s3] =	stream.linear.scatter [tilespmem:s30], [sflag:$0x6], $0x138, $0x38;
	[tilespmem:$0x18F80] =	vst v63  }
0x2f: {  	s6 =	sadd.s32 $0x30D4, s13;
	s7 =	simm.s32 $0x18800  }
0x30: {  	[hbm4b:s6+s3] =	stream.linear.scatter [tilespmem:s7], [sflag:$0x6], $0x138, $0x38;
	[tilespmem:$0x18F80] =	vst v63  }
0x31: {  	s8 =	sadd.s32 $0x35B6, s13;
	s9 =	simm.s32 $0x18940  }
0x32: {  	[hbm4b:s8+s3] =	stream.linear.scatter [tilespmem:s9], [sflag:$0x6], $0x138, $0x38;
	[tilespmem:$0x18F80] =	vst v63  }
0x33: {  	s12 =	sadd.s32 $0x3A98, s13;
	s15 =	simm.s32 $0x18A80  }
0x34: {  	[hbm4b:s12+s3] =	stream.linear.scatter [tilespmem:s15], [sflag:$0x6], $0x138, $0x38;
	[tilespmem:$0x18F80] =	vst v63  }
0x35: {  	s16 =	sadd.s32 $0x3F7A, s13;
	s17 =	simm.s32 $0x18BC0  }
0x36: {  	[hbm4b:s16+s3] =	stream.linear.scatter [tilespmem:s17], [sflag:$0x6], $0x138, $0x38;
	[tilespmem:$0x18F80] =	vst v63  }
0x37: {  	s19 =	sadd.s32 $0x445C, s13;
	s22 =	simm.s32 $0x18D00  }
0x38: {  	[hbm4b:s19+s3] =	stream.linear.scatter [tilespmem:s22], [sflag:$0x6], $0x138, $0x38;
	[tilespmem:$0x18F80] =	vst v63  }
0x39: {  	s23 =	sadd.s32 $0x493E, s13;
	s25 =	simm.s32 $0x18E40;
	s28 =	simm.s32 $0x6  }
0x3a: {  	[hbm4b:s23+s3] =	stream.linear.scatter [tilespmem:s25], [sflag:$0x6], $0x138, $0x38;
	[tilespmem:$0x18F80] =	vst v63  }
0x3b: {  	_ =	swait.ge [sflag:s28], $0x1380  }
0x3c: {  	[sflag:s28] =	ssyncset.done $0x0  }
0x3d: {  	s0 =	simm.s32 @p0 $0x5;
	[sflag:s28] =	ssyncadd.s32 $0xFFFFEC80  }
0x3e: {  	_ =	swait.ge @p0 [sflag:s0], $0x9C00  }
0x3f: {  	[sflag:s0] =	ssyncset.done @p0 $0x0  }
0x40: {  	s6 =	simm.s32 @!p0 $0x17CB8;
	[sflag:s0] =	ssyncadd.s32 @p0 $0xFFFF6400;
	s0 =	simm.s32 @!p0 $0x0  }
0x41: {  	[hbm4b:s14+s0] =	stream.linear.scatter @!p0 [tilespmem:s6], [sflag:$0x6], $0x8, $0x38;
	[tilespmem:$0x18F80] =	vst v63  }
0x42: {  	s7 =	simm.s32 @!p0 $0x17DF8;
	s6 =	sadd.s32 @!p0 $0x4E2, s14  }
0x43: {  	[hbm4b:s6+s0] =	stream.linear.scatter @!p0 [tilespmem:s7], [sflag:$0x6], $0x8, $0x38;
	[tilespmem:$0x18F80] =	vst v63  }
0x44: {  	s6 =	sadd.s32 @!p0 $0x9C4, s14;
	s7 =	simm.s32 @!p0 $0x17F38  }
0x45: {  	[hbm4b:s6+s0] =	stream.linear.scatter @!p0 [tilespmem:s7], [sflag:$0x6], $0x8, $0x38;
	[tilespmem:$0x18F80] =	vst v63  }
0x46: {  	s6 =	sadd.s32 @!p0 $0xEA6, s14;
	s7 =	simm.s32 @!p0 $0x18078  }
0x47: {  	[hbm4b:s6+s0] =	stream.linear.scatter @!p0 [tilespmem:s7], [sflag:$0x6], $0x8, $0x38;
	[tilespmem:$0x18F80] =	vst v63  }
0x48: {  	s6 =	sadd.s32 @!p0 $0x1388, s14;
	s7 =	simm.s32 @!p0 $0x181B8  }
0x49: {  	[hbm4b:s6+s0] =	stream.linear.scatter @!p0 [tilespmem:s7], [sflag:$0x6], $0x8, $0x38;
	[tilespmem:$0x18F80] =	vst v63  }
0x4a: {  	s6 =	sadd.s32 @!p0 $0x186A, s14;
	s7 =	simm.s32 @!p0 $0x182F8  }
0x4b: {  	[hbm4b:s6+s0] =	stream.linear.scatter @!p0 [tilespmem:s7], [sflag:$0x6], $0x8, $0x38;
	[tilespmem:$0x18F80] =	vst v63  }
0x4c: {  	s6 =	sadd.s32 @!p0 $0x1D4C, s14;
	s7 =	simm.s32 @!p0 $0x18438  }
0x4d: {  	[hbm4b:s6+s0] =	stream.linear.scatter @!p0 [tilespmem:s7], [sflag:$0x6], $0x8, $0x38;
	[tilespmem:$0x18F80] =	vst v63  }
0x4e: {  	s6 =	sadd.s32 @!p0 $0x222E, s14;
	s7 =	simm.s32 @!p0 $0x18578  }
0x4f: {  	[hbm4b:s6+s0] =	stream.linear.scatter @!p0 [tilespmem:s7], [sflag:$0x6], $0x8, $0x38;
	[tilespmem:$0x18F80] =	vst v63  }
0x50: {  	s6 =	sadd.s32 @!p0 $0x2710, s14;
	s7 =	simm.s32 @!p0 $0x186B8  }
0x51: {  	[hbm4b:s6+s0] =	stream.linear.scatter @!p0 [tilespmem:s7], [sflag:$0x6], $0x8, $0x38;
	[tilespmem:$0x18F80] =	vst v63  }
0x52: {  	s6 =	sadd.s32 @!p0 $0x2BF2, s14;
	s7 =	simm.s32 @!p0 $0x187F8  }
0x53: {  	[hbm4b:s6+s0] =	stream.linear.scatter @!p0 [tilespmem:s7], [sflag:$0x6], $0x8, $0x38;
	[tilespmem:$0x18F80] =	vst v63  }
0x54: {  	s6 =	sadd.s32 @!p0 $0x30D4, s14;
	s7 =	simm.s32 @!p0 $0x18938  }
0x55: {  	[hbm4b:s6+s0] =	stream.linear.scatter @!p0 [tilespmem:s7], [sflag:$0x6], $0x8, $0x38;
	[tilespmem:$0x18F80] =	vst v63  }
0x56: {  	s6 =	sadd.s32 @!p0 $0x35B6, s14;
	s7 =	simm.s32 @!p0 $0x18A78  }
0x57: {  	[hbm4b:s6+s0] =	stream.linear.scatter @!p0 [tilespmem:s7], [sflag:$0x6], $0x8, $0x38;
	[tilespmem:$0x18F80] =	vst v63  }
0x58: {  	s6 =	sadd.s32 @!p0 $0x3A98, s14;
	s7 =	simm.s32 @!p0 $0x18BB8  }
0x59: {  	[hbm4b:s6+s0] =	stream.linear.scatter @!p0 [tilespmem:s7], [sflag:$0x6], $0x8, $0x38;
	[tilespmem:$0x18F80] =	vst v63  }
0x5a: {  	s6 =	sadd.s32 @!p0 $0x3F7A, s14;
	s7 =	simm.s32 @!p0 $0x18CF8  }
0x5b: {  	[hbm4b:s6+s0] =	stream.linear.scatter @!p0 [tilespmem:s7], [sflag:$0x6], $0x8, $0x38;
	[tilespmem:$0x18F80] =	vst v63  }
0x5c: {  	s6 =	sadd.s32 @!p0 $0x445C, s14;
	s7 =	simm.s32 @!p0 $0x18E38  }
0x5d: {  	[hbm4b:s6+s0] =	stream.linear.scatter @!p0 [tilespmem:s7], [sflag:$0x6], $0x8, $0x38;
	[tilespmem:$0x18F80] =	vst v63  }
0x5e: {  	s6 =	sadd.s32 @!p0 $0x493E, s14;
	s7 =	simm.s32 @!p0 $0x18F78  }
0x5f: {  	[hbm4b:s6+s0] =	stream.linear.scatter @!p0 [tilespmem:s7], [sflag:$0x6], $0x8, $0x38;
	[tilespmem:$0x18F80] =	vst v63  }
0x60: {  	s6 =	simm.s32 @!p0 $0x6  }
0x61: {  	_ =	swait.ge @!p0 [sflag:s6], $0x80  }
0x62: {  	[sflag:s6] =	ssyncset.done @!p0 $0x0  }
0x63: {  	s7 =	simm.s32 @!p0 $0x5;
	[sflag:s6] =	ssyncadd.s32 @!p0 $0xFFFFFF80  }
0x64: {  	_ =	swait.ge @!p0 [sflag:s7], $0x9C00  }
0x65: {  	[sflag:s7] =	ssyncset.done @!p0 $0x0  }
0x66: {  	s8 =	rddreg [dreg:$0xb];
	[sflag:s7] =	ssyncadd.s32 @!p0 $0xFFFF6400;
	s7 =	simm.s32 @!p0 $0xEE80  }
0x67: {  	[hbm4b:s8+s0] =	stream.linear.scatter @!p0 [tilespmem:s7], [sflag:$0x6], $0x400, $0x38;
	[tilespmem:$0x18F80] =	vst v63  }
0x68: {  	_ =	swait.ge @!p0 [sflag:s6], $0x400  }
0x69: {  	s29 =	rddreg [dreg:$0xe]  }
0x6a: {  	s30 =	rddreg [dreg:$0xd];
	s7 =	sadd.s32 $0x1, s29  }
0x6b: {  	p1 =	sne.s32 s7, s30  }
.Ltmp1:
0x6c: {  	_ = 	snop;
	(pc) =	sbr.rel @!p1 .LBB2_16-.Ltmp1, $3  }
0x6d: {  	_ =	sdelay $0x1  }
0x6e: {  	[sflag:s6] =	ssyncset.done @!p0 $0x0  }
0x6f: {  	[sflag:s6] =	ssyncadd.s32 @!p0 $0xFFFFFC00  }
.LBB2_1:
0x70: {  	[dreg:$0xe] =	wrdreg s7  }
0x71: {  	s0 =	rddreg [dreg:$0x6]  }
0x72: {  	[tilespmem:s3], [sflag:$0x5] =	stream.linear.gather [hbm4b:s0+s3], $0x140, $0x38;
	[tilespmem:$0x18F80] =	vst v63  }
0x73: {  	s12 =	rddreg [dreg:$0x7];
	s6 =	simm.s32 $0x2710  }
0x74: {  	[tilespmem:s20], [sflag:$0x5] =	stream.strided.gather [hbm4b:s12+s20], $0x2800, s6, s20, $0x38;
	[tilespmem:$0x18F80] =	vst v63  }
0x75: {  	s15 =	rddreg [dreg:$0x8]  }
0x76: {  	[tilespmem:s21], [sflag:$0x5] =	stream.strided.gather [hbm4b:s15+s20], $0x2800, s6, s20, $0x38;
	[tilespmem:$0x18F80] =	vst v63  }
0x77: {  	s16 =	rddreg [dreg:$0x9];
	s17 =	simm.s32 $0x5140;
	s19 =	simm.s32 $0x5  }
0x78: {  	[tilespmem:s17], [sflag:$0x5] =	stream.linear.gather [hbm4b:s16+s3], $0x140, $0x38;
	[tilespmem:$0x18F80] =	vst v63  }
0x79: {  	_ =	swait.ge [sflag:s19], $0x140  }
0x7a: {  	[sflag:s19] =	ssyncset.done $0x0  }
0x7b: {  	[sflag:s19] =	ssyncadd.s32 $0xFFFFFEC0  }
0x7c: {  	_ =	swait.ge [sflag:s19], $0x2800  }
0x7d: {  	[sflag:s19] =	ssyncset.done $0x0  }
0x7e: {  	[sflag:s19] =	ssyncadd.s32 $0xFFFFD800  }
0x7f: {  	_ =	swait.ge [sflag:s19], $0x2800  }
0x80: {  	[sflag:s19] =	ssyncset.done $0x0  }
0x81: {  	[sflag:s19] =	ssyncadd.s32 $0xFFFFD800  }
0x82: {  	_ =	swait.ge [sflag:s19], $0x140  }
0x83: {  	[sflag:s19] =	ssyncset.done $0x0  }
0x84: {  	s22 =	simm.s32 $0x5280;
	[sflag:s19] =	ssyncadd.s32 $0xFFFFFEC0  }
0x85: {  	[tilespmem:s22], [sflag:$0x5] =	stream.indirect.gather [hbm4b:s2+s24], $0x80, s17, s24, $0xb8;
	[tilespmem:$0x18F80] =	vst v63  }
.Ltmp2:
0x86: {  	_ = 	snop;
	(pc) =	sbr.rel .LBB2_2-.Ltmp2, $4  }
0x87: {  	s23 =	simm.s32 $0x51C0;
	s25 =	simm.s32 $0x9280;
	s28 =	simm.s32 $0x40  }
0x88: {  	[tilespmem:s25], [sflag:$0x5] =	stream.indirect.gather [hbm4b:s2+s24], $0x80, s23, s24, $0xb8;
	[tilespmem:$0x18F80] =	vst v63  }
0x89: {  	s29 =	simm.s32 $0x5240;
	s30 =	simm.s32 $0xD280;
	s22 =	simm.s32 $0x0  }
0x8a: {  	[tilespmem:s30], [sflag:$0x5] =	stream.indirect.gather [hbm4b:s2+s28], $0x80, s29, s28, $0xb8;
	[tilespmem:$0x18F80] =	vst v63  }
.LBB2_14:
0x8b: {  	s22 =	sadd.s32 $0x1, s22  }
0x8c: {  	p1 =	sne.s32 s22, s10  }
.Ltmp3:
0x8d: {  	_ = 	snop;
	(pc) =	sbr.rel @!p1 .LBB2_15-.Ltmp3, $1  }
0x8e: {  	_ =	sdelay $0x3  }
.LBB2_2:
0x8f: {  	s8 =	sshll.u32 s22, $0x1  }
0x90: {  	p1 =	sne.s32 s22, $0x0;
	p2 =	sle.u32 s8, s5  }
0x91: {  	p1 =	por !p1, !p2  }
0x92: {  	p2 =	por !p1, !p1;
	p1 =	sge.u32 s8, s5  }
.Ltmp4:
0x93: {  	_ = 	snop;
	(pc) =	sbr.rel @p1 .LBB2_4-.Ltmp4, $4  }
0x94: {  	s0 =	simm.s32 @p2 $0x3  }
0x95: {  	_ =	swait.ge @p2 [sflag:s0], $0x400  }
0x96: {  	[sflag:s0] =	ssyncset.done @p2 $0x0  }
0x97: {  	[sflag:s0] =	ssyncadd.s32 @p2 $0xFFFFFC00  }
0x98: {  	s0 =	sshll.u32 s22, $0x4  }
0x99: {  	v17 =	vmov s0  }
0x9a: {  	v17 =	vshrl.u32 v17, $0x3  }
0x9b: {  	v17 =	vshll.u32 v17, $0x3  }
0x9c: {  	v17 =	vbroadcast v17, $0x0;
	_ =	sdelay $0x1  }
0x9d: {  	v18 =	vadd.s32 v0, v17  }
0x9e: {  	v19 =	vadd.s32 v1, v17;
	_ =	sdelay $0x2  }
0x9f: {  	v20 =	vld.idx.msk [tilespmem:v17+s3+$0x0], $0xffff  }
0xa0: {  	v21 =	vld.idx.msk [tilespmem:v18+s20+$0x0], $0xffff  }
0xa1: {  	v22 =	vld.idx.msk [tilespmem:v19+s20+$0x0], $0xffff;
	_ =	sdelay $0x1  }
0xa2: {  	v23 =	vld.idx.msk [tilespmem:v18+s21+$0x0], $0xffff  }
0xa3: {  	v19 =	vld.idx.msk [tilespmem:v19+s21+$0x0], $0xffff  }
0xa4: {  	v21 =	vsub.f32 v21, v20  }
0xa5: {  	v20 =	vsub.f32 v22, v20  }
0xa6: {  	v21 =	vand.u32 $0x7FFFFFFF, v21  }
0xa7: {  	v20 =	vand.u32 $0x7FFFFFFF, v20;
	(xrf1) =	vsort.ascd.msk.f32 $0xffff, v21, v23  }
0xa8: {  	(xrf1) =	vsort.ascd.msk.f32 $0xffff, v20, v19;
	_ =	sdelay $0xc  }
0xa9: {  	v19, v20, _ =	vpop (xrf1)  }
0xaa: {  	v26, v25, _ =	vpop (xrf1)  }
0xab: {  	v21 =	vperm.xlane v26, v2  }
0xac: {  	v22 =	vperm.xlane v25, v2  }
0xad: {  	vm0 =	vle.f32 v19, v21  }
0xae: {  	v19 =	vsel vm0, v19, v21;
	v20 =	vsel vm0, v20, v22  }
0xaf: {  	(xrf1) =	vsort.ascd.msk.f32 $0xffff, v19, v20;
	_ =	sdelay $0xb  }
0xb0: {  	v19 =	vor.u32 $0x1, v17  }
0xb1: {  	v27 =	vadd.s32 v3, v17  }
0xb2: {  	v30 =	vadd.s32 v4, v17;
	v28, v29, _ =	vpop (xrf1)  }
0xb3: {  	[tilespmem:v18+s1+$0x0] =	vst.idx.msk $0xffff, v28  }
0xb4: {  	[tilespmem:$0xF280] =	vst v29  }
0xb5: {  	v18 =	vld.idx.msk [tilespmem:v19+s3+$0x0], $0xffff  }
0xb6: {  	v19 =	vld.idx.msk [tilespmem:v27+s20+$0x0], $0xffff  }
0xb7: {  	v21 =	vld.idx.msk [tilespmem:v30+s20+$0x0], $0xffff;
	_ =	sdelay $0x1  }
0xb8: {  	v22 =	vld.idx.msk [tilespmem:v27+s21+$0x0], $0xffff  }
0xb9: {  	v23 =	vld.idx.msk [tilespmem:v30+s21+$0x0], $0xffff  }
0xba: {  	v19 =	vsub.f32 v19, v18  }
0xbb: {  	v18 =	vsub.f32 v21, v18  }
0xbc: {  	v19 =	vand.u32 $0x7FFFFFFF, v19  }
0xbd: {  	v18 =	vand.u32 $0x7FFFFFFF, v18;
	(xrf1) =	vsort.ascd.msk.f32 $0xffff, v19, v22  }
0xbe: {  	(xrf1) =	vsort.ascd.msk.f32 $0xffff, v18, v23;
	_ =	sdelay $0xc  }
0xbf: {  	v18, v19, _ =	vpop (xrf1)  }
0xc0: {  	v31, v32, _ =	vpop (xrf1)  }
0xc1: {  	v21 =	vperm.xlane v31, v2  }
0xc2: {  	v22 =	vperm.xlane v32, v2  }
0xc3: {  	vm9 =	vle.f32 v18, v21  }
0xc4: {  	v18 =	vsel vm9, v18, v21;
	v19 =	vsel vm9, v19, v22  }
0xc5: {  	(xrf1) =	vsort.ascd.msk.f32 $0xffff, v18, v19;
	_ =	sdelay $0xb  }
0xc6: {  	v18 =	vor.u32 $0x2, v17  }
0xc7: {  	v19 =	vadd.s32 v5, v17  }
0xc8: {  	v35 =	vadd.s32 v6, v17;
	v33, v34, _ =	vpop (xrf1)  }
0xc9: {  	[tilespmem:v27+s1+$0x0] =	vst.idx.msk $0xffff, v33  }
0xca: {  	[tilespmem:$0xF290] =	vst v34  }
0xcb: {  	v18 =	vld.idx.msk [tilespmem:v18+s3+$0x0], $0xffff  }
0xcc: {  	v20 =	vld.idx.msk [tilespmem:v19+s20+$0x0], $0xffff  }
0xcd: {  	v21 =	vld.idx.msk [tilespmem:v35+s20+$0x0], $0xffff;
	_ =	sdelay $0x1  }
0xce: {  	v22 =	vld.idx.msk [tilespmem:v19+s21+$0x0], $0xffff  }
0xcf: {  	v23 =	vld.idx.msk [tilespmem:v35+s21+$0x0], $0xffff  }
0xd0: {  	v20 =	vsub.f32 v20, v18  }
0xd1: {  	v18 =	vsub.f32 v21, v18  }
0xd2: {  	v20 =	vand.u32 $0x7FFFFFFF, v20  }
0xd3: {  	v18 =	vand.u32 $0x7FFFFFFF, v18;
	(xrf1) =	vsort.ascd.msk.f32 $0xffff, v20, v22  }
0xd4: {  	(xrf1) =	vsort.ascd.msk.f32 $0xffff, v18, v23;
	_ =	sdelay $0xc  }
0xd5: {  	v18, v20, _ =	vpop (xrf1)  }
0xd6: {  	v36, v37, _ =	vpop (xrf1)  }
0xd7: {  	v21 =	vperm.xlane v36, v2  }
0xd8: {  	v22 =	vperm.xlane v37, v2  }
0xd9: {  	vm10 =	vle.f32 v18, v21  }
0xda: {  	v18 =	vsel vm10, v18, v21;
	v20 =	vsel vm10, v20, v22  }
0xdb: {  	(xrf1) =	vsort.ascd.msk.f32 $0xffff, v18, v20;
	_ =	sdelay $0xb  }
0xdc: {  	v18 =	vor.u32 $0x3, v17  }
0xdd: {  	v38 =	vadd.s32 v7, v17  }
0xde: {  	v41 =	vadd.s32 v8, v17;
	v39, v40, _ =	vpop (xrf1)  }
0xdf: {  	[tilespmem:v19+s1+$0x0] =	vst.idx.msk $0xffff, v39  }
0xe0: {  	[tilespmem:$0xF2A0] =	vst v40  }
0xe1: {  	v18 =	vld.idx.msk [tilespmem:v18+s3+$0x0], $0xffff  }
0xe2: {  	v19 =	vld.idx.msk [tilespmem:v38+s20+$0x0], $0xffff  }
0xe3: {  	v21 =	vld.idx.msk [tilespmem:v41+s20+$0x0], $0xffff;
	_ =	sdelay $0x1  }
0xe4: {  	v22 =	vld.idx.msk [tilespmem:v38+s21+$0x0], $0xffff  }
0xe5: {  	v23 =	vld.idx.msk [tilespmem:v41+s21+$0x0], $0xffff  }
0xe6: {  	v19 =	vsub.f32 v19, v18  }
0xe7: {  	v18 =	vsub.f32 v21, v18  }
0xe8: {  	v19 =	vand.u32 $0x7FFFFFFF, v19  }
0xe9: {  	v18 =	vand.u32 $0x7FFFFFFF, v18;
	(xrf1) =	vsort.ascd.msk.f32 $0xffff, v19, v22  }
0xea: {  	(xrf1) =	vsort.ascd.msk.f32 $0xffff, v18, v23;
	_ =	sdelay $0xc  }
0xeb: {  	v18, v19, _ =	vpop (xrf1)  }
0xec: {  	v42, v43, _ =	vpop (xrf1)  }
0xed: {  	v21 =	vperm.xlane v42, v2  }
0xee: {  	v22 =	vperm.xlane v43, v2  }
0xef: {  	vm11 =	vle.f32 v18, v21  }
0xf0: {  	v18 =	vsel vm11, v18, v21;
	v19 =	vsel vm11, v19, v22  }
0xf1: {  	(xrf1) =	vsort.ascd.msk.f32 $0xffff, v18, v19;
	_ =	sdelay $0xb  }
0xf2: {  	v18 =	vor.u32 $0x4, v17  }
0xf3: {  	v19 =	vadd.s32 v9, v17  }
0xf4: {  	v46 =	vadd.s32 v10, v17;
	v44, v45, _ =	vpop (xrf1)  }
0xf5: {  	[tilespmem:v38+s1+$0x0] =	vst.idx.msk $0xffff, v44  }
0xf6: {  	[tilespmem:$0xF2B0] =	vst v45  }
0xf7: {  	v18 =	vld.idx.msk [tilespmem:v18+s3+$0x0], $0xffff  }
0xf8: {  	v20 =	vld.idx.msk [tilespmem:v19+s20+$0x0], $0xffff  }
0xf9: {  	v21 =	vld.idx.msk [tilespmem:v46+s20+$0x0], $0xffff;
	_ =	sdelay $0x1  }
0xfa: {  	v22 =	vld.idx.msk [tilespmem:v19+s21+$0x0], $0xffff  }
0xfb: {  	v23 =	vld.idx.msk [tilespmem:v46+s21+$0x0], $0xffff  }
0xfc: {  	v20 =	vsub.f32 v20, v18  }
0xfd: {  	v18 =	vsub.f32 v21, v18  }
0xfe: {  	v20 =	vand.u32 $0x7FFFFFFF, v20  }
0xff: {  	v18 =	vand.u32 $0x7FFFFFFF, v18;
	(xrf1) =	vsort.ascd.msk.f32 $0xffff, v20, v22  }
0x100: {  	(xrf1) =	vsort.ascd.msk.f32 $0xffff, v18, v23;
	_ =	sdelay $0xc  }
0x101: {  	v18, v20, _ =	vpop (xrf1)  }
0x102: {  	v47, v48, _ =	vpop (xrf1)  }
0x103: {  	v21 =	vperm.xlane v47, v2  }
0x104: {  	v22 =	vperm.xlane v48, v2  }
0x105: {  	vm12 =	vle.f32 v18, v21  }
0x106: {  	v18 =	vsel vm12, v18, v21;
	v20 =	vsel vm12, v20, v22  }
0x107: {  	(xrf1) =	vsort.ascd.msk.f32 $0xffff, v18, v20;
	_ =	sdelay $0xb  }
0x108: {  	v18 =	vor.u32 $0x5, v17  }
0x109: {  	v49 =	vadd.s32 v11, v17  }
0x10a: {  	v52 =	vadd.s32 v12, v17;
	v50, v51, _ =	vpop (xrf1)  }
0x10b: {  	[tilespmem:v19+s1+$0x0] =	vst.idx.msk $0xffff, v50  }
0x10c: {  	[tilespmem:$0xF2C0] =	vst v51  }
0x10d: {  	v18 =	vld.idx.msk [tilespmem:v18+s3+$0x0], $0xffff  }
0x10e: {  	v19 =	vld.idx.msk [tilespmem:v49+s20+$0x0], $0xffff  }
0x10f: {  	v21 =	vld.idx.msk [tilespmem:v52+s20+$0x0], $0xffff;
	_ =	sdelay $0x1  }
0x110: {  	v22 =	vld.idx.msk [tilespmem:v49+s21+$0x0], $0xffff  }
0x111: {  	v23 =	vld.idx.msk [tilespmem:v52+s21+$0x0], $0xffff  }
0x112: {  	v19 =	vsub.f32 v19, v18  }
0x113: {  	v18 =	vsub.f32 v21, v18  }
0x114: {  	v19 =	vand.u32 $0x7FFFFFFF, v19  }
0x115: {  	v18 =	vand.u32 $0x7FFFFFFF, v18;
	(xrf1) =	vsort.ascd.msk.f32 $0xffff, v19, v22  }
0x116: {  	(xrf1) =	vsort.ascd.msk.f32 $0xffff, v18, v23;
	_ =	sdelay $0xc  }
0x117: {  	v18, v19, _ =	vpop (xrf1)  }
0x118: {  	v53, v54, _ =	vpop (xrf1)  }
0x119: {  	v21 =	vperm.xlane v53, v2  }
0x11a: {  	v22 =	vperm.xlane v54, v2  }
0x11b: {  	vm13 =	vle.f32 v18, v21  }
0x11c: {  	v18 =	vsel vm13, v18, v21;
	v19 =	vsel vm13, v19, v22  }
0x11d: {  	(xrf1) =	vsort.ascd.msk.f32 $0xffff, v18, v19;
	_ =	sdelay $0xb  }
0x11e: {  	v18 =	vor.u32 $0x6, v17  }
0x11f: {  	v19 =	vadd.s32 v13, v17  }
0x120: {  	v57 =	vadd.s32 v14, v17;
	v55, v56, _ =	vpop (xrf1)  }
0x121: {  	[tilespmem:v49+s1+$0x0] =	vst.idx.msk $0xffff, v55  }
0x122: {  	[tilespmem:$0xF2D0] =	vst v56  }
0x123: {  	v18 =	vld.idx.msk [tilespmem:v18+s3+$0x0], $0xffff  }
0x124: {  	v20 =	vld.idx.msk [tilespmem:v19+s20+$0x0], $0xffff  }
0x125: {  	v21 =	vld.idx.msk [tilespmem:v57+s20+$0x0], $0xffff;
	_ =	sdelay $0x1  }
0x126: {  	v22 =	vld.idx.msk [tilespmem:v19+s21+$0x0], $0xffff  }
0x127: {  	v23 =	vld.idx.msk [tilespmem:v57+s21+$0x0], $0xffff  }
0x128: {  	v20 =	vsub.f32 v20, v18  }
0x129: {  	v18 =	vsub.f32 v21, v18  }
0x12a: {  	v20 =	vand.u32 $0x7FFFFFFF, v20  }
0x12b: {  	v18 =	vand.u32 $0x7FFFFFFF, v18;
	(xrf1) =	vsort.ascd.msk.f32 $0xffff, v20, v22  }
0x12c: {  	(xrf1) =	vsort.ascd.msk.f32 $0xffff, v18, v23;
	_ =	sdelay $0xc  }
0x12d: {  	v18, v20, _ =	vpop (xrf1)  }
0x12e: {  	v58, v59, _ =	vpop (xrf1)  }
0x12f: {  	v21 =	vperm.xlane v58, v2  }
0x130: {  	v22 =	vperm.xlane v59, v2  }
0x131: {  	vm14 =	vle.f32 v18, v21  }
0x132: {  	v18 =	vsel vm14, v18, v21;
	v20 =	vsel vm14, v20, v22  }
0x133: {  	(xrf1) =	vsort.ascd.msk.f32 $0xffff, v18, v20;
	_ =	sdelay $0xb  }
0x134: {  	v18 =	vor.u32 $0x7, v17  }
0x135: {  	v60 =	vadd.s32 v15, v17  }
0x136: {  	v17 =	vadd.s32 v16, v17;
	v61, v62, _ =	vpop (xrf1)  }
0x137: {  	[tilespmem:v19+s1+$0x0] =	vst.idx.msk $0xffff, v61  }
0x138: {  	[tilespmem:$0xF2E0] =	vst v62  }
0x139: {  	v18 =	vld.idx.msk [tilespmem:v18+s3+$0x0], $0xffff  }
0x13a: {  	v19 =	vld.idx.msk [tilespmem:v60+s20+$0x0], $0xffff  }
0x13b: {  	v21 =	vld.idx.msk [tilespmem:v17+s20+$0x0], $0xffff;
	_ =	sdelay $0x1  }
0x13c: {  	v22 =	vld.idx.msk [tilespmem:v60+s21+$0x0], $0xffff  }
0x13d: {  	v17 =	vld.idx.msk [tilespmem:v17+s21+$0x0], $0xffff  }
0x13e: {  	v19 =	vsub.f32 v19, v18  }
0x13f: {  	v18 =	vsub.f32 v21, v18  }
0x140: {  	v19 =	vand.u32 $0x7FFFFFFF, v19  }
0x141: {  	v18 =	vand.u32 $0x7FFFFFFF, v18;
	(xrf1) =	vsort.ascd.msk.f32 $0xffff, v19, v22  }
0x142: {  	(xrf1) =	vsort.ascd.msk.f32 $0xffff, v18, v17;
	_ =	sdelay $0xc  }
0x143: {  	v17, v18, _ =	vpop (xrf1)  }
0x144: {  	v19, v63, _ =	vpop (xrf1)  }
0x145: {  	v19 =	vperm.xlane v19, v2  }
0x146: {  	v21 =	vperm.xlane v63, v2  }
0x147: {  	vm15 =	vle.f32 v17, v19  }
0x148: {  	v17 =	vsel vm15, v17, v19;
	v18 =	vsel vm15, v18, v21  }
0x149: {  	(xrf1) =	vsort.ascd.msk.f32 $0xffff, v17, v18;
	_ =	sdelay $0xd  }
0x14a: {  	v17, v18, _ =	vpop (xrf1)  }
0x14b: {  	[tilespmem:v60+s1+$0x0] =	vst.idx.msk $0xffff, v17  }
0x14c: {  	s30 =	simm.s32 $0xF280;
	s6 =	simm.s32 $0xF380;
	[tilespmem:$0xF2F0] =	vst v18  }
0x14d: {  	[tilespmem:s6], [sflag:$0x1] =	stream.indirect.gather [hbm4b:s2+s24], $0x80, s30, s24, $0xb8;
	[tilespmem:$0x18F80] =	vst v63  }
.LBB2_4:
.Ltmp5:
0x14e: {  	(pc) =	sbr.rel @!p2 .LBB2_8-.Ltmp5, $1  }
0x14f: {  	_ =	sdelay $0x3  }
0x150: {  	s9 =	simm.s32 $0x0;
	s6 =	simm.s32 $0x0  }
0x151: {  	_ =	swait.ge [sflag:s26], $0x4000;
	s0 =	sand.u32 $0x40, s9;
	s6 =	sand.u32 $0x3FFFF800, s6  }
0x152: {  	[sflag:s26] =	ssyncset.done $0x0;
	s15 =	sadd.s32 $0x13380, s6;
	s7 =	sor.u32 $0x30, s0  }
0x153: {  	[sflag:s26] =	ssyncadd.s32 $0xFFFFC000;
	s16 =	sor.u32 s7, s15  }
0x154: {  	v17 =	vld [tilespmem:s16+$0x600]  }
0x155: {  	v18 =	vld [tilespmem:s16+$0x680]  }
0x156: {  	v19 =	vld [tilespmem:s16+$0x400]  }
0x157: {  	v20 =	vld [tilespmem:s16+$0x480]  }
0x158: {  	v21 =	vld [tilespmem:s16+$0x0]  }
0x159: {  	v22 =	vld [tilespmem:s16+$0x80]  }
0x15a: {  	v23 =	vld [tilespmem:s16+$0x100]  }
0x15b: {  	v24 =	vld [tilespmem:s16+$0x180]  }
0x15c: {  	v25 =	vld [tilespmem:s16+$0x200]  }
0x15d: {  	v26 =	vld [tilespmem:s16+$0x280]  }
0x15e: {  	v27 =	vld [tilespmem:s16+$0x300]  }
0x15f: {  	v28 =	vld [tilespmem:s16+$0x380]  }
0x160: {  	v29 =	vld [tilespmem:s16+$0x500]  }
0x161: {  	v30 =	vld [tilespmem:s16+$0x580]  }
0x162: {  	v31 =	vld [tilespmem:s16+$0x700]  }
0x163: {  	s6 =	sor.u32 s0, s15;
	v32 =	vld [tilespmem:s16+$0x780]  }
0x164: {  	v33 =	vld [tilespmem:s6+$0x0]  }
0x165: {  	v34 =	vld [tilespmem:s6+$0x80]  }
0x166: {  	v35 =	vld [tilespmem:s6+$0x100]  }
0x167: {  	v36 =	vld [tilespmem:s6+$0x180]  }
0x168: {  	v37 =	vld [tilespmem:s6+$0x200]  }
0x169: {  	v38 =	vld [tilespmem:s6+$0x280]  }
0x16a: {  	s30 =	sor.u32 $0x10, s0;
	v39 =	vld [tilespmem:s6+$0x300]  }
0x16b: {  	s17 =	sor.u32 s30, s15;
	v40 =	vld [tilespmem:s6+$0x380]  }
0x16c: {  	v41 =	vld [tilespmem:s17+$0x0]  }
0x16d: {  	v42 =	vld [tilespmem:s17+$0x80]  }
0x16e: {  	v43 =	vld [tilespmem:s17+$0x100]  }
0x16f: {  	v44 =	vld [tilespmem:s17+$0x180]  }
0x170: {  	v45 =	vld [tilespmem:s17+$0x200]  }
0x171: {  	v46 =	vld [tilespmem:s17+$0x280]  }
0x172: {  	s25 =	sor.u32 $0x20, s0;
	v47 =	vld [tilespmem:s17+$0x300]  }
0x173: {  	s15 =	sor.u32 s25, s15;
	v48 =	vld [tilespmem:s17+$0x380]  }
0x174: {  	v49 =	vld [tilespmem:s15+$0x0]  }
0x175: {  	v50 =	vld [tilespmem:s15+$0x80]  }
0x176: {  	v51 =	vld [tilespmem:s15+$0x100]  }
0x177: {  	v52 =	vld [tilespmem:s15+$0x180]  }
0x178: {  	v54 =	vld [tilespmem:s15+$0x480]  }
0x179: {  	v57 =	vld [tilespmem:s15+$0x500]  }
0x17a: {  	v59 =	vld [tilespmem:s15+$0x580];
	v21 =	vadd.f32 v25, v21  }
0x17b: {  	v62 =	vld [tilespmem:s6+$0x600];
	v22 =	vadd.f32 v26, v22;
	v23 =	vadd.f32 v27, v23  }
0x17c: {  	v25 =	vld [tilespmem:s15+$0x200];
	v24 =	vadd.f32 v28, v24;
	v28 =	vadd.f32 v38, v34  }
0x17d: {  	v26 =	vld [tilespmem:s15+$0x280];
	v63 =	vadd.f32 v40, v36;
	v34 =	vadd.f32 v45, v41  }
0x17e: {  	v27 =	vld [tilespmem:s6+$0x500];
	v53 =	vadd.f32 v48, v44;
	v19 =	vadd.f32 v19, v21  }
0x17f: {  	v36 =	vld [tilespmem:s15+$0x400];
	v20 =	vadd.f32 v20, v22;
	v22 =	vadd.f32 v29, v23  }
0x180: {  	v21 =	vld [tilespmem:s15+$0x300];
	v23 =	vadd.f32 v30, v24;
	v29 =	vadd.f32 v39, v35  }
0x181: {  	v24 =	vld [tilespmem:s15+$0x380];
	v17 =	vadd.f32 v17, v19;
	v18 =	vadd.f32 v18, v20  }
0x182: {  	v19 =	vld [tilespmem:s6+$0x400];
	v20 =	vadd.f32 v31, v22;
	v22 =	vadd.f32 v32, v23  }
0x183: {  	v35 =	vadd.f32 v46, v42;
	v23 =	vld [tilespmem:s6+$0x480];
	v55 =	vadd.f32 v25, v49  }
0x184: {  	v17 =	vadd.f32 v18, v17;
	v18 =	vadd.f32 v22, v20;
	v20 =	vld [tilespmem:s6+$0x580]  }
0x185: {  	v30 =	vld [tilespmem:s17+$0x500];
	v56 =	vadd.f32 v26, v50;
	v26 =	vadd.f32 v27, v29  }
0x186: {  	v22 =	vld [tilespmem:s17+$0x400];
	v21 =	vadd.f32 v21, v51;
	v58 =	vadd.f32 v24, v52  }
0x187: {  	v31 =	vadd.f32 v18, v17;
	v17 =	vld [tilespmem:s17+$0x480];
	v18 =	vadd.f32 v37, v33  }
0x188: {  	v33 =	vld [tilespmem:s17+$0x580];
	v37 =	vadd.f32 v47, v43;
	v61 =	vadd.f32 v23, v28  }
0x189: {  	v60 =	vadd.f32 v19, v18;
	v25 =	vadd.f32 v20, v63;
	v63 =	vld [tilespmem:s6+$0x680]  }
0x18a: {  	s23 =	simm.s32 $0x0;
	v29 =	vld [tilespmem:s6+$0x700];
	v18 =	vadd.f32 v54, v56;
	v19 =	vadd.f32 v57, v21  }
0x18b: {  	s23 =	sand.u32 $0x3FFFFF80, s23;
	v24 =	vadd.f32 v22, v34;
	v22 =	vadd.f32 v30, v37;
	v30 =	vld [tilespmem:s6+$0x780]  }
0x18c: {  	s28 =	sadd.s32 $0x17780, s23;
	v27 =	vld [tilespmem:s17+$0x600];
	v21 =	vadd.f32 v59, v58;
	v32 =	vadd.f32 v62, v60  }
0x18d: {  	s7 =	sor.u32 s7, s28;
	s0 =	sor.u32 s0, s28;
	v28 =	vld [tilespmem:s17+$0x680];
	v23 =	vadd.f32 v17, v35;
	v20 =	vadd.f32 v33, v53  }
0x18e: {  	s23 =	sor.u32 s30, s28;
	s16 =	sor.u32 s25, s28;
	[tilespmem:s7+$0x0] =	vst v31;
	v31 =	vld [tilespmem:s17+$0x700];
	s6 =	simm.s32 $0x0;
	v17 =	vadd.f32 v36, v55;
	v33 =	vadd.f32 v63, v61  }
.LBB2_6:
0x18f: {  	s6 =	sadd.s32 $0x4, s6;
	v26 =	vadd.f32 v29, v26;
	v29 =	vld [tilespmem:s17+$0x780]  }
0x190: {  	s9 =	sadd.s32 $0x40, s9;
	s7 =	sshll.u32 s6, $0x8;
	p2 =	slt.u32 s6, $0x3C;
	v25 =	vadd.f32 v30, v25;
	v30 =	vadd.f32 v33, v32;
	v32 =	vld [tilespmem:s15+$0x600]  }
0x191: {  	s25 =	sand.u32 $0x40, s9;
	s7 =	sand.u32 $0x3FFFF800, s7;
	v24 =	vadd.f32 v27, v24;
	v27 =	vld [tilespmem:s15+$0x680]  }
0x192: {  	s28 =	sor.u32 $0x10, s25;
	s29 =	sor.u32 $0x30, s25;
	s19 =	sadd.s32 $0x13380, s7;
	v25 =	vadd.f32 v25, v26;
	v23 =	vadd.f32 v28, v23;
	v26 =	vld [tilespmem:s15+$0x700]  }
0x193: {  	s30 =	sor.u32 $0x20, s25;
	s7 =	sor.u32 s25, s19;
	s12 =	sor.u32 s29, s19;
	v22 =	vadd.f32 v31, v22;
	v28 =	vld [tilespmem:s15+$0x780]  }
0x194: {  	s17 =	sor.u32 s28, s19;
	s15 =	sor.u32 s30, s19;
	v31 =	vld [tilespmem:s12+$0x600];
	v20 =	vadd.f32 v29, v20;
	v23 =	vadd.f32 v23, v24  }
0x195: {  	v25 =	vadd.f32 v25, v30;
	v24 =	vld [tilespmem:s12+$0x680];
	v17 =	vadd.f32 v32, v17  }
0x196: {  	v29 =	vld [tilespmem:s12+$0x400];
	v20 =	vadd.f32 v20, v22;
	v18 =	vadd.f32 v27, v18  }
0x197: {  	v22 =	vld [tilespmem:s12+$0x480];
	[tilespmem:s0+$0x0] =	vst v25;
	v19 =	vadd.f32 v26, v19  }
0x198: {  	v25 =	vld [tilespmem:s12+$0x0];
	v21 =	vadd.f32 v28, v21;
	v17 =	vadd.f32 v18, v17  }
0x199: {  	v20 =	vadd.f32 v20, v23;
	v18 =	vld [tilespmem:s12+$0x80]  }
0x19a: {  	v23 =	vld [tilespmem:s12+$0x100];
	v19 =	vadd.f32 v21, v19  }
0x19b: {  	v21 =	vld [tilespmem:s12+$0x180];
	[tilespmem:s23+$0x0] =	vst v20  }
0x19c: {  	v20 =	vld [tilespmem:s12+$0x200];
	v17 =	vadd.f32 v19, v17  }
0x19d: {  	v19 =	vld [tilespmem:s12+$0x280]  }
0x19e: {  	v26 =	vld [tilespmem:s12+$0x300];
	[tilespmem:s16+$0x0] =	vst v17  }
0x19f: {  	v17 =	vld [tilespmem:s12+$0x380]  }
0x1a0: {  	v27 =	vld [tilespmem:s12+$0x500]  }
0x1a1: {  	v28 =	vld [tilespmem:s12+$0x580]  }
0x1a2: {  	v30 =	vld [tilespmem:s12+$0x700]  }
0x1a3: {  	v20 =	vadd.f32 v20, v25;
	v18 =	vadd.f32 v19, v18;
	v19 =	vld [tilespmem:s12+$0x780]  }
0x1a4: {  	v23 =	vadd.f32 v26, v23;
	v25 =	vld [tilespmem:s7+$0x0];
	v17 =	vadd.f32 v17, v21  }
0x1a5: {  	v20 =	vadd.f32 v29, v20;
	v18 =	vadd.f32 v22, v18;
	v21 =	vld [tilespmem:s7+$0x80]  }
0x1a6: {  	v23 =	vadd.f32 v27, v23;
	v22 =	vld [tilespmem:s7+$0x100];
	v17 =	vadd.f32 v28, v17  }
0x1a7: {  	v20 =	vadd.f32 v31, v20;
	v18 =	vadd.f32 v24, v18;
	v26 =	vld [tilespmem:s7+$0x180]  }
0x1a8: {  	v23 =	vadd.f32 v30, v23;
	v24 =	vld [tilespmem:s7+$0x200];
	v17 =	vadd.f32 v19, v17  }
0x1a9: {  	v19 =	vld [tilespmem:s7+$0x280]  }
0x1aa: {  	s0 =	sshll.u32 s6, $0x4;
	v18 =	vadd.f32 v18, v20;
	v27 =	vld [tilespmem:s7+$0x300];
	v17 =	vadd.f32 v17, v23  }
0x1ab: {  	s0 =	sand.u32 $0x3FFFFF80, s0;
	v20 =	vld [tilespmem:s7+$0x380]  }
0x1ac: {  	s12 =	sadd.s32 $0x17780, s0;
	v23 =	vld [tilespmem:s17+$0x0];
	v17 =	vadd.f32 v17, v18  }
0x1ad: {  	s0 =	sor.u32 s25, s12;
	s23 =	sor.u32 s28, s12;
	s19 =	sor.u32 s29, s12;
	v18 =	vadd.f32 v24, v25;
	v24 =	vld [tilespmem:s17+$0x80]  }
0x1ae: {  	s16 =	sor.u32 s30, s12;
	v19 =	vadd.f32 v19, v21;
	v21 =	vld [tilespmem:s17+$0x100];
	[tilespmem:s19+$0x0] =	vst v17  }
0x1af: {  	v17 =	vadd.f32 v27, v22;
	v22 =	vld [tilespmem:s17+$0x180]  }
0x1b0: {  	v20 =	vadd.f32 v20, v26;
	v25 =	vld [tilespmem:s17+$0x200]  }
0x1b1: {  	v26 =	vld [tilespmem:s17+$0x280]  }
0x1b2: {  	v27 =	vld [tilespmem:s17+$0x300]  }
0x1b3: {  	v28 =	vld [tilespmem:s17+$0x380]  }
0x1b4: {  	v29 =	vld [tilespmem:s15+$0x0]  }
0x1b5: {  	v23 =	vadd.f32 v25, v23;
	v25 =	vld [tilespmem:s15+$0x80]  }
0x1b6: {  	v30 =	vadd.f32 v26, v24;
	v24 =	vld [tilespmem:s15+$0x100]  }
0x1b7: {  	v21 =	vadd.f32 v27, v21;
	v26 =	vld [tilespmem:s15+$0x180]  }
0x1b8: {  	v27 =	vadd.f32 v28, v22;
	v22 =	vld [tilespmem:s15+$0x200]  }
0x1b9: {  	v28 =	vld [tilespmem:s15+$0x280]  }
0x1ba: {  	v31 =	vld [tilespmem:s15+$0x300]  }
0x1bb: {  	v32 =	vld [tilespmem:s15+$0x380]  }
0x1bc: {  	v33 =	vld [tilespmem:s7+$0x400]  }
0x1bd: {  	v34 =	vld [tilespmem:s7+$0x480];
	v29 =	vadd.f32 v22, v29  }
0x1be: {  	v22 =	vld [tilespmem:s7+$0x500];
	v28 =	vadd.f32 v28, v25  }
0x1bf: {  	v25 =	vld [tilespmem:s7+$0x580];
	v31 =	vadd.f32 v31, v24  }
0x1c0: {  	v24 =	vld [tilespmem:s17+$0x400];
	v32 =	vadd.f32 v32, v26  }
0x1c1: {  	v33 =	vadd.f32 v33, v18;
	v18 =	vld [tilespmem:s17+$0x480]  }
0x1c2: {  	v34 =	vadd.f32 v34, v19;
	v19 =	vld [tilespmem:s17+$0x500]  }
0x1c3: {  	v26 =	vadd.f32 v22, v17;
	v17 =	vld [tilespmem:s17+$0x580]  }
0x1c4: {  	v25 =	vadd.f32 v25, v20;
	v35 =	vld [tilespmem:s15+$0x400]  }
0x1c5: {  	v24 =	vadd.f32 v24, v23;
	v36 =	vld [tilespmem:s15+$0x480]  }
0x1c6: {  	v23 =	vadd.f32 v18, v30;
	v37 =	vld [tilespmem:s15+$0x500]  }
0x1c7: {  	v22 =	vadd.f32 v19, v21;
	v21 =	vld [tilespmem:s15+$0x580]  }
0x1c8: {  	v38 =	vld [tilespmem:s7+$0x600];
	v20 =	vadd.f32 v17, v27  }
0x1c9: {  	v39 =	vld [tilespmem:s7+$0x680];
	v17 =	vadd.f32 v35, v29  }
.Ltmp6:
0x1ca: {  	v29 =	vld [tilespmem:s7+$0x700];
	v18 =	vadd.f32 v36, v28;
	(pc) =	sbr.rel @p2 .LBB2_6-.Ltmp6, $4  }
0x1cb: {  	v30 =	vld [tilespmem:s7+$0x780];
	v19 =	vadd.f32 v37, v31  }
0x1cc: {  	v27 =	vld [tilespmem:s17+$0x600];
	v21 =	vadd.f32 v21, v32  }
0x1cd: {  	v32 =	vadd.f32 v38, v33;
	v28 =	vld [tilespmem:s17+$0x680]  }
0x1ce: {  	v33 =	vadd.f32 v39, v34;
	v31 =	vld [tilespmem:s17+$0x700]  }
0x1cf: {  	v34 =	vld [tilespmem:s17+$0x780]  }
0x1d0: {  	v35 =	vld [tilespmem:s15+$0x600]  }
0x1d1: {  	v36 =	vld [tilespmem:s15+$0x680]  }
0x1d2: {  	v26 =	vadd.f32 v29, v26;
	v60 =	vld [tilespmem:s15+$0x700]  }
0x1d3: {  	v62 =	vld [tilespmem:s15+$0x780];
	v25 =	vadd.f32 v30, v25;
	v61 =	vadd.f32 v33, v32  }
0x1d4: {  	v24 =	vadd.f32 v27, v24;
	v23 =	vadd.f32 v28, v23  }
0x1d5: {  	v25 =	vadd.f32 v25, v26;
	v22 =	vadd.f32 v31, v22  }
0x1d6: {  	v20 =	vadd.f32 v34, v20;
	v23 =	vadd.f32 v23, v24  }
0x1d7: {  	v17 =	vadd.f32 v35, v17;
	v18 =	vadd.f32 v36, v18  }
0x1d8: {  	v19 =	vadd.f32 v60, v19;
	v21 =	vadd.f32 v62, v21  }
0x1d9: {  	v63 =	vadd.f32 v25, v61;
	v20 =	vadd.f32 v20, v22  }
0x1da: {  	v17 =	vadd.f32 v18, v17;
	v18 =	vadd.f32 v21, v19  }
0x1db: {  	s6 =	sshll.u32 s22, $0x8;
	v19 =	vadd.f32 v20, v23  }
0x1dc: {  	s29 =	sadd.s32 s18, s6;
	[tilespmem:s0+$0x0] =	vst v63;
	v17 =	vadd.f32 v18, v17  }
0x1dd: {  	s0 =	sand.u32 $0x1FFFFF80, s29;
	[tilespmem:s23+$0x0] =	vst v19  }
0x1de: {  	s30 =	simm.s32 $0x17780;
	s0 =	sadd.s32 s4, s0;
	[tilespmem:s16+$0x0] =	vst v17  }
0x1df: {  	[hbm4b:s0+s3] =	stream.linear.scatter [tilespmem:s30], [sflag:$0x4], $0x400, $0x38;
	[tilespmem:$0x18F80] =	vst v63  }
.LBB2_8:
0x1e0: {  	p2 =	sne.s32 s22, $0x8  }
0x1e1: {  	s0 =	simm.s32 @!p2 $0x5  }
0x1e2: {  	_ =	swait.ge @!p2 [sflag:s0], $0x4000  }
0x1e3: {  	[sflag:s0] =	ssyncset.done @!p2 $0x0  }
0x1e4: {  	[sflag:s0] =	ssyncadd.s32 @!p2 $0xFFFFC000  }
0x1e5: {  	_ =	swait.ge @!p2 [sflag:s0], $0x4000  }
0x1e6: {  	[sflag:s0] =	ssyncset.done @!p2 $0x0  }
0x1e7: {  	[sflag:s0] =	ssyncadd.s32 @!p2 $0xFFFFC000  }
0x1e8: {  	_ =	swait.ge @!p2 [sflag:s0], $0x2000  }
0x1e9: {  	[sflag:s0] =	ssyncset.done @!p2 $0x0  }
0x1ea: {  	s6 =	simm.s32 @!p2 $0x5280;
	[sflag:s0] =	ssyncadd.s32 @!p2 $0xFFFFE000;
	s0 =	simm.s32 @!p2 $0x0  }
0x1eb: {  	[hbm4b:s11+s0] =	stream.linear.scatter @!p2 [tilespmem:s6], [sflag:$0x5], $0x9C00, $0x38;
	[tilespmem:$0x18F80] =	vst v63  }
0x1ec: {  	p2 =	seq.s32 s22, $0x0  }
0x1ed: {  	s0 =	sor.u32 $0x1, s8;
	p3 =	sge.u32 @!p2 s8, s5  }
0x1ee: {  	p2 =	por p3, p2;
	p3 =	sge.u32 s0, s5  }
.Ltmp7:
0x1ef: {  	_ = 	snop;
	(pc) =	sbr.rel @p3 .LBB2_10-.Ltmp7, $4  }
0x1f0: {  	s6 =	simm.s32 @!p2 $0x4  }
0x1f1: {  	_ =	swait.ge @!p2 [sflag:s6], $0x400  }
0x1f2: {  	[sflag:s6] =	ssyncset.done @!p2 $0x0  }
0x1f3: {  	[sflag:s6] =	ssyncadd.s32 @!p2 $0xFFFFFC00  }
0x1f4: {  	s0 =	sshll.u32 s0, $0x3  }
0x1f5: {  	v17 =	vmov s0  }
0x1f6: {  	v17 =	vshrl.u32 v17, $0x3  }
0x1f7: {  	v17 =	vshll.u32 v17, $0x3  }
0x1f8: {  	v17 =	vbroadcast v17, $0x0;
	_ =	sdelay $0x1  }
0x1f9: {  	v18 =	vadd.s32 v0, v17  }
0x1fa: {  	v19 =	vadd.s32 v1, v17;
	_ =	sdelay $0x2  }
0x1fb: {  	v20 =	vld.idx.msk [tilespmem:v17+s3+$0x0], $0xffff  }
0x1fc: {  	v21 =	vld.idx.msk [tilespmem:v18+s20+$0x0], $0xffff  }
0x1fd: {  	v22 =	vld.idx.msk [tilespmem:v19+s20+$0x0], $0xffff;
	_ =	sdelay $0x1  }
0x1fe: {  	v23 =	vld.idx.msk [tilespmem:v18+s21+$0x0], $0xffff  }
0x1ff: {  	v19 =	vld.idx.msk [tilespmem:v19+s21+$0x0], $0xffff  }
0x200: {  	v21 =	vsub.f32 v21, v20  }
0x201: {  	v20 =	vsub.f32 v22, v20  }
0x202: {  	v21 =	vand.u32 $0x7FFFFFFF, v21  }
0x203: {  	v20 =	vand.u32 $0x7FFFFFFF, v20;
	(xrf1) =	vsort.ascd.msk.f32 $0xffff, v21, v23  }
0x204: {  	(xrf1) =	vsort.ascd.msk.f32 $0xffff, v20, v19;
	_ =	sdelay $0xc  }
0x205: {  	v19, v20, _ =	vpop (xrf1)  }
0x206: {  	v26, v25, _ =	vpop (xrf1)  }
0x207: {  	v21 =	vperm.xlane v26, v2  }
0x208: {  	v22 =	vperm.xlane v25, v2  }
0x209: {  	vm0 =	vle.f32 v19, v21  }
0x20a: {  	v19 =	vsel vm0, v19, v21;
	v20 =	vsel vm0, v20, v22  }
0x20b: {  	(xrf1) =	vsort.ascd.msk.f32 $0xffff, v19, v20;
	_ =	sdelay $0xb  }
0x20c: {  	v19 =	vor.u32 $0x1, v17  }
0x20d: {  	v27 =	vadd.s32 v3, v17  }
0x20e: {  	v30 =	vadd.s32 v4, v17;
	v28, v29, _ =	vpop (xrf1)  }
0x20f: {  	[tilespmem:v18+s1+$0x0] =	vst.idx.msk $0xffff, v28  }
0x210: {  	[tilespmem:$0xF300] =	vst v29  }
0x211: {  	v18 =	vld.idx.msk [tilespmem:v19+s3+$0x0], $0xffff  }
0x212: {  	v19 =	vld.idx.msk [tilespmem:v27+s20+$0x0], $0xffff  }
0x213: {  	v21 =	vld.idx.msk [tilespmem:v30+s20+$0x0], $0xffff;
	_ =	sdelay $0x1  }
0x214: {  	v22 =	vld.idx.msk [tilespmem:v27+s21+$0x0], $0xffff  }
0x215: {  	v23 =	vld.idx.msk [tilespmem:v30+s21+$0x0], $0xffff  }
0x216: {  	v19 =	vsub.f32 v19, v18  }
0x217: {  	v18 =	vsub.f32 v21, v18  }
0x218: {  	v19 =	vand.u32 $0x7FFFFFFF, v19  }
0x219: {  	v18 =	vand.u32 $0x7FFFFFFF, v18;
	(xrf1) =	vsort.ascd.msk.f32 $0xffff, v19, v22  }
0x21a: {  	(xrf1) =	vsort.ascd.msk.f32 $0xffff, v18, v23;
	_ =	sdelay $0xc  }
0x21b: {  	v18, v19, _ =	vpop (xrf1)  }
0x21c: {  	v31, v32, _ =	vpop (xrf1)  }
0x21d: {  	v21 =	vperm.xlane v31, v2  }
0x21e: {  	v22 =	vperm.xlane v32, v2  }
0x21f: {  	vm9 =	vle.f32 v18, v21  }
0x220: {  	v18 =	vsel vm9, v18, v21;
	v19 =	vsel vm9, v19, v22  }
0x221: {  	(xrf1) =	vsort.ascd.msk.f32 $0xffff, v18, v19;
	_ =	sdelay $0xb  }
0x222: {  	v18 =	vor.u32 $0x2, v17  }
0x223: {  	v19 =	vadd.s32 v5, v17  }
0x224: {  	v35 =	vadd.s32 v6, v17;
	v33, v34, _ =	vpop (xrf1)  }
0x225: {  	[tilespmem:v27+s1+$0x0] =	vst.idx.msk $0xffff, v33  }
0x226: {  	[tilespmem:$0xF310] =	vst v34  }
0x227: {  	v18 =	vld.idx.msk [tilespmem:v18+s3+$0x0], $0xffff  }
0x228: {  	v20 =	vld.idx.msk [tilespmem:v19+s20+$0x0], $0xffff  }
0x229: {  	v21 =	vld.idx.msk [tilespmem:v35+s20+$0x0], $0xffff;
	_ =	sdelay $0x1  }
0x22a: {  	v22 =	vld.idx.msk [tilespmem:v19+s21+$0x0], $0xffff  }
0x22b: {  	v23 =	vld.idx.msk [tilespmem:v35+s21+$0x0], $0xffff  }
0x22c: {  	v20 =	vsub.f32 v20, v18  }
0x22d: {  	v18 =	vsub.f32 v21, v18  }
0x22e: {  	v20 =	vand.u32 $0x7FFFFFFF, v20  }
0x22f: {  	v18 =	vand.u32 $0x7FFFFFFF, v18;
	(xrf1) =	vsort.ascd.msk.f32 $0xffff, v20, v22  }
0x230: {  	(xrf1) =	vsort.ascd.msk.f32 $0xffff, v18, v23;
	_ =	sdelay $0xc  }
0x231: {  	v18, v20, _ =	vpop (xrf1)  }
0x232: {  	v36, v37, _ =	vpop (xrf1)  }
0x233: {  	v21 =	vperm.xlane v36, v2  }
0x234: {  	v22 =	vperm.xlane v37, v2  }
0x235: {  	vm10 =	vle.f32 v18, v21  }
0x236: {  	v18 =	vsel vm10, v18, v21;
	v20 =	vsel vm10, v20, v22  }
0x237: {  	(xrf1) =	vsort.ascd.msk.f32 $0xffff, v18, v20;
	_ =	sdelay $0xb  }
0x238: {  	v18 =	vor.u32 $0x3, v17  }
0x239: {  	v38 =	vadd.s32 v7, v17  }
0x23a: {  	v41 =	vadd.s32 v8, v17;
	v39, v40, _ =	vpop (xrf1)  }
0x23b: {  	[tilespmem:v19+s1+$0x0] =	vst.idx.msk $0xffff, v39  }
0x23c: {  	[tilespmem:$0xF320] =	vst v40  }
0x23d: {  	v18 =	vld.idx.msk [tilespmem:v18+s3+$0x0], $0xffff  }
0x23e: {  	v19 =	vld.idx.msk [tilespmem:v38+s20+$0x0], $0xffff  }
0x23f: {  	v21 =	vld.idx.msk [tilespmem:v41+s20+$0x0], $0xffff;
	_ =	sdelay $0x1  }
0x240: {  	v22 =	vld.idx.msk [tilespmem:v38+s21+$0x0], $0xffff  }
0x241: {  	v23 =	vld.idx.msk [tilespmem:v41+s21+$0x0], $0xffff  }
0x242: {  	v19 =	vsub.f32 v19, v18  }
0x243: {  	v18 =	vsub.f32 v21, v18  }
0x244: {  	v19 =	vand.u32 $0x7FFFFFFF, v19  }
0x245: {  	v18 =	vand.u32 $0x7FFFFFFF, v18;
	(xrf1) =	vsort.ascd.msk.f32 $0xffff, v19, v22  }
0x246: {  	(xrf1) =	vsort.ascd.msk.f32 $0xffff, v18, v23;
	_ =	sdelay $0xc  }
0x247: {  	v18, v19, _ =	vpop (xrf1)  }
0x248: {  	v42, v43, _ =	vpop (xrf1)  }
0x249: {  	v21 =	vperm.xlane v42, v2  }
0x24a: {  	v22 =	vperm.xlane v43, v2  }
0x24b: {  	vm11 =	vle.f32 v18, v21  }
0x24c: {  	v18 =	vsel vm11, v18, v21;
	v19 =	vsel vm11, v19, v22  }
0x24d: {  	(xrf1) =	vsort.ascd.msk.f32 $0xffff, v18, v19;
	_ =	sdelay $0xb  }
0x24e: {  	v18 =	vor.u32 $0x4, v17  }
0x24f: {  	v19 =	vadd.s32 v9, v17  }
0x250: {  	v46 =	vadd.s32 v10, v17;
	v44, v45, _ =	vpop (xrf1)  }
0x251: {  	[tilespmem:v38+s1+$0x0] =	vst.idx.msk $0xffff, v44  }
0x252: {  	[tilespmem:$0xF330] =	vst v45  }
0x253: {  	v18 =	vld.idx.msk [tilespmem:v18+s3+$0x0], $0xffff  }
0x254: {  	v20 =	vld.idx.msk [tilespmem:v19+s20+$0x0], $0xffff  }
0x255: {  	v21 =	vld.idx.msk [tilespmem:v46+s20+$0x0], $0xffff;
	_ =	sdelay $0x1  }
0x256: {  	v22 =	vld.idx.msk [tilespmem:v19+s21+$0x0], $0xffff  }
0x257: {  	v23 =	vld.idx.msk [tilespmem:v46+s21+$0x0], $0xffff  }
0x258: {  	v20 =	vsub.f32 v20, v18  }
0x259: {  	v18 =	vsub.f32 v21, v18  }
0x25a: {  	v20 =	vand.u32 $0x7FFFFFFF, v20  }
0x25b: {  	v18 =	vand.u32 $0x7FFFFFFF, v18;
	(xrf1) =	vsort.ascd.msk.f32 $0xffff, v20, v22  }
0x25c: {  	(xrf1) =	vsort.ascd.msk.f32 $0xffff, v18, v23;
	_ =	sdelay $0xc  }
0x25d: {  	v18, v20, _ =	vpop (xrf1)  }
0x25e: {  	v47, v48, _ =	vpop (xrf1)  }
0x25f: {  	v21 =	vperm.xlane v47, v2  }
0x260: {  	v22 =	vperm.xlane v48, v2  }
0x261: {  	vm12 =	vle.f32 v18, v21  }
0x262: {  	v18 =	vsel vm12, v18, v21;
	v20 =	vsel vm12, v20, v22  }
0x263: {  	(xrf1) =	vsort.ascd.msk.f32 $0xffff, v18, v20;
	_ =	sdelay $0xb  }
0x264: {  	v18 =	vor.u32 $0x5, v17  }
0x265: {  	v49 =	vadd.s32 v11, v17  }
0x266: {  	v52 =	vadd.s32 v12, v17;
	v50, v51, _ =	vpop (xrf1)  }
0x267: {  	[tilespmem:v19+s1+$0x0] =	vst.idx.msk $0xffff, v50  }
0x268: {  	[tilespmem:$0xF340] =	vst v51  }
0x269: {  	v18 =	vld.idx.msk [tilespmem:v18+s3+$0x0], $0xffff  }
0x26a: {  	v19 =	vld.idx.msk [tilespmem:v49+s20+$0x0], $0xffff  }
0x26b: {  	v21 =	vld.idx.msk [tilespmem:v52+s20+$0x0], $0xffff;
	_ =	sdelay $0x1  }
0x26c: {  	v22 =	vld.idx.msk [tilespmem:v49+s21+$0x0], $0xffff  }
0x26d: {  	v23 =	vld.idx.msk [tilespmem:v52+s21+$0x0], $0xffff  }
0x26e: {  	v19 =	vsub.f32 v19, v18  }
0x26f: {  	v18 =	vsub.f32 v21, v18  }
0x270: {  	v19 =	vand.u32 $0x7FFFFFFF, v19  }
0x271: {  	v18 =	vand.u32 $0x7FFFFFFF, v18;
	(xrf1) =	vsort.ascd.msk.f32 $0xffff, v19, v22  }
0x272: {  	(xrf1) =	vsort.ascd.msk.f32 $0xffff, v18, v23;
	_ =	sdelay $0xc  }
0x273: {  	v18, v19, _ =	vpop (xrf1)  }
0x274: {  	v53, v54, _ =	vpop (xrf1)  }
0x275: {  	v21 =	vperm.xlane v53, v2  }
0x276: {  	v22 =	vperm.xlane v54, v2  }
0x277: {  	vm13 =	vle.f32 v18, v21  }
0x278: {  	v18 =	vsel vm13, v18, v21;
	v19 =	vsel vm13, v19, v22  }
0x279: {  	(xrf1) =	vsort.ascd.msk.f32 $0xffff, v18, v19;
	_ =	sdelay $0xb  }
0x27a: {  	v18 =	vor.u32 $0x6, v17  }
0x27b: {  	v19 =	vadd.s32 v13, v17  }
0x27c: {  	v57 =	vadd.s32 v14, v17;
	v55, v56, _ =	vpop (xrf1)  }
0x27d: {  	[tilespmem:v49+s1+$0x0] =	vst.idx.msk $0xffff, v55  }
0x27e: {  	[tilespmem:$0xF350] =	vst v56  }
0x27f: {  	v18 =	vld.idx.msk [tilespmem:v18+s3+$0x0], $0xffff  }
0x280: {  	v20 =	vld.idx.msk [tilespmem:v19+s20+$0x0], $0xffff  }
0x281: {  	v21 =	vld.idx.msk [tilespmem:v57+s20+$0x0], $0xffff;
	_ =	sdelay $0x1  }
0x282: {  	v22 =	vld.idx.msk [tilespmem:v19+s21+$0x0], $0xffff  }
0x283: {  	v23 =	vld.idx.msk [tilespmem:v57+s21+$0x0], $0xffff  }
0x284: {  	v20 =	vsub.f32 v20, v18  }
0x285: {  	v18 =	vsub.f32 v21, v18  }
0x286: {  	v20 =	vand.u32 $0x7FFFFFFF, v20  }
0x287: {  	v18 =	vand.u32 $0x7FFFFFFF, v18;
	(xrf1) =	vsort.ascd.msk.f32 $0xffff, v20, v22  }
0x288: {  	(xrf1) =	vsort.ascd.msk.f32 $0xffff, v18, v23;
	_ =	sdelay $0xc  }
0x289: {  	v18, v20, _ =	vpop (xrf1)  }
0x28a: {  	v58, v59, _ =	vpop (xrf1)  }
0x28b: {  	v21 =	vperm.xlane v58, v2  }
0x28c: {  	v22 =	vperm.xlane v59, v2  }
0x28d: {  	vm14 =	vle.f32 v18, v21  }
0x28e: {  	v18 =	vsel vm14, v18, v21;
	v20 =	vsel vm14, v20, v22  }
0x28f: {  	(xrf1) =	vsort.ascd.msk.f32 $0xffff, v18, v20;
	_ =	sdelay $0xb  }
0x290: {  	v18 =	vor.u32 $0x7, v17  }
0x291: {  	v60 =	vadd.s32 v15, v17  }
0x292: {  	v17 =	vadd.s32 v16, v17;
	v61, v62, _ =	vpop (xrf1)  }
0x293: {  	[tilespmem:v19+s1+$0x0] =	vst.idx.msk $0xffff, v61  }
0x294: {  	[tilespmem:$0xF360] =	vst v62  }
0x295: {  	v18 =	vld.idx.msk [tilespmem:v18+s3+$0x0], $0xffff  }
0x296: {  	v19 =	vld.idx.msk [tilespmem:v60+s20+$0x0], $0xffff  }
0x297: {  	v21 =	vld.idx.msk [tilespmem:v17+s20+$0x0], $0xffff;
	_ =	sdelay $0x1  }
0x298: {  	v22 =	vld.idx.msk [tilespmem:v60+s21+$0x0], $0xffff  }
0x299: {  	v17 =	vld.idx.msk [tilespmem:v17+s21+$0x0], $0xffff  }
0x29a: {  	v19 =	vsub.f32 v19, v18  }
0x29b: {  	v18 =	vsub.f32 v21, v18  }
0x29c: {  	v19 =	vand.u32 $0x7FFFFFFF, v19  }
0x29d: {  	v18 =	vand.u32 $0x7FFFFFFF, v18;
	(xrf1) =	vsort.ascd.msk.f32 $0xffff, v19, v22  }
0x29e: {  	(xrf1) =	vsort.ascd.msk.f32 $0xffff, v18, v17;
	_ =	sdelay $0xc  }
0x29f: {  	v17, v18, _ =	vpop (xrf1)  }
0x2a0: {  	v19, v63, _ =	vpop (xrf1)  }
0x2a1: {  	v19 =	vperm.xlane v19, v2  }
0x2a2: {  	v21 =	vperm.xlane v63, v2  }
0x2a3: {  	vm15 =	vle.f32 v17, v19  }
0x2a4: {  	v17 =	vsel vm15, v17, v19;
	v18 =	vsel vm15, v18, v21  }
0x2a5: {  	(xrf1) =	vsort.ascd.msk.f32 $0xffff, v17, v18;
	_ =	sdelay $0xd  }
0x2a6: {  	v17, v18, _ =	vpop (xrf1)  }
0x2a7: {  	[tilespmem:v60+s1+$0x0] =	vst.idx.msk $0xffff, v17  }
0x2a8: {  	s30 =	simm.s32 $0xF300;
	s6 =	simm.s32 $0x13380;
	[tilespmem:$0xF370] =	vst v18  }
0x2a9: {  	[tilespmem:s6], [sflag:$0x2] =	stream.indirect.gather [hbm4b:s2+s24], $0x80, s30, s24, $0xb8;
	[tilespmem:$0x18F80] =	vst v63  }
.LBB2_10:
.Ltmp8:
0x2aa: {  	(pc) =	sbr.rel @p1 .LBB2_14-.Ltmp8, $1  }
0x2ab: {  	_ =	sdelay $0x3  }
0x2ac: {  	s8 =	simm.s32 $0x0;
	s6 =	simm.s32 $0x0  }
0x2ad: {  	_ =	swait.ge [sflag:s31], $0x4000;
	s0 =	sand.u32 $0x40, s8;
	s6 =	sand.u32 $0x3FFFF800, s6  }
0x2ae: {  	[sflag:s31] =	ssyncset.done $0x0;
	s9 =	sadd.s32 $0xF380, s6;
	s7 =	sor.u32 $0x30, s0  }
0x2af: {  	[sflag:s31] =	ssyncadd.s32 $0xFFFFC000;
	s12 =	sor.u32 s7, s9  }
0x2b0: {  	v17 =	vld [tilespmem:s12+$0x600]  }
0x2b1: {  	v18 =	vld [tilespmem:s12+$0x680]  }
0x2b2: {  	v19 =	vld [tilespmem:s12+$0x400]  }
0x2b3: {  	v20 =	vld [tilespmem:s12+$0x480]  }
0x2b4: {  	v21 =	vld [tilespmem:s12+$0x0]  }
0x2b5: {  	v22 =	vld [tilespmem:s12+$0x80]  }
0x2b6: {  	v23 =	vld [tilespmem:s12+$0x100]  }
0x2b7: {  	v24 =	vld [tilespmem:s12+$0x180]  }
0x2b8: {  	v25 =	vld [tilespmem:s12+$0x200]  }
0x2b9: {  	v26 =	vld [tilespmem:s12+$0x280]  }
0x2ba: {  	v27 =	vld [tilespmem:s12+$0x300]  }
0x2bb: {  	v28 =	vld [tilespmem:s12+$0x380]  }
0x2bc: {  	v29 =	vld [tilespmem:s12+$0x500]  }
0x2bd: {  	v30 =	vld [tilespmem:s12+$0x580]  }
0x2be: {  	v31 =	vld [tilespmem:s12+$0x700]  }
0x2bf: {  	s6 =	sor.u32 s0, s9;
	v32 =	vld [tilespmem:s12+$0x780]  }
0x2c0: {  	v33 =	vld [tilespmem:s6+$0x0]  }
0x2c1: {  	v34 =	vld [tilespmem:s6+$0x80]  }
0x2c2: {  	v35 =	vld [tilespmem:s6+$0x100]  }
0x2c3: {  	v36 =	vld [tilespmem:s6+$0x180]  }
0x2c4: {  	v37 =	vld [tilespmem:s6+$0x200]  }
0x2c5: {  	v38 =	vld [tilespmem:s6+$0x280]  }
0x2c6: {  	s16 =	sor.u32 $0x10, s0;
	v39 =	vld [tilespmem:s6+$0x300]  }
0x2c7: {  	s15 =	sor.u32 s16, s9;
	v40 =	vld [tilespmem:s6+$0x380]  }
0x2c8: {  	v41 =	vld [tilespmem:s15+$0x0]  }
0x2c9: {  	v42 =	vld [tilespmem:s15+$0x80]  }
0x2ca: {  	v43 =	vld [tilespmem:s15+$0x100]  }
0x2cb: {  	v44 =	vld [tilespmem:s15+$0x180]  }
0x2cc: {  	v45 =	vld [tilespmem:s15+$0x200]  }
0x2cd: {  	v46 =	vld [tilespmem:s15+$0x280]  }
0x2ce: {  	s23 =	sor.u32 $0x20, s0;
	v47 =	vld [tilespmem:s15+$0x300]  }
0x2cf: {  	s9 =	sor.u32 s23, s9;
	v48 =	vld [tilespmem:s15+$0x380]  }
0x2d0: {  	v49 =	vld [tilespmem:s9+$0x0]  }
0x2d1: {  	v50 =	vld [tilespmem:s9+$0x80]  }
0x2d2: {  	v51 =	vld [tilespmem:s9+$0x100]  }
0x2d3: {  	v52 =	vld [tilespmem:s9+$0x180]  }
0x2d4: {  	v54 =	vld [tilespmem:s9+$0x480]  }
0x2d5: {  	v57 =	vld [tilespmem:s9+$0x500]  }
0x2d6: {  	v59 =	vld [tilespmem:s9+$0x580];
	v21 =	vadd.f32 v25, v21  }
0x2d7: {  	v62 =	vld [tilespmem:s6+$0x600];
	v22 =	vadd.f32 v26, v22;
	v23 =	vadd.f32 v27, v23  }
0x2d8: {  	v25 =	vld [tilespmem:s9+$0x200];
	v24 =	vadd.f32 v28, v24;
	v28 =	vadd.f32 v38, v34  }
0x2d9: {  	v26 =	vld [tilespmem:s9+$0x280];
	v63 =	vadd.f32 v40, v36;
	v34 =	vadd.f32 v45, v41  }
0x2da: {  	v27 =	vld [tilespmem:s6+$0x500];
	v53 =	vadd.f32 v48, v44;
	v19 =	vadd.f32 v19, v21  }
0x2db: {  	v36 =	vld [tilespmem:s9+$0x400];
	v20 =	vadd.f32 v20, v22;
	v22 =	vadd.f32 v29, v23  }
0x2dc: {  	v21 =	vld [tilespmem:s9+$0x300];
	v23 =	vadd.f32 v30, v24;
	v29 =	vadd.f32 v39, v35  }
0x2dd: {  	v24 =	vld [tilespmem:s9+$0x380];
	v17 =	vadd.f32 v17, v19;
	v18 =	vadd.f32 v18, v20  }
0x2de: {  	v19 =	vld [tilespmem:s6+$0x400];
	v20 =	vadd.f32 v31, v22;
	v22 =	vadd.f32 v32, v23  }
0x2df: {  	v35 =	vadd.f32 v46, v42;
	v23 =	vld [tilespmem:s6+$0x480];
	v55 =	vadd.f32 v25, v49  }
0x2e0: {  	v17 =	vadd.f32 v18, v17;
	v18 =	vadd.f32 v22, v20;
	v20 =	vld [tilespmem:s6+$0x580]  }
0x2e1: {  	v30 =	vld [tilespmem:s15+$0x500];
	v56 =	vadd.f32 v26, v50;
	v26 =	vadd.f32 v27, v29  }
0x2e2: {  	v22 =	vld [tilespmem:s15+$0x400];
	v21 =	vadd.f32 v21, v51;
	v58 =	vadd.f32 v24, v52  }
0x2e3: {  	v31 =	vadd.f32 v18, v17;
	v17 =	vld [tilespmem:s15+$0x480];
	v18 =	vadd.f32 v37, v33  }
0x2e4: {  	v33 =	vld [tilespmem:s15+$0x580];
	v37 =	vadd.f32 v47, v43;
	v61 =	vadd.f32 v23, v28  }
0x2e5: {  	v60 =	vadd.f32 v19, v18;
	v25 =	vadd.f32 v20, v63;
	v63 =	vld [tilespmem:s6+$0x680]  }
0x2e6: {  	s30 =	simm.s32 $0x0;
	v29 =	vld [tilespmem:s6+$0x700];
	v18 =	vadd.f32 v54, v56;
	v19 =	vadd.f32 v57, v21  }
0x2e7: {  	s12 =	sand.u32 $0x3FFFFF80, s30;
	v24 =	vadd.f32 v22, v34;
	v22 =	vadd.f32 v30, v37;
	v30 =	vld [tilespmem:s6+$0x780]  }
0x2e8: {  	s12 =	sadd.s32 $0x17380, s12;
	v27 =	vld [tilespmem:s15+$0x600];
	v21 =	vadd.f32 v59, v58;
	v32 =	vadd.f32 v62, v60  }
0x2e9: {  	s7 =	sor.u32 s7, s12;
	s0 =	sor.u32 s0, s12;
	v28 =	vld [tilespmem:s15+$0x680];
	v23 =	vadd.f32 v17, v35;
	v20 =	vadd.f32 v33, v53  }
0x2ea: {  	s17 =	sor.u32 s16, s12;
	s16 =	sor.u32 s23, s12;
	[tilespmem:s7+$0x0] =	vst v31;
	v31 =	vld [tilespmem:s15+$0x700];
	s6 =	simm.s32 $0x0;
	v17 =	vadd.f32 v36, v55;
	v33 =	vadd.f32 v63, v61  }
.LBB2_12:
0x2eb: {  	s6 =	sadd.s32 $0x4, s6;
	v26 =	vadd.f32 v29, v26;
	v29 =	vld [tilespmem:s15+$0x780]  }
0x2ec: {  	s8 =	sadd.s32 $0x40, s8;
	s7 =	sshll.u32 s6, $0x8;
	p1 =	slt.u32 s6, $0x3C;
	v25 =	vadd.f32 v30, v25;
	v30 =	vadd.f32 v33, v32;
	v32 =	vld [tilespmem:s9+$0x600]  }
0x2ed: {  	s23 =	sand.u32 $0x40, s8;
	s7 =	sand.u32 $0x3FFFF800, s7;
	v24 =	vadd.f32 v27, v24;
	v27 =	vld [tilespmem:s9+$0x680]  }
0x2ee: {  	s25 =	sor.u32 $0x10, s23;
	s28 =	sor.u32 $0x30, s23;
	s12 =	sadd.s32 $0xF380, s7;
	v25 =	vadd.f32 v25, v26;
	v23 =	vadd.f32 v28, v23;
	v26 =	vld [tilespmem:s9+$0x700]  }
0x2ef: {  	s29 =	sor.u32 $0x20, s23;
	s7 =	sor.u32 s23, s12;
	s19 =	sor.u32 s28, s12;
	v22 =	vadd.f32 v31, v22;
	v28 =	vld [tilespmem:s9+$0x780]  }
0x2f0: {  	s15 =	sor.u32 s25, s12;
	s9 =	sor.u32 s29, s12;
	v31 =	vld [tilespmem:s19+$0x600];
	v20 =	vadd.f32 v29, v20;
	v23 =	vadd.f32 v23, v24  }
0x2f1: {  	v25 =	vadd.f32 v25, v30;
	v24 =	vld [tilespmem:s19+$0x680];
	v17 =	vadd.f32 v32, v17  }
0x2f2: {  	v29 =	vld [tilespmem:s19+$0x400];
	v20 =	vadd.f32 v20, v22;
	v18 =	vadd.f32 v27, v18  }
0x2f3: {  	v22 =	vld [tilespmem:s19+$0x480];
	[tilespmem:s0+$0x0] =	vst v25;
	v19 =	vadd.f32 v26, v19  }
0x2f4: {  	v25 =	vld [tilespmem:s19+$0x0];
	v21 =	vadd.f32 v28, v21;
	v17 =	vadd.f32 v18, v17  }
0x2f5: {  	v20 =	vadd.f32 v20, v23;
	v18 =	vld [tilespmem:s19+$0x80]  }
0x2f6: {  	v23 =	vld [tilespmem:s19+$0x100];
	v19 =	vadd.f32 v21, v19  }
0x2f7: {  	v21 =	vld [tilespmem:s19+$0x180];
	[tilespmem:s17+$0x0] =	vst v20  }
0x2f8: {  	v20 =	vld [tilespmem:s19+$0x200];
	v17 =	vadd.f32 v19, v17  }
0x2f9: {  	v19 =	vld [tilespmem:s19+$0x280]  }
0x2fa: {  	v26 =	vld [tilespmem:s19+$0x300];
	[tilespmem:s16+$0x0] =	vst v17  }
0x2fb: {  	v17 =	vld [tilespmem:s19+$0x380]  }
0x2fc: {  	v27 =	vld [tilespmem:s19+$0x500]  }
0x2fd: {  	v28 =	vld [tilespmem:s19+$0x580]  }
0x2fe: {  	v30 =	vld [tilespmem:s19+$0x700]  }
0x2ff: {  	v20 =	vadd.f32 v20, v25;
	v18 =	vadd.f32 v19, v18;
	v19 =	vld [tilespmem:s19+$0x780]  }
0x300: {  	v23 =	vadd.f32 v26, v23;
	v25 =	vld [tilespmem:s7+$0x0];
	v17 =	vadd.f32 v17, v21  }
0x301: {  	v20 =	vadd.f32 v29, v20;
	v18 =	vadd.f32 v22, v18;
	v21 =	vld [tilespmem:s7+$0x80]  }
0x302: {  	v23 =	vadd.f32 v27, v23;
	v22 =	vld [tilespmem:s7+$0x100];
	v17 =	vadd.f32 v28, v17  }
0x303: {  	v20 =	vadd.f32 v31, v20;
	v18 =	vadd.f32 v24, v18;
	v26 =	vld [tilespmem:s7+$0x180]  }
0x304: {  	v23 =	vadd.f32 v30, v23;
	v24 =	vld [tilespmem:s7+$0x200];
	v17 =	vadd.f32 v19, v17  }
0x305: {  	v19 =	vld [tilespmem:s7+$0x280]  }
0x306: {  	s0 =	sshll.u32 s6, $0x4;
	v18 =	vadd.f32 v18, v20;
	v27 =	vld [tilespmem:s7+$0x300];
	v17 =	vadd.f32 v17, v23  }
0x307: {  	s0 =	sand.u32 $0x3FFFFF80, s0;
	v20 =	vld [tilespmem:s7+$0x380]  }
0x308: {  	s12 =	sadd.s32 $0x17380, s0;
	v23 =	vld [tilespmem:s15+$0x0];
	v17 =	vadd.f32 v17, v18  }
0x309: {  	s0 =	sor.u32 s23, s12;
	s17 =	sor.u32 s25, s12;
	s19 =	sor.u32 s28, s12;
	v18 =	vadd.f32 v24, v25;
	v24 =	vld [tilespmem:s15+$0x80]  }
0x30a: {  	s16 =	sor.u32 s29, s12;
	v19 =	vadd.f32 v19, v21;
	v21 =	vld [tilespmem:s15+$0x100];
	[tilespmem:s19+$0x0] =	vst v17  }
0x30b: {  	v17 =	vadd.f32 v27, v22;
	v22 =	vld [tilespmem:s15+$0x180]  }
0x30c: {  	v20 =	vadd.f32 v20, v26;
	v25 =	vld [tilespmem:s15+$0x200]  }
0x30d: {  	v26 =	vld [tilespmem:s15+$0x280]  }
0x30e: {  	v27 =	vld [tilespmem:s15+$0x300]  }
0x30f: {  	v28 =	vld [tilespmem:s15+$0x380]  }
0x310: {  	v29 =	vld [tilespmem:s9+$0x0]  }
0x311: {  	v23 =	vadd.f32 v25, v23;
	v25 =	vld [tilespmem:s9+$0x80]  }
0x312: {  	v30 =	vadd.f32 v26, v24;
	v24 =	vld [tilespmem:s9+$0x100]  }
0x313: {  	v21 =	vadd.f32 v27, v21;
	v26 =	vld [tilespmem:s9+$0x180]  }
0x314: {  	v27 =	vadd.f32 v28, v22;
	v22 =	vld [tilespmem:s9+$0x200]  }
0x315: {  	v28 =	vld [tilespmem:s9+$0x280]  }
0x316: {  	v31 =	vld [tilespmem:s9+$0x300]  }
0x317: {  	v32 =	vld [tilespmem:s9+$0x380]  }
0x318: {  	v33 =	vld [tilespmem:s7+$0x400]  }
0x319: {  	v34 =	vld [tilespmem:s7+$0x480];
	v29 =	vadd.f32 v22, v29  }
0x31a: {  	v22 =	vld [tilespmem:s7+$0x500];
	v28 =	vadd.f32 v28, v25  }
0x31b: {  	v25 =	vld [tilespmem:s7+$0x580];
	v31 =	vadd.f32 v31, v24  }
0x31c: {  	v24 =	vld [tilespmem:s15+$0x400];
	v32 =	vadd.f32 v32, v26  }
0x31d: {  	v33 =	vadd.f32 v33, v18;
	v18 =	vld [tilespmem:s15+$0x480]  }
0x31e: {  	v34 =	vadd.f32 v34, v19;
	v19 =	vld [tilespmem:s15+$0x500]  }
0x31f: {  	v26 =	vadd.f32 v22, v17;
	v17 =	vld [tilespmem:s15+$0x580]  }
0x320: {  	v25 =	vadd.f32 v25, v20;
	v35 =	vld [tilespmem:s9+$0x400]  }
0x321: {  	v24 =	vadd.f32 v24, v23;
	v36 =	vld [tilespmem:s9+$0x480]  }
0x322: {  	v23 =	vadd.f32 v18, v30;
	v37 =	vld [tilespmem:s9+$0x500]  }
0x323: {  	v22 =	vadd.f32 v19, v21;
	v21 =	vld [tilespmem:s9+$0x580]  }
0x324: {  	v38 =	vld [tilespmem:s7+$0x600];
	v20 =	vadd.f32 v17, v27  }
0x325: {  	v39 =	vld [tilespmem:s7+$0x680];
	v17 =	vadd.f32 v35, v29  }
.Ltmp9:
0x326: {  	v29 =	vld [tilespmem:s7+$0x700];
	v18 =	vadd.f32 v36, v28;
	(pc) =	sbr.rel @p1 .LBB2_12-.Ltmp9, $4  }
0x327: {  	v30 =	vld [tilespmem:s7+$0x780];
	v19 =	vadd.f32 v37, v31  }
0x328: {  	v27 =	vld [tilespmem:s15+$0x600];
	v21 =	vadd.f32 v21, v32  }
0x329: {  	v32 =	vadd.f32 v38, v33;
	v28 =	vld [tilespmem:s15+$0x680]  }
0x32a: {  	v33 =	vadd.f32 v39, v34;
	v31 =	vld [tilespmem:s15+$0x700]  }
0x32b: {  	v34 =	vld [tilespmem:s15+$0x780]  }
0x32c: {  	v35 =	vld [tilespmem:s9+$0x600]  }
0x32d: {  	v36 =	vld [tilespmem:s9+$0x680]  }
0x32e: {  	v26 =	vadd.f32 v29, v26;
	v60 =	vld [tilespmem:s9+$0x700]  }
0x32f: {  	v62 =	vld [tilespmem:s9+$0x780];
	v25 =	vadd.f32 v30, v25;
	v61 =	vadd.f32 v33, v32  }
0x330: {  	v24 =	vadd.f32 v27, v24;
	v23 =	vadd.f32 v28, v23  }
0x331: {  	v25 =	vadd.f32 v25, v26;
	v22 =	vadd.f32 v31, v22  }
0x332: {  	v20 =	vadd.f32 v34, v20;
	v17 =	vadd.f32 v35, v17  }
0x333: {  	v18 =	vadd.f32 v36, v18;
	v19 =	vadd.f32 v60, v19  }
0x334: {  	v21 =	vadd.f32 v62, v21;
	v63 =	vadd.f32 v25, v61  }
0x335: {  	v23 =	vadd.f32 v23, v24;
	v20 =	vadd.f32 v20, v22  }
0x336: {  	v17 =	vadd.f32 v18, v17;
	v18 =	vadd.f32 v21, v19;
	[tilespmem:s0+$0x0] =	vst v63  }
.Ltmp10:
0x337: {  	s6 =	sshll.u32 s22, $0xB;
	s0 =	rddreg [dreg:$0xa];
	v19 =	vadd.f32 v20, v23;
	(pc) =	sbr.rel .LBB2_14-.Ltmp10, $4  }
0x338: {  	v17 =	vadd.f32 v18, v17;
	s0 =	sadd.s32 s0, s6  }
0x339: {  	s0 =	sshrl.u32 s0, $0x3;
	[tilespmem:s17+$0x0] =	vst v19  }
0x33a: {  	s30 =	simm.s32 $0x17380;
	[tilespmem:s16+$0x0] =	vst v17;
	s0 =	sadd.s32 s4, s0  }
0x33b: {  	[hbm4b:s0+s3] =	stream.linear.scatter [tilespmem:s30], [sflag:$0x3], $0x400, $0x38;
	[tilespmem:$0x18F80] =	vst v63  }
.LBB2_16:
0x33c: {  	_ =	sfence.sel $0x180000  }
0x33d: {  	[bflag:$0x0] =	sbarrier.arrive $0xFFFF  }
0x33e: {  	_ =	strace $0x90000047  }
0x33f: {  	s0 =	stileid.u32;
	[bflag:$0x2] =	sbarrier.arrive $0xFFFF  }
0x340: {  	p0 =	sne.s32 s0, $0x0;
	s0 =	rddreg [dreg:$0x5]  }
0x341: {  	s0 =	sadd.s32 @!p0 $0x100000, s0  }
0x342: {  	[sflag:s0] =	ssyncadd.tile.s32 @!p0 $0x1;
	_ =	shalt  }
.Lfunc_end2:
_tile_overlayer_lowered:
.L_overlay_start_2:
0x343: {  	(tag) =	ssettag $0x2  }
0x344: {  	s0 =	rddreg [dreg:$0x0];
	s2 =	stileid.u32  }
0x345: {  	s1 =	rddreg [dreg:$0x1];
	p0 =	sne.s32 s2, $0x0  }
0x346: {  	s3 =	rddreg [dreg:$0x2];
	[bflag:$0x3] =	sbarrier.arrive $0xFFFF;
	s2 =	simm.s32 @!p0 $0x1C06  }
0x347: {  	[timem:s3], [sflag:s2] =	dma.local @!p0 [hbm:s0], s1  }
0x348: {  	s0 =	simm.s32 @!p0 $0x6  }
0x349: {  	_ =	swait.ge @!p0 [sflag:s0], s1  }
0x34a: {  	s1 =	ssub.s32 @!p0 $0x0, s1;
	[sflag:s0] =	ssyncset.done @!p0 $0x0  }
0x34b: {  	[sflag:s0] =	ssyncadd.s32 @!p0 s1  }
0x34c: {  	[bflag:$0x3] =	sbarrier.arrive $0xFFFF  }
0x34d: {  	_ =	shalt  }

</sc_bundles>
